<compile_context>
chip_gen: v7x
topology: tpu7x:2x2x1
jax: 0.10.2.dev20260603
libtpu: 0.0.44.dev20260713+nightly
codegen_flags: <defaults>
</compile_context>

<pallas_src>
import functools

import jax
import jax.numpy as jnp
from jax import lax
from jax.experimental import pallas as pl
from jax.experimental.pallas import tpu as pltpu
from jax.experimental.pallas import tpu_sc as plsc

N = 10000
D = 128
G = 64
NPAD = 10240
EROWS = 2560
NBUF = 2
GIDX = 8
ROWS_C0 = 120
ROWS_C1 = 40
RB = 1000
NBLK = N // RB


def _seg_sum_edges(h, src2d, dst2d, zeros_pad):
    mesh = plsc.VectorSubcoreMesh(core_axis_name="c", subcore_axis_name="s")

    @functools.partial(
        pl.kernel,
        out_type=jax.ShapeDtypeStruct((2 * N, D), jnp.float32),
        mesh=mesh,
        scratch_types=[
            pltpu.VMEM((GIDX, 128), jnp.int32),
            pltpu.VMEM((GIDX, 128), jnp.int32),
            pltpu.VMEM((NBUF, 128, D), jnp.float32),
            pltpu.VMEM_SHARED((NPAD, D), jnp.float32),
            pltpu.SemaphoreType.DMA((NBUF,)),
        ],
    )
    def ksc(h_hbm, src_hbm, dst_hbm, z_hbm, out_hbm, src_v, dst_v, rows_b, agg_s,
            gsem):
        rows_v = [rows_b.at[b] for b in range(NBUF)]
        c = lax.axis_index("c")
        s = lax.axis_index("s")
        row0 = jnp.where(c == 0, s * ROWS_C0, 16 * ROWS_C0 + s * ROWS_C1)
        ngroups = jnp.where(c == 0, ROWS_C0 // GIDX, ROWS_C1 // GIDX)
        pltpu.sync_copy(z_hbm.at[pl.ds(s * 640, 640)], agg_s.at[pl.ds(s * 640, 640)])
        plsc.subcore_barrier()

        def group(g, carry):
            base = row0 + g * GIDX
            pltpu.sync_copy(src_hbm.at[pl.ds(base, GIDX)], src_v)
            pltpu.sync_copy(dst_hbm.at[pl.ds(base, GIDX)], dst_v)

            def inner(k, carry2):
                handles = [
                    pltpu.async_copy(h_hbm.at[src_v.at[k * NBUF + b]],
                                     rows_v[b], gsem.at[b])
                    for b in range(NBUF)
                ]
                for b in range(NBUF):
                    handles[b].wait()
                    pltpu.sync_copy(rows_v[b],
                                    agg_s.at[dst_v.at[k * NBUF + b]], add=True)
                return carry2

            lax.fori_loop(0, GIDX // NBUF, inner, 0)
            return carry

        lax.fori_loop(0, ngroups, group, 0)
        plsc.subcore_barrier()
        off = s * 624
        pltpu.sync_copy(agg_s.at[pl.ds(off, 624)],
                        out_hbm.at[pl.ds(c * N + off, 624)])

        @pl.when(s == 0)
        def _():
            pltpu.sync_copy(agg_s.at[pl.ds(9984, 16)],
                            out_hbm.at[pl.ds(c * N + 9984, 16)])

    return ksc(h, src2d, dst2d, zeros_pad)


def _dot_f32(a, b):
    return jnp.dot(a, b, preferred_element_type=jnp.float32)


def _embed(x, W, b):
    def body(x_ref, w_ref, b_ref, o_ref):
        o_ref[...] = _dot_f32(x_ref[...], w_ref[...]) + b_ref[...]

    return pl.pallas_call(
        body,
        grid=(NBLK,),
        in_specs=[
            pl.BlockSpec((RB, D), lambda i: (i, 0)),
            pl.BlockSpec((D, D), lambda i: (0, 0)),
            pl.BlockSpec((1, D), lambda i: (0, 0)),
        ],
        out_specs=pl.BlockSpec((RB, D), lambda i: (i, 0)),
        out_shape=jax.ShapeDtypeStruct((N, D), jnp.float32),
    )(x, W, b)


def _layer(h, parts, W1, b1, g1, be1, W2, b2):

    def body(h_ref, p0_ref, p1_ref, w1_ref, b1_ref, g1_ref, be1_ref, w2_ref,
             b2_ref, o_ref, t_buf, sum_ref, ssq_ref):
        p = pl.program_id(0)
        i = pl.program_id(1)

        @pl.when(p == 0)
        def _():
            z = h_ref[...] + p0_ref[...] + p1_ref[...]
            t = _dot_f32(z, w1_ref[...]) + b1_ref[...]
            t_buf[pl.ds(i * RB, RB), :] = t

            @pl.when(i == 0)
            def _():
                sum_ref[...] = jnp.zeros_like(sum_ref)
                ssq_ref[...] = jnp.zeros_like(ssq_ref)

            sum_ref[...] += jnp.sum(t, axis=0, keepdims=True)
            ssq_ref[...] += jnp.sum(t * t, axis=0, keepdims=True)

        @pl.when(p == 1)
        def _():
            mean = sum_ref[...] * (1.0 / N)
            var = ssq_ref[...] * (1.0 / N) - mean * mean
            inv = 1.0 / jnp.sqrt(var + 1e-5)
            t = t_buf[pl.ds(i * RB, RB), :]
            zn = (t - mean) * (inv * g1_ref[...]) + be1_ref[...]
            zn = jnp.maximum(zn, 0.0)
            o = _dot_f32(zn, w2_ref[...]) + b2_ref[...]
            o = jnp.maximum(o, 0.0)
            o_ref[...] = o

    return pl.pallas_call(
        body,
        grid=(2, NBLK),
        in_specs=[
            pl.BlockSpec((RB, D), lambda p, i: (i, 0)),
            pl.BlockSpec((RB, D), lambda p, i: (i, 0)),
            pl.BlockSpec((RB, D), lambda p, i: (NBLK + i, 0)),
            pl.BlockSpec((D, D), lambda p, i: (0, 0)),
            pl.BlockSpec((1, D), lambda p, i: (0, 0)),
            pl.BlockSpec((1, D), lambda p, i: (0, 0)),
            pl.BlockSpec((1, D), lambda p, i: (0, 0)),
            pl.BlockSpec((D, D), lambda p, i: (0, 0)),
            pl.BlockSpec((1, D), lambda p, i: (0, 0)),
        ],
        out_specs=pl.BlockSpec((RB, D), lambda p, i: (p * i, 0)),
        out_shape=jax.ShapeDtypeStruct((N, D), jnp.float32),
        scratch_shapes=[
            pltpu.VMEM((N, D), jnp.float32),
            pltpu.VMEM((1, D), jnp.float32),
            pltpu.VMEM((1, D), jnp.float32),
        ],
    )(h, parts, parts, W1, b1, g1, be1, W2, b2)


def _last_layer_pool(h, parts, W1, b1, g1, be1, W2, b2, batch2d, Wt, bt):

    def body(h_ref, p0_ref, p1_ref, w1_ref, b1_ref, g1_ref, be1_ref, w2_ref,
             b2_ref, bat_ref, wt_ref, bt_ref, o_ref, t_buf, sum_ref, ssq_ref,
             acc_ref):
        p = pl.program_id(0)
        i = pl.program_id(1)

        @pl.when(p == 0)
        def _():
            z = h_ref[...] + p0_ref[...] + p1_ref[...]
            t = _dot_f32(z, w1_ref[...]) + b1_ref[...]
            t_buf[pl.ds(i * RB, RB), :] = t

            @pl.when(i == 0)
            def _():
                sum_ref[...] = jnp.zeros_like(sum_ref)
                ssq_ref[...] = jnp.zeros_like(ssq_ref)

            sum_ref[...] += jnp.sum(t, axis=0, keepdims=True)
            ssq_ref[...] += jnp.sum(t * t, axis=0, keepdims=True)

        @pl.when(p == 1)
        def _():
            mean = sum_ref[...] * (1.0 / N)
            var = ssq_ref[...] * (1.0 / N) - mean * mean
            inv = 1.0 / jnp.sqrt(var + 1e-5)
            t = t_buf[pl.ds(i * RB, RB), :]
            zn = (t - mean) * (inv * g1_ref[...]) + be1_ref[...]
            zn = jnp.maximum(zn, 0.0)
            o = _dot_f32(zn, w2_ref[...]) + b2_ref[...]

            @pl.when(i == 0)
            def _():
                acc_ref[...] = jnp.zeros_like(acc_ref)

            onehot = (bat_ref[...] == lax.broadcasted_iota(jnp.int32, (RB, G), 1)
                      ).astype(jnp.float32)

            acc_ref[...] += lax.dot_general(onehot, o, (((0,), (0,)), ((), ())),
                                            preferred_element_type=jnp.float32,
                                            precision=lax.Precision.HIGHEST)

            @pl.when(i == NBLK - 1)
            def _():
                o_ref[...] = _dot_f32(acc_ref[...], wt_ref[...]) + bt_ref[...]

    return pl.pallas_call(
        body,
        grid=(2, NBLK),
        in_specs=[
            pl.BlockSpec((RB, D), lambda p, i: (i, 0)),
            pl.BlockSpec((RB, D), lambda p, i: (i, 0)),
            pl.BlockSpec((RB, D), lambda p, i: (NBLK + i, 0)),
            pl.BlockSpec((D, D), lambda p, i: (0, 0)),
            pl.BlockSpec((1, D), lambda p, i: (0, 0)),
            pl.BlockSpec((1, D), lambda p, i: (0, 0)),
            pl.BlockSpec((1, D), lambda p, i: (0, 0)),
            pl.BlockSpec((D, D), lambda p, i: (0, 0)),
            pl.BlockSpec((1, D), lambda p, i: (0, 0)),
            pl.BlockSpec((RB, 1), lambda p, i: (i, 0)),
            pl.BlockSpec((D, 1), lambda p, i: (0, 0)),
            pl.BlockSpec((1, 1), lambda p, i: (0, 0)),
        ],
        out_specs=pl.BlockSpec((G, 1), lambda p, i: (0, 0)),
        out_shape=jax.ShapeDtypeStruct((G, 1), jnp.float32),
        scratch_shapes=[
            pltpu.VMEM((N, D), jnp.float32),
            pltpu.VMEM((1, D), jnp.float32),
            pltpu.VMEM((1, D), jnp.float32),
            pltpu.VMEM((G, D), jnp.float32),
        ],
    )(h, parts, parts, W1, b1, g1, be1, W2, b2, batch2d, Wt, bt)


def kernel(x, edge_index, batch, W_embed, b_embed, W1s, b1s, g1s, be1s, W2s,
           b2s, W_task, b_task):
    e = edge_index.astype(jnp.int32)
    pad = EROWS * 128 - e.shape[1]
    src2d = jnp.concatenate([e[0], jnp.zeros((pad,), jnp.int32)]).reshape(EROWS, 128)
    dst2d = jnp.concatenate([e[1], jnp.full((pad,), N, jnp.int32)]).reshape(EROWS, 128)
    zeros_pad = jnp.zeros((NPAD, D), jnp.float32)
    batch2d = batch.astype(jnp.int32).reshape(N, 1)

    h = _embed(x, W_embed, b_embed.reshape(1, D))
    n_layers = W1s.shape[0]
    for l in range(n_layers - 1):
        parts = _seg_sum_edges(h, src2d, dst2d, zeros_pad)
        h = _layer(h, parts, W1s[l], b1s[l].reshape(1, D), g1s[l].reshape(1, D),
                   be1s[l].reshape(1, D), W2s[l], b2s[l].reshape(1, D))
    ll = n_layers - 1
    parts = _seg_sum_edges(h, src2d, dst2d, zeros_pad)
    return _last_layer_pool(h, parts, W1s[ll], b1s[ll].reshape(1, D),
                            g1s[ll].reshape(1, D), be1s[ll].reshape(1, D),
                            W2s[ll], b2s[ll].reshape(1, D), batch2d,
                            W_task.reshape(D, 1), b_task.reshape(1, 1))

# --- scband reference (transcript-rebuilt; emitter-appended) ---
"""Pipeline reference for scband-py-ggin-1726576853707 (READ-ONLY COPY).

The authoritative reference and input builder live on the scoring server;
editing this copy changes nothing except your own understanding.
"""

import jax, jax.numpy as jnp
import numpy as np

N_NODES = 10000
N_EDGES = 320000
D = 128
N_LAYERS = 5
N_GRAPHS = 64
OUT = 1


def setup_inputs(seed: int = 0) -> dict:
    key = jax.random.key(seed)
    ks = [jax.random.fold_in(key, i) for i in range(20)]
    x = jax.random.normal(ks[0], (N_NODES, D), dtype=jnp.float32)
    edge_index = jax.random.randint(ks[1], (2, N_EDGES), 0, N_NODES, dtype=jnp.int64)
    batch = jnp.sort(jax.random.randint(ks[2], (N_NODES,), 0, N_GRAPHS, dtype=jnp.int64))
    W_embed = jax.random.normal(ks[3], (D, D), dtype=jnp.float32) * 0.05
    b_embed = jnp.zeros((D,), dtype=jnp.float32)
    W1s = jax.random.normal(ks[4], (N_LAYERS, D, D), dtype=jnp.float32) * 0.05
    b1s = jnp.zeros((N_LAYERS, D), dtype=jnp.float32)
    g1s = jnp.ones((N_LAYERS, D), dtype=jnp.float32)
    be1s = jnp.zeros((N_LAYERS, D), dtype=jnp.float32)
    W2s = jax.random.normal(ks[5], (N_LAYERS, D, D), dtype=jnp.float32) * 0.05
    b2s = jnp.zeros((N_LAYERS, D), dtype=jnp.float32)
    W_task = jax.random.normal(ks[6], (D, OUT), dtype=jnp.float32) * 0.05
    b_task = jnp.zeros((OUT,), dtype=jnp.float32)
    return {"x": x, "edge_index": edge_index, "batch": batch,
            "W_embed": W_embed, "b_embed": b_embed,
            "W1s": W1s, "b1s": b1s, "g1s": g1s, "be1s": be1s,
            "W2s": W2s, "b2s": b2s, "W_task": W_task, "b_task": b_task}


def reference(x, edge_index, batch, W_embed, b_embed, W1s, b1s, g1s, be1s, W2s, b2s, W_task, b_task):
    # NodeFeatEmbed: PyG MLP([node_feat, in_channel]) -> single Linear (plain last layer)
    h = x @ W_embed + b_embed
    src = edge_index[0]
    dst = edge_index[1]
    n_layers = W1s.shape[0]
    for l in range(n_layers):
        # GINConv: sum-aggregate neighbor features (gather + scatter-add)
        agg = jax.ops.segment_sum(h[src], dst, num_segments=h.shape[0])
        z = h + agg  # (1 + eps) * x + agg, eps = 0
        # GINConv internal MLP([d, d, d]): Linear -> BatchNorm -> ReLU -> Linear
        z = z @ W1s[l] + b1s[l]
        mean = jnp.mean(z, axis=0)
        var = jnp.var(z, axis=0)
        z = (z - mean) / jnp.sqrt(var + 1e-5) * g1s[l] + be1s[l]
        z = jax.nn.relu(z)
        z = z @ W2s[l] + b2s[l]
        # BasicGNN inter-layer ReLU (skipped after last conv)
        if l < n_layers - 1:
            z = jax.nn.relu(z)
        h = z
    # global_add_pool readout
    pooled = jax.ops.segment_sum(h, batch, num_segments=N_GRAPHS)
    # TaskLayer
    return pooled @ W_task + b_task

if __name__ == "__main__":
    import jax
    _d = setup_inputs()
    print(jax.jit(kernel)(*tuple(_d.values())))

</pallas_src>

<mosaic_0001>
#map = affine_map<(d0, d1) -> (0, 0)>
module attributes {stable_mosaic.version = 14 : i64} {
  func.func @ksc(%arg0: i32, %arg1: i32, %arg2: memref<10000x128xf32, #tpu.memory_space<hbm>>, %arg3: memref<2560x128xi32, #tpu.memory_space<hbm>>, %arg4: memref<2560x128xi32, #tpu.memory_space<hbm>>, %arg5: memref<10240x128xf32, #tpu.memory_space<hbm>>, %arg6: memref<20000x128xf32, #tpu.memory_space<hbm>>, %arg7: memref<8x128xi32, #tpu.memory_space<vmem>>, %arg8: memref<8x128xi32, #tpu.memory_space<vmem>>, %arg9: memref<2x128x128xf32, #tpu.memory_space<vmem>>, %arg10: memref<10240x128xf32, #tpu.memory_space<vmem_shared>>, %arg11: memref<2x!tpu.dma_semaphore, #tpu.memory_space<semaphore_mem>>) attributes {dimension_semantics = [#tpu.dimension_semantics<core_parallel>, #tpu.dimension_semantics<subcore_parallel>], iteration_bounds = array<i64: 2, 16>, scalar_prefetch = 0 : i64, scratch_operands = 5 : i64, tpu.core_type = #tpu.core_type<sc_vector_subcore>, window_params = [{transform_indices = #map}, {transform_indices = #map}, {transform_indices = #map}, {transform_indices = #map}, {transform_indices = #map}]} {
    %eq3A = arith.constant 0 : i32
    %eq3A_0 = arith.cmpi eq, %arg0, %eq3A : i32
    %mul3A = arith.constant 120 : i32
    %mul3A_1 = arith.muli %arg1, %mul3A : i32
    %mul3A_2 = arith.constant 40 : i32
    %mul3A_3 = arith.muli %arg1, %mul3A_2 : i32
    %add3A = arith.constant 1920 : i32
    %add3A_4 = arith.addi %add3A, %mul3A_3 : i32
    %select_n3A = arith.select %eq3A_0, %mul3A_1, %add3A_4 : i32
    %eq3A_5 = arith.constant 0 : i32
    %eq3A_6 = arith.cmpi eq, %arg0, %eq3A_5 : i32
    %jit3A = arith.constant 15 : i32
    %jit3A_7 = arith.constant 5 : i32
    %select_n3A_8 = arith.select %eq3A_6, %jit3A, %jit3A_7 : i32
    %mul3A_9 = arith.constant 640 : i32
    %mul3A_10 = arith.muli %arg1, %mul3A_9 : i32
    %mul3A_11 = arith.constant 640 : i32
    %mul3A_12 = arith.muli %arg1, %mul3A_11 : i32
    "tpu.region"() ({
      %run_scoped3A = tpu.sem_alloc : memref<!tpu.dma_semaphore, #tpu.memory_space<semaphore_mem>>
      %dma_start3A = arith.constant 0 : i32
      %dma_start3A_33 = tpu.memref_slice %arg10[%mul3A_12, %dma_start3A] : memref<10240x128xf32, #tpu.memory_space<vmem_shared>> -> memref<640x128xf32, #tpu.memory_space<vmem_shared>>
      %dma_start3A_34 = arith.constant 0 : i32
      %dma_start3A_35 = tpu.memref_slice %arg5[%mul3A_10, %dma_start3A_34] : memref<10240x128xf32, #tpu.memory_space<hbm>> -> memref<640x128xf32, #tpu.memory_space<hbm>>
      tpu.enqueue_dma source(%dma_start3A_35 : memref<640x128xf32, #tpu.memory_space<hbm>>) target(%dma_start3A_33 : memref<640x128xf32, #tpu.memory_space<vmem_shared>>) target_semaphore(%run_scoped3A : memref<!tpu.dma_semaphore, #tpu.memory_space<semaphore_mem>>)
      %dma_wait3A = arith.constant 0 : i32
      %dma_wait3A_36 = tpu.memref_slice %arg10[%mul3A_12, %dma_wait3A] : memref<10240x128xf32, #tpu.memory_space<vmem_shared>> -> memref<640x128xf32, #tpu.memory_space<vmem_shared>>
      %dma_wait3A_37 = arith.constant 0 : i32
      %dma_wait3A_38 = tpu.memref_slice %arg5[%mul3A_10, %dma_wait3A_37] : memref<10240x128xf32, #tpu.memory_space<hbm>> -> memref<640x128xf32, #tpu.memory_space<hbm>>
      tpu.wait_dma2 semaphore(%run_scoped3A : memref<!tpu.dma_semaphore, #tpu.memory_space<semaphore_mem>>) src(%dma_wait3A_38 : memref<640x128xf32, #tpu.memory_space<hbm>>) dst(%dma_wait3A_36 : memref<640x128xf32, #tpu.memory_space<vmem_shared>>)
      tpu.yield
    }) : () -> ()
    %barrier3A = arith.constant 0 : index
    tpu.barrier barrier_id(%barrier3A)
    %while3A = arith.constant 0 : i32
    %while3A_13 = arith.constant 0 : i32
    %while3A_14 = arith.constant 1 : i32
    %while3A_15 = arith.constant 0 : i32
    %while3A_16 = arith.subi %select_n3A_8, %while3A_15 : i32
    %while3A_17 = arith.addi %while3A_15, %while3A_16 : i32
    %while3A_18 = arith.constant 1 : i32
    %while3A_19 = arith.divsi %while3A_16, %while3A_18 : i32
    %while3A_20 = arith.muli %while3A_19, %while3A_18 : i32
    %while3A_21 = arith.addi %while3A_15, %while3A_20 : i32
    %while3A_22 = arith.constant 1 : i32
    scf.for %while3A_33 = %while3A_15 to %while3A_21 step %while3A_22  : i32 {
      %mul3A_34 = arith.constant 8 : i32
      %mul3A_35 = arith.muli %while3A_33, %mul3A_34 : i32
      %add3A_36 = arith.addi %select_n3A, %mul3A_35 : i32
      "tpu.region"() ({
        %run_scoped3A = tpu.sem_alloc : memref<!tpu.dma_semaphore, #tpu.memory_space<semaphore_mem>>
        %dma_start3A = arith.constant 0 : i32
        %dma_start3A_42 = tpu.memref_slice %arg3[%add3A_36, %dma_start3A] : memref<2560x128xi32, #tpu.memory_space<hbm>> -> memref<8x128xi32, #tpu.memory_space<hbm>>
        %dma_start3A_43 = arith.constant 0 : i32
        %dma_start3A_44 = tpu.memref_slice %arg3[%add3A_36, %dma_start3A_43] : memref<2560x128xi32, #tpu.memory_space<hbm>> -> memref<8x128xi32, #tpu.memory_space<hbm>>
        tpu.enqueue_dma source(%dma_start3A_44 : memref<8x128xi32, #tpu.memory_space<hbm>>) target(%arg7 : memref<8x128xi32, #tpu.memory_space<vmem>>) target_semaphore(%run_scoped3A : memref<!tpu.dma_semaphore, #tpu.memory_space<semaphore_mem>>)
        %dma_wait3A = arith.constant 0 : i32
        %dma_wait3A_45 = tpu.memref_slice %arg3[%add3A_36, %dma_wait3A] : memref<2560x128xi32, #tpu.memory_space<hbm>> -> memref<8x128xi32, #tpu.memory_space<hbm>>
        %dma_wait3A_46 = arith.constant 0 : i32
        %dma_wait3A_47 = tpu.memref_slice %arg3[%add3A_36, %dma_wait3A_46] : memref<2560x128xi32, #tpu.memory_space<hbm>> -> memref<8x128xi32, #tpu.memory_space<hbm>>
        tpu.wait_dma2 semaphore(%run_scoped3A : memref<!tpu.dma_semaphore, #tpu.memory_space<semaphore_mem>>) src(%dma_wait3A_47 : memref<8x128xi32, #tpu.memory_space<hbm>>) dst(%arg7 : memref<8x128xi32, #tpu.memory_space<vmem>>)
        tpu.yield
      }) : () -> ()
      "tpu.region"() ({
        %run_scoped3A = tpu.sem_alloc : memref<!tpu.dma_semaphore, #tpu.memory_space<semaphore_mem>>
        %dma_start3A = arith.constant 0 : i32
        %dma_start3A_42 = tpu.memref_slice %arg4[%add3A_36, %dma_start3A] : memref<2560x128xi32, #tpu.memory_space<hbm>> -> memref<8x128xi32, #tpu.memory_space<hbm>>
        %dma_start3A_43 = arith.constant 0 : i32
        %dma_start3A_44 = tpu.memref_slice %arg4[%add3A_36, %dma_start3A_43] : memref<2560x128xi32, #tpu.memory_space<hbm>> -> memref<8x128xi32, #tpu.memory_space<hbm>>
        tpu.enqueue_dma source(%dma_start3A_44 : memref<8x128xi32, #tpu.memory_space<hbm>>) target(%arg8 : memref<8x128xi32, #tpu.memory_space<vmem>>) target_semaphore(%run_scoped3A : memref<!tpu.dma_semaphore, #tpu.memory_space<semaphore_mem>>)
        %dma_wait3A = arith.constant 0 : i32
        %dma_wait3A_45 = tpu.memref_slice %arg4[%add3A_36, %dma_wait3A] : memref<2560x128xi32, #tpu.memory_space<hbm>> -> memref<8x128xi32, #tpu.memory_space<hbm>>
        %dma_wait3A_46 = arith.constant 0 : i32
        %dma_wait3A_47 = tpu.memref_slice %arg4[%add3A_36, %dma_wait3A_46] : memref<2560x128xi32, #tpu.memory_space<hbm>> -> memref<8x128xi32, #tpu.memory_space<hbm>>
        tpu.wait_dma2 semaphore(%run_scoped3A : memref<!tpu.dma_semaphore, #tpu.memory_space<semaphore_mem>>) src(%dma_wait3A_47 : memref<8x128xi32, #tpu.memory_space<hbm>>) dst(%arg8 : memref<8x128xi32, #tpu.memory_space<vmem>>)
        tpu.yield
      }) : () -> ()
      %scan3A = arith.constant 0 : i32
      %scan3A_37 = arith.constant 0 : i32
      %scan3A_38 = arith.constant 4 : i32
      %scan3A_39 = arith.addi %scan3A_37, %scan3A_38 : i32
      %scan3A_40 = arith.constant 1 : i32
      scf.for %scan3A_42 = %scan3A_37 to %scan3A_39 step %scan3A_40  : i32 {
        %mul3A_43 = arith.constant 2 : i32
        %mul3A_44 = arith.muli %scan3A_42, %mul3A_43 : i32
        %add3A_45 = arith.constant 0 : i32
        %add3A_46 = arith.addi %mul3A_44, %add3A_45 : i32
        %dma_start3A = arith.constant 0 : i32
        %dma_start3A_47 = arith.constant 0 : i32
        %dma_start3A_48 = arith.constant 0 : i32
        %dma_start3A_49 = tpu.memref_slice %arg9[%while3A_13, %dma_start3A_47, %dma_start3A_48] : memref<2x128x128xf32, #tpu.memory_space<vmem>> -> memref<1x128x128xf32, #tpu.memory_space<vmem>>
        %dma_start3A_50 = tpu.memref_squeeze %dma_start3A_49 : memref<1x128x128xf32, #tpu.memory_space<vmem>> -> memref<128x128xf32, #tpu.memory_space<vmem>>
        %dma_start3A_51 = arith.constant 0 : i32
        %dma_start3A_52 = tpu.memref_slice %arg7[%add3A_46, %dma_start3A_51] : memref<8x128xi32, #tpu.memory_space<vmem>> -> memref<1x128xi32, #tpu.memory_space<vmem>>
        %dma_start3A_53 = tpu.memref_squeeze %dma_start3A_52 : memref<1x128xi32, #tpu.memory_space<vmem>> -> memref<128xi32, #tpu.memory_space<vmem>>
        %dma_start3A_54 = arith.constant 0 : i32
        %dma_start3A_55 = arith.constant 0 : i32
        %dma_start3A_56 = tpu.memref_slice %arg2[%dma_start3A_54, %dma_start3A_55] : memref<10000x128xf32, #tpu.memory_space<hbm>> -> memref<10000x128xf32, #tpu.memory_space<hbm>>
        %dma_start3A_57 = tpu.memref_slice %arg11[%dma_start3A] : memref<2x!tpu.dma_semaphore, #tpu.memory_space<semaphore_mem>> -> memref<1x!tpu.dma_semaphore, #tpu.memory_space<semaphore_mem>>
        %dma_start3A_58 = tpu.memref_squeeze %dma_start3A_57 : memref<1x!tpu.dma_semaphore, #tpu.memory_space<semaphore_mem>> -> memref<!tpu.dma_semaphore, #tpu.memory_space<semaphore_mem>>
        tpu.enqueue_indirect_dma source(%dma_start3A_56 : memref<10000x128xf32, #tpu.memory_space<hbm>>) target(%dma_start3A_50 : memref<128x128xf32, #tpu.memory_space<vmem>>) offsets(%dma_start3A_53 : memref<128xi32, #tpu.memory_space<vmem>>) semaphore(%dma_start3A_58 : memref<!tpu.dma_semaphore, #tpu.memory_space<semaphore_mem>>)
        %mul3A_59 = arith.constant 2 : i32
        %mul3A_60 = arith.muli %scan3A_42, %mul3A_59 : i32
        %add3A_61 = arith.constant 1 : i32
        %add3A_62 = arith.addi %mul3A_60, %add3A_61 : i32
        %dma_start3A_63 = arith.constant 1 : i32
        %dma_start3A_64 = arith.constant 0 : i32
        %dma_start3A_65 = arith.constant 0 : i32
        %dma_start3A_66 = tpu.memref_slice %arg9[%while3A_14, %dma_start3A_64, %dma_start3A_65] : memref<2x128x128xf32, #tpu.memory_space<vmem>> -> memref<1x128x128xf32, #tpu.memory_space<vmem>>
        %dma_start3A_67 = tpu.memref_squeeze %dma_start3A_66 : memref<1x128x128xf32, #tpu.memory_space<vmem>> -> memref<128x128xf32, #tpu.memory_space<vmem>>
        %dma_start3A_68 = arith.constant 0 : i32
        %dma_start3A_69 = tpu.memref_slice %arg7[%add3A_62, %dma_start3A_68] : memref<8x128xi32, #tpu.memory_space<vmem>> -> memref<1x128xi32, #tpu.memory_space<vmem>>
        %dma_start3A_70 = tpu.memref_squeeze %dma_start3A_69 : memref<1x128xi32, #tpu.memory_space<vmem>> -> memref<128xi32, #tpu.memory_space<vmem>>
        %dma_start3A_71 = arith.constant 0 : i32
        %dma_start3A_72 = arith.constant 0 : i32
        %dma_start3A_73 = tpu.memref_slice %arg2[%dma_start3A_71, %dma_start3A_72] : memref<10000x128xf32, #tpu.memory_space<hbm>> -> memref<10000x128xf32, #tpu.memory_space<hbm>>
        %dma_start3A_74 = tpu.memref_slice %arg11[%dma_start3A_63] : memref<2x!tpu.dma_semaphore, #tpu.memory_space<semaphore_mem>> -> memref<1x!tpu.dma_semaphore, #tpu.memory_space<semaphore_mem>>
        %dma_start3A_75 = tpu.memref_squeeze %dma_start3A_74 : memref<1x!tpu.dma_semaphore, #tpu.memory_space<semaphore_mem>> -> memref<!tpu.dma_semaphore, #tpu.memory_space<semaphore_mem>>
        tpu.enqueue_indirect_dma source(%dma_start3A_73 : memref<10000x128xf32, #tpu.memory_space<hbm>>) target(%dma_start3A_67 : memref<128x128xf32, #tpu.memory_space<vmem>>) offsets(%dma_start3A_70 : memref<128xi32, #tpu.memory_space<vmem>>) semaphore(%dma_start3A_75 : memref<!tpu.dma_semaphore, #tpu.memory_space<semaphore_mem>>)
        %dma_wait3A = arith.constant 0 : i32
        %dma_wait3A_76 = arith.constant 0 : i32
        %dma_wait3A_77 = arith.constant 0 : i32
        %dma_wait3A_78 = tpu.memref_slice %arg9[%while3A_13, %dma_wait3A_76, %dma_wait3A_77] : memref<2x128x128xf32, #tpu.memory_space<vmem>> -> memref<1x128x128xf32, #tpu.memory_space<vmem>>
        %dma_wait3A_79 = tpu.memref_squeeze %dma_wait3A_78 : memref<1x128x128xf32, #tpu.memory_space<vmem>> -> memref<128x128xf32, #tpu.memory_space<vmem>>
        %dma_wait3A_80 = arith.constant 0 : i32
        %dma_wait3A_81 = tpu.memref_slice %arg7[%add3A_46, %dma_wait3A_80] : memref<8x128xi32, #tpu.memory_space<vmem>> -> memref<1x128xi32, #tpu.memory_space<vmem>>
        %dma_wait3A_82 = tpu.memref_squeeze %dma_wait3A_81 : memref<1x128xi32, #tpu.memory_space<vmem>> -> memref<128xi32, #tpu.memory_space<vmem>>
        %dma_wait3A_83 = arith.constant 0 : i32
        %dma_wait3A_84 = arith.constant 0 : i32
        %dma_wait3A_85 = tpu.memref_slice %arg2[%dma_wait3A_83, %dma_wait3A_84] : memref<10000x128xf32, #tpu.memory_space<hbm>> -> memref<10000x128xf32, #tpu.memory_space<hbm>>
        %dma_wait3A_86 = tpu.memref_slice %arg11[%dma_wait3A] : memref<2x!tpu.dma_semaphore, #tpu.memory_space<semaphore_mem>> -> memref<1x!tpu.dma_semaphore, #tpu.memory_space<semaphore_mem>>
        %dma_wait3A_87 = tpu.memref_squeeze %dma_wait3A_86 : memref<1x!tpu.dma_semaphore, #tpu.memory_space<semaphore_mem>> -> memref<!tpu.dma_semaphore, #tpu.memory_space<semaphore_mem>>
        tpu.wait_indirect_dma semaphore(%dma_wait3A_87 : memref<!tpu.dma_semaphore, #tpu.memory_space<semaphore_mem>>) src(%dma_wait3A_85 : memref<10000x128xf32, #tpu.memory_space<hbm>>) dst(%dma_wait3A_79 : memref<128x128xf32, #tpu.memory_space<vmem>>)
        %mul3A_88 = arith.constant 2 : i32
        %mul3A_89 = arith.muli %scan3A_42, %mul3A_88 : i32
        %add3A_90 = arith.constant 0 : i32
        %add3A_91 = arith.addi %mul3A_89, %add3A_90 : i32
        "tpu.region"() ({
          %run_scoped3A = tpu.sem_alloc : memref<!tpu.dma_semaphore, #tpu.memory_space<semaphore_mem>>
          %dma_start3A_109 = arith.constant 0 : i32
          %dma_start3A_110 = arith.constant 0 : i32
          %dma_start3A_111 = tpu.memref_slice %arg9[%while3A_13, %dma_start3A_109, %dma_start3A_110] : memref<2x128x128xf32, #tpu.memory_space<vmem>> -> memref<1x128x128xf32, #tpu.memory_space<vmem>>
          %dma_start3A_112 = tpu.memref_squeeze %dma_start3A_111 : memref<1x128x128xf32, #tpu.memory_space<vmem>> -> memref<128x128xf32, #tpu.memory_space<vmem>>
          %dma_start3A_113 = arith.constant 0 : i32
          %dma_start3A_114 = tpu.memref_slice %arg8[%add3A_91, %dma_start3A_113] : memref<8x128xi32, #tpu.memory_space<vmem>> -> memref<1x128xi32, #tpu.memory_space<vmem>>
          %dma_start3A_115 = tpu.memref_squeeze %dma_start3A_114 : memref<1x128xi32, #tpu.memory_space<vmem>> -> memref<128xi32, #tpu.memory_space<vmem>>
          %dma_start3A_116 = arith.constant 0 : i32
          %dma_start3A_117 = arith.constant 0 : i32
          %dma_start3A_118 = tpu.memref_slice %arg10[%dma_start3A_116, %dma_start3A_117] : memref<10240x128xf32, #tpu.memory_space<vmem_shared>> -> memref<10240x128xf32, #tpu.memory_space<vmem_shared>>
          tpu.enqueue_indirect_dma source(%dma_start3A_112 : memref<128x128xf32, #tpu.memory_space<vmem>>) target(%dma_start3A_118 : memref<10240x128xf32, #tpu.memory_space<vmem_shared>>) offsets(%dma_start3A_115 : memref<128xi32, #tpu.memory_space<vmem>>) semaphore(%run_scoped3A : memref<!tpu.dma_semaphore, #tpu.memory_space<semaphore_mem>>) {add = true}
          %dma_wait3A_119 = arith.constant 0 : i32
          %dma_wait3A_120 = arith.constant 0 : i32
          %dma_wait3A_121 = tpu.memref_slice %arg9[%while3A_13, %dma_wait3A_119, %dma_wait3A_120] : memref<2x128x128xf32, #tpu.memory_space<vmem>> -> memref<1x128x128xf32, #tpu.memory_space<vmem>>
          %dma_wait3A_122 = tpu.memref_squeeze %dma_wait3A_121 : memref<1x128x128xf32, #tpu.memory_space<vmem>> -> memref<128x128xf32, #tpu.memory_space<vmem>>
          %dma_wait3A_123 = arith.constant 0 : i32
          %dma_wait3A_124 = tpu.memref_slice %arg8[%add3A_91, %dma_wait3A_123] : memref<8x128xi32, #tpu.memory_space<vmem>> -> memref<1x128xi32, #tpu.memory_space<vmem>>
          %dma_wait3A_125 = tpu.memref_squeeze %dma_wait3A_124 : memref<1x128xi32, #tpu.memory_space<vmem>> -> memref<128xi32, #tpu.memory_space<vmem>>
          %dma_wait3A_126 = arith.constant 0 : i32
          %dma_wait3A_127 = arith.constant 0 : i32
          %dma_wait3A_128 = tpu.memref_slice %arg10[%dma_wait3A_126, %dma_wait3A_127] : memref<10240x128xf32, #tpu.memory_space<vmem_shared>> -> memref<10240x128xf32, #tpu.memory_space<vmem_shared>>
          tpu.wait_indirect_dma semaphore(%run_scoped3A : memref<!tpu.dma_semaphore, #tpu.memory_space<semaphore_mem>>) src(%dma_wait3A_122 : memref<128x128xf32, #tpu.memory_space<vmem>>) dst(%dma_wait3A_128 : memref<10240x128xf32, #tpu.memory_space<vmem_shared>>)
          tpu.yield
        }) : () -> ()
        %dma_wait3A_92 = arith.constant 1 : i32
        %dma_wait3A_93 = arith.constant 0 : i32
        %dma_wait3A_94 = arith.constant 0 : i32
        %dma_wait3A_95 = tpu.memref_slice %arg9[%while3A_14, %dma_wait3A_93, %dma_wait3A_94] : memref<2x128x128xf32, #tpu.memory_space<vmem>> -> memref<1x128x128xf32, #tpu.memory_space<vmem>>
        %dma_wait3A_96 = tpu.memref_squeeze %dma_wait3A_95 : memref<1x128x128xf32, #tpu.memory_space<vmem>> -> memref<128x128xf32, #tpu.memory_space<vmem>>
        %dma_wait3A_97 = arith.constant 0 : i32
        %dma_wait3A_98 = tpu.memref_slice %arg7[%add3A_62, %dma_wait3A_97] : memref<8x128xi32, #tpu.memory_space<vmem>> -> memref<1x128xi32, #tpu.memory_space<vmem>>
        %dma_wait3A_99 = tpu.memref_squeeze %dma_wait3A_98 : memref<1x128xi32, #tpu.memory_space<vmem>> -> memref<128xi32, #tpu.memory_space<vmem>>
        %dma_wait3A_100 = arith.constant 0 : i32
        %dma_wait3A_101 = arith.constant 0 : i32
        %dma_wait3A_102 = tpu.memref_slice %arg2[%dma_wait3A_100, %dma_wait3A_101] : memref<10000x128xf32, #tpu.memory_space<hbm>> -> memref<10000x128xf32, #tpu.memory_space<hbm>>
        %dma_wait3A_103 = tpu.memref_slice %arg11[%dma_wait3A_92] : memref<2x!tpu.dma_semaphore, #tpu.memory_space<semaphore_mem>> -> memref<1x!tpu.dma_semaphore, #tpu.memory_space<semaphore_mem>>
        %dma_wait3A_104 = tpu.memref_squeeze %dma_wait3A_103 : memref<1x!tpu.dma_semaphore, #tpu.memory_space<semaphore_mem>> -> memref<!tpu.dma_semaphore, #tpu.memory_space<semaphore_mem>>
        tpu.wait_indirect_dma semaphore(%dma_wait3A_104 : memref<!tpu.dma_semaphore, #tpu.memory_space<semaphore_mem>>) src(%dma_wait3A_102 : memref<10000x128xf32, #tpu.memory_space<hbm>>) dst(%dma_wait3A_96 : memref<128x128xf32, #tpu.memory_space<vmem>>)
        %mul3A_105 = arith.constant 2 : i32
        %mul3A_106 = arith.muli %scan3A_42, %mul3A_105 : i32
        %add3A_107 = arith.constant 1 : i32
        %add3A_108 = arith.addi %mul3A_106, %add3A_107 : i32
        "tpu.region"() ({
          %run_scoped3A = tpu.sem_alloc : memref<!tpu.dma_semaphore, #tpu.memory_space<semaphore_mem>>
          %dma_start3A_109 = arith.constant 0 : i32
          %dma_start3A_110 = arith.constant 0 : i32
          %dma_start3A_111 = tpu.memref_slice %arg9[%while3A_14, %dma_start3A_109, %dma_start3A_110] : memref<2x128x128xf32, #tpu.memory_space<vmem>> -> memref<1x128x128xf32, #tpu.memory_space<vmem>>
          %dma_start3A_112 = tpu.memref_squeeze %dma_start3A_111 : memref<1x128x128xf32, #tpu.memory_space<vmem>> -> memref<128x128xf32, #tpu.memory_space<vmem>>
          %dma_start3A_113 = arith.constant 0 : i32
          %dma_start3A_114 = tpu.memref_slice %arg8[%add3A_108, %dma_start3A_113] : memref<8x128xi32, #tpu.memory_space<vmem>> -> memref<1x128xi32, #tpu.memory_space<vmem>>
          %dma_start3A_115 = tpu.memref_squeeze %dma_start3A_114 : memref<1x128xi32, #tpu.memory_space<vmem>> -> memref<128xi32, #tpu.memory_space<vmem>>
          %dma_start3A_116 = arith.constant 0 : i32
          %dma_start3A_117 = arith.constant 0 : i32
          %dma_start3A_118 = tpu.memref_slice %arg10[%dma_start3A_116, %dma_start3A_117] : memref<10240x128xf32, #tpu.memory_space<vmem_shared>> -> memref<10240x128xf32, #tpu.memory_space<vmem_shared>>
          tpu.enqueue_indirect_dma source(%dma_start3A_112 : memref<128x128xf32, #tpu.memory_space<vmem>>) target(%dma_start3A_118 : memref<10240x128xf32, #tpu.memory_space<vmem_shared>>) offsets(%dma_start3A_115 : memref<128xi32, #tpu.memory_space<vmem>>) semaphore(%run_scoped3A : memref<!tpu.dma_semaphore, #tpu.memory_space<semaphore_mem>>) {add = true}
          %dma_wait3A_119 = arith.constant 0 : i32
          %dma_wait3A_120 = arith.constant 0 : i32
          %dma_wait3A_121 = tpu.memref_slice %arg9[%while3A_14, %dma_wait3A_119, %dma_wait3A_120] : memref<2x128x128xf32, #tpu.memory_space<vmem>> -> memref<1x128x128xf32, #tpu.memory_space<vmem>>
          %dma_wait3A_122 = tpu.memref_squeeze %dma_wait3A_121 : memref<1x128x128xf32, #tpu.memory_space<vmem>> -> memref<128x128xf32, #tpu.memory_space<vmem>>
          %dma_wait3A_123 = arith.constant 0 : i32
          %dma_wait3A_124 = tpu.memref_slice %arg8[%add3A_108, %dma_wait3A_123] : memref<8x128xi32, #tpu.memory_space<vmem>> -> memref<1x128xi32, #tpu.memory_space<vmem>>
          %dma_wait3A_125 = tpu.memref_squeeze %dma_wait3A_124 : memref<1x128xi32, #tpu.memory_space<vmem>> -> memref<128xi32, #tpu.memory_space<vmem>>
          %dma_wait3A_126 = arith.constant 0 : i32
          %dma_wait3A_127 = arith.constant 0 : i32
          %dma_wait3A_128 = tpu.memref_slice %arg10[%dma_wait3A_126, %dma_wait3A_127] : memref<10240x128xf32, #tpu.memory_space<vmem_shared>> -> memref<10240x128xf32, #tpu.memory_space<vmem_shared>>
          tpu.wait_indirect_dma semaphore(%run_scoped3A : memref<!tpu.dma_semaphore, #tpu.memory_space<semaphore_mem>>) src(%dma_wait3A_122 : memref<128x128xf32, #tpu.memory_space<vmem>>) dst(%dma_wait3A_128 : memref<10240x128xf32, #tpu.memory_space<vmem_shared>>)
          tpu.yield
        }) : () -> ()
      }
      %scan3A_41 = arith.constant 4 : i32
    }
    %while3A_23 = arith.constant 1 : i32
    scf.for %while3A_33 = %while3A_21 to %while3A_17 step %while3A_23  : i32 {
      %mul3A_34 = arith.constant 8 : i32
      %mul3A_35 = arith.muli %while3A_33, %mul3A_34 : i32
      %add3A_36 = arith.addi %select_n3A, %mul3A_35 : i32
      "tpu.region"() ({
        %run_scoped3A = tpu.sem_alloc : memref<!tpu.dma_semaphore, #tpu.memory_space<semaphore_mem>>
        %dma_start3A = arith.constant 0 : i32
        %dma_start3A_42 = tpu.memref_slice %arg3[%add3A_36, %dma_start3A] : memref<2560x128xi32, #tpu.memory_space<hbm>> -> memref<8x128xi32, #tpu.memory_space<hbm>>
        %dma_start3A_43 = arith.constant 0 : i32
        %dma_start3A_44 = tpu.memref_slice %arg3[%add3A_36, %dma_start3A_43] : memref<2560x128xi32, #tpu.memory_space<hbm>> -> memref<8x128xi32, #tpu.memory_space<hbm>>
        tpu.enqueue_dma source(%dma_start3A_44 : memref<8x128xi32, #tpu.memory_space<hbm>>) target(%arg7 : memref<8x128xi32, #tpu.memory_space<vmem>>) target_semaphore(%run_scoped3A : memref<!tpu.dma_semaphore, #tpu.memory_space<semaphore_mem>>)
        %dma_wait3A = arith.constant 0 : i32
        %dma_wait3A_45 = tpu.memref_slice %arg3[%add3A_36, %dma_wait3A] : memref<2560x128xi32, #tpu.memory_space<hbm>> -> memref<8x128xi32, #tpu.memory_space<hbm>>
        %dma_wait3A_46 = arith.constant 0 : i32
        %dma_wait3A_47 = tpu.memref_slice %arg3[%add3A_36, %dma_wait3A_46] : memref<2560x128xi32, #tpu.memory_space<hbm>> -> memref<8x128xi32, #tpu.memory_space<hbm>>
        tpu.wait_dma2 semaphore(%run_scoped3A : memref<!tpu.dma_semaphore, #tpu.memory_space<semaphore_mem>>) src(%dma_wait3A_47 : memref<8x128xi32, #tpu.memory_space<hbm>>) dst(%arg7 : memref<8x128xi32, #tpu.memory_space<vmem>>)
        tpu.yield
      }) : () -> ()
      "tpu.region"() ({
        %run_scoped3A = tpu.sem_alloc : memref<!tpu.dma_semaphore, #tpu.memory_space<semaphore_mem>>
        %dma_start3A = arith.constant 0 : i32
        %dma_start3A_42 = tpu.memref_slice %arg4[%add3A_36, %dma_start3A] : memref<2560x128xi32, #tpu.memory_space<hbm>> -> memref<8x128xi32, #tpu.memory_space<hbm>>
        %dma_start3A_43 = arith.constant 0 : i32
        %dma_start3A_44 = tpu.memref_slice %arg4[%add3A_36, %dma_start3A_43] : memref<2560x128xi32, #tpu.memory_space<hbm>> -> memref<8x128xi32, #tpu.memory_space<hbm>>
        tpu.enqueue_dma source(%dma_start3A_44 : memref<8x128xi32, #tpu.memory_space<hbm>>) target(%arg8 : memref<8x128xi32, #tpu.memory_space<vmem>>) target_semaphore(%run_scoped3A : memref<!tpu.dma_semaphore, #tpu.memory_space<semaphore_mem>>)
        %dma_wait3A = arith.constant 0 : i32
        %dma_wait3A_45 = tpu.memref_slice %arg4[%add3A_36, %dma_wait3A] : memref<2560x128xi32, #tpu.memory_space<hbm>> -> memref<8x128xi32, #tpu.memory_space<hbm>>
        %dma_wait3A_46 = arith.constant 0 : i32
        %dma_wait3A_47 = tpu.memref_slice %arg4[%add3A_36, %dma_wait3A_46] : memref<2560x128xi32, #tpu.memory_space<hbm>> -> memref<8x128xi32, #tpu.memory_space<hbm>>
        tpu.wait_dma2 semaphore(%run_scoped3A : memref<!tpu.dma_semaphore, #tpu.memory_space<semaphore_mem>>) src(%dma_wait3A_47 : memref<8x128xi32, #tpu.memory_space<hbm>>) dst(%arg8 : memref<8x128xi32, #tpu.memory_space<vmem>>)
        tpu.yield
      }) : () -> ()
      %scan3A = arith.constant 0 : i32
      %scan3A_37 = arith.constant 0 : i32
      %scan3A_38 = arith.constant 4 : i32
      %scan3A_39 = arith.addi %scan3A_37, %scan3A_38 : i32
      %scan3A_40 = arith.constant 1 : i32
      scf.for %scan3A_42 = %scan3A_37 to %scan3A_39 step %scan3A_40  : i32 {
        %mul3A_43 = arith.constant 2 : i32
        %mul3A_44 = arith.muli %scan3A_42, %mul3A_43 : i32
        %add3A_45 = arith.constant 0 : i32
        %add3A_46 = arith.addi %mul3A_44, %add3A_45 : i32
        %dma_start3A = arith.constant 0 : i32
        %dma_start3A_47 = arith.constant 0 : i32
        %dma_start3A_48 = arith.constant 0 : i32
        %dma_start3A_49 = tpu.memref_slice %arg9[%while3A_13, %dma_start3A_47, %dma_start3A_48] : memref<2x128x128xf32, #tpu.memory_space<vmem>> -> memref<1x128x128xf32, #tpu.memory_space<vmem>>
        %dma_start3A_50 = tpu.memref_squeeze %dma_start3A_49 : memref<1x128x128xf32, #tpu.memory_space<vmem>> -> memref<128x128xf32, #tpu.memory_space<vmem>>
        %dma_start3A_51 = arith.constant 0 : i32
        %dma_start3A_52 = tpu.memref_slice %arg7[%add3A_46, %dma_start3A_51] : memref<8x128xi32, #tpu.memory_space<vmem>> -> memref<1x128xi32, #tpu.memory_space<vmem>>
        %dma_start3A_53 = tpu.memref_squeeze %dma_start3A_52 : memref<1x128xi32, #tpu.memory_space<vmem>> -> memref<128xi32, #tpu.memory_space<vmem>>
        %dma_start3A_54 = arith.constant 0 : i32
        %dma_start3A_55 = arith.constant 0 : i32
        %dma_start3A_56 = tpu.memref_slice %arg2[%dma_start3A_54, %dma_start3A_55] : memref<10000x128xf32, #tpu.memory_space<hbm>> -> memref<10000x128xf32, #tpu.memory_space<hbm>>
        %dma_start3A_57 = tpu.memref_slice %arg11[%dma_start3A] : memref<2x!tpu.dma_semaphore, #tpu.memory_space<semaphore_mem>> -> memref<1x!tpu.dma_semaphore, #tpu.memory_space<semaphore_mem>>
        %dma_start3A_58 = tpu.memref_squeeze %dma_start3A_57 : memref<1x!tpu.dma_semaphore, #tpu.memory_space<semaphore_mem>> -> memref<!tpu.dma_semaphore, #tpu.memory_space<semaphore_mem>>
        tpu.enqueue_indirect_dma source(%dma_start3A_56 : memref<10000x128xf32, #tpu.memory_space<hbm>>) target(%dma_start3A_50 : memref<128x128xf32, #tpu.memory_space<vmem>>) offsets(%dma_start3A_53 : memref<128xi32, #tpu.memory_space<vmem>>) semaphore(%dma_start3A_58 : memref<!tpu.dma_semaphore, #tpu.memory_space<semaphore_mem>>)
        %mul3A_59 = arith.constant 2 : i32
        %mul3A_60 = arith.muli %scan3A_42, %mul3A_59 : i32
        %add3A_61 = arith.constant 1 : i32
        %add3A_62 = arith.addi %mul3A_60, %add3A_61 : i32
        %dma_start3A_63 = arith.constant 1 : i32
        %dma_start3A_64 = arith.constant 0 : i32
        %dma_start3A_65 = arith.constant 0 : i32
        %dma_start3A_66 = tpu.memref_slice %arg9[%while3A_14, %dma_start3A_64, %dma_start3A_65] : memref<2x128x128xf32, #tpu.memory_space<vmem>> -> memref<1x128x128xf32, #tpu.memory_space<vmem>>
        %dma_start3A_67 = tpu.memref_squeeze %dma_start3A_66 : memref<1x128x128xf32, #tpu.memory_space<vmem>> -> memref<128x128xf32, #tpu.memory_space<vmem>>
        %dma_start3A_68 = arith.constant 0 : i32
        %dma_start3A_69 = tpu.memref_slice %arg7[%add3A_62, %dma_start3A_68] : memref<8x128xi32, #tpu.memory_space<vmem>> -> memref<1x128xi32, #tpu.memory_space<vmem>>
        %dma_start3A_70 = tpu.memref_squeeze %dma_start3A_69 : memref<1x128xi32, #tpu.memory_space<vmem>> -> memref<128xi32, #tpu.memory_space<vmem>>
        %dma_start3A_71 = arith.constant 0 : i32
        %dma_start3A_72 = arith.constant 0 : i32
        %dma_start3A_73 = tpu.memref_slice %arg2[%dma_start3A_71, %dma_start3A_72] : memref<10000x128xf32, #tpu.memory_space<hbm>> -> memref<10000x128xf32, #tpu.memory_space<hbm>>
        %dma_start3A_74 = tpu.memref_slice %arg11[%dma_start3A_63] : memref<2x!tpu.dma_semaphore, #tpu.memory_space<semaphore_mem>> -> memref<1x!tpu.dma_semaphore, #tpu.memory_space<semaphore_mem>>
        %dma_start3A_75 = tpu.memref_squeeze %dma_start3A_74 : memref<1x!tpu.dma_semaphore, #tpu.memory_space<semaphore_mem>> -> memref<!tpu.dma_semaphore, #tpu.memory_space<semaphore_mem>>
        tpu.enqueue_indirect_dma source(%dma_start3A_73 : memref<10000x128xf32, #tpu.memory_space<hbm>>) target(%dma_start3A_67 : memref<128x128xf32, #tpu.memory_space<vmem>>) offsets(%dma_start3A_70 : memref<128xi32, #tpu.memory_space<vmem>>) semaphore(%dma_start3A_75 : memref<!tpu.dma_semaphore, #tpu.memory_space<semaphore_mem>>)
        %dma_wait3A = arith.constant 0 : i32
        %dma_wait3A_76 = arith.constant 0 : i32
        %dma_wait3A_77 = arith.constant 0 : i32
        %dma_wait3A_78 = tpu.memref_slice %arg9[%while3A_13, %dma_wait3A_76, %dma_wait3A_77] : memref<2x128x128xf32, #tpu.memory_space<vmem>> -> memref<1x128x128xf32, #tpu.memory_space<vmem>>
        %dma_wait3A_79 = tpu.memref_squeeze %dma_wait3A_78 : memref<1x128x128xf32, #tpu.memory_space<vmem>> -> memref<128x128xf32, #tpu.memory_space<vmem>>
        %dma_wait3A_80 = arith.constant 0 : i32
        %dma_wait3A_81 = tpu.memref_slice %arg7[%add3A_46, %dma_wait3A_80] : memref<8x128xi32, #tpu.memory_space<vmem>> -> memref<1x128xi32, #tpu.memory_space<vmem>>
        %dma_wait3A_82 = tpu.memref_squeeze %dma_wait3A_81 : memref<1x128xi32, #tpu.memory_space<vmem>> -> memref<128xi32, #tpu.memory_space<vmem>>
        %dma_wait3A_83 = arith.constant 0 : i32
        %dma_wait3A_84 = arith.constant 0 : i32
        %dma_wait3A_85 = tpu.memref_slice %arg2[%dma_wait3A_83, %dma_wait3A_84] : memref<10000x128xf32, #tpu.memory_space<hbm>> -> memref<10000x128xf32, #tpu.memory_space<hbm>>
        %dma_wait3A_86 = tpu.memref_slice %arg11[%dma_wait3A] : memref<2x!tpu.dma_semaphore, #tpu.memory_space<semaphore_mem>> -> memref<1x!tpu.dma_semaphore, #tpu.memory_space<semaphore_mem>>
        %dma_wait3A_87 = tpu.memref_squeeze %dma_wait3A_86 : memref<1x!tpu.dma_semaphore, #tpu.memory_space<semaphore_mem>> -> memref<!tpu.dma_semaphore, #tpu.memory_space<semaphore_mem>>
        tpu.wait_indirect_dma semaphore(%dma_wait3A_87 : memref<!tpu.dma_semaphore, #tpu.memory_space<semaphore_mem>>) src(%dma_wait3A_85 : memref<10000x128xf32, #tpu.memory_space<hbm>>) dst(%dma_wait3A_79 : memref<128x128xf32, #tpu.memory_space<vmem>>)
        %mul3A_88 = arith.constant 2 : i32
        %mul3A_89 = arith.muli %scan3A_42, %mul3A_88 : i32
        %add3A_90 = arith.constant 0 : i32
        %add3A_91 = arith.addi %mul3A_89, %add3A_90 : i32
        "tpu.region"() ({
          %run_scoped3A = tpu.sem_alloc : memref<!tpu.dma_semaphore, #tpu.memory_space<semaphore_mem>>
          %dma_start3A_109 = arith.constant 0 : i32
          %dma_start3A_110 = arith.constant 0 : i32
          %dma_start3A_111 = tpu.memref_slice %arg9[%while3A_13, %dma_start3A_109, %dma_start3A_110] : memref<2x128x128xf32, #tpu.memory_space<vmem>> -> memref<1x128x128xf32, #tpu.memory_space<vmem>>
          %dma_start3A_112 = tpu.memref_squeeze %dma_start3A_111 : memref<1x128x128xf32, #tpu.memory_space<vmem>> -> memref<128x128xf32, #tpu.memory_space<vmem>>
          %dma_start3A_113 = arith.constant 0 : i32
          %dma_start3A_114 = tpu.memref_slice %arg8[%add3A_91, %dma_start3A_113] : memref<8x128xi32, #tpu.memory_space<vmem>> -> memref<1x128xi32, #tpu.memory_space<vmem>>
          %dma_start3A_115 = tpu.memref_squeeze %dma_start3A_114 : memref<1x128xi32, #tpu.memory_space<vmem>> -> memref<128xi32, #tpu.memory_space<vmem>>
          %dma_start3A_116 = arith.constant 0 : i32
          %dma_start3A_117 = arith.constant 0 : i32
          %dma_start3A_118 = tpu.memref_slice %arg10[%dma_start3A_116, %dma_start3A_117] : memref<10240x128xf32, #tpu.memory_space<vmem_shared>> -> memref<10240x128xf32, #tpu.memory_space<vmem_shared>>
          tpu.enqueue_indirect_dma source(%dma_start3A_112 : memref<128x128xf32, #tpu.memory_space<vmem>>) target(%dma_start3A_118 : memref<10240x128xf32, #tpu.memory_space<vmem_shared>>) offsets(%dma_start3A_115 : memref<128xi32, #tpu.memory_space<vmem>>) semaphore(%run_scoped3A : memref<!tpu.dma_semaphore, #tpu.memory_space<semaphore_mem>>) {add = true}
          %dma_wait3A_119 = arith.constant 0 : i32
          %dma_wait3A_120 = arith.constant 0 : i32
          %dma_wait3A_121 = tpu.memref_slice %arg9[%while3A_13, %dma_wait3A_119, %dma_wait3A_120] : memref<2x128x128xf32, #tpu.memory_space<vmem>> -> memref<1x128x128xf32, #tpu.memory_space<vmem>>
          %dma_wait3A_122 = tpu.memref_squeeze %dma_wait3A_121 : memref<1x128x128xf32, #tpu.memory_space<vmem>> -> memref<128x128xf32, #tpu.memory_space<vmem>>
          %dma_wait3A_123 = arith.constant 0 : i32
          %dma_wait3A_124 = tpu.memref_slice %arg8[%add3A_91, %dma_wait3A_123] : memref<8x128xi32, #tpu.memory_space<vmem>> -> memref<1x128xi32, #tpu.memory_space<vmem>>
          %dma_wait3A_125 = tpu.memref_squeeze %dma_wait3A_124 : memref<1x128xi32, #tpu.memory_space<vmem>> -> memref<128xi32, #tpu.memory_space<vmem>>
          %dma_wait3A_126 = arith.constant 0 : i32
          %dma_wait3A_127 = arith.constant 0 : i32
          %dma_wait3A_128 = tpu.memref_slice %arg10[%dma_wait3A_126, %dma_wait3A_127] : memref<10240x128xf32, #tpu.memory_space<vmem_shared>> -> memref<10240x128xf32, #tpu.memory_space<vmem_shared>>
          tpu.wait_indirect_dma semaphore(%run_scoped3A : memref<!tpu.dma_semaphore, #tpu.memory_space<semaphore_mem>>) src(%dma_wait3A_122 : memref<128x128xf32, #tpu.memory_space<vmem>>) dst(%dma_wait3A_128 : memref<10240x128xf32, #tpu.memory_space<vmem_shared>>)
          tpu.yield
        }) : () -> ()
        %dma_wait3A_92 = arith.constant 1 : i32
        %dma_wait3A_93 = arith.constant 0 : i32
        %dma_wait3A_94 = arith.constant 0 : i32
        %dma_wait3A_95 = tpu.memref_slice %arg9[%while3A_14, %dma_wait3A_93, %dma_wait3A_94] : memref<2x128x128xf32, #tpu.memory_space<vmem>> -> memref<1x128x128xf32, #tpu.memory_space<vmem>>
        %dma_wait3A_96 = tpu.memref_squeeze %dma_wait3A_95 : memref<1x128x128xf32, #tpu.memory_space<vmem>> -> memref<128x128xf32, #tpu.memory_space<vmem>>
        %dma_wait3A_97 = arith.constant 0 : i32
        %dma_wait3A_98 = tpu.memref_slice %arg7[%add3A_62, %dma_wait3A_97] : memref<8x128xi32, #tpu.memory_space<vmem>> -> memref<1x128xi32, #tpu.memory_space<vmem>>
        %dma_wait3A_99 = tpu.memref_squeeze %dma_wait3A_98 : memref<1x128xi32, #tpu.memory_space<vmem>> -> memref<128xi32, #tpu.memory_space<vmem>>
        %dma_wait3A_100 = arith.constant 0 : i32
        %dma_wait3A_101 = arith.constant 0 : i32
        %dma_wait3A_102 = tpu.memref_slice %arg2[%dma_wait3A_100, %dma_wait3A_101] : memref<10000x128xf32, #tpu.memory_space<hbm>> -> memref<10000x128xf32, #tpu.memory_space<hbm>>
        %dma_wait3A_103 = tpu.memref_slice %arg11[%dma_wait3A_92] : memref<2x!tpu.dma_semaphore, #tpu.memory_space<semaphore_mem>> -> memref<1x!tpu.dma_semaphore, #tpu.memory_space<semaphore_mem>>
        %dma_wait3A_104 = tpu.memref_squeeze %dma_wait3A_103 : memref<1x!tpu.dma_semaphore, #tpu.memory_space<semaphore_mem>> -> memref<!tpu.dma_semaphore, #tpu.memory_space<semaphore_mem>>
        tpu.wait_indirect_dma semaphore(%dma_wait3A_104 : memref<!tpu.dma_semaphore, #tpu.memory_space<semaphore_mem>>) src(%dma_wait3A_102 : memref<10000x128xf32, #tpu.memory_space<hbm>>) dst(%dma_wait3A_96 : memref<128x128xf32, #tpu.memory_space<vmem>>)
        %mul3A_105 = arith.constant 2 : i32
        %mul3A_106 = arith.muli %scan3A_42, %mul3A_105 : i32
        %add3A_107 = arith.constant 1 : i32
        %add3A_108 = arith.addi %mul3A_106, %add3A_107 : i32
        "tpu.region"() ({
          %run_scoped3A = tpu.sem_alloc : memref<!tpu.dma_semaphore, #tpu.memory_space<semaphore_mem>>
          %dma_start3A_109 = arith.constant 0 : i32
          %dma_start3A_110 = arith.constant 0 : i32
          %dma_start3A_111 = tpu.memref_slice %arg9[%while3A_14, %dma_start3A_109, %dma_start3A_110] : memref<2x128x128xf32, #tpu.memory_space<vmem>> -> memref<1x128x128xf32, #tpu.memory_space<vmem>>
          %dma_start3A_112 = tpu.memref_squeeze %dma_start3A_111 : memref<1x128x128xf32, #tpu.memory_space<vmem>> -> memref<128x128xf32, #tpu.memory_space<vmem>>
          %dma_start3A_113 = arith.constant 0 : i32
          %dma_start3A_114 = tpu.memref_slice %arg8[%add3A_108, %dma_start3A_113] : memref<8x128xi32, #tpu.memory_space<vmem>> -> memref<1x128xi32, #tpu.memory_space<vmem>>
          %dma_start3A_115 = tpu.memref_squeeze %dma_start3A_114 : memref<1x128xi32, #tpu.memory_space<vmem>> -> memref<128xi32, #tpu.memory_space<vmem>>
          %dma_start3A_116 = arith.constant 0 : i32
          %dma_start3A_117 = arith.constant 0 : i32
          %dma_start3A_118 = tpu.memref_slice %arg10[%dma_start3A_116, %dma_start3A_117] : memref<10240x128xf32, #tpu.memory_space<vmem_shared>> -> memref<10240x128xf32, #tpu.memory_space<vmem_shared>>
          tpu.enqueue_indirect_dma source(%dma_start3A_112 : memref<128x128xf32, #tpu.memory_space<vmem>>) target(%dma_start3A_118 : memref<10240x128xf32, #tpu.memory_space<vmem_shared>>) offsets(%dma_start3A_115 : memref<128xi32, #tpu.memory_space<vmem>>) semaphore(%run_scoped3A : memref<!tpu.dma_semaphore, #tpu.memory_space<semaphore_mem>>) {add = true}
          %dma_wait3A_119 = arith.constant 0 : i32
          %dma_wait3A_120 = arith.constant 0 : i32
          %dma_wait3A_121 = tpu.memref_slice %arg9[%while3A_14, %dma_wait3A_119, %dma_wait3A_120] : memref<2x128x128xf32, #tpu.memory_space<vmem>> -> memref<1x128x128xf32, #tpu.memory_space<vmem>>
          %dma_wait3A_122 = tpu.memref_squeeze %dma_wait3A_121 : memref<1x128x128xf32, #tpu.memory_space<vmem>> -> memref<128x128xf32, #tpu.memory_space<vmem>>
          %dma_wait3A_123 = arith.constant 0 : i32
          %dma_wait3A_124 = tpu.memref_slice %arg8[%add3A_108, %dma_wait3A_123] : memref<8x128xi32, #tpu.memory_space<vmem>> -> memref<1x128xi32, #tpu.memory_space<vmem>>
          %dma_wait3A_125 = tpu.memref_squeeze %dma_wait3A_124 : memref<1x128xi32, #tpu.memory_space<vmem>> -> memref<128xi32, #tpu.memory_space<vmem>>
          %dma_wait3A_126 = arith.constant 0 : i32
          %dma_wait3A_127 = arith.constant 0 : i32
          %dma_wait3A_128 = tpu.memref_slice %arg10[%dma_wait3A_126, %dma_wait3A_127] : memref<10240x128xf32, #tpu.memory_space<vmem_shared>> -> memref<10240x128xf32, #tpu.memory_space<vmem_shared>>
          tpu.wait_indirect_dma semaphore(%run_scoped3A : memref<!tpu.dma_semaphore, #tpu.memory_space<semaphore_mem>>) src(%dma_wait3A_122 : memref<128x128xf32, #tpu.memory_space<vmem>>) dst(%dma_wait3A_128 : memref<10240x128xf32, #tpu.memory_space<vmem_shared>>)
          tpu.yield
        }) : () -> ()
      }
      %scan3A_41 = arith.constant 4 : i32
    }
    %barrier3A_24 = arith.constant 0 : index
    tpu.barrier barrier_id(%barrier3A_24)
    %mul3A_25 = arith.constant 624 : i32
    %mul3A_26 = arith.muli %arg1, %mul3A_25 : i32
    %mul3A_27 = arith.constant 10000 : i32
    %mul3A_28 = arith.muli %arg0, %mul3A_27 : i32
    %add3A_29 = arith.addi %mul3A_28, %mul3A_26 : i32
    "tpu.region"() ({
      %run_scoped3A = tpu.sem_alloc : memref<!tpu.dma_semaphore, #tpu.memory_space<semaphore_mem>>
      %dma_start3A = arith.constant 0 : i32
      %dma_start3A_33 = tpu.memref_slice %arg6[%add3A_29, %dma_start3A] : memref<20000x128xf32, #tpu.memory_space<hbm>> -> memref<624x128xf32, #tpu.memory_space<hbm>>
      %dma_start3A_34 = arith.constant 0 : i32
      %dma_start3A_35 = tpu.memref_slice %arg10[%mul3A_26, %dma_start3A_34] : memref<10240x128xf32, #tpu.memory_space<vmem_shared>> -> memref<624x128xf32, #tpu.memory_space<vmem_shared>>
      tpu.enqueue_dma source(%dma_start3A_35 : memref<624x128xf32, #tpu.memory_space<vmem_shared>>) target(%dma_start3A_33 : memref<624x128xf32, #tpu.memory_space<hbm>>) target_semaphore(%run_scoped3A : memref<!tpu.dma_semaphore, #tpu.memory_space<semaphore_mem>>)
      %dma_wait3A = arith.constant 0 : i32
      %dma_wait3A_36 = tpu.memref_slice %arg6[%add3A_29, %dma_wait3A] : memref<20000x128xf32, #tpu.memory_space<hbm>> -> memref<624x128xf32, #tpu.memory_space<hbm>>
      %dma_wait3A_37 = arith.constant 0 : i32
      %dma_wait3A_38 = tpu.memref_slice %arg10[%mul3A_26, %dma_wait3A_37] : memref<10240x128xf32, #tpu.memory_space<vmem_shared>> -> memref<624x128xf32, #tpu.memory_space<vmem_shared>>
      tpu.wait_dma2 semaphore(%run_scoped3A : memref<!tpu.dma_semaphore, #tpu.memory_space<semaphore_mem>>) src(%dma_wait3A_38 : memref<624x128xf32, #tpu.memory_space<vmem_shared>>) dst(%dma_wait3A_36 : memref<624x128xf32, #tpu.memory_space<hbm>>)
      tpu.yield
    }) : () -> ()
    %eq3A_30 = arith.constant 0 : i32
    %eq3A_31 = arith.cmpi eq, %arg1, %eq3A_30 : i32
    %convert_element_type3A = arith.extui %eq3A_31 : i1 to i32
    %cond3A = arith.constant 0 : i32
    %cond3A_32 = arith.cmpi ne, %convert_element_type3A, %cond3A : i32
    scf.if %cond3A_32 {
      %mul3A_33 = arith.constant 10000 : i32
      %mul3A_34 = arith.muli %arg0, %mul3A_33 : i32
      %add3A_35 = arith.constant 9984 : i32
      %add3A_36 = arith.addi %mul3A_34, %add3A_35 : i32
      "tpu.region"() ({
        %run_scoped3A = tpu.sem_alloc : memref<!tpu.dma_semaphore, #tpu.memory_space<semaphore_mem>>
        %dma_start3A = arith.constant 0 : i32
        %dma_start3A_37 = tpu.memref_slice %arg6[%add3A_36, %dma_start3A] : memref<20000x128xf32, #tpu.memory_space<hbm>> -> memref<16x128xf32, #tpu.memory_space<hbm>>
        %dma_start3A_38 = arith.constant 9984 : i32
        %dma_start3A_39 = arith.constant 0 : i32
        %dma_start3A_40 = tpu.memref_slice %arg10[%dma_start3A_38, %dma_start3A_39] : memref<10240x128xf32, #tpu.memory_space<vmem_shared>> -> memref<16x128xf32, #tpu.memory_space<vmem_shared>>
        tpu.enqueue_dma source(%dma_start3A_40 : memref<16x128xf32, #tpu.memory_space<vmem_shared>>) target(%dma_start3A_37 : memref<16x128xf32, #tpu.memory_space<hbm>>) target_semaphore(%run_scoped3A : memref<!tpu.dma_semaphore, #tpu.memory_space<semaphore_mem>>)
        %dma_wait3A = arith.constant 0 : i32
        %dma_wait3A_41 = tpu.memref_slice %arg6[%add3A_36, %dma_wait3A] : memref<20000x128xf32, #tpu.memory_space<hbm>> -> memref<16x128xf32, #tpu.memory_space<hbm>>
        %dma_wait3A_42 = arith.constant 9984 : i32
        %dma_wait3A_43 = arith.constant 0 : i32
        %dma_wait3A_44 = tpu.memref_slice %arg10[%dma_wait3A_42, %dma_wait3A_43] : memref<10240x128xf32, #tpu.memory_space<vmem_shared>> -> memref<16x128xf32, #tpu.memory_space<vmem_shared>>
        tpu.wait_dma2 semaphore(%run_scoped3A : memref<!tpu.dma_semaphore, #tpu.memory_space<semaphore_mem>>) src(%dma_wait3A_44 : memref<16x128xf32, #tpu.memory_space<vmem_shared>>) dst(%dma_wait3A_41 : memref<16x128xf32, #tpu.memory_space<hbm>>)
        tpu.yield
      }) : () -> ()
    } else {
    }
    return
  }
}

#map = affine_map<(d0, d1) -> (0, 0)>
module attributes {stable_mosaic.version = 14 : i64} {
  func.func @ksc(%arg0: i32, %arg1: i32, %arg2: memref<10000x128xf32, #tpu.memory_space<hbm>>, %arg3: memref<2560x128xi32, #tpu.memory_space<hbm>>, %arg4: memref<2560x128xi32, #tpu.memory_space<hbm>>, %arg5: memref<10240x128xf32, #tpu.memory_space<hbm>>, %arg6: memref<20000x128xf32, #tpu.memory_space<hbm>>, %arg7: memref<8x128xi32, #tpu.memory_space<vmem>>, %arg8: memref<8x128xi32, #tpu.memory_space<vmem>>, %arg9: memref<2x128x128xf32, #tpu.memory_space<vmem>>, %arg10: memref<10240x128xf32, #tpu.memory_space<vmem_shared>>, %arg11: memref<2x!tpu.dma_semaphore, #tpu.memory_space<semaphore_mem>>) attributes {dimension_semantics = [#tpu.dimension_semantics<core_parallel>, #tpu.dimension_semantics<subcore_parallel>], iteration_bounds = array<i64: 2, 16>, scalar_prefetch = 0 : i64, scratch_operands = 5 : i64, tpu.core_type = #tpu.core_type<sc_vector_subcore>, window_params = [{transform_indices = #map}, {transform_indices = #map}, {transform_indices = #map}, {transform_indices = #map}, {transform_indices = #map}]} {
    %eq3A = arith.constant 0 : i32
    %eq3A_0 = arith.cmpi eq, %arg0, %eq3A : i32
    %mul3A = arith.constant 120 : i32
    %mul3A_1 = arith.muli %arg1, %mul3A : i32
    %mul3A_2 = arith.constant 40 : i32
    %mul3A_3 = arith.muli %arg1, %mul3A_2 : i32
    %add3A = arith.constant 1920 : i32
    %add3A_4 = arith.addi %add3A, %mul3A_3 : i32
    %select_n3A = arith.select %eq3A_0, %mul3A_1, %add3A_4 : i32
    %eq3A_5 = arith.constant 0 : i32
    %eq3A_6 = arith.cmpi eq, %arg0, %eq3A_5 : i32
    %jit3A = arith.constant 15 : i32
    %jit3A_7 = arith.constant 5 : i32
    %select_n3A_8 = arith.select %eq3A_6, %jit3A, %jit3A_7 : i32
    %mul3A_9 = arith.constant 640 : i32
    %mul3A_10 = arith.muli %arg1, %mul3A_9 : i32
    %mul3A_11 = arith.constant 640 : i32
    %mul3A_12 = arith.muli %arg1, %mul3A_11 : i32
    "tpu.region"() ({
      %run_scoped3A = tpu.sem_alloc : memref<!tpu.dma_semaphore, #tpu.memory_space<semaphore_mem>>
      %dma_start3A = arith.constant 0 : i32
      %dma_start3A_33 = tpu.memref_slice %arg10[%mul3A_12, %dma_start3A] : memref<10240x128xf32, #tpu.memory_space<vmem_shared>> -> memref<640x128xf32, #tpu.memory_space<vmem_shared>>
      %dma_start3A_34 = arith.constant 0 : i32
      %dma_start3A_35 = tpu.memref_slice %arg5[%mul3A_10, %dma_start3A_34] : memref<10240x128xf32, #tpu.memory_space<hbm>> -> memref<640x128xf32, #tpu.memory_space<hbm>>
      tpu.enqueue_dma source(%dma_start3A_35 : memref<640x128xf32, #tpu.memory_space<hbm>>) target(%dma_start3A_33 : memref<640x128xf32, #tpu.memory_space<vmem_shared>>) target_semaphore(%run_scoped3A : memref<!tpu.dma_semaphore, #tpu.memory_space<semaphore_mem>>)
      %dma_wait3A = arith.constant 0 : i32
      %dma_wait3A_36 = tpu.memref_slice %arg10[%mul3A_12, %dma_wait3A] : memref<10240x128xf32, #tpu.memory_space<vmem_shared>> -> memref<640x128xf32, #tpu.memory_space<vmem_shared>>
      %dma_wait3A_37 = arith.constant 0 : i32
      %dma_wait3A_38 = tpu.memref_slice %arg5[%mul3A_10, %dma_wait3A_37] : memref<10240x128xf32, #tpu.memory_space<hbm>> -> memref<640x128xf32, #tpu.memory_space<hbm>>
      tpu.wait_dma2 semaphore(%run_scoped3A : memref<!tpu.dma_semaphore, #tpu.memory_space<semaphore_mem>>) src(%dma_wait3A_38 : memref<640x128xf32, #tpu.memory_space<hbm>>) dst(%dma_wait3A_36 : memref<640x128xf32, #tpu.memory_space<vmem_shared>>)
      tpu.yield
    }) : () -> ()
    %barrier3A = arith.constant 0 : index
    tpu.barrier barrier_id(%barrier3A)
    %while3A = arith.constant 0 : i32
    %while3A_13 = arith.constant 0 : i32
    %while3A_14 = arith.constant 1 : i32
    %while3A_15 = arith.constant 0 : i32
    %while3A_16 = arith.subi %select_n3A_8, %while3A_15 : i32
    %while3A_17 = arith.addi %while3A_15, %while3A_16 : i32
    %while3A_18 = arith.constant 1 : i32
    %while3A_19 = arith.divsi %while3A_16, %while3A_18 : i32
    %while3A_20 = arith.muli %while3A_19, %while3A_18 : i32
    %while3A_21 = arith.addi %while3A_15, %while3A_20 : i32
    %while3A_22 = arith.constant 1 : i32
    scf.for %while3A_33 = %while3A_15 to %while3A_21 step %while3A_22  : i32 {
      %mul3A_34 = arith.constant 8 : i32
      %mul3A_35 = arith.muli %while3A_33, %mul3A_34 : i32
      %add3A_36 = arith.addi %select_n3A, %mul3A_35 : i32
      "tpu.region"() ({
        %run_scoped3A = tpu.sem_alloc : memref<!tpu.dma_semaphore, #tpu.memory_space<semaphore_mem>>
        %dma_start3A = arith.constant 0 : i32
        %dma_start3A_42 = tpu.memref_slice %arg3[%add3A_36, %dma_start3A] : memref<2560x128xi32, #tpu.memory_space<hbm>> -> memref<8x128xi32, #tpu.memory_space<hbm>>
        %dma_start3A_43 = arith.constant 0 : i32
        %dma_start3A_44 = tpu.memref_slice %arg3[%add3A_36, %dma_start3A_43] : memref<2560x128xi32, #tpu.memory_space<hbm>> -> memref<8x128xi32, #tpu.memory_space<hbm>>
        tpu.enqueue_dma source(%dma_start3A_44 : memref<8x128xi32, #tpu.memory_space<hbm>>) target(%arg7 : memref<8x128xi32, #tpu.memory_space<vmem>>) target_semaphore(%run_scoped3A : memref<!tpu.dma_semaphore, #tpu.memory_space<semaphore_mem>>)
        %dma_wait3A = arith.constant 0 : i32
        %dma_wait3A_45 = tpu.memref_slice %arg3[%add3A_36, %dma_wait3A] : memref<2560x128xi32, #tpu.memory_space<hbm>> -> memref<8x128xi32, #tpu.memory_space<hbm>>
        %dma_wait3A_46 = arith.constant 0 : i32
        %dma_wait3A_47 = tpu.memref_slice %arg3[%add3A_36, %dma_wait3A_46] : memref<2560x128xi32, #tpu.memory_space<hbm>> -> memref<8x128xi32, #tpu.memory_space<hbm>>
        tpu.wait_dma2 semaphore(%run_scoped3A : memref<!tpu.dma_semaphore, #tpu.memory_space<semaphore_mem>>) src(%dma_wait3A_47 : memref<8x128xi32, #tpu.memory_space<hbm>>) dst(%arg7 : memref<8x128xi32, #tpu.memory_space<vmem>>)
        tpu.yield
      }) : () -> ()
      "tpu.region"() ({
        %run_scoped3A = tpu.sem_alloc : memref<!tpu.dma_semaphore, #tpu.memory_space<semaphore_mem>>
        %dma_start3A = arith.constant 0 : i32
        %dma_start3A_42 = tpu.memref_slice %arg4[%add3A_36, %dma_start3A] : memref<2560x128xi32, #tpu.memory_space<hbm>> -> memref<8x128xi32, #tpu.memory_space<hbm>>
        %dma_start3A_43 = arith.constant 0 : i32
        %dma_start3A_44 = tpu.memref_slice %arg4[%add3A_36, %dma_start3A_43] : memref<2560x128xi32, #tpu.memory_space<hbm>> -> memref<8x128xi32, #tpu.memory_space<hbm>>
        tpu.enqueue_dma source(%dma_start3A_44 : memref<8x128xi32, #tpu.memory_space<hbm>>) target(%arg8 : memref<8x128xi32, #tpu.memory_space<vmem>>) target_semaphore(%run_scoped3A : memref<!tpu.dma_semaphore, #tpu.memory_space<semaphore_mem>>)
        %dma_wait3A = arith.constant 0 : i32
        %dma_wait3A_45 = tpu.memref_slice %arg4[%add3A_36, %dma_wait3A] : memref<2560x128xi32, #tpu.memory_space<hbm>> -> memref<8x128xi32, #tpu.memory_space<hbm>>
        %dma_wait3A_46 = arith.constant 0 : i32
        %dma_wait3A_47 = tpu.memref_slice %arg4[%add3A_36, %dma_wait3A_46] : memref<2560x128xi32, #tpu.memory_space<hbm>> -> memref<8x128xi32, #tpu.memory_space<hbm>>
        tpu.wait_dma2 semaphore(%run_scoped3A : memref<!tpu.dma_semaphore, #tpu.memory_space<semaphore_mem>>) src(%dma_wait3A_47 : memref<8x128xi32, #tpu.memory_space<hbm>>) dst(%arg8 : memref<8x128xi32, #tpu.memory_space<vmem>>)
        tpu.yield
      }) : () -> ()
      %scan3A = arith.constant 0 : i32
      %scan3A_37 = arith.constant 0 : i32
      %scan3A_38 = arith.constant 4 : i32
      %scan3A_39 = arith.addi %scan3A_37, %scan3A_38 : i32
      %scan3A_40 = arith.constant 1 : i32
      scf.for %scan3A_42 = %scan3A_37 to %scan3A_39 step %scan3A_40  : i32 {
        %mul3A_43 = arith.constant 2 : i32
        %mul3A_44 = arith.muli %scan3A_42, %mul3A_43 : i32
        %add3A_45 = arith.constant 0 : i32
        %add3A_46 = arith.addi %mul3A_44, %add3A_45 : i32
        %dma_start3A = arith.constant 0 : i32
        %dma_start3A_47 = arith.constant 0 : i32
        %dma_start3A_48 = arith.constant 0 : i32
        %dma_start3A_49 = tpu.memref_slice %arg9[%while3A_13, %dma_start3A_47, %dma_start3A_48] : memref<2x128x128xf32, #tpu.memory_space<vmem>> -> memref<1x128x128xf32, #tpu.memory_space<vmem>>
        %dma_start3A_50 = tpu.memref_squeeze %dma_start3A_49 : memref<1x128x128xf32, #tpu.memory_space<vmem>> -> memref<128x128xf32, #tpu.memory_space<vmem>>
        %dma_start3A_51 = arith.constant 0 : i32
        %dma_start3A_52 = tpu.memref_slice %arg7[%add3A_46, %dma_start3A_51] : memref<8x128xi32, #tpu.memory_space<vmem>> -> memref<1x128xi32, #tpu.memory_space<vmem>>
        %dma_start3A_53 = tpu.memref_squeeze %dma_start3A_52 : memref<1x128xi32, #tpu.memory_space<vmem>> -> memref<128xi32, #tpu.memory_space<vmem>>
        %dma_start3A_54 = arith.constant 0 : i32
        %dma_start3A_55 = arith.constant 0 : i32
        %dma_start3A_56 = tpu.memref_slice %arg2[%dma_start3A_54, %dma_start3A_55] : memref<10000x128xf32, #tpu.memory_space<hbm>> -> memref<10000x128xf32, #tpu.memory_space<hbm>>
        %dma_start3A_57 = tpu.memref_slice %arg11[%dma_start3A] : memref<2x!tpu.dma_semaphore, #tpu.memory_space<semaphore_mem>> -> memref<1x!tpu.dma_semaphore, #tpu.memory_space<semaphore_mem>>
        %dma_start3A_58 = tpu.memref_squeeze %dma_start3A_57 : memref<1x!tpu.dma_semaphore, #tpu.memory_space<semaphore_mem>> -> memref<!tpu.dma_semaphore, #tpu.memory_space<semaphore_mem>>
        tpu.enqueue_indirect_dma source(%dma_start3A_56 : memref<10000x128xf32, #tpu.memory_space<hbm>>) target(%dma_start3A_50 : memref<128x128xf32, #tpu.memory_space<vmem>>) offsets(%dma_start3A_53 : memref<128xi32, #tpu.memory_space<vmem>>) semaphore(%dma_start3A_58 : memref<!tpu.dma_semaphore, #tpu.memory_space<semaphore_mem>>)
        %mul3A_59 = arith.constant 2 : i32
        %mul3A_60 = arith.muli %scan3A_42, %mul3A_59 : i32
        %add3A_61 = arith.constant 1 : i32
        %add3A_62 = arith.addi %mul3A_60, %add3A_61 : i32
        %dma_start3A_63 = arith.constant 1 : i32
        %dma_start3A_64 = arith.constant 0 : i32
        %dma_start3A_65 = arith.constant 0 : i32
        %dma_start3A_66 = tpu.memref_slice %arg9[%while3A_14, %dma_start3A_64, %dma_start3A_65] : memref<2x128x128xf32, #tpu.memory_space<vmem>> -> memref<1x128x128xf32, #tpu.memory_space<vmem>>
        %dma_start3A_67 = tpu.memref_squeeze %dma_start3A_66 : memref<1x128x128xf32, #tpu.memory_space<vmem>> -> memref<128x128xf32, #tpu.memory_space<vmem>>
        %dma_start3A_68 = arith.constant 0 : i32
        %dma_start3A_69 = tpu.memref_slice %arg7[%add3A_62, %dma_start3A_68] : memref<8x128xi32, #tpu.memory_space<vmem>> -> memref<1x128xi32, #tpu.memory_space<vmem>>
        %dma_start3A_70 = tpu.memref_squeeze %dma_start3A_69 : memref<1x128xi32, #tpu.memory_space<vmem>> -> memref<128xi32, #tpu.memory_space<vmem>>
        %dma_start3A_71 = arith.constant 0 : i32
        %dma_start3A_72 = arith.constant 0 : i32
        %dma_start3A_73 = tpu.memref_slice %arg2[%dma_start3A_71, %dma_start3A_72] : memref<10000x128xf32, #tpu.memory_space<hbm>> -> memref<10000x128xf32, #tpu.memory_space<hbm>>
        %dma_start3A_74 = tpu.memref_slice %arg11[%dma_start3A_63] : memref<2x!tpu.dma_semaphore, #tpu.memory_space<semaphore_mem>> -> memref<1x!tpu.dma_semaphore, #tpu.memory_space<semaphore_mem>>
        %dma_start3A_75 = tpu.memref_squeeze %dma_start3A_74 : memref<1x!tpu.dma_semaphore, #tpu.memory_space<semaphore_mem>> -> memref<!tpu.dma_semaphore, #tpu.memory_space<semaphore_mem>>
        tpu.enqueue_indirect_dma source(%dma_start3A_73 : memref<10000x128xf32, #tpu.memory_space<hbm>>) target(%dma_start3A_67 : memref<128x128xf32, #tpu.memory_space<vmem>>) offsets(%dma_start3A_70 : memref<128xi32, #tpu.memory_space<vmem>>) semaphore(%dma_start3A_75 : memref<!tpu.dma_semaphore, #tpu.memory_space<semaphore_mem>>)
        %dma_wait3A = arith.constant 0 : i32
        %dma_wait3A_76 = arith.constant 0 : i32
        %dma_wait3A_77 = arith.constant 0 : i32
        %dma_wait3A_78 = tpu.memref_slice %arg9[%while3A_13, %dma_wait3A_76, %dma_wait3A_77] : memref<2x128x128xf32, #tpu.memory_space<vmem>> -> memref<1x128x128xf32, #tpu.memory_space<vmem>>
        %dma_wait3A_79 = tpu.memref_squeeze %dma_wait3A_78 : memref<1x128x128xf32, #tpu.memory_space<vmem>> -> memref<128x128xf32, #tpu.memory_space<vmem>>
        %dma_wait3A_80 = arith.constant 0 : i32
        %dma_wait3A_81 = tpu.memref_slice %arg7[%add3A_46, %dma_wait3A_80] : memref<8x128xi32, #tpu.memory_space<vmem>> -> memref<1x128xi32, #tpu.memory_space<vmem>>
        %dma_wait3A_82 = tpu.memref_squeeze %dma_wait3A_81 : memref<1x128xi32, #tpu.memory_space<vmem>> -> memref<128xi32, #tpu.memory_space<vmem>>
        %dma_wait3A_83 = arith.constant 0 : i32
        %dma_wait3A_84 = arith.constant 0 : i32
        %dma_wait3A_85 = tpu.memref_slice %arg2[%dma_wait3A_83, %dma_wait3A_84] : memref<10000x128xf32, #tpu.memory_space<hbm>> -> memref<10000x128xf32, #tpu.memory_space<hbm>>
        %dma_wait3A_86 = tpu.memref_slice %arg11[%dma_wait3A] : memref<2x!tpu.dma_semaphore, #tpu.memory_space<semaphore_mem>> -> memref<1x!tpu.dma_semaphore, #tpu.memory_space<semaphore_mem>>
        %dma_wait3A_87 = tpu.memref_squeeze %dma_wait3A_86 : memref<1x!tpu.dma_semaphore, #tpu.memory_space<semaphore_mem>> -> memref<!tpu.dma_semaphore, #tpu.memory_space<semaphore_mem>>
        tpu.wait_indirect_dma semaphore(%dma_wait3A_87 : memref<!tpu.dma_semaphore, #tpu.memory_space<semaphore_mem>>) src(%dma_wait3A_85 : memref<10000x128xf32, #tpu.memory_space<hbm>>) dst(%dma_wait3A_79 : memref<128x128xf32, #tpu.memory_space<vmem>>)
        %mul3A_88 = arith.constant 2 : i32
        %mul3A_89 = arith.muli %scan3A_42, %mul3A_88 : i32
        %add3A_90 = arith.constant 0 : i32
        %add3A_91 = arith.addi %mul3A_89, %add3A_90 : i32
        "tpu.region"() ({
          %run_scoped3A = tpu.sem_alloc : memref<!tpu.dma_semaphore, #tpu.memory_space<semaphore_mem>>
          %dma_start3A_109 = arith.constant 0 : i32
          %dma_start3A_110 = arith.constant 0 : i32
          %dma_start3A_111 = tpu.memref_slice %arg9[%while3A_13, %dma_start3A_109, %dma_start3A_110] : memref<2x128x128xf32, #tpu.memory_space<vmem>> -> memref<1x128x128xf32, #tpu.memory_space<vmem>>
          %dma_start3A_112 = tpu.memref_squeeze %dma_start3A_111 : memref<1x128x128xf32, #tpu.memory_space<vmem>> -> memref<128x128xf32, #tpu.memory_space<vmem>>
          %dma_start3A_113 = arith.constant 0 : i32
          %dma_start3A_114 = tpu.memref_slice %arg8[%add3A_91, %dma_start3A_113] : memref<8x128xi32, #tpu.memory_space<vmem>> -> memref<1x128xi32, #tpu.memory_space<vmem>>
          %dma_start3A_115 = tpu.memref_squeeze %dma_start3A_114 : memref<1x128xi32, #tpu.memory_space<vmem>> -> memref<128xi32, #tpu.memory_space<vmem>>
          %dma_start3A_116 = arith.constant 0 : i32
          %dma_start3A_117 = arith.constant 0 : i32
          %dma_start3A_118 = tpu.memref_slice %arg10[%dma_start3A_116, %dma_start3A_117] : memref<10240x128xf32, #tpu.memory_space<vmem_shared>> -> memref<10240x128xf32, #tpu.memory_space<vmem_shared>>
          tpu.enqueue_indirect_dma source(%dma_start3A_112 : memref<128x128xf32, #tpu.memory_space<vmem>>) target(%dma_start3A_118 : memref<10240x128xf32, #tpu.memory_space<vmem_shared>>) offsets(%dma_start3A_115 : memref<128xi32, #tpu.memory_space<vmem>>) semaphore(%run_scoped3A : memref<!tpu.dma_semaphore, #tpu.memory_space<semaphore_mem>>) {add = true}
          %dma_wait3A_119 = arith.constant 0 : i32
          %dma_wait3A_120 = arith.constant 0 : i32
          %dma_wait3A_121 = tpu.memref_slice %arg9[%while3A_13, %dma_wait3A_119, %dma_wait3A_120] : memref<2x128x128xf32, #tpu.memory_space<vmem>> -> memref<1x128x128xf32, #tpu.memory_space<vmem>>
          %dma_wait3A_122 = tpu.memref_squeeze %dma_wait3A_121 : memref<1x128x128xf32, #tpu.memory_space<vmem>> -> memref<128x128xf32, #tpu.memory_space<vmem>>
          %dma_wait3A_123 = arith.constant 0 : i32
          %dma_wait3A_124 = tpu.memref_slice %arg8[%add3A_91, %dma_wait3A_123] : memref<8x128xi32, #tpu.memory_space<vmem>> -> memref<1x128xi32, #tpu.memory_space<vmem>>
          %dma_wait3A_125 = tpu.memref_squeeze %dma_wait3A_124 : memref<1x128xi32, #tpu.memory_space<vmem>> -> memref<128xi32, #tpu.memory_space<vmem>>
          %dma_wait3A_126 = arith.constant 0 : i32
          %dma_wait3A_127 = arith.constant 0 : i32
          %dma_wait3A_128 = tpu.memref_slice %arg10[%dma_wait3A_126, %dma_wait3A_127] : memref<10240x128xf32, #tpu.memory_space<vmem_shared>> -> memref<10240x128xf32, #tpu.memory_space<vmem_shared>>
          tpu.wait_indirect_dma semaphore(%run_scoped3A : memref<!tpu.dma_semaphore, #tpu.memory_space<semaphore_mem>>) src(%dma_wait3A_122 : memref<128x128xf32, #tpu.memory_space<vmem>>) dst(%dma_wait3A_128 : memref<10240x128xf32, #tpu.memory_space<vmem_shared>>)
          tpu.yield
        }) : () -> ()
        %dma_wait3A_92 = arith.constant 1 : i32
        %dma_wait3A_93 = arith.constant 0 : i32
        %dma_wait3A_94 = arith.constant 0 : i32
        %dma_wait3A_95 = tpu.memref_slice %arg9[%while3A_14, %dma_wait3A_93, %dma_wait3A_94] : memref<2x128x128xf32, #tpu.memory_space<vmem>> -> memref<1x128x128xf32, #tpu.memory_space<vmem>>
        %dma_wait3A_96 = tpu.memref_squeeze %dma_wait3A_95 : memref<1x128x128xf32, #tpu.memory_space<vmem>> -> memref<128x128xf32, #tpu.memory_space<vmem>>
        %dma_wait3A_97 = arith.constant 0 : i32
        %dma_wait3A_98 = tpu.memref_slice %arg7[%add3A_62, %dma_wait3A_97] : memref<8x128xi32, #tpu.memory_space<vmem>> -> memref<1x128xi32, #tpu.memory_space<vmem>>
        %dma_wait3A_99 = tpu.memref_squeeze %dma_wait3A_98 : memref<1x128xi32, #tpu.memory_space<vmem>> -> memref<128xi32, #tpu.memory_space<vmem>>
        %dma_wait3A_100 = arith.constant 0 : i32
        %dma_wait3A_101 = arith.constant 0 : i32
        %dma_wait3A_102 = tpu.memref_slice %arg2[%dma_wait3A_100, %dma_wait3A_101] : memref<10000x128xf32, #tpu.memory_space<hbm>> -> memref<10000x128xf32, #tpu.memory_space<hbm>>
        %dma_wait3A_103 = tpu.memref_slice %arg11[%dma_wait3A_92] : memref<2x!tpu.dma_semaphore, #tpu.memory_space<semaphore_mem>> -> memref<1x!tpu.dma_semaphore, #tpu.memory_space<semaphore_mem>>
        %dma_wait3A_104 = tpu.memref_squeeze %dma_wait3A_103 : memref<1x!tpu.dma_semaphore, #tpu.memory_space<semaphore_mem>> -> memref<!tpu.dma_semaphore, #tpu.memory_space<semaphore_mem>>
        tpu.wait_indirect_dma semaphore(%dma_wait3A_104 : memref<!tpu.dma_semaphore, #tpu.memory_space<semaphore_mem>>) src(%dma_wait3A_102 : memref<10000x128xf32, #tpu.memory_space<hbm>>) dst(%dma_wait3A_96 : memref<128x128xf32, #tpu.memory_space<vmem>>)
        %mul3A_105 = arith.constant 2 : i32
        %mul3A_106 = arith.muli %scan3A_42, %mul3A_105 : i32
        %add3A_107 = arith.constant 1 : i32
        %add3A_108 = arith.addi %mul3A_106, %add3A_107 : i32
        "tpu.region"() ({
          %run_scoped3A = tpu.sem_alloc : memref<!tpu.dma_semaphore, #tpu.memory_space<semaphore_mem>>
          %dma_start3A_109 = arith.constant 0 : i32
          %dma_start3A_110 = arith.constant 0 : i32
          %dma_start3A_111 = tpu.memref_slice %arg9[%while3A_14, %dma_start3A_109, %dma_start3A_110] : memref<2x128x128xf32, #tpu.memory_space<vmem>> -> memref<1x128x128xf32, #tpu.memory_space<vmem>>
          %dma_start3A_112 = tpu.memref_squeeze %dma_start3A_111 : memref<1x128x128xf32, #tpu.memory_space<vmem>> -> memref<128x128xf32, #tpu.memory_space<vmem>>
          %dma_start3A_113 = arith.constant 0 : i32
          %dma_start3A_114 = tpu.memref_slice %arg8[%add3A_108, %dma_start3A_113] : memref<8x128xi32, #tpu.memory_space<vmem>> -> memref<1x128xi32, #tpu.memory_space<vmem>>
          %dma_start3A_115 = tpu.memref_squeeze %dma_start3A_114 : memref<1x128xi32, #tpu.memory_space<vmem>> -> memref<128xi32, #tpu.memory_space<vmem>>
          %dma_start3A_116 = arith.constant 0 : i32
          %dma_start3A_117 = arith.constant 0 : i32
          %dma_start3A_118 = tpu.memref_slice %arg10[%dma_start3A_116, %dma_start3A_117] : memref<10240x128xf32, #tpu.memory_space<vmem_shared>> -> memref<10240x128xf32, #tpu.memory_space<vmem_shared>>
          tpu.enqueue_indirect_dma source(%dma_start3A_112 : memref<128x128xf32, #tpu.memory_space<vmem>>) target(%dma_start3A_118 : memref<10240x128xf32, #tpu.memory_space<vmem_shared>>) offsets(%dma_start3A_115 : memref<128xi32, #tpu.memory_space<vmem>>) semaphore(%run_scoped3A : memref<!tpu.dma_semaphore, #tpu.memory_space<semaphore_mem>>) {add = true}
          %dma_wait3A_119 = arith.constant 0 : i32
          %dma_wait3A_120 = arith.constant 0 : i32
          %dma_wait3A_121 = tpu.memref_slice %arg9[%while3A_14, %dma_wait3A_119, %dma_wait3A_120] : memref<2x128x128xf32, #tpu.memory_space<vmem>> -> memref<1x128x128xf32, #tpu.memory_space<vmem>>
          %dma_wait3A_122 = tpu.memref_squeeze %dma_wait3A_121 : memref<1x128x128xf32, #tpu.memory_space<vmem>> -> memref<128x128xf32, #tpu.memory_space<vmem>>
          %dma_wait3A_123 = arith.constant 0 : i32
          %dma_wait3A_124 = tpu.memref_slice %arg8[%add3A_108, %dma_wait3A_123] : memref<8x128xi32, #tpu.memory_space<vmem>> -> memref<1x128xi32, #tpu.memory_space<vmem>>
          %dma_wait3A_125 = tpu.memref_squeeze %dma_wait3A_124 : memref<1x128xi32, #tpu.memory_space<vmem>> -> memref<128xi32, #tpu.memory_space<vmem>>
          %dma_wait3A_126 = arith.constant 0 : i32
          %dma_wait3A_127 = arith.constant 0 : i32
          %dma_wait3A_128 = tpu.memref_slice %arg10[%dma_wait3A_126, %dma_wait3A_127] : memref<10240x128xf32, #tpu.memory_space<vmem_shared>> -> memref<10240x128xf32, #tpu.memory_space<vmem_shared>>
          tpu.wait_indirect_dma semaphore(%run_scoped3A : memref<!tpu.dma_semaphore, #tpu.memory_space<semaphore_mem>>) src(%dma_wait3A_122 : memref<128x128xf32, #tpu.memory_space<vmem>>) dst(%dma_wait3A_128 : memref<10240x128xf32, #tpu.memory_space<vmem_shared>>)
          tpu.yield
        }) : () -> ()
      }
      %scan3A_41 = arith.constant 4 : i32
    }
    %while3A_23 = arith.constant 1 : i32
    scf.for %while3A_33 = %while3A_21 to %while3A_17 step %while3A_23  : i32 {
      %mul3A_34 = arith.constant 8 : i32
      %mul3A_35 = arith.muli %while3A_33, %mul3A_34 : i32
      %add3A_36 = arith.addi %select_n3A, %mul3A_35 : i32
      "tpu.region"() ({
        %run_scoped3A = tpu.sem_alloc : memref<!tpu.dma_semaphore, #tpu.memory_space<semaphore_mem>>
        %dma_start3A = arith.constant 0 : i32
        %dma_start3A_42 = tpu.memref_slice %arg3[%add3A_36, %dma_start3A] : memref<2560x128xi32, #tpu.memory_space<hbm>> -> memref<8x128xi32, #tpu.memory_space<hbm>>
        %dma_start3A_43 = arith.constant 0 : i32
        %dma_start3A_44 = tpu.memref_slice %arg3[%add3A_36, %dma_start3A_43] : memref<2560x128xi32, #tpu.memory_space<hbm>> -> memref<8x128xi32, #tpu.memory_space<hbm>>
        tpu.enqueue_dma source(%dma_start3A_44 : memref<8x128xi32, #tpu.memory_space<hbm>>) target(%arg7 : memref<8x128xi32, #tpu.memory_space<vmem>>) target_semaphore(%run_scoped3A : memref<!tpu.dma_semaphore, #tpu.memory_space<semaphore_mem>>)
        %dma_wait3A = arith.constant 0 : i32
        %dma_wait3A_45 = tpu.memref_slice %arg3[%add3A_36, %dma_wait3A] : memref<2560x128xi32, #tpu.memory_space<hbm>> -> memref<8x128xi32, #tpu.memory_space<hbm>>
        %dma_wait3A_46 = arith.constant 0 : i32
        %dma_wait3A_47 = tpu.memref_slice %arg3[%add3A_36, %dma_wait3A_46] : memref<2560x128xi32, #tpu.memory_space<hbm>> -> memref<8x128xi32, #tpu.memory_space<hbm>>
        tpu.wait_dma2 semaphore(%run_scoped3A : memref<!tpu.dma_semaphore, #tpu.memory_space<semaphore_mem>>) src(%dma_wait3A_47 : memref<8x128xi32, #tpu.memory_space<hbm>>) dst(%arg7 : memref<8x128xi32, #tpu.memory_space<vmem>>)
        tpu.yield
      }) : () -> ()
      "tpu.region"() ({
        %run_scoped3A = tpu.sem_alloc : memref<!tpu.dma_semaphore, #tpu.memory_space<semaphore_mem>>
        %dma_start3A = arith.constant 0 : i32
        %dma_start3A_42 = tpu.memref_slice %arg4[%add3A_36, %dma_start3A] : memref<2560x128xi32, #tpu.memory_space<hbm>> -> memref<8x128xi32, #tpu.memory_space<hbm>>
        %dma_start3A_43 = arith.constant 0 : i32
        %dma_start3A_44 = tpu.memref_slice %arg4[%add3A_36, %dma_start3A_43] : memref<2560x128xi32, #tpu.memory_space<hbm>> -> memref<8x128xi32, #tpu.memory_space<hbm>>
        tpu.enqueue_dma source(%dma_start3A_44 : memref<8x128xi32, #tpu.memory_space<hbm>>) target(%arg8 : memref<8x128xi32, #tpu.memory_space<vmem>>) target_semaphore(%run_scoped3A : memref<!tpu.dma_semaphore, #tpu.memory_space<semaphore_mem>>)
        %dma_wait3A = arith.constant 0 : i32
        %dma_wait3A_45 = tpu.memref_slice %arg4[%add3A_36, %dma_wait3A] : memref<2560x128xi32, #tpu.memory_space<hbm>> -> memref<8x128xi32, #tpu.memory_space<hbm>>
        %dma_wait3A_46 = arith.constant 0 : i32
        %dma_wait3A_47 = tpu.memref_slice %arg4[%add3A_36, %dma_wait3A_46] : memref<2560x128xi32, #tpu.memory_space<hbm>> -> memref<8x128xi32, #tpu.memory_space<hbm>>
        tpu.wait_dma2 semaphore(%run_scoped3A : memref<!tpu.dma_semaphore, #tpu.memory_space<semaphore_mem>>) src(%dma_wait3A_47 : memref<8x128xi32, #tpu.memory_space<hbm>>) dst(%arg8 : memref<8x128xi32, #tpu.memory_space<vmem>>)
        tpu.yield
      }) : () -> ()
      %scan3A = arith.constant 0 : i32
      %scan3A_37 = arith.constant 0 : i32
      %scan3A_38 = arith.constant 4 : i32
      %scan3A_39 = arith.addi %scan3A_37, %scan3A_38 : i32
      %scan3A_40 = arith.constant 1 : i32
      scf.for %scan3A_42 = %scan3A_37 to %scan3A_39 step %scan3A_40  : i32 {
        %mul3A_43 = arith.constant 2 : i32
        %mul3A_44 = arith.muli %scan3A_42, %mul3A_43 : i32
        %add3A_45 = arith.constant 0 : i32
        %add3A_46 = arith.addi %mul3A_44, %add3A_45 : i32
        %dma_start3A = arith.constant 0 : i32
        %dma_start3A_47 = arith.constant 0 : i32
        %dma_start3A_48 = arith.constant 0 : i32
        %dma_start3A_49 = tpu.memref_slice %arg9[%while3A_13, %dma_start3A_47, %dma_start3A_48] : memref<2x128x128xf32, #tpu.memory_space<vmem>> -> memref<1x128x128xf32, #tpu.memory_space<vmem>>
        %dma_start3A_50 = tpu.memref_squeeze %dma_start3A_49 : memref<1x128x128xf32, #tpu.memory_space<vmem>> -> memref<128x128xf32, #tpu.memory_space<vmem>>
        %dma_start3A_51 = arith.constant 0 : i32
        %dma_start3A_52 = tpu.memref_slice %arg7[%add3A_46, %dma_start3A_51] : memref<8x128xi32, #tpu.memory_space<vmem>> -> memref<1x128xi32, #tpu.memory_space<vmem>>
        %dma_start3A_53 = tpu.memref_squeeze %dma_start3A_52 : memref<1x128xi32, #tpu.memory_space<vmem>> -> memref<128xi32, #tpu.memory_space<vmem>>
        %dma_start3A_54 = arith.constant 0 : i32
        %dma_start3A_55 = arith.constant 0 : i32
        %dma_start3A_56 = tpu.memref_slice %arg2[%dma_start3A_54, %dma_start3A_55] : memref<10000x128xf32, #tpu.memory_space<hbm>> -> memref<10000x128xf32, #tpu.memory_space<hbm>>
        %dma_start3A_57 = tpu.memref_slice %arg11[%dma_start3A] : memref<2x!tpu.dma_semaphore, #tpu.memory_space<semaphore_mem>> -> memref<1x!tpu.dma_semaphore, #tpu.memory_space<semaphore_mem>>
        %dma_start3A_58 = tpu.memref_squeeze %dma_start3A_57 : memref<1x!tpu.dma_semaphore, #tpu.memory_space<semaphore_mem>> -> memref<!tpu.dma_semaphore, #tpu.memory_space<semaphore_mem>>
        tpu.enqueue_indirect_dma source(%dma_start3A_56 : memref<10000x128xf32, #tpu.memory_space<hbm>>) target(%dma_start3A_50 : memref<128x128xf32, #tpu.memory_space<vmem>>) offsets(%dma_start3A_53 : memref<128xi32, #tpu.memory_space<vmem>>) semaphore(%dma_start3A_58 : memref<!tpu.dma_semaphore, #tpu.memory_space<semaphore_mem>>)
        %mul3A_59 = arith.constant 2 : i32
        %mul3A_60 = arith.muli %scan3A_42, %mul3A_59 : i32
        %add3A_61 = arith.constant 1 : i32
        %add3A_62 = arith.addi %mul3A_60, %add3A_61 : i32
        %dma_start3A_63 = arith.constant 1 : i32
        %dma_start3A_64 = arith.constant 0 : i32
        %dma_start3A_65 = arith.constant 0 : i32
        %dma_start3A_66 = tpu.memref_slice %arg9[%while3A_14, %dma_start3A_64, %dma_start3A_65] : memref<2x128x128xf32, #tpu.memory_space<vmem>> -> memref<1x128x128xf32, #tpu.memory_space<vmem>>
        %dma_start3A_67 = tpu.memref_squeeze %dma_start3A_66 : memref<1x128x128xf32, #tpu.memory_space<vmem>> -> memref<128x128xf32, #tpu.memory_space<vmem>>
        %dma_start3A_68 = arith.constant 0 : i32
        %dma_start3A_69 = tpu.memref_slice %arg7[%add3A_62, %dma_start3A_68] : memref<8x128xi32, #tpu.memory_space<vmem>> -> memref<1x128xi32, #tpu.memory_space<vmem>>
        %dma_start3A_70 = tpu.memref_squeeze %dma_start3A_69 : memref<1x128xi32, #tpu.memory_space<vmem>> -> memref<128xi32, #tpu.memory_space<vmem>>
        %dma_start3A_71 = arith.constant 0 : i32
        %dma_start3A_72 = arith.constant 0 : i32
        %dma_start3A_73 = tpu.memref_slice %arg2[%dma_start3A_71, %dma_start3A_72] : memref<10000x128xf32, #tpu.memory_space<hbm>> -> memref<10000x128xf32, #tpu.memory_space<hbm>>
        %dma_start3A_74 = tpu.memref_slice %arg11[%dma_start3A_63] : memref<2x!tpu.dma_semaphore, #tpu.memory_space<semaphore_mem>> -> memref<1x!tpu.dma_semaphore, #tpu.memory_space<semaphore_mem>>
        %dma_start3A_75 = tpu.memref_squeeze %dma_start3A_74 : memref<1x!tpu.dma_semaphore, #tpu.memory_space<semaphore_mem>> -> memref<!tpu.dma_semaphore, #tpu.memory_space<semaphore_mem>>
        tpu.enqueue_indirect_dma source(%dma_start3A_73 : memref<10000x128xf32, #tpu.memory_space<hbm>>) target(%dma_start3A_67 : memref<128x128xf32, #tpu.memory_space<vmem>>) offsets(%dma_start3A_70 : memref<128xi32, #tpu.memory_space<vmem>>) semaphore(%dma_start3A_75 : memref<!tpu.dma_semaphore, #tpu.memory_space<semaphore_mem>>)
        %dma_wait3A = arith.constant 0 : i32
        %dma_wait3A_76 = arith.constant 0 : i32
        %dma_wait3A_77 = arith.constant 0 : i32
        %dma_wait3A_78 = tpu.memref_slice %arg9[%while3A_13, %dma_wait3A_76, %dma_wait3A_77] : memref<2x128x128xf32, #tpu.memory_space<vmem>> -> memref<1x128x128xf32, #tpu.memory_space<vmem>>
        %dma_wait3A_79 = tpu.memref_squeeze %dma_wait3A_78 : memref<1x128x128xf32, #tpu.memory_space<vmem>> -> memref<128x128xf32, #tpu.memory_space<vmem>>
        %dma_wait3A_80 = arith.constant 0 : i32
        %dma_wait3A_81 = tpu.memref_slice %arg7[%add3A_46, %dma_wait3A_80] : memref<8x128xi32, #tpu.memory_space<vmem>> -> memref<1x128xi32, #tpu.memory_space<vmem>>
        %dma_wait3A_82 = tpu.memref_squeeze %dma_wait3A_81 : memref<1x128xi32, #tpu.memory_space<vmem>> -> memref<128xi32, #tpu.memory_space<vmem>>
        %dma_wait3A_83 = arith.constant 0 : i32
        %dma_wait3A_84 = arith.constant 0 : i32
        %dma_wait3A_85 = tpu.memref_slice %arg2[%dma_wait3A_83, %dma_wait3A_84] : memref<10000x128xf32, #tpu.memory_space<hbm>> -> memref<10000x128xf32, #tpu.memory_space<hbm>>
        %dma_wait3A_86 = tpu.memref_slice %arg11[%dma_wait3A] : memref<2x!tpu.dma_semaphore, #tpu.memory_space<semaphore_mem>> -> memref<1x!tpu.dma_semaphore, #tpu.memory_space<semaphore_mem>>
        %dma_wait3A_87 = tpu.memref_squeeze %dma_wait3A_86 : memref<1x!tpu.dma_semaphore, #tpu.memory_space<semaphore_mem>> -> memref<!tpu.dma_semaphore, #tpu.memory_space<semaphore_mem>>
        tpu.wait_indirect_dma semaphore(%dma_wait3A_87 : memref<!tpu.dma_semaphore, #tpu.memory_space<semaphore_mem>>) src(%dma_wait3A_85 : memref<10000x128xf32, #tpu.memory_space<hbm>>) dst(%dma_wait3A_79 : memref<128x128xf32, #tpu.memory_space<vmem>>)
        %mul3A_88 = arith.constant 2 : i32
        %mul3A_89 = arith.muli %scan3A_42, %mul3A_88 : i32
        %add3A_90 = arith.constant 0 : i32
        %add3A_91 = arith.addi %mul3A_89, %add3A_90 : i32
        "tpu.region"() ({
          %run_scoped3A = tpu.sem_alloc : memref<!tpu.dma_semaphore, #tpu.memory_space<semaphore_mem>>
          %dma_start3A_109 = arith.constant 0 : i32
          %dma_start3A_110 = arith.constant 0 : i32
          %dma_start3A_111 = tpu.memref_slice %arg9[%while3A_13, %dma_start3A_109, %dma_start3A_110] : memref<2x128x128xf32, #tpu.memory_space<vmem>> -> memref<1x128x128xf32, #tpu.memory_space<vmem>>
          %dma_start3A_112 = tpu.memref_squeeze %dma_start3A_111 : memref<1x128x128xf32, #tpu.memory_space<vmem>> -> memref<128x128xf32, #tpu.memory_space<vmem>>
          %dma_start3A_113 = arith.constant 0 : i32
          %dma_start3A_114 = tpu.memref_slice %arg8[%add3A_91, %dma_start3A_113] : memref<8x128xi32, #tpu.memory_space<vmem>> -> memref<1x128xi32, #tpu.memory_space<vmem>>
          %dma_start3A_115 = tpu.memref_squeeze %dma_start3A_114 : memref<1x128xi32, #tpu.memory_space<vmem>> -> memref<128xi32, #tpu.memory_space<vmem>>
          %dma_start3A_116 = arith.constant 0 : i32
          %dma_start3A_117 = arith.constant 0 : i32
          %dma_start3A_118 = tpu.memref_slice %arg10[%dma_start3A_116, %dma_start3A_117] : memref<10240x128xf32, #tpu.memory_space<vmem_shared>> -> memref<10240x128xf32, #tpu.memory_space<vmem_shared>>
          tpu.enqueue_indirect_dma source(%dma_start3A_112 : memref<128x128xf32, #tpu.memory_space<vmem>>) target(%dma_start3A_118 : memref<10240x128xf32, #tpu.memory_space<vmem_shared>>) offsets(%dma_start3A_115 : memref<128xi32, #tpu.memory_space<vmem>>) semaphore(%run_scoped3A : memref<!tpu.dma_semaphore, #tpu.memory_space<semaphore_mem>>) {add = true}
          %dma_wait3A_119 = arith.constant 0 : i32
          %dma_wait3A_120 = arith.constant 0 : i32
          %dma_wait3A_121 = tpu.memref_slice %arg9[%while3A_13, %dma_wait3A_119, %dma_wait3A_120] : memref<2x128x128xf32, #tpu.memory_space<vmem>> -> memref<1x128x128xf32, #tpu.memory_space<vmem>>
          %dma_wait3A_122 = tpu.memref_squeeze %dma_wait3A_121 : memref<1x128x128xf32, #tpu.memory_space<vmem>> -> memref<128x128xf32, #tpu.memory_space<vmem>>
          %dma_wait3A_123 = arith.constant 0 : i32
          %dma_wait3A_124 = tpu.memref_slice %arg8[%add3A_91, %dma_wait3A_123] : memref<8x128xi32, #tpu.memory_space<vmem>> -> memref<1x128xi32, #tpu.memory_space<vmem>>
          %dma_wait3A_125 = tpu.memref_squeeze %dma_wait3A_124 : memref<1x128xi32, #tpu.memory_space<vmem>> -> memref<128xi32, #tpu.memory_space<vmem>>
          %dma_wait3A_126 = arith.constant 0 : i32
          %dma_wait3A_127 = arith.constant 0 : i32
          %dma_wait3A_128 = tpu.memref_slice %arg10[%dma_wait3A_126, %dma_wait3A_127] : memref<10240x128xf32, #tpu.memory_space<vmem_shared>> -> memref<10240x128xf32, #tpu.memory_space<vmem_shared>>
          tpu.wait_indirect_dma semaphore(%run_scoped3A : memref<!tpu.dma_semaphore, #tpu.memory_space<semaphore_mem>>) src(%dma_wait3A_122 : memref<128x128xf32, #tpu.memory_space<vmem>>) dst(%dma_wait3A_128 : memref<10240x128xf32, #tpu.memory_space<vmem_shared>>)
          tpu.yield
        }) : () -> ()
        %dma_wait3A_92 = arith.constant 1 : i32
        %dma_wait3A_93 = arith.constant 0 : i32
        %dma_wait3A_94 = arith.constant 0 : i32
        %dma_wait3A_95 = tpu.memref_slice %arg9[%while3A_14, %dma_wait3A_93, %dma_wait3A_94] : memref<2x128x128xf32, #tpu.memory_space<vmem>> -> memref<1x128x128xf32, #tpu.memory_space<vmem>>
        %dma_wait3A_96 = tpu.memref_squeeze %dma_wait3A_95 : memref<1x128x128xf32, #tpu.memory_space<vmem>> -> memref<128x128xf32, #tpu.memory_space<vmem>>
        %dma_wait3A_97 = arith.constant 0 : i32
        %dma_wait3A_98 = tpu.memref_slice %arg7[%add3A_62, %dma_wait3A_97] : memref<8x128xi32, #tpu.memory_space<vmem>> -> memref<1x128xi32, #tpu.memory_space<vmem>>
        %dma_wait3A_99 = tpu.memref_squeeze %dma_wait3A_98 : memref<1x128xi32, #tpu.memory_space<vmem>> -> memref<128xi32, #tpu.memory_space<vmem>>
        %dma_wait3A_100 = arith.constant 0 : i32
        %dma_wait3A_101 = arith.constant 0 : i32
        %dma_wait3A_102 = tpu.memref_slice %arg2[%dma_wait3A_100, %dma_wait3A_101] : memref<10000x128xf32, #tpu.memory_space<hbm>> -> memref<10000x128xf32, #tpu.memory_space<hbm>>
        %dma_wait3A_103 = tpu.memref_slice %arg11[%dma_wait3A_92] : memref<2x!tpu.dma_semaphore, #tpu.memory_space<semaphore_mem>> -> memref<1x!tpu.dma_semaphore, #tpu.memory_space<semaphore_mem>>
        %dma_wait3A_104 = tpu.memref_squeeze %dma_wait3A_103 : memref<1x!tpu.dma_semaphore, #tpu.memory_space<semaphore_mem>> -> memref<!tpu.dma_semaphore, #tpu.memory_space<semaphore_mem>>
        tpu.wait_indirect_dma semaphore(%dma_wait3A_104 : memref<!tpu.dma_semaphore, #tpu.memory_space<semaphore_mem>>) src(%dma_wait3A_102 : memref<10000x128xf32, #tpu.memory_space<hbm>>) dst(%dma_wait3A_96 : memref<128x128xf32, #tpu.memory_space<vmem>>)
        %mul3A_105 = arith.constant 2 : i32
        %mul3A_106 = arith.muli %scan3A_42, %mul3A_105 : i32
        %add3A_107 = arith.constant 1 : i32
        %add3A_108 = arith.addi %mul3A_106, %add3A_107 : i32
        "tpu.region"() ({
          %run_scoped3A = tpu.sem_alloc : memref<!tpu.dma_semaphore, #tpu.memory_space<semaphore_mem>>
          %dma_start3A_109 = arith.constant 0 : i32
          %dma_start3A_110 = arith.constant 0 : i32
          %dma_start3A_111 = tpu.memref_slice %arg9[%while3A_14, %dma_start3A_109, %dma_start3A_110] : memref<2x128x128xf32, #tpu.memory_space<vmem>> -> memref<1x128x128xf32, #tpu.memory_space<vmem>>
          %dma_start3A_112 = tpu.memref_squeeze %dma_start3A_111 : memref<1x128x128xf32, #tpu.memory_space<vmem>> -> memref<128x128xf32, #tpu.memory_space<vmem>>
          %dma_start3A_113 = arith.constant 0 : i32
          %dma_start3A_114 = tpu.memref_slice %arg8[%add3A_108, %dma_start3A_113] : memref<8x128xi32, #tpu.memory_space<vmem>> -> memref<1x128xi32, #tpu.memory_space<vmem>>
          %dma_start3A_115 = tpu.memref_squeeze %dma_start3A_114 : memref<1x128xi32, #tpu.memory_space<vmem>> -> memref<128xi32, #tpu.memory_space<vmem>>
          %dma_start3A_116 = arith.constant 0 : i32
          %dma_start3A_117 = arith.constant 0 : i32
          %dma_start3A_118 = tpu.memref_slice %arg10[%dma_start3A_116, %dma_start3A_117] : memref<10240x128xf32, #tpu.memory_space<vmem_shared>> -> memref<10240x128xf32, #tpu.memory_space<vmem_shared>>
          tpu.enqueue_indirect_dma source(%dma_start3A_112 : memref<128x128xf32, #tpu.memory_space<vmem>>) target(%dma_start3A_118 : memref<10240x128xf32, #tpu.memory_space<vmem_shared>>) offsets(%dma_start3A_115 : memref<128xi32, #tpu.memory_space<vmem>>) semaphore(%run_scoped3A : memref<!tpu.dma_semaphore, #tpu.memory_space<semaphore_mem>>) {add = true}
          %dma_wait3A_119 = arith.constant 0 : i32
          %dma_wait3A_120 = arith.constant 0 : i32
          %dma_wait3A_121 = tpu.memref_slice %arg9[%while3A_14, %dma_wait3A_119, %dma_wait3A_120] : memref<2x128x128xf32, #tpu.memory_space<vmem>> -> memref<1x128x128xf32, #tpu.memory_space<vmem>>
          %dma_wait3A_122 = tpu.memref_squeeze %dma_wait3A_121 : memref<1x128x128xf32, #tpu.memory_space<vmem>> -> memref<128x128xf32, #tpu.memory_space<vmem>>
          %dma_wait3A_123 = arith.constant 0 : i32
          %dma_wait3A_124 = tpu.memref_slice %arg8[%add3A_108, %dma_wait3A_123] : memref<8x128xi32, #tpu.memory_space<vmem>> -> memref<1x128xi32, #tpu.memory_space<vmem>>
          %dma_wait3A_125 = tpu.memref_squeeze %dma_wait3A_124 : memref<1x128xi32, #tpu.memory_space<vmem>> -> memref<128xi32, #tpu.memory_space<vmem>>
          %dma_wait3A_126 = arith.constant 0 : i32
          %dma_wait3A_127 = arith.constant 0 : i32
          %dma_wait3A_128 = tpu.memref_slice %arg10[%dma_wait3A_126, %dma_wait3A_127] : memref<10240x128xf32, #tpu.memory_space<vmem_shared>> -> memref<10240x128xf32, #tpu.memory_space<vmem_shared>>
          tpu.wait_indirect_dma semaphore(%run_scoped3A : memref<!tpu.dma_semaphore, #tpu.memory_space<semaphore_mem>>) src(%dma_wait3A_122 : memref<128x128xf32, #tpu.memory_space<vmem>>) dst(%dma_wait3A_128 : memref<10240x128xf32, #tpu.memory_space<vmem_shared>>)
          tpu.yield
        }) : () -> ()
      }
      %scan3A_41 = arith.constant 4 : i32
    }
    %barrier3A_24 = arith.constant 0 : index
    tpu.barrier barrier_id(%barrier3A_24)
    %mul3A_25 = arith.constant 624 : i32
    %mul3A_26 = arith.muli %arg1, %mul3A_25 : i32
    %mul3A_27 = arith.constant 10000 : i32
    %mul3A_28 = arith.muli %arg0, %mul3A_27 : i32
    %add3A_29 = arith.addi %mul3A_28, %mul3A_26 : i32
    "tpu.region"() ({
      %run_scoped3A = tpu.sem_alloc : memref<!tpu.dma_semaphore, #tpu.memory_space<semaphore_mem>>
      %dma_start3A = arith.constant 0 : i32
      %dma_start3A_33 = tpu.memref_slice %arg6[%add3A_29, %dma_start3A] : memref<20000x128xf32, #tpu.memory_space<hbm>> -> memref<624x128xf32, #tpu.memory_space<hbm>>
      %dma_start3A_34 = arith.constant 0 : i32
      %dma_start3A_35 = tpu.memref_slice %arg10[%mul3A_26, %dma_start3A_34] : memref<10240x128xf32, #tpu.memory_space<vmem_shared>> -> memref<624x128xf32, #tpu.memory_space<vmem_shared>>
      tpu.enqueue_dma source(%dma_start3A_35 : memref<624x128xf32, #tpu.memory_space<vmem_shared>>) target(%dma_start3A_33 : memref<624x128xf32, #tpu.memory_space<hbm>>) target_semaphore(%run_scoped3A : memref<!tpu.dma_semaphore, #tpu.memory_space<semaphore_mem>>)
      %dma_wait3A = arith.constant 0 : i32
      %dma_wait3A_36 = tpu.memref_slice %arg6[%add3A_29, %dma_wait3A] : memref<20000x128xf32, #tpu.memory_space<hbm>> -> memref<624x128xf32, #tpu.memory_space<hbm>>
      %dma_wait3A_37 = arith.constant 0 : i32
      %dma_wait3A_38 = tpu.memref_slice %arg10[%mul3A_26, %dma_wait3A_37] : memref<10240x128xf32, #tpu.memory_space<vmem_shared>> -> memref<624x128xf32, #tpu.memory_space<vmem_shared>>
      tpu.wait_dma2 semaphore(%run_scoped3A : memref<!tpu.dma_semaphore, #tpu.memory_space<semaphore_mem>>) src(%dma_wait3A_38 : memref<624x128xf32, #tpu.memory_space<vmem_shared>>) dst(%dma_wait3A_36 : memref<624x128xf32, #tpu.memory_space<hbm>>)
      tpu.yield
    }) : () -> ()
    %eq3A_30 = arith.constant 0 : i32
    %eq3A_31 = arith.cmpi eq, %arg1, %eq3A_30 : i32
    %convert_element_type3A = arith.extui %eq3A_31 : i1 to i32
    %cond3A = arith.constant 0 : i32
    %cond3A_32 = arith.cmpi ne, %convert_element_type3A, %cond3A : i32
    scf.if %cond3A_32 {
      %mul3A_33 = arith.constant 10000 : i32
      %mul3A_34 = arith.muli %arg0, %mul3A_33 : i32
      %add3A_35 = arith.constant 9984 : i32
      %add3A_36 = arith.addi %mul3A_34, %add3A_35 : i32
      "tpu.region"() ({
        %run_scoped3A = tpu.sem_alloc : memref<!tpu.dma_semaphore, #tpu.memory_space<semaphore_mem>>
        %dma_start3A = arith.constant 0 : i32
        %dma_start3A_37 = tpu.memref_slice %arg6[%add3A_36, %dma_start3A] : memref<20000x128xf32, #tpu.memory_space<hbm>> -> memref<16x128xf32, #tpu.memory_space<hbm>>
        %dma_start3A_38 = arith.constant 9984 : i32
        %dma_start3A_39 = arith.constant 0 : i32
        %dma_start3A_40 = tpu.memref_slice %arg10[%dma_start3A_38, %dma_start3A_39] : memref<10240x128xf32, #tpu.memory_space<vmem_shared>> -> memref<16x128xf32, #tpu.memory_space<vmem_shared>>
        tpu.enqueue_dma source(%dma_start3A_40 : memref<16x128xf32, #tpu.memory_space<vmem_shared>>) target(%dma_start3A_37 : memref<16x128xf32, #tpu.memory_space<hbm>>) target_semaphore(%run_scoped3A : memref<!tpu.dma_semaphore, #tpu.memory_space<semaphore_mem>>)
        %dma_wait3A = arith.constant 0 : i32
        %dma_wait3A_41 = tpu.memref_slice %arg6[%add3A_36, %dma_wait3A] : memref<20000x128xf32, #tpu.memory_space<hbm>> -> memref<16x128xf32, #tpu.memory_space<hbm>>
        %dma_wait3A_42 = arith.constant 9984 : i32
        %dma_wait3A_43 = arith.constant 0 : i32
        %dma_wait3A_44 = tpu.memref_slice %arg10[%dma_wait3A_42, %dma_wait3A_43] : memref<10240x128xf32, #tpu.memory_space<vmem_shared>> -> memref<16x128xf32, #tpu.memory_space<vmem_shared>>
        tpu.wait_dma2 semaphore(%run_scoped3A : memref<!tpu.dma_semaphore, #tpu.memory_space<semaphore_mem>>) src(%dma_wait3A_44 : memref<16x128xf32, #tpu.memory_space<vmem_shared>>) dst(%dma_wait3A_41 : memref<16x128xf32, #tpu.memory_space<hbm>>)
        tpu.yield
      }) : () -> ()
    } else {
    }
    return
  }
}

#map = affine_map<(d0, d1) -> (0, 0)>
module attributes {stable_mosaic.version = 14 : i64} {
  func.func @ksc(%arg0: i32, %arg1: i32, %arg2: memref<10000x128xf32, #tpu.memory_space<hbm>>, %arg3: memref<2560x128xi32, #tpu.memory_space<hbm>>, %arg4: memref<2560x128xi32, #tpu.memory_space<hbm>>, %arg5: memref<10240x128xf32, #tpu.memory_space<hbm>>, %arg6: memref<20000x128xf32, #tpu.memory_space<hbm>>, %arg7: memref<8x128xi32, #tpu.memory_space<vmem>>, %arg8: memref<8x128xi32, #tpu.memory_space<vmem>>, %arg9: memref<2x128x128xf32, #tpu.memory_space<vmem>>, %arg10: memref<10240x128xf32, #tpu.memory_space<vmem_shared>>, %arg11: memref<2x!tpu.dma_semaphore, #tpu.memory_space<semaphore_mem>>) attributes {dimension_semantics = [#tpu.dimension_semantics<core_parallel>, #tpu.dimension_semantics<subcore_parallel>], iteration_bounds = array<i64: 2, 16>, scalar_prefetch = 0 : i64, scratch_operands = 5 : i64, tpu.core_type = #tpu.core_type<sc_vector_subcore>, window_params = [{transform_indices = #map}, {transform_indices = #map}, {transform_indices = #map}, {transform_indices = #map}, {transform_indices = #map}]} {
    %eq3A = arith.constant 0 : i32
    %eq3A_0 = arith.cmpi eq, %arg0, %eq3A : i32
    %mul3A = arith.constant 120 : i32
    %mul3A_1 = arith.muli %arg1, %mul3A : i32
    %mul3A_2 = arith.constant 40 : i32
    %mul3A_3 = arith.muli %arg1, %mul3A_2 : i32
    %add3A = arith.constant 1920 : i32
    %add3A_4 = arith.addi %add3A, %mul3A_3 : i32
    %select_n3A = arith.select %eq3A_0, %mul3A_1, %add3A_4 : i32
    %eq3A_5 = arith.constant 0 : i32
    %eq3A_6 = arith.cmpi eq, %arg0, %eq3A_5 : i32
    %jit3A = arith.constant 15 : i32
    %jit3A_7 = arith.constant 5 : i32
    %select_n3A_8 = arith.select %eq3A_6, %jit3A, %jit3A_7 : i32
    %mul3A_9 = arith.constant 640 : i32
    %mul3A_10 = arith.muli %arg1, %mul3A_9 : i32
    %mul3A_11 = arith.constant 640 : i32
    %mul3A_12 = arith.muli %arg1, %mul3A_11 : i32
    "tpu.region"() ({
      %run_scoped3A = tpu.sem_alloc : memref<!tpu.dma_semaphore, #tpu.memory_space<semaphore_mem>>
      %dma_start3A = arith.constant 0 : i32
      %dma_start3A_33 = tpu.memref_slice %arg10[%mul3A_12, %dma_start3A] : memref<10240x128xf32, #tpu.memory_space<vmem_shared>> -> memref<640x128xf32, #tpu.memory_space<vmem_shared>>
      %dma_start3A_34 = arith.constant 0 : i32
      %dma_start3A_35 = tpu.memref_slice %arg5[%mul3A_10, %dma_start3A_34] : memref<10240x128xf32, #tpu.memory_space<hbm>> -> memref<640x128xf32, #tpu.memory_space<hbm>>
      tpu.enqueue_dma source(%dma_start3A_35 : memref<640x128xf32, #tpu.memory_space<hbm>>) target(%dma_start3A_33 : memref<640x128xf32, #tpu.memory_space<vmem_shared>>) target_semaphore(%run_scoped3A : memref<!tpu.dma_semaphore, #tpu.memory_space<semaphore_mem>>)
      %dma_wait3A = arith.constant 0 : i32
      %dma_wait3A_36 = tpu.memref_slice %arg10[%mul3A_12, %dma_wait3A] : memref<10240x128xf32, #tpu.memory_space<vmem_shared>> -> memref<640x128xf32, #tpu.memory_space<vmem_shared>>
      %dma_wait3A_37 = arith.constant 0 : i32
      %dma_wait3A_38 = tpu.memref_slice %arg5[%mul3A_10, %dma_wait3A_37] : memref<10240x128xf32, #tpu.memory_space<hbm>> -> memref<640x128xf32, #tpu.memory_space<hbm>>
      tpu.wait_dma2 semaphore(%run_scoped3A : memref<!tpu.dma_semaphore, #tpu.memory_space<semaphore_mem>>) src(%dma_wait3A_38 : memref<640x128xf32, #tpu.memory_space<hbm>>) dst(%dma_wait3A_36 : memref<640x128xf32, #tpu.memory_space<vmem_shared>>)
      tpu.yield
    }) : () -> ()
    %barrier3A = arith.constant 0 : index
    tpu.barrier barrier_id(%barrier3A)
    %while3A = arith.constant 0 : i32
    %while3A_13 = arith.constant 0 : i32
    %while3A_14 = arith.constant 1 : i32
    %while3A_15 = arith.constant 0 : i32
    %while3A_16 = arith.subi %select_n3A_8, %while3A_15 : i32
    %while3A_17 = arith.addi %while3A_15, %while3A_16 : i32
    %while3A_18 = arith.constant 1 : i32
    %while3A_19 = arith.divsi %while3A_16, %while3A_18 : i32
    %while3A_20 = arith.muli %while3A_19, %while3A_18 : i32
    %while3A_21 = arith.addi %while3A_15, %while3A_20 : i32
    %while3A_22 = arith.constant 1 : i32
    scf.for %while3A_33 = %while3A_15 to %while3A_21 step %while3A_22  : i32 {
      %mul3A_34 = arith.constant 8 : i32
      %mul3A_35 = arith.muli %while3A_33, %mul3A_34 : i32
      %add3A_36 = arith.addi %select_n3A, %mul3A_35 : i32
      "tpu.region"() ({
        %run_scoped3A = tpu.sem_alloc : memref<!tpu.dma_semaphore, #tpu.memory_space<semaphore_mem>>
        %dma_start3A = arith.constant 0 : i32
        %dma_start3A_42 = tpu.memref_slice %arg3[%add3A_36, %dma_start3A] : memref<2560x128xi32, #tpu.memory_space<hbm>> -> memref<8x128xi32, #tpu.memory_space<hbm>>
        %dma_start3A_43 = arith.constant 0 : i32
        %dma_start3A_44 = tpu.memref_slice %arg3[%add3A_36, %dma_start3A_43] : memref<2560x128xi32, #tpu.memory_space<hbm>> -> memref<8x128xi32, #tpu.memory_space<hbm>>
        tpu.enqueue_dma source(%dma_start3A_44 : memref<8x128xi32, #tpu.memory_space<hbm>>) target(%arg7 : memref<8x128xi32, #tpu.memory_space<vmem>>) target_semaphore(%run_scoped3A : memref<!tpu.dma_semaphore, #tpu.memory_space<semaphore_mem>>)
        %dma_wait3A = arith.constant 0 : i32
        %dma_wait3A_45 = tpu.memref_slice %arg3[%add3A_36, %dma_wait3A] : memref<2560x128xi32, #tpu.memory_space<hbm>> -> memref<8x128xi32, #tpu.memory_space<hbm>>
        %dma_wait3A_46 = arith.constant 0 : i32
        %dma_wait3A_47 = tpu.memref_slice %arg3[%add3A_36, %dma_wait3A_46] : memref<2560x128xi32, #tpu.memory_space<hbm>> -> memref<8x128xi32, #tpu.memory_space<hbm>>
        tpu.wait_dma2 semaphore(%run_scoped3A : memref<!tpu.dma_semaphore, #tpu.memory_space<semaphore_mem>>) src(%dma_wait3A_47 : memref<8x128xi32, #tpu.memory_space<hbm>>) dst(%arg7 : memref<8x128xi32, #tpu.memory_space<vmem>>)
        tpu.yield
      }) : () -> ()
      "tpu.region"() ({
        %run_scoped3A = tpu.sem_alloc : memref<!tpu.dma_semaphore, #tpu.memory_space<semaphore_mem>>
        %dma_start3A = arith.constant 0 : i32
        %dma_start3A_42 = tpu.memref_slice %arg4[%add3A_36, %dma_start3A] : memref<2560x128xi32, #tpu.memory_space<hbm>> -> memref<8x128xi32, #tpu.memory_space<hbm>>
        %dma_start3A_43 = arith.constant 0 : i32
        %dma_start3A_44 = tpu.memref_slice %arg4[%add3A_36, %dma_start3A_43] : memref<2560x128xi32, #tpu.memory_space<hbm>> -> memref<8x128xi32, #tpu.memory_space<hbm>>
        tpu.enqueue_dma source(%dma_start3A_44 : memref<8x128xi32, #tpu.memory_space<hbm>>) target(%arg8 : memref<8x128xi32, #tpu.memory_space<vmem>>) target_semaphore(%run_scoped3A : memref<!tpu.dma_semaphore, #tpu.memory_space<semaphore_mem>>)
        %dma_wait3A = arith.constant 0 : i32
        %dma_wait3A_45 = tpu.memref_slice %arg4[%add3A_36, %dma_wait3A] : memref<2560x128xi32, #tpu.memory_space<hbm>> -> memref<8x128xi32, #tpu.memory_space<hbm>>
        %dma_wait3A_46 = arith.constant 0 : i32
        %dma_wait3A_47 = tpu.memref_slice %arg4[%add3A_36, %dma_wait3A_46] : memref<2560x128xi32, #tpu.memory_space<hbm>> -> memref<8x128xi32, #tpu.memory_space<hbm>>
        tpu.wait_dma2 semaphore(%run_scoped3A : memref<!tpu.dma_semaphore, #tpu.memory_space<semaphore_mem>>) src(%dma_wait3A_47 : memref<8x128xi32, #tpu.memory_space<hbm>>) dst(%arg8 : memref<8x128xi32, #tpu.memory_space<vmem>>)
        tpu.yield
      }) : () -> ()
      %scan3A = arith.constant 0 : i32
      %scan3A_37 = arith.constant 0 : i32
      %scan3A_38 = arith.constant 4 : i32
      %scan3A_39 = arith.addi %scan3A_37, %scan3A_38 : i32
      %scan3A_40 = arith.constant 1 : i32
      scf.for %scan3A_42 = %scan3A_37 to %scan3A_39 step %scan3A_40  : i32 {
        %mul3A_43 = arith.constant 2 : i32
        %mul3A_44 = arith.muli %scan3A_42, %mul3A_43 : i32
        %add3A_45 = arith.constant 0 : i32
        %add3A_46 = arith.addi %mul3A_44, %add3A_45 : i32
        %dma_start3A = arith.constant 0 : i32
        %dma_start3A_47 = arith.constant 0 : i32
        %dma_start3A_48 = arith.constant 0 : i32
        %dma_start3A_49 = tpu.memref_slice %arg9[%while3A_13, %dma_start3A_47, %dma_start3A_48] : memref<2x128x128xf32, #tpu.memory_space<vmem>> -> memref<1x128x128xf32, #tpu.memory_space<vmem>>
        %dma_start3A_50 = tpu.memref_squeeze %dma_start3A_49 : memref<1x128x128xf32, #tpu.memory_space<vmem>> -> memref<128x128xf32, #tpu.memory_space<vmem>>
        %dma_start3A_51 = arith.constant 0 : i32
        %dma_start3A_52 = tpu.memref_slice %arg7[%add3A_46, %dma_start3A_51] : memref<8x128xi32, #tpu.memory_space<vmem>> -> memref<1x128xi32, #tpu.memory_space<vmem>>
        %dma_start3A_53 = tpu.memref_squeeze %dma_start3A_52 : memref<1x128xi32, #tpu.memory_space<vmem>> -> memref<128xi32, #tpu.memory_space<vmem>>
        %dma_start3A_54 = arith.constant 0 : i32
        %dma_start3A_55 = arith.constant 0 : i32
        %dma_start3A_56 = tpu.memref_slice %arg2[%dma_start3A_54, %dma_start3A_55] : memref<10000x128xf32, #tpu.memory_space<hbm>> -> memref<10000x128xf32, #tpu.memory_space<hbm>>
        %dma_start3A_57 = tpu.memref_slice %arg11[%dma_start3A] : memref<2x!tpu.dma_semaphore, #tpu.memory_space<semaphore_mem>> -> memref<1x!tpu.dma_semaphore, #tpu.memory_space<semaphore_mem>>
        %dma_start3A_58 = tpu.memref_squeeze %dma_start3A_57 : memref<1x!tpu.dma_semaphore, #tpu.memory_space<semaphore_mem>> -> memref<!tpu.dma_semaphore, #tpu.memory_space<semaphore_mem>>
        tpu.enqueue_indirect_dma source(%dma_start3A_56 : memref<10000x128xf32, #tpu.memory_space<hbm>>) target(%dma_start3A_50 : memref<128x128xf32, #tpu.memory_space<vmem>>) offsets(%dma_start3A_53 : memref<128xi32, #tpu.memory_space<vmem>>) semaphore(%dma_start3A_58 : memref<!tpu.dma_semaphore, #tpu.memory_space<semaphore_mem>>)
        %mul3A_59 = arith.constant 2 : i32
        %mul3A_60 = arith.muli %scan3A_42, %mul3A_59 : i32
        %add3A_61 = arith.constant 1 : i32
        %add3A_62 = arith.addi %mul3A_60, %add3A_61 : i32
        %dma_start3A_63 = arith.constant 1 : i32
        %dma_start3A_64 = arith.constant 0 : i32
        %dma_start3A_65 = arith.constant 0 : i32
        %dma_start3A_66 = tpu.memref_slice %arg9[%while3A_14, %dma_start3A_64, %dma_start3A_65] : memref<2x128x128xf32, #tpu.memory_space<vmem>> -> memref<1x128x128xf32, #tpu.memory_space<vmem>>
        %dma_start3A_67 = tpu.memref_squeeze %dma_start3A_66 : memref<1x128x128xf32, #tpu.memory_space<vmem>> -> memref<128x128xf32, #tpu.memory_space<vmem>>
        %dma_start3A_68 = arith.constant 0 : i32
        %dma_start3A_69 = tpu.memref_slice %arg7[%add3A_62, %dma_start3A_68] : memref<8x128xi32, #tpu.memory_space<vmem>> -> memref<1x128xi32, #tpu.memory_space<vmem>>
        %dma_start3A_70 = tpu.memref_squeeze %dma_start3A_69 : memref<1x128xi32, #tpu.memory_space<vmem>> -> memref<128xi32, #tpu.memory_space<vmem>>
        %dma_start3A_71 = arith.constant 0 : i32
        %dma_start3A_72 = arith.constant 0 : i32
        %dma_start3A_73 = tpu.memref_slice %arg2[%dma_start3A_71, %dma_start3A_72] : memref<10000x128xf32, #tpu.memory_space<hbm>> -> memref<10000x128xf32, #tpu.memory_space<hbm>>
        %dma_start3A_74 = tpu.memref_slice %arg11[%dma_start3A_63] : memref<2x!tpu.dma_semaphore, #tpu.memory_space<semaphore_mem>> -> memref<1x!tpu.dma_semaphore, #tpu.memory_space<semaphore_mem>>
        %dma_start3A_75 = tpu.memref_squeeze %dma_start3A_74 : memref<1x!tpu.dma_semaphore, #tpu.memory_space<semaphore_mem>> -> memref<!tpu.dma_semaphore, #tpu.memory_space<semaphore_mem>>
        tpu.enqueue_indirect_dma source(%dma_start3A_73 : memref<10000x128xf32, #tpu.memory_space<hbm>>) target(%dma_start3A_67 : memref<128x128xf32, #tpu.memory_space<vmem>>) offsets(%dma_start3A_70 : memref<128xi32, #tpu.memory_space<vmem>>) semaphore(%dma_start3A_75 : memref<!tpu.dma_semaphore, #tpu.memory_space<semaphore_mem>>)
        %dma_wait3A = arith.constant 0 : i32
        %dma_wait3A_76 = arith.constant 0 : i32
        %dma_wait3A_77 = arith.constant 0 : i32
        %dma_wait3A_78 = tpu.memref_slice %arg9[%while3A_13, %dma_wait3A_76, %dma_wait3A_77] : memref<2x128x128xf32, #tpu.memory_space<vmem>> -> memref<1x128x128xf32, #tpu.memory_space<vmem>>
        %dma_wait3A_79 = tpu.memref_squeeze %dma_wait3A_78 : memref<1x128x128xf32, #tpu.memory_space<vmem>> -> memref<128x128xf32, #tpu.memory_space<vmem>>
        %dma_wait3A_80 = arith.constant 0 : i32
        %dma_wait3A_81 = tpu.memref_slice %arg7[%add3A_46, %dma_wait3A_80] : memref<8x128xi32, #tpu.memory_space<vmem>> -> memref<1x128xi32, #tpu.memory_space<vmem>>
        %dma_wait3A_82 = tpu.memref_squeeze %dma_wait3A_81 : memref<1x128xi32, #tpu.memory_space<vmem>> -> memref<128xi32, #tpu.memory_space<vmem>>
        %dma_wait3A_83 = arith.constant 0 : i32
        %dma_wait3A_84 = arith.constant 0 : i32
        %dma_wait3A_85 = tpu.memref_slice %arg2[%dma_wait3A_83, %dma_wait3A_84] : memref<10000x128xf32, #tpu.memory_space<hbm>> -> memref<10000x128xf32, #tpu.memory_space<hbm>>
        %dma_wait3A_86 = tpu.memref_slice %arg11[%dma_wait3A] : memref<2x!tpu.dma_semaphore, #tpu.memory_space<semaphore_mem>> -> memref<1x!tpu.dma_semaphore, #tpu.memory_space<semaphore_mem>>
        %dma_wait3A_87 = tpu.memref_squeeze %dma_wait3A_86 : memref<1x!tpu.dma_semaphore, #tpu.memory_space<semaphore_mem>> -> memref<!tpu.dma_semaphore, #tpu.memory_space<semaphore_mem>>
        tpu.wait_indirect_dma semaphore(%dma_wait3A_87 : memref<!tpu.dma_semaphore, #tpu.memory_space<semaphore_mem>>) src(%dma_wait3A_85 : memref<10000x128xf32, #tpu.memory_space<hbm>>) dst(%dma_wait3A_79 : memref<128x128xf32, #tpu.memory_space<vmem>>)
        %mul3A_88 = arith.constant 2 : i32
        %mul3A_89 = arith.muli %scan3A_42, %mul3A_88 : i32
        %add3A_90 = arith.constant 0 : i32
        %add3A_91 = arith.addi %mul3A_89, %add3A_90 : i32
        "tpu.region"() ({
          %run_scoped3A = tpu.sem_alloc : memref<!tpu.dma_semaphore, #tpu.memory_space<semaphore_mem>>
          %dma_start3A_109 = arith.constant 0 : i32
          %dma_start3A_110 = arith.constant 0 : i32
          %dma_start3A_111 = tpu.memref_slice %arg9[%while3A_13, %dma_start3A_109, %dma_start3A_110] : memref<2x128x128xf32, #tpu.memory_space<vmem>> -> memref<1x128x128xf32, #tpu.memory_space<vmem>>
          %dma_start3A_112 = tpu.memref_squeeze %dma_start3A_111 : memref<1x128x128xf32, #tpu.memory_space<vmem>> -> memref<128x128xf32, #tpu.memory_space<vmem>>
          %dma_start3A_113 = arith.constant 0 : i32
          %dma_start3A_114 = tpu.memref_slice %arg8[%add3A_91, %dma_start3A_113] : memref<8x128xi32, #tpu.memory_space<vmem>> -> memref<1x128xi32, #tpu.memory_space<vmem>>
          %dma_start3A_115 = tpu.memref_squeeze %dma_start3A_114 : memref<1x128xi32, #tpu.memory_space<vmem>> -> memref<128xi32, #tpu.memory_space<vmem>>
          %dma_start3A_116 = arith.constant 0 : i32
          %dma_start3A_117 = arith.constant 0 : i32
          %dma_start3A_118 = tpu.memref_slice %arg10[%dma_start3A_116, %dma_start3A_117] : memref<10240x128xf32, #tpu.memory_space<vmem_shared>> -> memref<10240x128xf32, #tpu.memory_space<vmem_shared>>
          tpu.enqueue_indirect_dma source(%dma_start3A_112 : memref<128x128xf32, #tpu.memory_space<vmem>>) target(%dma_start3A_118 : memref<10240x128xf32, #tpu.memory_space<vmem_shared>>) offsets(%dma_start3A_115 : memref<128xi32, #tpu.memory_space<vmem>>) semaphore(%run_scoped3A : memref<!tpu.dma_semaphore, #tpu.memory_space<semaphore_mem>>) {add = true}
          %dma_wait3A_119 = arith.constant 0 : i32
          %dma_wait3A_120 = arith.constant 0 : i32
          %dma_wait3A_121 = tpu.memref_slice %arg9[%while3A_13, %dma_wait3A_119, %dma_wait3A_120] : memref<2x128x128xf32, #tpu.memory_space<vmem>> -> memref<1x128x128xf32, #tpu.memory_space<vmem>>
          %dma_wait3A_122 = tpu.memref_squeeze %dma_wait3A_121 : memref<1x128x128xf32, #tpu.memory_space<vmem>> -> memref<128x128xf32, #tpu.memory_space<vmem>>
          %dma_wait3A_123 = arith.constant 0 : i32
          %dma_wait3A_124 = tpu.memref_slice %arg8[%add3A_91, %dma_wait3A_123] : memref<8x128xi32, #tpu.memory_space<vmem>> -> memref<1x128xi32, #tpu.memory_space<vmem>>
          %dma_wait3A_125 = tpu.memref_squeeze %dma_wait3A_124 : memref<1x128xi32, #tpu.memory_space<vmem>> -> memref<128xi32, #tpu.memory_space<vmem>>
          %dma_wait3A_126 = arith.constant 0 : i32
          %dma_wait3A_127 = arith.constant 0 : i32
          %dma_wait3A_128 = tpu.memref_slice %arg10[%dma_wait3A_126, %dma_wait3A_127] : memref<10240x128xf32, #tpu.memory_space<vmem_shared>> -> memref<10240x128xf32, #tpu.memory_space<vmem_shared>>
          tpu.wait_indirect_dma semaphore(%run_scoped3A : memref<!tpu.dma_semaphore, #tpu.memory_space<semaphore_mem>>) src(%dma_wait3A_122 : memref<128x128xf32, #tpu.memory_space<vmem>>) dst(%dma_wait3A_128 : memref<10240x128xf32, #tpu.memory_space<vmem_shared>>)
          tpu.yield
        }) : () -> ()
        %dma_wait3A_92 = arith.constant 1 : i32
        %dma_wait3A_93 = arith.constant 0 : i32
        %dma_wait3A_94 = arith.constant 0 : i32
        %dma_wait3A_95 = tpu.memref_slice %arg9[%while3A_14, %dma_wait3A_93, %dma_wait3A_94] : memref<2x128x128xf32, #tpu.memory_space<vmem>> -> memref<1x128x128xf32, #tpu.memory_space<vmem>>
        %dma_wait3A_96 = tpu.memref_squeeze %dma_wait3A_95 : memref<1x128x128xf32, #tpu.memory_space<vmem>> -> memref<128x128xf32, #tpu.memory_space<vmem>>
        %dma_wait3A_97 = arith.constant 0 : i32
        %dma_wait3A_98 = tpu.memref_slice %arg7[%add3A_62, %dma_wait3A_97] : memref<8x128xi32, #tpu.memory_space<vmem>> -> memref<1x128xi32, #tpu.memory_space<vmem>>
        %dma_wait3A_99 = tpu.memref_squeeze %dma_wait3A_98 : memref<1x128xi32, #tpu.memory_space<vmem>> -> memref<128xi32, #tpu.memory_space<vmem>>
        %dma_wait3A_100 = arith.constant 0 : i32
        %dma_wait3A_101 = arith.constant 0 : i32
        %dma_wait3A_102 = tpu.memref_slice %arg2[%dma_wait3A_100, %dma_wait3A_101] : memref<10000x128xf32, #tpu.memory_space<hbm>> -> memref<10000x128xf32, #tpu.memory_space<hbm>>
        %dma_wait3A_103 = tpu.memref_slice %arg11[%dma_wait3A_92] : memref<2x!tpu.dma_semaphore, #tpu.memory_space<semaphore_mem>> -> memref<1x!tpu.dma_semaphore, #tpu.memory_space<semaphore_mem>>
        %dma_wait3A_104 = tpu.memref_squeeze %dma_wait3A_103 : memref<1x!tpu.dma_semaphore, #tpu.memory_space<semaphore_mem>> -> memref<!tpu.dma_semaphore, #tpu.memory_space<semaphore_mem>>
        tpu.wait_indirect_dma semaphore(%dma_wait3A_104 : memref<!tpu.dma_semaphore, #tpu.memory_space<semaphore_mem>>) src(%dma_wait3A_102 : memref<10000x128xf32, #tpu.memory_space<hbm>>) dst(%dma_wait3A_96 : memref<128x128xf32, #tpu.memory_space<vmem>>)
        %mul3A_105 = arith.constant 2 : i32
        %mul3A_106 = arith.muli %scan3A_42, %mul3A_105 : i32
        %add3A_107 = arith.constant 1 : i32
        %add3A_108 = arith.addi %mul3A_106, %add3A_107 : i32
        "tpu.region"() ({
          %run_scoped3A = tpu.sem_alloc : memref<!tpu.dma_semaphore, #tpu.memory_space<semaphore_mem>>
          %dma_start3A_109 = arith.constant 0 : i32
          %dma_start3A_110 = arith.constant 0 : i32
          %dma_start3A_111 = tpu.memref_slice %arg9[%while3A_14, %dma_start3A_109, %dma_start3A_110] : memref<2x128x128xf32, #tpu.memory_space<vmem>> -> memref<1x128x128xf32, #tpu.memory_space<vmem>>
          %dma_start3A_112 = tpu.memref_squeeze %dma_start3A_111 : memref<1x128x128xf32, #tpu.memory_space<vmem>> -> memref<128x128xf32, #tpu.memory_space<vmem>>
          %dma_start3A_113 = arith.constant 0 : i32
          %dma_start3A_114 = tpu.memref_slice %arg8[%add3A_108, %dma_start3A_113] : memref<8x128xi32, #tpu.memory_space<vmem>> -> memref<1x128xi32, #tpu.memory_space<vmem>>
          %dma_start3A_115 = tpu.memref_squeeze %dma_start3A_114 : memref<1x128xi32, #tpu.memory_space<vmem>> -> memref<128xi32, #tpu.memory_space<vmem>>
          %dma_start3A_116 = arith.constant 0 : i32
          %dma_start3A_117 = arith.constant 0 : i32
          %dma_start3A_118 = tpu.memref_slice %arg10[%dma_start3A_116, %dma_start3A_117] : memref<10240x128xf32, #tpu.memory_space<vmem_shared>> -> memref<10240x128xf32, #tpu.memory_space<vmem_shared>>
          tpu.enqueue_indirect_dma source(%dma_start3A_112 : memref<128x128xf32, #tpu.memory_space<vmem>>) target(%dma_start3A_118 : memref<10240x128xf32, #tpu.memory_space<vmem_shared>>) offsets(%dma_start3A_115 : memref<128xi32, #tpu.memory_space<vmem>>) semaphore(%run_scoped3A : memref<!tpu.dma_semaphore, #tpu.memory_space<semaphore_mem>>) {add = true}
          %dma_wait3A_119 = arith.constant 0 : i32
          %dma_wait3A_120 = arith.constant 0 : i32
          %dma_wait3A_121 = tpu.memref_slice %arg9[%while3A_14, %dma_wait3A_119, %dma_wait3A_120] : memref<2x128x128xf32, #tpu.memory_space<vmem>> -> memref<1x128x128xf32, #tpu.memory_space<vmem>>
          %dma_wait3A_122 = tpu.memref_squeeze %dma_wait3A_121 : memref<1x128x128xf32, #tpu.memory_space<vmem>> -> memref<128x128xf32, #tpu.memory_space<vmem>>
          %dma_wait3A_123 = arith.constant 0 : i32
          %dma_wait3A_124 = tpu.memref_slice %arg8[%add3A_108, %dma_wait3A_123] : memref<8x128xi32, #tpu.memory_space<vmem>> -> memref<1x128xi32, #tpu.memory_space<vmem>>
          %dma_wait3A_125 = tpu.memref_squeeze %dma_wait3A_124 : memref<1x128xi32, #tpu.memory_space<vmem>> -> memref<128xi32, #tpu.memory_space<vmem>>
          %dma_wait3A_126 = arith.constant 0 : i32
          %dma_wait3A_127 = arith.constant 0 : i32
          %dma_wait3A_128 = tpu.memref_slice %arg10[%dma_wait3A_126, %dma_wait3A_127] : memref<10240x128xf32, #tpu.memory_space<vmem_shared>> -> memref<10240x128xf32, #tpu.memory_space<vmem_shared>>
          tpu.wait_indirect_dma semaphore(%run_scoped3A : memref<!tpu.dma_semaphore, #tpu.memory_space<semaphore_mem>>) src(%dma_wait3A_122 : memref<128x128xf32, #tpu.memory_space<vmem>>) dst(%dma_wait3A_128 : memref<10240x128xf32, #tpu.memory_space<vmem_shared>>)
          tpu.yield
        }) : () -> ()
      }
      %scan3A_41 = arith.constant 4 : i32
    }
    %while3A_23 = arith.constant 1 : i32
    scf.for %while3A_33 = %while3A_21 to %while3A_17 step %while3A_23  : i32 {
      %mul3A_34 = arith.constant 8 : i32
      %mul3A_35 = arith.muli %while3A_33, %mul3A_34 : i32
      %add3A_36 = arith.addi %select_n3A, %mul3A_35 : i32
      "tpu.region"() ({
        %run_scoped3A = tpu.sem_alloc : memref<!tpu.dma_semaphore, #tpu.memory_space<semaphore_mem>>
        %dma_start3A = arith.constant 0 : i32
        %dma_start3A_42 = tpu.memref_slice %arg3[%add3A_36, %dma_start3A] : memref<2560x128xi32, #tpu.memory_space<hbm>> -> memref<8x128xi32, #tpu.memory_space<hbm>>
        %dma_start3A_43 = arith.constant 0 : i32
        %dma_start3A_44 = tpu.memref_slice %arg3[%add3A_36, %dma_start3A_43] : memref<2560x128xi32, #tpu.memory_space<hbm>> -> memref<8x128xi32, #tpu.memory_space<hbm>>
        tpu.enqueue_dma source(%dma_start3A_44 : memref<8x128xi32, #tpu.memory_space<hbm>>) target(%arg7 : memref<8x128xi32, #tpu.memory_space<vmem>>) target_semaphore(%run_scoped3A : memref<!tpu.dma_semaphore, #tpu.memory_space<semaphore_mem>>)
        %dma_wait3A = arith.constant 0 : i32
        %dma_wait3A_45 = tpu.memref_slice %arg3[%add3A_36, %dma_wait3A] : memref<2560x128xi32, #tpu.memory_space<hbm>> -> memref<8x128xi32, #tpu.memory_space<hbm>>
        %dma_wait3A_46 = arith.constant 0 : i32
        %dma_wait3A_47 = tpu.memref_slice %arg3[%add3A_36, %dma_wait3A_46] : memref<2560x128xi32, #tpu.memory_space<hbm>> -> memref<8x128xi32, #tpu.memory_space<hbm>>
        tpu.wait_dma2 semaphore(%run_scoped3A : memref<!tpu.dma_semaphore, #tpu.memory_space<semaphore_mem>>) src(%dma_wait3A_47 : memref<8x128xi32, #tpu.memory_space<hbm>>) dst(%arg7 : memref<8x128xi32, #tpu.memory_space<vmem>>)
        tpu.yield
      }) : () -> ()
      "tpu.region"() ({
        %run_scoped3A = tpu.sem_alloc : memref<!tpu.dma_semaphore, #tpu.memory_space<semaphore_mem>>
        %dma_start3A = arith.constant 0 : i32
        %dma_start3A_42 = tpu.memref_slice %arg4[%add3A_36, %dma_start3A] : memref<2560x128xi32, #tpu.memory_space<hbm>> -> memref<8x128xi32, #tpu.memory_space<hbm>>
        %dma_start3A_43 = arith.constant 0 : i32
        %dma_start3A_44 = tpu.memref_slice %arg4[%add3A_36, %dma_start3A_43] : memref<2560x128xi32, #tpu.memory_space<hbm>> -> memref<8x128xi32, #tpu.memory_space<hbm>>
        tpu.enqueue_dma source(%dma_start3A_44 : memref<8x128xi32, #tpu.memory_space<hbm>>) target(%arg8 : memref<8x128xi32, #tpu.memory_space<vmem>>) target_semaphore(%run_scoped3A : memref<!tpu.dma_semaphore, #tpu.memory_space<semaphore_mem>>)
        %dma_wait3A = arith.constant 0 : i32
        %dma_wait3A_45 = tpu.memref_slice %arg4[%add3A_36, %dma_wait3A] : memref<2560x128xi32, #tpu.memory_space<hbm>> -> memref<8x128xi32, #tpu.memory_space<hbm>>
        %dma_wait3A_46 = arith.constant 0 : i32
        %dma_wait3A_47 = tpu.memref_slice %arg4[%add3A_36, %dma_wait3A_46] : memref<2560x128xi32, #tpu.memory_space<hbm>> -> memref<8x128xi32, #tpu.memory_space<hbm>>
        tpu.wait_dma2 semaphore(%run_scoped3A : memref<!tpu.dma_semaphore, #tpu.memory_space<semaphore_mem>>) src(%dma_wait3A_47 : memref<8x128xi32, #tpu.memory_space<hbm>>) dst(%arg8 : memref<8x128xi32, #tpu.memory_space<vmem>>)
        tpu.yield
      }) : () -> ()
      %scan3A = arith.constant 0 : i32
      %scan3A_37 = arith.constant 0 : i32
      %scan3A_38 = arith.constant 4 : i32
      %scan3A_39 = arith.addi %scan3A_37, %scan3A_38 : i32
      %scan3A_40 = arith.constant 1 : i32
      scf.for %scan3A_42 = %scan3A_37 to %scan3A_39 step %scan3A_40  : i32 {
        %mul3A_43 = arith.constant 2 : i32
        %mul3A_44 = arith.muli %scan3A_42, %mul3A_43 : i32
        %add3A_45 = arith.constant 0 : i32
        %add3A_46 = arith.addi %mul3A_44, %add3A_45 : i32
        %dma_start3A = arith.constant 0 : i32
        %dma_start3A_47 = arith.constant 0 : i32
        %dma_start3A_48 = arith.constant 0 : i32
        %dma_start3A_49 = tpu.memref_slice %arg9[%while3A_13, %dma_start3A_47, %dma_start3A_48] : memref<2x128x128xf32, #tpu.memory_space<vmem>> -> memref<1x128x128xf32, #tpu.memory_space<vmem>>
        %dma_start3A_50 = tpu.memref_squeeze %dma_start3A_49 : memref<1x128x128xf32, #tpu.memory_space<vmem>> -> memref<128x128xf32, #tpu.memory_space<vmem>>
        %dma_start3A_51 = arith.constant 0 : i32
        %dma_start3A_52 = tpu.memref_slice %arg7[%add3A_46, %dma_start3A_51] : memref<8x128xi32, #tpu.memory_space<vmem>> -> memref<1x128xi32, #tpu.memory_space<vmem>>
        %dma_start3A_53 = tpu.memref_squeeze %dma_start3A_52 : memref<1x128xi32, #tpu.memory_space<vmem>> -> memref<128xi32, #tpu.memory_space<vmem>>
        %dma_start3A_54 = arith.constant 0 : i32
        %dma_start3A_55 = arith.constant 0 : i32
        %dma_start3A_56 = tpu.memref_slice %arg2[%dma_start3A_54, %dma_start3A_55] : memref<10000x128xf32, #tpu.memory_space<hbm>> -> memref<10000x128xf32, #tpu.memory_space<hbm>>
        %dma_start3A_57 = tpu.memref_slice %arg11[%dma_start3A] : memref<2x!tpu.dma_semaphore, #tpu.memory_space<semaphore_mem>> -> memref<1x!tpu.dma_semaphore, #tpu.memory_space<semaphore_mem>>
        %dma_start3A_58 = tpu.memref_squeeze %dma_start3A_57 : memref<1x!tpu.dma_semaphore, #tpu.memory_space<semaphore_mem>> -> memref<!tpu.dma_semaphore, #tpu.memory_space<semaphore_mem>>
        tpu.enqueue_indirect_dma source(%dma_start3A_56 : memref<10000x128xf32, #tpu.memory_space<hbm>>) target(%dma_start3A_50 : memref<128x128xf32, #tpu.memory_space<vmem>>) offsets(%dma_start3A_53 : memref<128xi32, #tpu.memory_space<vmem>>) semaphore(%dma_start3A_58 : memref<!tpu.dma_semaphore, #tpu.memory_space<semaphore_mem>>)
        %mul3A_59 = arith.constant 2 : i32
        %mul3A_60 = arith.muli %scan3A_42, %mul3A_59 : i32
        %add3A_61 = arith.constant 1 : i32
        %add3A_62 = arith.addi %mul3A_60, %add3A_61 : i32
        %dma_start3A_63 = arith.constant 1 : i32
        %dma_start3A_64 = arith.constant 0 : i32
        %dma_start3A_65 = arith.constant 0 : i32
        %dma_start3A_66 = tpu.memref_slice %arg9[%while3A_14, %dma_start3A_64, %dma_start3A_65] : memref<2x128x128xf32, #tpu.memory_space<vmem>> -> memref<1x128x128xf32, #tpu.memory_space<vmem>>
        %dma_start3A_67 = tpu.memref_squeeze %dma_start3A_66 : memref<1x128x128xf32, #tpu.memory_space<vmem>> -> memref<128x128xf32, #tpu.memory_space<vmem>>
        %dma_start3A_68 = arith.constant 0 : i32
        %dma_start3A_69 = tpu.memref_slice %arg7[%add3A_62, %dma_start3A_68] : memref<8x128xi32, #tpu.memory_space<vmem>> -> memref<1x128xi32, #tpu.memory_space<vmem>>
        %dma_start3A_70 = tpu.memref_squeeze %dma_start3A_69 : memref<1x128xi32, #tpu.memory_space<vmem>> -> memref<128xi32, #tpu.memory_space<vmem>>
        %dma_start3A_71 = arith.constant 0 : i32
        %dma_start3A_72 = arith.constant 0 : i32
        %dma_start3A_73 = tpu.memref_slice %arg2[%dma_start3A_71, %dma_start3A_72] : memref<10000x128xf32, #tpu.memory_space<hbm>> -> memref<10000x128xf32, #tpu.memory_space<hbm>>
        %dma_start3A_74 = tpu.memref_slice %arg11[%dma_start3A_63] : memref<2x!tpu.dma_semaphore, #tpu.memory_space<semaphore_mem>> -> memref<1x!tpu.dma_semaphore, #tpu.memory_space<semaphore_mem>>
        %dma_start3A_75 = tpu.memref_squeeze %dma_start3A_74 : memref<1x!tpu.dma_semaphore, #tpu.memory_space<semaphore_mem>> -> memref<!tpu.dma_semaphore, #tpu.memory_space<semaphore_mem>>
        tpu.enqueue_indirect_dma source(%dma_start3A_73 : memref<10000x128xf32, #tpu.memory_space<hbm>>) target(%dma_start3A_67 : memref<128x128xf32, #tpu.memory_space<vmem>>) offsets(%dma_start3A_70 : memref<128xi32, #tpu.memory_space<vmem>>) semaphore(%dma_start3A_75 : memref<!tpu.dma_semaphore, #tpu.memory_space<semaphore_mem>>)
        %dma_wait3A = arith.constant 0 : i32
        %dma_wait3A_76 = arith.constant 0 : i32
        %dma_wait3A_77 = arith.constant 0 : i32
        %dma_wait3A_78 = tpu.memref_slice %arg9[%while3A_13, %dma_wait3A_76, %dma_wait3A_77] : memref<2x128x128xf32, #tpu.memory_space<vmem>> -> memref<1x128x128xf32, #tpu.memory_space<vmem>>
        %dma_wait3A_79 = tpu.memref_squeeze %dma_wait3A_78 : memref<1x128x128xf32, #tpu.memory_space<vmem>> -> memref<128x128xf32, #tpu.memory_space<vmem>>
        %dma_wait3A_80 = arith.constant 0 : i32
        %dma_wait3A_81 = tpu.memref_slice %arg7[%add3A_46, %dma_wait3A_80] : memref<8x128xi32, #tpu.memory_space<vmem>> -> memref<1x128xi32, #tpu.memory_space<vmem>>
        %dma_wait3A_82 = tpu.memref_squeeze %dma_wait3A_81 : memref<1x128xi32, #tpu.memory_space<vmem>> -> memref<128xi32, #tpu.memory_space<vmem>>
        %dma_wait3A_83 = arith.constant 0 : i32
        %dma_wait3A_84 = arith.constant 0 : i32
        %dma_wait3A_85 = tpu.memref_slice %arg2[%dma_wait3A_83, %dma_wait3A_84] : memref<10000x128xf32, #tpu.memory_space<hbm>> -> memref<10000x128xf32, #tpu.memory_space<hbm>>
        %dma_wait3A_86 = tpu.memref_slice %arg11[%dma_wait3A] : memref<2x!tpu.dma_semaphore, #tpu.memory_space<semaphore_mem>> -> memref<1x!tpu.dma_semaphore, #tpu.memory_space<semaphore_mem>>
        %dma_wait3A_87 = tpu.memref_squeeze %dma_wait3A_86 : memref<1x!tpu.dma_semaphore, #tpu.memory_space<semaphore_mem>> -> memref<!tpu.dma_semaphore, #tpu.memory_space<semaphore_mem>>
        tpu.wait_indirect_dma semaphore(%dma_wait3A_87 : memref<!tpu.dma_semaphore, #tpu.memory_space<semaphore_mem>>) src(%dma_wait3A_85 : memref<10000x128xf32, #tpu.memory_space<hbm>>) dst(%dma_wait3A_79 : memref<128x128xf32, #tpu.memory_space<vmem>>)
        %mul3A_88 = arith.constant 2 : i32
        %mul3A_89 = arith.muli %scan3A_42, %mul3A_88 : i32
        %add3A_90 = arith.constant 0 : i32
        %add3A_91 = arith.addi %mul3A_89, %add3A_90 : i32
        "tpu.region"() ({
          %run_scoped3A = tpu.sem_alloc : memref<!tpu.dma_semaphore, #tpu.memory_space<semaphore_mem>>
          %dma_start3A_109 = arith.constant 0 : i32
          %dma_start3A_110 = arith.constant 0 : i32
          %dma_start3A_111 = tpu.memref_slice %arg9[%while3A_13, %dma_start3A_109, %dma_start3A_110] : memref<2x128x128xf32, #tpu.memory_space<vmem>> -> memref<1x128x128xf32, #tpu.memory_space<vmem>>
          %dma_start3A_112 = tpu.memref_squeeze %dma_start3A_111 : memref<1x128x128xf32, #tpu.memory_space<vmem>> -> memref<128x128xf32, #tpu.memory_space<vmem>>
          %dma_start3A_113 = arith.constant 0 : i32
          %dma_start3A_114 = tpu.memref_slice %arg8[%add3A_91, %dma_start3A_113] : memref<8x128xi32, #tpu.memory_space<vmem>> -> memref<1x128xi32, #tpu.memory_space<vmem>>
          %dma_start3A_115 = tpu.memref_squeeze %dma_start3A_114 : memref<1x128xi32, #tpu.memory_space<vmem>> -> memref<128xi32, #tpu.memory_space<vmem>>
          %dma_start3A_116 = arith.constant 0 : i32
          %dma_start3A_117 = arith.constant 0 : i32
          %dma_start3A_118 = tpu.memref_slice %arg10[%dma_start3A_116, %dma_start3A_117] : memref<10240x128xf32, #tpu.memory_space<vmem_shared>> -> memref<10240x128xf32, #tpu.memory_space<vmem_shared>>
          tpu.enqueue_indirect_dma source(%dma_start3A_112 : memref<128x128xf32, #tpu.memory_space<vmem>>) target(%dma_start3A_118 : memref<10240x128xf32, #tpu.memory_space<vmem_shared>>) offsets(%dma_start3A_115 : memref<128xi32, #tpu.memory_space<vmem>>) semaphore(%run_scoped3A : memref<!tpu.dma_semaphore, #tpu.memory_space<semaphore_mem>>) {add = true}
          %dma_wait3A_119 = arith.constant 0 : i32
          %dma_wait3A_120 = arith.constant 0 : i32
          %dma_wait3A_121 = tpu.memref_slice %arg9[%while3A_13, %dma_wait3A_119, %dma_wait3A_120] : memref<2x128x128xf32, #tpu.memory_space<vmem>> -> memref<1x128x128xf32, #tpu.memory_space<vmem>>
          %dma_wait3A_122 = tpu.memref_squeeze %dma_wait3A_121 : memref<1x128x128xf32, #tpu.memory_space<vmem>> -> memref<128x128xf32, #tpu.memory_space<vmem>>
          %dma_wait3A_123 = arith.constant 0 : i32
          %dma_wait3A_124 = tpu.memref_slice %arg8[%add3A_91, %dma_wait3A_123] : memref<8x128xi32, #tpu.memory_space<vmem>> -> memref<1x128xi32, #tpu.memory_space<vmem>>
          %dma_wait3A_125 = tpu.memref_squeeze %dma_wait3A_124 : memref<1x128xi32, #tpu.memory_space<vmem>> -> memref<128xi32, #tpu.memory_space<vmem>>
          %dma_wait3A_126 = arith.constant 0 : i32
          %dma_wait3A_127 = arith.constant 0 : i32
          %dma_wait3A_128 = tpu.memref_slice %arg10[%dma_wait3A_126, %dma_wait3A_127] : memref<10240x128xf32, #tpu.memory_space<vmem_shared>> -> memref<10240x128xf32, #tpu.memory_space<vmem_shared>>
          tpu.wait_indirect_dma semaphore(%run_scoped3A : memref<!tpu.dma_semaphore, #tpu.memory_space<semaphore_mem>>) src(%dma_wait3A_122 : memref<128x128xf32, #tpu.memory_space<vmem>>) dst(%dma_wait3A_128 : memref<10240x128xf32, #tpu.memory_space<vmem_shared>>)
          tpu.yield
        }) : () -> ()
        %dma_wait3A_92 = arith.constant 1 : i32
        %dma_wait3A_93 = arith.constant 0 : i32
        %dma_wait3A_94 = arith.constant 0 : i32
        %dma_wait3A_95 = tpu.memref_slice %arg9[%while3A_14, %dma_wait3A_93, %dma_wait3A_94] : memref<2x128x128xf32, #tpu.memory_space<vmem>> -> memref<1x128x128xf32, #tpu.memory_space<vmem>>
        %dma_wait3A_96 = tpu.memref_squeeze %dma_wait3A_95 : memref<1x128x128xf32, #tpu.memory_space<vmem>> -> memref<128x128xf32, #tpu.memory_space<vmem>>
        %dma_wait3A_97 = arith.constant 0 : i32
        %dma_wait3A_98 = tpu.memref_slice %arg7[%add3A_62, %dma_wait3A_97] : memref<8x128xi32, #tpu.memory_space<vmem>> -> memref<1x128xi32, #tpu.memory_space<vmem>>
        %dma_wait3A_99 = tpu.memref_squeeze %dma_wait3A_98 : memref<1x128xi32, #tpu.memory_space<vmem>> -> memref<128xi32, #tpu.memory_space<vmem>>
        %dma_wait3A_100 = arith.constant 0 : i32
        %dma_wait3A_101 = arith.constant 0 : i32
        %dma_wait3A_102 = tpu.memref_slice %arg2[%dma_wait3A_100, %dma_wait3A_101] : memref<10000x128xf32, #tpu.memory_space<hbm>> -> memref<10000x128xf32, #tpu.memory_space<hbm>>
        %dma_wait3A_103 = tpu.memref_slice %arg11[%dma_wait3A_92] : memref<2x!tpu.dma_semaphore, #tpu.memory_space<semaphore_mem>> -> memref<1x!tpu.dma_semaphore, #tpu.memory_space<semaphore_mem>>
        %dma_wait3A_104 = tpu.memref_squeeze %dma_wait3A_103 : memref<1x!tpu.dma_semaphore, #tpu.memory_space<semaphore_mem>> -> memref<!tpu.dma_semaphore, #tpu.memory_space<semaphore_mem>>
        tpu.wait_indirect_dma semaphore(%dma_wait3A_104 : memref<!tpu.dma_semaphore, #tpu.memory_space<semaphore_mem>>) src(%dma_wait3A_102 : memref<10000x128xf32, #tpu.memory_space<hbm>>) dst(%dma_wait3A_96 : memref<128x128xf32, #tpu.memory_space<vmem>>)
        %mul3A_105 = arith.constant 2 : i32
        %mul3A_106 = arith.muli %scan3A_42, %mul3A_105 : i32
        %add3A_107 = arith.constant 1 : i32
        %add3A_108 = arith.addi %mul3A_106, %add3A_107 : i32
        "tpu.region"() ({
          %run_scoped3A = tpu.sem_alloc : memref<!tpu.dma_semaphore, #tpu.memory_space<semaphore_mem>>
          %dma_start3A_109 = arith.constant 0 : i32
          %dma_start3A_110 = arith.constant 0 : i32
          %dma_start3A_111 = tpu.memref_slice %arg9[%while3A_14, %dma_start3A_109, %dma_start3A_110] : memref<2x128x128xf32, #tpu.memory_space<vmem>> -> memref<1x128x128xf32, #tpu.memory_space<vmem>>
          %dma_start3A_112 = tpu.memref_squeeze %dma_start3A_111 : memref<1x128x128xf32, #tpu.memory_space<vmem>> -> memref<128x128xf32, #tpu.memory_space<vmem>>
          %dma_start3A_113 = arith.constant 0 : i32
          %dma_start3A_114 = tpu.memref_slice %arg8[%add3A_108, %dma_start3A_113] : memref<8x128xi32, #tpu.memory_space<vmem>> -> memref<1x128xi32, #tpu.memory_space<vmem>>
          %dma_start3A_115 = tpu.memref_squeeze %dma_start3A_114 : memref<1x128xi32, #tpu.memory_space<vmem>> -> memref<128xi32, #tpu.memory_space<vmem>>
          %dma_start3A_116 = arith.constant 0 : i32
          %dma_start3A_117 = arith.constant 0 : i32
          %dma_start3A_118 = tpu.memref_slice %arg10[%dma_start3A_116, %dma_start3A_117] : memref<10240x128xf32, #tpu.memory_space<vmem_shared>> -> memref<10240x128xf32, #tpu.memory_space<vmem_shared>>
          tpu.enqueue_indirect_dma source(%dma_start3A_112 : memref<128x128xf32, #tpu.memory_space<vmem>>) target(%dma_start3A_118 : memref<10240x128xf32, #tpu.memory_space<vmem_shared>>) offsets(%dma_start3A_115 : memref<128xi32, #tpu.memory_space<vmem>>) semaphore(%run_scoped3A : memref<!tpu.dma_semaphore, #tpu.memory_space<semaphore_mem>>) {add = true}
          %dma_wait3A_119 = arith.constant 0 : i32
          %dma_wait3A_120 = arith.constant 0 : i32
          %dma_wait3A_121 = tpu.memref_slice %arg9[%while3A_14, %dma_wait3A_119, %dma_wait3A_120] : memref<2x128x128xf32, #tpu.memory_space<vmem>> -> memref<1x128x128xf32, #tpu.memory_space<vmem>>
          %dma_wait3A_122 = tpu.memref_squeeze %dma_wait3A_121 : memref<1x128x128xf32, #tpu.memory_space<vmem>> -> memref<128x128xf32, #tpu.memory_space<vmem>>
          %dma_wait3A_123 = arith.constant 0 : i32
          %dma_wait3A_124 = tpu.memref_slice %arg8[%add3A_108, %dma_wait3A_123] : memref<8x128xi32, #tpu.memory_space<vmem>> -> memref<1x128xi32, #tpu.memory_space<vmem>>
          %dma_wait3A_125 = tpu.memref_squeeze %dma_wait3A_124 : memref<1x128xi32, #tpu.memory_space<vmem>> -> memref<128xi32, #tpu.memory_space<vmem>>
          %dma_wait3A_126 = arith.constant 0 : i32
          %dma_wait3A_127 = arith.constant 0 : i32
          %dma_wait3A_128 = tpu.memref_slice %arg10[%dma_wait3A_126, %dma_wait3A_127] : memref<10240x128xf32, #tpu.memory_space<vmem_shared>> -> memref<10240x128xf32, #tpu.memory_space<vmem_shared>>
          tpu.wait_indirect_dma semaphore(%run_scoped3A : memref<!tpu.dma_semaphore, #tpu.memory_space<semaphore_mem>>) src(%dma_wait3A_122 : memref<128x128xf32, #tpu.memory_space<vmem>>) dst(%dma_wait3A_128 : memref<10240x128xf32, #tpu.memory_space<vmem_shared>>)
          tpu.yield
        }) : () -> ()
      }
      %scan3A_41 = arith.constant 4 : i32
    }
    %barrier3A_24 = arith.constant 0 : index
    tpu.barrier barrier_id(%barrier3A_24)
    %mul3A_25 = arith.constant 624 : i32
    %mul3A_26 = arith.muli %arg1, %mul3A_25 : i32
    %mul3A_27 = arith.constant 10000 : i32
    %mul3A_28 = arith.muli %arg0, %mul3A_27 : i32
    %add3A_29 = arith.addi %mul3A_28, %mul3A_26 : i32
    "tpu.region"() ({
      %run_scoped3A = tpu.sem_alloc : memref<!tpu.dma_semaphore, #tpu.memory_space<semaphore_mem>>
      %dma_start3A = arith.constant 0 : i32
      %dma_start3A_33 = tpu.memref_slice %arg6[%add3A_29, %dma_start3A] : memref<20000x128xf32, #tpu.memory_space<hbm>> -> memref<624x128xf32, #tpu.memory_space<hbm>>
      %dma_start3A_34 = arith.constant 0 : i32
      %dma_start3A_35 = tpu.memref_slice %arg10[%mul3A_26, %dma_start3A_34] : memref<10240x128xf32, #tpu.memory_space<vmem_shared>> -> memref<624x128xf32, #tpu.memory_space<vmem_shared>>
      tpu.enqueue_dma source(%dma_start3A_35 : memref<624x128xf32, #tpu.memory_space<vmem_shared>>) target(%dma_start3A_33 : memref<624x128xf32, #tpu.memory_space<hbm>>) target_semaphore(%run_scoped3A : memref<!tpu.dma_semaphore, #tpu.memory_space<semaphore_mem>>)
      %dma_wait3A = arith.constant 0 : i32
      %dma_wait3A_36 = tpu.memref_slice %arg6[%add3A_29, %dma_wait3A] : memref<20000x128xf32, #tpu.memory_space<hbm>> -> memref<624x128xf32, #tpu.memory_space<hbm>>
      %dma_wait3A_37 = arith.constant 0 : i32
      %dma_wait3A_38 = tpu.memref_slice %arg10[%mul3A_26, %dma_wait3A_37] : memref<10240x128xf32, #tpu.memory_space<vmem_shared>> -> memref<624x128xf32, #tpu.memory_space<vmem_shared>>
      tpu.wait_dma2 semaphore(%run_scoped3A : memref<!tpu.dma_semaphore, #tpu.memory_space<semaphore_mem>>) src(%dma_wait3A_38 : memref<624x128xf32, #tpu.memory_space<vmem_shared>>) dst(%dma_wait3A_36 : memref<624x128xf32, #tpu.memory_space<hbm>>)
      tpu.yield
    }) : () -> ()
    %eq3A_30 = arith.constant 0 : i32
    %eq3A_31 = arith.cmpi eq, %arg1, %eq3A_30 : i32
    %convert_element_type3A = arith.extui %eq3A_31 : i1 to i32
    %cond3A = arith.constant 0 : i32
    %cond3A_32 = arith.cmpi ne, %convert_element_type3A, %cond3A : i32
    scf.if %cond3A_32 {
      %mul3A_33 = arith.constant 10000 : i32
      %mul3A_34 = arith.muli %arg0, %mul3A_33 : i32
      %add3A_35 = arith.constant 9984 : i32
      %add3A_36 = arith.addi %mul3A_34, %add3A_35 : i32
      "tpu.region"() ({
        %run_scoped3A = tpu.sem_alloc : memref<!tpu.dma_semaphore, #tpu.memory_space<semaphore_mem>>
        %dma_start3A = arith.constant 0 : i32
        %dma_start3A_37 = tpu.memref_slice %arg6[%add3A_36, %dma_start3A] : memref<20000x128xf32, #tpu.memory_space<hbm>> -> memref<16x128xf32, #tpu.memory_space<hbm>>
        %dma_start3A_38 = arith.constant 9984 : i32
        %dma_start3A_39 = arith.constant 0 : i32
        %dma_start3A_40 = tpu.memref_slice %arg10[%dma_start3A_38, %dma_start3A_39] : memref<10240x128xf32, #tpu.memory_space<vmem_shared>> -> memref<16x128xf32, #tpu.memory_space<vmem_shared>>
        tpu.enqueue_dma source(%dma_start3A_40 : memref<16x128xf32, #tpu.memory_space<vmem_shared>>) target(%dma_start3A_37 : memref<16x128xf32, #tpu.memory_space<hbm>>) target_semaphore(%run_scoped3A : memref<!tpu.dma_semaphore, #tpu.memory_space<semaphore_mem>>)
        %dma_wait3A = arith.constant 0 : i32
        %dma_wait3A_41 = tpu.memref_slice %arg6[%add3A_36, %dma_wait3A] : memref<20000x128xf32, #tpu.memory_space<hbm>> -> memref<16x128xf32, #tpu.memory_space<hbm>>
        %dma_wait3A_42 = arith.constant 9984 : i32
        %dma_wait3A_43 = arith.constant 0 : i32
        %dma_wait3A_44 = tpu.memref_slice %arg10[%dma_wait3A_42, %dma_wait3A_43] : memref<10240x128xf32, #tpu.memory_space<vmem_shared>> -> memref<16x128xf32, #tpu.memory_space<vmem_shared>>
        tpu.wait_dma2 semaphore(%run_scoped3A : memref<!tpu.dma_semaphore, #tpu.memory_space<semaphore_mem>>) src(%dma_wait3A_44 : memref<16x128xf32, #tpu.memory_space<vmem_shared>>) dst(%dma_wait3A_41 : memref<16x128xf32, #tpu.memory_space<hbm>>)
        tpu.yield
      }) : () -> ()
    } else {
    }
    return
  }
}

#map = affine_map<(d0, d1) -> (0, 0)>
module attributes {stable_mosaic.version = 14 : i64} {
  func.func @ksc(%arg0: i32, %arg1: i32, %arg2: memref<10000x128xf32, #tpu.memory_space<hbm>>, %arg3: memref<2560x128xi32, #tpu.memory_space<hbm>>, %arg4: memref<2560x128xi32, #tpu.memory_space<hbm>>, %arg5: memref<10240x128xf32, #tpu.memory_space<hbm>>, %arg6: memref<20000x128xf32, #tpu.memory_space<hbm>>, %arg7: memref<8x128xi32, #tpu.memory_space<vmem>>, %arg8: memref<8x128xi32, #tpu.memory_space<vmem>>, %arg9: memref<2x128x128xf32, #tpu.memory_space<vmem>>, %arg10: memref<10240x128xf32, #tpu.memory_space<vmem_shared>>, %arg11: memref<2x!tpu.dma_semaphore, #tpu.memory_space<semaphore_mem>>) attributes {dimension_semantics = [#tpu.dimension_semantics<core_parallel>, #tpu.dimension_semantics<subcore_parallel>], iteration_bounds = array<i64: 2, 16>, scalar_prefetch = 0 : i64, scratch_operands = 5 : i64, tpu.core_type = #tpu.core_type<sc_vector_subcore>, window_params = [{transform_indices = #map}, {transform_indices = #map}, {transform_indices = #map}, {transform_indices = #map}, {transform_indices = #map}]} {
    %eq3A = arith.constant 0 : i32
    %eq3A_0 = arith.cmpi eq, %arg0, %eq3A : i32
    %mul3A = arith.constant 120 : i32
    %mul3A_1 = arith.muli %arg1, %mul3A : i32
    %mul3A_2 = arith.constant 40 : i32
    %mul3A_3 = arith.muli %arg1, %mul3A_2 : i32
    %add3A = arith.constant 1920 : i32
    %add3A_4 = arith.addi %add3A, %mul3A_3 : i32
    %select_n3A = arith.select %eq3A_0, %mul3A_1, %add3A_4 : i32
    %eq3A_5 = arith.constant 0 : i32
    %eq3A_6 = arith.cmpi eq, %arg0, %eq3A_5 : i32
    %jit3A = arith.constant 15 : i32
    %jit3A_7 = arith.constant 5 : i32
    %select_n3A_8 = arith.select %eq3A_6, %jit3A, %jit3A_7 : i32
    %mul3A_9 = arith.constant 640 : i32
    %mul3A_10 = arith.muli %arg1, %mul3A_9 : i32
    %mul3A_11 = arith.constant 640 : i32
    %mul3A_12 = arith.muli %arg1, %mul3A_11 : i32
    "tpu.region"() ({
      %run_scoped3A = tpu.sem_alloc : memref<!tpu.dma_semaphore, #tpu.memory_space<semaphore_mem>>
      %dma_start3A = arith.constant 0 : i32
      %dma_start3A_33 = tpu.memref_slice %arg10[%mul3A_12, %dma_start3A] : memref<10240x128xf32, #tpu.memory_space<vmem_shared>> -> memref<640x128xf32, #tpu.memory_space<vmem_shared>>
      %dma_start3A_34 = arith.constant 0 : i32
      %dma_start3A_35 = tpu.memref_slice %arg5[%mul3A_10, %dma_start3A_34] : memref<10240x128xf32, #tpu.memory_space<hbm>> -> memref<640x128xf32, #tpu.memory_space<hbm>>
      tpu.enqueue_dma source(%dma_start3A_35 : memref<640x128xf32, #tpu.memory_space<hbm>>) target(%dma_start3A_33 : memref<640x128xf32, #tpu.memory_space<vmem_shared>>) target_semaphore(%run_scoped3A : memref<!tpu.dma_semaphore, #tpu.memory_space<semaphore_mem>>)
      %dma_wait3A = arith.constant 0 : i32
      %dma_wait3A_36 = tpu.memref_slice %arg10[%mul3A_12, %dma_wait3A] : memref<10240x128xf32, #tpu.memory_space<vmem_shared>> -> memref<640x128xf32, #tpu.memory_space<vmem_shared>>
      %dma_wait3A_37 = arith.constant 0 : i32
      %dma_wait3A_38 = tpu.memref_slice %arg5[%mul3A_10, %dma_wait3A_37] : memref<10240x128xf32, #tpu.memory_space<hbm>> -> memref<640x128xf32, #tpu.memory_space<hbm>>
      tpu.wait_dma2 semaphore(%run_scoped3A : memref<!tpu.dma_semaphore, #tpu.memory_space<semaphore_mem>>) src(%dma_wait3A_38 : memref<640x128xf32, #tpu.memory_space<hbm>>) dst(%dma_wait3A_36 : memref<640x128xf32, #tpu.memory_space<vmem_shared>>)
      tpu.yield
    }) : () -> ()
    %barrier3A = arith.constant 0 : index
    tpu.barrier barrier_id(%barrier3A)
    %while3A = arith.constant 0 : i32
    %while3A_13 = arith.constant 0 : i32
    %while3A_14 = arith.constant 1 : i32
    %while3A_15 = arith.constant 0 : i32
    %while3A_16 = arith.subi %select_n3A_8, %while3A_15 : i32
    %while3A_17 = arith.addi %while3A_15, %while3A_16 : i32
    %while3A_18 = arith.constant 1 : i32
    %while3A_19 = arith.divsi %while3A_16, %while3A_18 : i32
    %while3A_20 = arith.muli %while3A_19, %while3A_18 : i32
    %while3A_21 = arith.addi %while3A_15, %while3A_20 : i32
    %while3A_22 = arith.constant 1 : i32
    scf.for %while3A_33 = %while3A_15 to %while3A_21 step %while3A_22  : i32 {
      %mul3A_34 = arith.constant 8 : i32
      %mul3A_35 = arith.muli %while3A_33, %mul3A_34 : i32
      %add3A_36 = arith.addi %select_n3A, %mul3A_35 : i32
      "tpu.region"() ({
        %run_scoped3A = tpu.sem_alloc : memref<!tpu.dma_semaphore, #tpu.memory_space<semaphore_mem>>
        %dma_start3A = arith.constant 0 : i32
        %dma_start3A_42 = tpu.memref_slice %arg3[%add3A_36, %dma_start3A] : memref<2560x128xi32, #tpu.memory_space<hbm>> -> memref<8x128xi32, #tpu.memory_space<hbm>>
        %dma_start3A_43 = arith.constant 0 : i32
        %dma_start3A_44 = tpu.memref_slice %arg3[%add3A_36, %dma_start3A_43] : memref<2560x128xi32, #tpu.memory_space<hbm>> -> memref<8x128xi32, #tpu.memory_space<hbm>>
        tpu.enqueue_dma source(%dma_start3A_44 : memref<8x128xi32, #tpu.memory_space<hbm>>) target(%arg7 : memref<8x128xi32, #tpu.memory_space<vmem>>) target_semaphore(%run_scoped3A : memref<!tpu.dma_semaphore, #tpu.memory_space<semaphore_mem>>)
        %dma_wait3A = arith.constant 0 : i32
        %dma_wait3A_45 = tpu.memref_slice %arg3[%add3A_36, %dma_wait3A] : memref<2560x128xi32, #tpu.memory_space<hbm>> -> memref<8x128xi32, #tpu.memory_space<hbm>>
        %dma_wait3A_46 = arith.constant 0 : i32
        %dma_wait3A_47 = tpu.memref_slice %arg3[%add3A_36, %dma_wait3A_46] : memref<2560x128xi32, #tpu.memory_space<hbm>> -> memref<8x128xi32, #tpu.memory_space<hbm>>
        tpu.wait_dma2 semaphore(%run_scoped3A : memref<!tpu.dma_semaphore, #tpu.memory_space<semaphore_mem>>) src(%dma_wait3A_47 : memref<8x128xi32, #tpu.memory_space<hbm>>) dst(%arg7 : memref<8x128xi32, #tpu.memory_space<vmem>>)
        tpu.yield
      }) : () -> ()
      "tpu.region"() ({
        %run_scoped3A = tpu.sem_alloc : memref<!tpu.dma_semaphore, #tpu.memory_space<semaphore_mem>>
        %dma_start3A = arith.constant 0 : i32
        %dma_start3A_42 = tpu.memref_slice %arg4[%add3A_36, %dma_start3A] : memref<2560x128xi32, #tpu.memory_space<hbm>> -> memref<8x128xi32, #tpu.memory_space<hbm>>
        %dma_start3A_43 = arith.constant 0 : i32
        %dma_start3A_44 = tpu.memref_slice %arg4[%add3A_36, %dma_start3A_43] : memref<2560x128xi32, #tpu.memory_space<hbm>> -> memref<8x128xi32, #tpu.memory_space<hbm>>
        tpu.enqueue_dma source(%dma_start3A_44 : memref<8x128xi32, #tpu.memory_space<hbm>>) target(%arg8 : memref<8x128xi32, #tpu.memory_space<vmem>>) target_semaphore(%run_scoped3A : memref<!tpu.dma_semaphore, #tpu.memory_space<semaphore_mem>>)
        %dma_wait3A = arith.constant 0 : i32
        %dma_wait3A_45 = tpu.memref_slice %arg4[%add3A_36, %dma_wait3A] : memref<2560x128xi32, #tpu.memory_space<hbm>> -> memref<8x128xi32, #tpu.memory_space<hbm>>
        %dma_wait3A_46 = arith.constant 0 : i32
        %dma_wait3A_47 = tpu.memref_slice %arg4[%add3A_36, %dma_wait3A_46] : memref<2560x128xi32, #tpu.memory_space<hbm>> -> memref<8x128xi32, #tpu.memory_space<hbm>>
        tpu.wait_dma2 semaphore(%run_scoped3A : memref<!tpu.dma_semaphore, #tpu.memory_space<semaphore_mem>>) src(%dma_wait3A_47 : memref<8x128xi32, #tpu.memory_space<hbm>>) dst(%arg8 : memref<8x128xi32, #tpu.memory_space<vmem>>)
        tpu.yield
      }) : () -> ()
      %scan3A = arith.constant 0 : i32
      %scan3A_37 = arith.constant 0 : i32
      %scan3A_38 = arith.constant 4 : i32
      %scan3A_39 = arith.addi %scan3A_37, %scan3A_38 : i32
      %scan3A_40 = arith.constant 1 : i32
      scf.for %scan3A_42 = %scan3A_37 to %scan3A_39 step %scan3A_40  : i32 {
        %mul3A_43 = arith.constant 2 : i32
        %mul3A_44 = arith.muli %scan3A_42, %mul3A_43 : i32
        %add3A_45 = arith.constant 0 : i32
        %add3A_46 = arith.addi %mul3A_44, %add3A_45 : i32
        %dma_start3A = arith.constant 0 : i32
        %dma_start3A_47 = arith.constant 0 : i32
        %dma_start3A_48 = arith.constant 0 : i32
        %dma_start3A_49 = tpu.memref_slice %arg9[%while3A_13, %dma_start3A_47, %dma_start3A_48] : memref<2x128x128xf32, #tpu.memory_space<vmem>> -> memref<1x128x128xf32, #tpu.memory_space<vmem>>
        %dma_start3A_50 = tpu.memref_squeeze %dma_start3A_49 : memref<1x128x128xf32, #tpu.memory_space<vmem>> -> memref<128x128xf32, #tpu.memory_space<vmem>>
        %dma_start3A_51 = arith.constant 0 : i32
        %dma_start3A_52 = tpu.memref_slice %arg7[%add3A_46, %dma_start3A_51] : memref<8x128xi32, #tpu.memory_space<vmem>> -> memref<1x128xi32, #tpu.memory_space<vmem>>
        %dma_start3A_53 = tpu.memref_squeeze %dma_start3A_52 : memref<1x128xi32, #tpu.memory_space<vmem>> -> memref<128xi32, #tpu.memory_space<vmem>>
        %dma_start3A_54 = arith.constant 0 : i32
        %dma_start3A_55 = arith.constant 0 : i32
        %dma_start3A_56 = tpu.memref_slice %arg2[%dma_start3A_54, %dma_start3A_55] : memref<10000x128xf32, #tpu.memory_space<hbm>> -> memref<10000x128xf32, #tpu.memory_space<hbm>>
        %dma_start3A_57 = tpu.memref_slice %arg11[%dma_start3A] : memref<2x!tpu.dma_semaphore, #tpu.memory_space<semaphore_mem>> -> memref<1x!tpu.dma_semaphore, #tpu.memory_space<semaphore_mem>>
        %dma_start3A_58 = tpu.memref_squeeze %dma_start3A_57 : memref<1x!tpu.dma_semaphore, #tpu.memory_space<semaphore_mem>> -> memref<!tpu.dma_semaphore, #tpu.memory_space<semaphore_mem>>
        tpu.enqueue_indirect_dma source(%dma_start3A_56 : memref<10000x128xf32, #tpu.memory_space<hbm>>) target(%dma_start3A_50 : memref<128x128xf32, #tpu.memory_space<vmem>>) offsets(%dma_start3A_53 : memref<128xi32, #tpu.memory_space<vmem>>) semaphore(%dma_start3A_58 : memref<!tpu.dma_semaphore, #tpu.memory_space<semaphore_mem>>)
        %mul3A_59 = arith.constant 2 : i32
        %mul3A_60 = arith.muli %scan3A_42, %mul3A_59 : i32
        %add3A_61 = arith.constant 1 : i32
        %add3A_62 = arith.addi %mul3A_60, %add3A_61 : i32
        %dma_start3A_63 = arith.constant 1 : i32
        %dma_start3A_64 = arith.constant 0 : i32
        %dma_start3A_65 = arith.constant 0 : i32
        %dma_start3A_66 = tpu.memref_slice %arg9[%while3A_14, %dma_start3A_64, %dma_start3A_65] : memref<2x128x128xf32, #tpu.memory_space<vmem>> -> memref<1x128x128xf32, #tpu.memory_space<vmem>>
        %dma_start3A_67 = tpu.memref_squeeze %dma_start3A_66 : memref<1x128x128xf32, #tpu.memory_space<vmem>> -> memref<128x128xf32, #tpu.memory_space<vmem>>
        %dma_start3A_68 = arith.constant 0 : i32
        %dma_start3A_69 = tpu.memref_slice %arg7[%add3A_62, %dma_start3A_68] : memref<8x128xi32, #tpu.memory_space<vmem>> -> memref<1x128xi32, #tpu.memory_space<vmem>>
        %dma_start3A_70 = tpu.memref_squeeze %dma_start3A_69 : memref<1x128xi32, #tpu.memory_space<vmem>> -> memref<128xi32, #tpu.memory_space<vmem>>
        %dma_start3A_71 = arith.constant 0 : i32
        %dma_start3A_72 = arith.constant 0 : i32
        %dma_start3A_73 = tpu.memref_slice %arg2[%dma_start3A_71, %dma_start3A_72] : memref<10000x128xf32, #tpu.memory_space<hbm>> -> memref<10000x128xf32, #tpu.memory_space<hbm>>
        %dma_start3A_74 = tpu.memref_slice %arg11[%dma_start3A_63] : memref<2x!tpu.dma_semaphore, #tpu.memory_space<semaphore_mem>> -> memref<1x!tpu.dma_semaphore, #tpu.memory_space<semaphore_mem>>
        %dma_start3A_75 = tpu.memref_squeeze %dma_start3A_74 : memref<1x!tpu.dma_semaphore, #tpu.memory_space<semaphore_mem>> -> memref<!tpu.dma_semaphore, #tpu.memory_space<semaphore_mem>>
        tpu.enqueue_indirect_dma source(%dma_start3A_73 : memref<10000x128xf32, #tpu.memory_space<hbm>>) target(%dma_start3A_67 : memref<128x128xf32, #tpu.memory_space<vmem>>) offsets(%dma_start3A_70 : memref<128xi32, #tpu.memory_space<vmem>>) semaphore(%dma_start3A_75 : memref<!tpu.dma_semaphore, #tpu.memory_space<semaphore_mem>>)
        %dma_wait3A = arith.constant 0 : i32
        %dma_wait3A_76 = arith.constant 0 : i32
        %dma_wait3A_77 = arith.constant 0 : i32
        %dma_wait3A_78 = tpu.memref_slice %arg9[%while3A_13, %dma_wait3A_76, %dma_wait3A_77] : memref<2x128x128xf32, #tpu.memory_space<vmem>> -> memref<1x128x128xf32, #tpu.memory_space<vmem>>
        %dma_wait3A_79 = tpu.memref_squeeze %dma_wait3A_78 : memref<1x128x128xf32, #tpu.memory_space<vmem>> -> memref<128x128xf32, #tpu.memory_space<vmem>>
        %dma_wait3A_80 = arith.constant 0 : i32
        %dma_wait3A_81 = tpu.memref_slice %arg7[%add3A_46, %dma_wait3A_80] : memref<8x128xi32, #tpu.memory_space<vmem>> -> memref<1x128xi32, #tpu.memory_space<vmem>>
        %dma_wait3A_82 = tpu.memref_squeeze %dma_wait3A_81 : memref<1x128xi32, #tpu.memory_space<vmem>> -> memref<128xi32, #tpu.memory_space<vmem>>
        %dma_wait3A_83 = arith.constant 0 : i32
        %dma_wait3A_84 = arith.constant 0 : i32
        %dma_wait3A_85 = tpu.memref_slice %arg2[%dma_wait3A_83, %dma_wait3A_84] : memref<10000x128xf32, #tpu.memory_space<hbm>> -> memref<10000x128xf32, #tpu.memory_space<hbm>>
        %dma_wait3A_86 = tpu.memref_slice %arg11[%dma_wait3A] : memref<2x!tpu.dma_semaphore, #tpu.memory_space<semaphore_mem>> -> memref<1x!tpu.dma_semaphore, #tpu.memory_space<semaphore_mem>>
        %dma_wait3A_87 = tpu.memref_squeeze %dma_wait3A_86 : memref<1x!tpu.dma_semaphore, #tpu.memory_space<semaphore_mem>> -> memref<!tpu.dma_semaphore, #tpu.memory_space<semaphore_mem>>
        tpu.wait_indirect_dma semaphore(%dma_wait3A_87 : memref<!tpu.dma_semaphore, #tpu.memory_space<semaphore_mem>>) src(%dma_wait3A_85 : memref<10000x128xf32, #tpu.memory_space<hbm>>) dst(%dma_wait3A_79 : memref<128x128xf32, #tpu.memory_space<vmem>>)
        %mul3A_88 = arith.constant 2 : i32
        %mul3A_89 = arith.muli %scan3A_42, %mul3A_88 : i32
        %add3A_90 = arith.constant 0 : i32
        %add3A_91 = arith.addi %mul3A_89, %add3A_90 : i32
        "tpu.region"() ({
          %run_scoped3A = tpu.sem_alloc : memref<!tpu.dma_semaphore, #tpu.memory_space<semaphore_mem>>
          %dma_start3A_109 = arith.constant 0 : i32
          %dma_start3A_110 = arith.constant 0 : i32
          %dma_start3A_111 = tpu.memref_slice %arg9[%while3A_13, %dma_start3A_109, %dma_start3A_110] : memref<2x128x128xf32, #tpu.memory_space<vmem>> -> memref<1x128x128xf32, #tpu.memory_space<vmem>>
          %dma_start3A_112 = tpu.memref_squeeze %dma_start3A_111 : memref<1x128x128xf32, #tpu.memory_space<vmem>> -> memref<128x128xf32, #tpu.memory_space<vmem>>
          %dma_start3A_113 = arith.constant 0 : i32
          %dma_start3A_114 = tpu.memref_slice %arg8[%add3A_91, %dma_start3A_113] : memref<8x128xi32, #tpu.memory_space<vmem>> -> memref<1x128xi32, #tpu.memory_space<vmem>>
          %dma_start3A_115 = tpu.memref_squeeze %dma_start3A_114 : memref<1x128xi32, #tpu.memory_space<vmem>> -> memref<128xi32, #tpu.memory_space<vmem>>
          %dma_start3A_116 = arith.constant 0 : i32
          %dma_start3A_117 = arith.constant 0 : i32
          %dma_start3A_118 = tpu.memref_slice %arg10[%dma_start3A_116, %dma_start3A_117] : memref<10240x128xf32, #tpu.memory_space<vmem_shared>> -> memref<10240x128xf32, #tpu.memory_space<vmem_shared>>
          tpu.enqueue_indirect_dma source(%dma_start3A_112 : memref<128x128xf32, #tpu.memory_space<vmem>>) target(%dma_start3A_118 : memref<10240x128xf32, #tpu.memory_space<vmem_shared>>) offsets(%dma_start3A_115 : memref<128xi32, #tpu.memory_space<vmem>>) semaphore(%run_scoped3A : memref<!tpu.dma_semaphore, #tpu.memory_space<semaphore_mem>>) {add = true}
          %dma_wait3A_119 = arith.constant 0 : i32
          %dma_wait3A_120 = arith.constant 0 : i32
          %dma_wait3A_121 = tpu.memref_slice %arg9[%while3A_13, %dma_wait3A_119, %dma_wait3A_120] : memref<2x128x128xf32, #tpu.memory_space<vmem>> -> memref<1x128x128xf32, #tpu.memory_space<vmem>>
          %dma_wait3A_122 = tpu.memref_squeeze %dma_wait3A_121 : memref<1x128x128xf32, #tpu.memory_space<vmem>> -> memref<128x128xf32, #tpu.memory_space<vmem>>
          %dma_wait3A_123 = arith.constant 0 : i32
          %dma_wait3A_124 = tpu.memref_slice %arg8[%add3A_91, %dma_wait3A_123] : memref<8x128xi32, #tpu.memory_space<vmem>> -> memref<1x128xi32, #tpu.memory_space<vmem>>
          %dma_wait3A_125 = tpu.memref_squeeze %dma_wait3A_124 : memref<1x128xi32, #tpu.memory_space<vmem>> -> memref<128xi32, #tpu.memory_space<vmem>>
          %dma_wait3A_126 = arith.constant 0 : i32
          %dma_wait3A_127 = arith.constant 0 : i32
          %dma_wait3A_128 = tpu.memref_slice %arg10[%dma_wait3A_126, %dma_wait3A_127] : memref<10240x128xf32, #tpu.memory_space<vmem_shared>> -> memref<10240x128xf32, #tpu.memory_space<vmem_shared>>
          tpu.wait_indirect_dma semaphore(%run_scoped3A : memref<!tpu.dma_semaphore, #tpu.memory_space<semaphore_mem>>) src(%dma_wait3A_122 : memref<128x128xf32, #tpu.memory_space<vmem>>) dst(%dma_wait3A_128 : memref<10240x128xf32, #tpu.memory_space<vmem_shared>>)
          tpu.yield
        }) : () -> ()
        %dma_wait3A_92 = arith.constant 1 : i32
        %dma_wait3A_93 = arith.constant 0 : i32
        %dma_wait3A_94 = arith.constant 0 : i32
        %dma_wait3A_95 = tpu.memref_slice %arg9[%while3A_14, %dma_wait3A_93, %dma_wait3A_94] : memref<2x128x128xf32, #tpu.memory_space<vmem>> -> memref<1x128x128xf32, #tpu.memory_space<vmem>>
        %dma_wait3A_96 = tpu.memref_squeeze %dma_wait3A_95 : memref<1x128x128xf32, #tpu.memory_space<vmem>> -> memref<128x128xf32, #tpu.memory_space<vmem>>
        %dma_wait3A_97 = arith.constant 0 : i32
        %dma_wait3A_98 = tpu.memref_slice %arg7[%add3A_62, %dma_wait3A_97] : memref<8x128xi32, #tpu.memory_space<vmem>> -> memref<1x128xi32, #tpu.memory_space<vmem>>
        %dma_wait3A_99 = tpu.memref_squeeze %dma_wait3A_98 : memref<1x128xi32, #tpu.memory_space<vmem>> -> memref<128xi32, #tpu.memory_space<vmem>>
        %dma_wait3A_100 = arith.constant 0 : i32
        %dma_wait3A_101 = arith.constant 0 : i32
        %dma_wait3A_102 = tpu.memref_slice %arg2[%dma_wait3A_100, %dma_wait3A_101] : memref<10000x128xf32, #tpu.memory_space<hbm>> -> memref<10000x128xf32, #tpu.memory_space<hbm>>
        %dma_wait3A_103 = tpu.memref_slice %arg11[%dma_wait3A_92] : memref<2x!tpu.dma_semaphore, #tpu.memory_space<semaphore_mem>> -> memref<1x!tpu.dma_semaphore, #tpu.memory_space<semaphore_mem>>
        %dma_wait3A_104 = tpu.memref_squeeze %dma_wait3A_103 : memref<1x!tpu.dma_semaphore, #tpu.memory_space<semaphore_mem>> -> memref<!tpu.dma_semaphore, #tpu.memory_space<semaphore_mem>>
        tpu.wait_indirect_dma semaphore(%dma_wait3A_104 : memref<!tpu.dma_semaphore, #tpu.memory_space<semaphore_mem>>) src(%dma_wait3A_102 : memref<10000x128xf32, #tpu.memory_space<hbm>>) dst(%dma_wait3A_96 : memref<128x128xf32, #tpu.memory_space<vmem>>)
        %mul3A_105 = arith.constant 2 : i32
        %mul3A_106 = arith.muli %scan3A_42, %mul3A_105 : i32
        %add3A_107 = arith.constant 1 : i32
        %add3A_108 = arith.addi %mul3A_106, %add3A_107 : i32
        "tpu.region"() ({
          %run_scoped3A = tpu.sem_alloc : memref<!tpu.dma_semaphore, #tpu.memory_space<semaphore_mem>>
          %dma_start3A_109 = arith.constant 0 : i32
          %dma_start3A_110 = arith.constant 0 : i32
          %dma_start3A_111 = tpu.memref_slice %arg9[%while3A_14, %dma_start3A_109, %dma_start3A_110] : memref<2x128x128xf32, #tpu.memory_space<vmem>> -> memref<1x128x128xf32, #tpu.memory_space<vmem>>
          %dma_start3A_112 = tpu.memref_squeeze %dma_start3A_111 : memref<1x128x128xf32, #tpu.memory_space<vmem>> -> memref<128x128xf32, #tpu.memory_space<vmem>>
          %dma_start3A_113 = arith.constant 0 : i32
          %dma_start3A_114 = tpu.memref_slice %arg8[%add3A_108, %dma_start3A_113] : memref<8x128xi32, #tpu.memory_space<vmem>> -> memref<1x128xi32, #tpu.memory_space<vmem>>
          %dma_start3A_115 = tpu.memref_squeeze %dma_start3A_114 : memref<1x128xi32, #tpu.memory_space<vmem>> -> memref<128xi32, #tpu.memory_space<vmem>>
          %dma_start3A_116 = arith.constant 0 : i32
          %dma_start3A_117 = arith.constant 0 : i32
          %dma_start3A_118 = tpu.memref_slice %arg10[%dma_start3A_116, %dma_start3A_117] : memref<10240x128xf32, #tpu.memory_space<vmem_shared>> -> memref<10240x128xf32, #tpu.memory_space<vmem_shared>>
          tpu.enqueue_indirect_dma source(%dma_start3A_112 : memref<128x128xf32, #tpu.memory_space<vmem>>) target(%dma_start3A_118 : memref<10240x128xf32, #tpu.memory_space<vmem_shared>>) offsets(%dma_start3A_115 : memref<128xi32, #tpu.memory_space<vmem>>) semaphore(%run_scoped3A : memref<!tpu.dma_semaphore, #tpu.memory_space<semaphore_mem>>) {add = true}
          %dma_wait3A_119 = arith.constant 0 : i32
          %dma_wait3A_120 = arith.constant 0 : i32
          %dma_wait3A_121 = tpu.memref_slice %arg9[%while3A_14, %dma_wait3A_119, %dma_wait3A_120] : memref<2x128x128xf32, #tpu.memory_space<vmem>> -> memref<1x128x128xf32, #tpu.memory_space<vmem>>
          %dma_wait3A_122 = tpu.memref_squeeze %dma_wait3A_121 : memref<1x128x128xf32, #tpu.memory_space<vmem>> -> memref<128x128xf32, #tpu.memory_space<vmem>>
          %dma_wait3A_123 = arith.constant 0 : i32
          %dma_wait3A_124 = tpu.memref_slice %arg8[%add3A_108, %dma_wait3A_123] : memref<8x128xi32, #tpu.memory_space<vmem>> -> memref<1x128xi32, #tpu.memory_space<vmem>>
          %dma_wait3A_125 = tpu.memref_squeeze %dma_wait3A_124 : memref<1x128xi32, #tpu.memory_space<vmem>> -> memref<128xi32, #tpu.memory_space<vmem>>
          %dma_wait3A_126 = arith.constant 0 : i32
          %dma_wait3A_127 = arith.constant 0 : i32
          %dma_wait3A_128 = tpu.memref_slice %arg10[%dma_wait3A_126, %dma_wait3A_127] : memref<10240x128xf32, #tpu.memory_space<vmem_shared>> -> memref<10240x128xf32, #tpu.memory_space<vmem_shared>>
          tpu.wait_indirect_dma semaphore(%run_scoped3A : memref<!tpu.dma_semaphore, #tpu.memory_space<semaphore_mem>>) src(%dma_wait3A_122 : memref<128x128xf32, #tpu.memory_space<vmem>>) dst(%dma_wait3A_128 : memref<10240x128xf32, #tpu.memory_space<vmem_shared>>)
          tpu.yield
        }) : () -> ()
      }
      %scan3A_41 = arith.constant 4 : i32
    }
    %while3A_23 = arith.constant 1 : i32
    scf.for %while3A_33 = %while3A_21 to %while3A_17 step %while3A_23  : i32 {
      %mul3A_34 = arith.constant 8 : i32
      %mul3A_35 = arith.muli %while3A_33, %mul3A_34 : i32
      %add3A_36 = arith.addi %select_n3A, %mul3A_35 : i32
      "tpu.region"() ({
        %run_scoped3A = tpu.sem_alloc : memref<!tpu.dma_semaphore, #tpu.memory_space<semaphore_mem>>
        %dma_start3A = arith.constant 0 : i32
        %dma_start3A_42 = tpu.memref_slice %arg3[%add3A_36, %dma_start3A] : memref<2560x128xi32, #tpu.memory_space<hbm>> -> memref<8x128xi32, #tpu.memory_space<hbm>>
        %dma_start3A_43 = arith.constant 0 : i32
        %dma_start3A_44 = tpu.memref_slice %arg3[%add3A_36, %dma_start3A_43] : memref<2560x128xi32, #tpu.memory_space<hbm>> -> memref<8x128xi32, #tpu.memory_space<hbm>>
        tpu.enqueue_dma source(%dma_start3A_44 : memref<8x128xi32, #tpu.memory_space<hbm>>) target(%arg7 : memref<8x128xi32, #tpu.memory_space<vmem>>) target_semaphore(%run_scoped3A : memref<!tpu.dma_semaphore, #tpu.memory_space<semaphore_mem>>)
        %dma_wait3A = arith.constant 0 : i32
        %dma_wait3A_45 = tpu.memref_slice %arg3[%add3A_36, %dma_wait3A] : memref<2560x128xi32, #tpu.memory_space<hbm>> -> memref<8x128xi32, #tpu.memory_space<hbm>>
        %dma_wait3A_46 = arith.constant 0 : i32
        %dma_wait3A_47 = tpu.memref_slice %arg3[%add3A_36, %dma_wait3A_46] : memref<2560x128xi32, #tpu.memory_space<hbm>> -> memref<8x128xi32, #tpu.memory_space<hbm>>
        tpu.wait_dma2 semaphore(%run_scoped3A : memref<!tpu.dma_semaphore, #tpu.memory_space<semaphore_mem>>) src(%dma_wait3A_47 : memref<8x128xi32, #tpu.memory_space<hbm>>) dst(%arg7 : memref<8x128xi32, #tpu.memory_space<vmem>>)
        tpu.yield
      }) : () -> ()
      "tpu.region"() ({
        %run_scoped3A = tpu.sem_alloc : memref<!tpu.dma_semaphore, #tpu.memory_space<semaphore_mem>>
        %dma_start3A = arith.constant 0 : i32
        %dma_start3A_42 = tpu.memref_slice %arg4[%add3A_36, %dma_start3A] : memref<2560x128xi32, #tpu.memory_space<hbm>> -> memref<8x128xi32, #tpu.memory_space<hbm>>
        %dma_start3A_43 = arith.constant 0 : i32
        %dma_start3A_44 = tpu.memref_slice %arg4[%add3A_36, %dma_start3A_43] : memref<2560x128xi32, #tpu.memory_space<hbm>> -> memref<8x128xi32, #tpu.memory_space<hbm>>
        tpu.enqueue_dma source(%dma_start3A_44 : memref<8x128xi32, #tpu.memory_space<hbm>>) target(%arg8 : memref<8x128xi32, #tpu.memory_space<vmem>>) target_semaphore(%run_scoped3A : memref<!tpu.dma_semaphore, #tpu.memory_space<semaphore_mem>>)
        %dma_wait3A = arith.constant 0 : i32
        %dma_wait3A_45 = tpu.memref_slice %arg4[%add3A_36, %dma_wait3A] : memref<2560x128xi32, #tpu.memory_space<hbm>> -> memref<8x128xi32, #tpu.memory_space<hbm>>
        %dma_wait3A_46 = arith.constant 0 : i32
        %dma_wait3A_47 = tpu.memref_slice %arg4[%add3A_36, %dma_wait3A_46] : memref<2560x128xi32, #tpu.memory_space<hbm>> -> memref<8x128xi32, #tpu.memory_space<hbm>>
        tpu.wait_dma2 semaphore(%run_scoped3A : memref<!tpu.dma_semaphore, #tpu.memory_space<semaphore_mem>>) src(%dma_wait3A_47 : memref<8x128xi32, #tpu.memory_space<hbm>>) dst(%arg8 : memref<8x128xi32, #tpu.memory_space<vmem>>)
        tpu.yield
      }) : () -> ()
      %scan3A = arith.constant 0 : i32
      %scan3A_37 = arith.constant 0 : i32
      %scan3A_38 = arith.constant 4 : i32
      %scan3A_39 = arith.addi %scan3A_37, %scan3A_38 : i32
      %scan3A_40 = arith.constant 1 : i32
      scf.for %scan3A_42 = %scan3A_37 to %scan3A_39 step %scan3A_40  : i32 {
        %mul3A_43 = arith.constant 2 : i32
        %mul3A_44 = arith.muli %scan3A_42, %mul3A_43 : i32
        %add3A_45 = arith.constant 0 : i32
        %add3A_46 = arith.addi %mul3A_44, %add3A_45 : i32
        %dma_start3A = arith.constant 0 : i32
        %dma_start3A_47 = arith.constant 0 : i32
        %dma_start3A_48 = arith.constant 0 : i32
        %dma_start3A_49 = tpu.memref_slice %arg9[%while3A_13, %dma_start3A_47, %dma_start3A_48] : memref<2x128x128xf32, #tpu.memory_space<vmem>> -> memref<1x128x128xf32, #tpu.memory_space<vmem>>
        %dma_start3A_50 = tpu.memref_squeeze %dma_start3A_49 : memref<1x128x128xf32, #tpu.memory_space<vmem>> -> memref<128x128xf32, #tpu.memory_space<vmem>>
        %dma_start3A_51 = arith.constant 0 : i32
        %dma_start3A_52 = tpu.memref_slice %arg7[%add3A_46, %dma_start3A_51] : memref<8x128xi32, #tpu.memory_space<vmem>> -> memref<1x128xi32, #tpu.memory_space<vmem>>
        %dma_start3A_53 = tpu.memref_squeeze %dma_start3A_52 : memref<1x128xi32, #tpu.memory_space<vmem>> -> memref<128xi32, #tpu.memory_space<vmem>>
        %dma_start3A_54 = arith.constant 0 : i32
        %dma_start3A_55 = arith.constant 0 : i32
        %dma_start3A_56 = tpu.memref_slice %arg2[%dma_start3A_54, %dma_start3A_55] : memref<10000x128xf32, #tpu.memory_space<hbm>> -> memref<10000x128xf32, #tpu.memory_space<hbm>>
        %dma_start3A_57 = tpu.memref_slice %arg11[%dma_start3A] : memref<2x!tpu.dma_semaphore, #tpu.memory_space<semaphore_mem>> -> memref<1x!tpu.dma_semaphore, #tpu.memory_space<semaphore_mem>>
        %dma_start3A_58 = tpu.memref_squeeze %dma_start3A_57 : memref<1x!tpu.dma_semaphore, #tpu.memory_space<semaphore_mem>> -> memref<!tpu.dma_semaphore, #tpu.memory_space<semaphore_mem>>
        tpu.enqueue_indirect_dma source(%dma_start3A_56 : memref<10000x128xf32, #tpu.memory_space<hbm>>) target(%dma_start3A_50 : memref<128x128xf32, #tpu.memory_space<vmem>>) offsets(%dma_start3A_53 : memref<128xi32, #tpu.memory_space<vmem>>) semaphore(%dma_start3A_58 : memref<!tpu.dma_semaphore, #tpu.memory_space<semaphore_mem>>)
        %mul3A_59 = arith.constant 2 : i32
        %mul3A_60 = arith.muli %scan3A_42, %mul3A_59 : i32
        %add3A_61 = arith.constant 1 : i32
        %add3A_62 = arith.addi %mul3A_60, %add3A_61 : i32
        %dma_start3A_63 = arith.constant 1 : i32
        %dma_start3A_64 = arith.constant 0 : i32
        %dma_start3A_65 = arith.constant 0 : i32
        %dma_start3A_66 = tpu.memref_slice %arg9[%while3A_14, %dma_start3A_64, %dma_start3A_65] : memref<2x128x128xf32, #tpu.memory_space<vmem>> -> memref<1x128x128xf32, #tpu.memory_space<vmem>>
        %dma_start3A_67 = tpu.memref_squeeze %dma_start3A_66 : memref<1x128x128xf32, #tpu.memory_space<vmem>> -> memref<128x128xf32, #tpu.memory_space<vmem>>
        %dma_start3A_68 = arith.constant 0 : i32
        %dma_start3A_69 = tpu.memref_slice %arg7[%add3A_62, %dma_start3A_68] : memref<8x128xi32, #tpu.memory_space<vmem>> -> memref<1x128xi32, #tpu.memory_space<vmem>>
        %dma_start3A_70 = tpu.memref_squeeze %dma_start3A_69 : memref<1x128xi32, #tpu.memory_space<vmem>> -> memref<128xi32, #tpu.memory_space<vmem>>
        %dma_start3A_71 = arith.constant 0 : i32
        %dma_start3A_72 = arith.constant 0 : i32
        %dma_start3A_73 = tpu.memref_slice %arg2[%dma_start3A_71, %dma_start3A_72] : memref<10000x128xf32, #tpu.memory_space<hbm>> -> memref<10000x128xf32, #tpu.memory_space<hbm>>
        %dma_start3A_74 = tpu.memref_slice %arg11[%dma_start3A_63] : memref<2x!tpu.dma_semaphore, #tpu.memory_space<semaphore_mem>> -> memref<1x!tpu.dma_semaphore, #tpu.memory_space<semaphore_mem>>
        %dma_start3A_75 = tpu.memref_squeeze %dma_start3A_74 : memref<1x!tpu.dma_semaphore, #tpu.memory_space<semaphore_mem>> -> memref<!tpu.dma_semaphore, #tpu.memory_space<semaphore_mem>>
        tpu.enqueue_indirect_dma source(%dma_start3A_73 : memref<10000x128xf32, #tpu.memory_space<hbm>>) target(%dma_start3A_67 : memref<128x128xf32, #tpu.memory_space<vmem>>) offsets(%dma_start3A_70 : memref<128xi32, #tpu.memory_space<vmem>>) semaphore(%dma_start3A_75 : memref<!tpu.dma_semaphore, #tpu.memory_space<semaphore_mem>>)
        %dma_wait3A = arith.constant 0 : i32
        %dma_wait3A_76 = arith.constant 0 : i32
        %dma_wait3A_77 = arith.constant 0 : i32
        %dma_wait3A_78 = tpu.memref_slice %arg9[%while3A_13, %dma_wait3A_76, %dma_wait3A_77] : memref<2x128x128xf32, #tpu.memory_space<vmem>> -> memref<1x128x128xf32, #tpu.memory_space<vmem>>
        %dma_wait3A_79 = tpu.memref_squeeze %dma_wait3A_78 : memref<1x128x128xf32, #tpu.memory_space<vmem>> -> memref<128x128xf32, #tpu.memory_space<vmem>>
        %dma_wait3A_80 = arith.constant 0 : i32
        %dma_wait3A_81 = tpu.memref_slice %arg7[%add3A_46, %dma_wait3A_80] : memref<8x128xi32, #tpu.memory_space<vmem>> -> memref<1x128xi32, #tpu.memory_space<vmem>>
        %dma_wait3A_82 = tpu.memref_squeeze %dma_wait3A_81 : memref<1x128xi32, #tpu.memory_space<vmem>> -> memref<128xi32, #tpu.memory_space<vmem>>
        %dma_wait3A_83 = arith.constant 0 : i32
        %dma_wait3A_84 = arith.constant 0 : i32
        %dma_wait3A_85 = tpu.memref_slice %arg2[%dma_wait3A_83, %dma_wait3A_84] : memref<10000x128xf32, #tpu.memory_space<hbm>> -> memref<10000x128xf32, #tpu.memory_space<hbm>>
        %dma_wait3A_86 = tpu.memref_slice %arg11[%dma_wait3A] : memref<2x!tpu.dma_semaphore, #tpu.memory_space<semaphore_mem>> -> memref<1x!tpu.dma_semaphore, #tpu.memory_space<semaphore_mem>>
        %dma_wait3A_87 = tpu.memref_squeeze %dma_wait3A_86 : memref<1x!tpu.dma_semaphore, #tpu.memory_space<semaphore_mem>> -> memref<!tpu.dma_semaphore, #tpu.memory_space<semaphore_mem>>
        tpu.wait_indirect_dma semaphore(%dma_wait3A_87 : memref<!tpu.dma_semaphore, #tpu.memory_space<semaphore_mem>>) src(%dma_wait3A_85 : memref<10000x128xf32, #tpu.memory_space<hbm>>) dst(%dma_wait3A_79 : memref<128x128xf32, #tpu.memory_space<vmem>>)
        %mul3A_88 = arith.constant 2 : i32
        %mul3A_89 = arith.muli %scan3A_42, %mul3A_88 : i32
        %add3A_90 = arith.constant 0 : i32
        %add3A_91 = arith.addi %mul3A_89, %add3A_90 : i32
        "tpu.region"() ({
          %run_scoped3A = tpu.sem_alloc : memref<!tpu.dma_semaphore, #tpu.memory_space<semaphore_mem>>
          %dma_start3A_109 = arith.constant 0 : i32
          %dma_start3A_110 = arith.constant 0 : i32
          %dma_start3A_111 = tpu.memref_slice %arg9[%while3A_13, %dma_start3A_109, %dma_start3A_110] : memref<2x128x128xf32, #tpu.memory_space<vmem>> -> memref<1x128x128xf32, #tpu.memory_space<vmem>>
          %dma_start3A_112 = tpu.memref_squeeze %dma_start3A_111 : memref<1x128x128xf32, #tpu.memory_space<vmem>> -> memref<128x128xf32, #tpu.memory_space<vmem>>
          %dma_start3A_113 = arith.constant 0 : i32
          %dma_start3A_114 = tpu.memref_slice %arg8[%add3A_91, %dma_start3A_113] : memref<8x128xi32, #tpu.memory_space<vmem>> -> memref<1x128xi32, #tpu.memory_space<vmem>>
          %dma_start3A_115 = tpu.memref_squeeze %dma_start3A_114 : memref<1x128xi32, #tpu.memory_space<vmem>> -> memref<128xi32, #tpu.memory_space<vmem>>
          %dma_start3A_116 = arith.constant 0 : i32
          %dma_start3A_117 = arith.constant 0 : i32
          %dma_start3A_118 = tpu.memref_slice %arg10[%dma_start3A_116, %dma_start3A_117] : memref<10240x128xf32, #tpu.memory_space<vmem_shared>> -> memref<10240x128xf32, #tpu.memory_space<vmem_shared>>
          tpu.enqueue_indirect_dma source(%dma_start3A_112 : memref<128x128xf32, #tpu.memory_space<vmem>>) target(%dma_start3A_118 : memref<10240x128xf32, #tpu.memory_space<vmem_shared>>) offsets(%dma_start3A_115 : memref<128xi32, #tpu.memory_space<vmem>>) semaphore(%run_scoped3A : memref<!tpu.dma_semaphore, #tpu.memory_space<semaphore_mem>>) {add = true}
          %dma_wait3A_119 = arith.constant 0 : i32
          %dma_wait3A_120 = arith.constant 0 : i32
          %dma_wait3A_121 = tpu.memref_slice %arg9[%while3A_13, %dma_wait3A_119, %dma_wait3A_120] : memref<2x128x128xf32, #tpu.memory_space<vmem>> -> memref<1x128x128xf32, #tpu.memory_space<vmem>>
          %dma_wait3A_122 = tpu.memref_squeeze %dma_wait3A_121 : memref<1x128x128xf32, #tpu.memory_space<vmem>> -> memref<128x128xf32, #tpu.memory_space<vmem>>
          %dma_wait3A_123 = arith.constant 0 : i32
          %dma_wait3A_124 = tpu.memref_slice %arg8[%add3A_91, %dma_wait3A_123] : memref<8x128xi32, #tpu.memory_space<vmem>> -> memref<1x128xi32, #tpu.memory_space<vmem>>
          %dma_wait3A_125 = tpu.memref_squeeze %dma_wait3A_124 : memref<1x128xi32, #tpu.memory_space<vmem>> -> memref<128xi32, #tpu.memory_space<vmem>>
          %dma_wait3A_126 = arith.constant 0 : i32
          %dma_wait3A_127 = arith.constant 0 : i32
          %dma_wait3A_128 = tpu.memref_slice %arg10[%dma_wait3A_126, %dma_wait3A_127] : memref<10240x128xf32, #tpu.memory_space<vmem_shared>> -> memref<10240x128xf32, #tpu.memory_space<vmem_shared>>
          tpu.wait_indirect_dma semaphore(%run_scoped3A : memref<!tpu.dma_semaphore, #tpu.memory_space<semaphore_mem>>) src(%dma_wait3A_122 : memref<128x128xf32, #tpu.memory_space<vmem>>) dst(%dma_wait3A_128 : memref<10240x128xf32, #tpu.memory_space<vmem_shared>>)
          tpu.yield
        }) : () -> ()
        %dma_wait3A_92 = arith.constant 1 : i32
        %dma_wait3A_93 = arith.constant 0 : i32
        %dma_wait3A_94 = arith.constant 0 : i32
        %dma_wait3A_95 = tpu.memref_slice %arg9[%while3A_14, %dma_wait3A_93, %dma_wait3A_94] : memref<2x128x128xf32, #tpu.memory_space<vmem>> -> memref<1x128x128xf32, #tpu.memory_space<vmem>>
        %dma_wait3A_96 = tpu.memref_squeeze %dma_wait3A_95 : memref<1x128x128xf32, #tpu.memory_space<vmem>> -> memref<128x128xf32, #tpu.memory_space<vmem>>
        %dma_wait3A_97 = arith.constant 0 : i32
        %dma_wait3A_98 = tpu.memref_slice %arg7[%add3A_62, %dma_wait3A_97] : memref<8x128xi32, #tpu.memory_space<vmem>> -> memref<1x128xi32, #tpu.memory_space<vmem>>
        %dma_wait3A_99 = tpu.memref_squeeze %dma_wait3A_98 : memref<1x128xi32, #tpu.memory_space<vmem>> -> memref<128xi32, #tpu.memory_space<vmem>>
        %dma_wait3A_100 = arith.constant 0 : i32
        %dma_wait3A_101 = arith.constant 0 : i32
        %dma_wait3A_102 = tpu.memref_slice %arg2[%dma_wait3A_100, %dma_wait3A_101] : memref<10000x128xf32, #tpu.memory_space<hbm>> -> memref<10000x128xf32, #tpu.memory_space<hbm>>
        %dma_wait3A_103 = tpu.memref_slice %arg11[%dma_wait3A_92] : memref<2x!tpu.dma_semaphore, #tpu.memory_space<semaphore_mem>> -> memref<1x!tpu.dma_semaphore, #tpu.memory_space<semaphore_mem>>
        %dma_wait3A_104 = tpu.memref_squeeze %dma_wait3A_103 : memref<1x!tpu.dma_semaphore, #tpu.memory_space<semaphore_mem>> -> memref<!tpu.dma_semaphore, #tpu.memory_space<semaphore_mem>>
        tpu.wait_indirect_dma semaphore(%dma_wait3A_104 : memref<!tpu.dma_semaphore, #tpu.memory_space<semaphore_mem>>) src(%dma_wait3A_102 : memref<10000x128xf32, #tpu.memory_space<hbm>>) dst(%dma_wait3A_96 : memref<128x128xf32, #tpu.memory_space<vmem>>)
        %mul3A_105 = arith.constant 2 : i32
        %mul3A_106 = arith.muli %scan3A_42, %mul3A_105 : i32
        %add3A_107 = arith.constant 1 : i32
        %add3A_108 = arith.addi %mul3A_106, %add3A_107 : i32
        "tpu.region"() ({
          %run_scoped3A = tpu.sem_alloc : memref<!tpu.dma_semaphore, #tpu.memory_space<semaphore_mem>>
          %dma_start3A_109 = arith.constant 0 : i32
          %dma_start3A_110 = arith.constant 0 : i32
          %dma_start3A_111 = tpu.memref_slice %arg9[%while3A_14, %dma_start3A_109, %dma_start3A_110] : memref<2x128x128xf32, #tpu.memory_space<vmem>> -> memref<1x128x128xf32, #tpu.memory_space<vmem>>
          %dma_start3A_112 = tpu.memref_squeeze %dma_start3A_111 : memref<1x128x128xf32, #tpu.memory_space<vmem>> -> memref<128x128xf32, #tpu.memory_space<vmem>>
          %dma_start3A_113 = arith.constant 0 : i32
          %dma_start3A_114 = tpu.memref_slice %arg8[%add3A_108, %dma_start3A_113] : memref<8x128xi32, #tpu.memory_space<vmem>> -> memref<1x128xi32, #tpu.memory_space<vmem>>
          %dma_start3A_115 = tpu.memref_squeeze %dma_start3A_114 : memref<1x128xi32, #tpu.memory_space<vmem>> -> memref<128xi32, #tpu.memory_space<vmem>>
          %dma_start3A_116 = arith.constant 0 : i32
          %dma_start3A_117 = arith.constant 0 : i32
          %dma_start3A_118 = tpu.memref_slice %arg10[%dma_start3A_116, %dma_start3A_117] : memref<10240x128xf32, #tpu.memory_space<vmem_shared>> -> memref<10240x128xf32, #tpu.memory_space<vmem_shared>>
          tpu.enqueue_indirect_dma source(%dma_start3A_112 : memref<128x128xf32, #tpu.memory_space<vmem>>) target(%dma_start3A_118 : memref<10240x128xf32, #tpu.memory_space<vmem_shared>>) offsets(%dma_start3A_115 : memref<128xi32, #tpu.memory_space<vmem>>) semaphore(%run_scoped3A : memref<!tpu.dma_semaphore, #tpu.memory_space<semaphore_mem>>) {add = true}
          %dma_wait3A_119 = arith.constant 0 : i32
          %dma_wait3A_120 = arith.constant 0 : i32
          %dma_wait3A_121 = tpu.memref_slice %arg9[%while3A_14, %dma_wait3A_119, %dma_wait3A_120] : memref<2x128x128xf32, #tpu.memory_space<vmem>> -> memref<1x128x128xf32, #tpu.memory_space<vmem>>
          %dma_wait3A_122 = tpu.memref_squeeze %dma_wait3A_121 : memref<1x128x128xf32, #tpu.memory_space<vmem>> -> memref<128x128xf32, #tpu.memory_space<vmem>>
          %dma_wait3A_123 = arith.constant 0 : i32
          %dma_wait3A_124 = tpu.memref_slice %arg8[%add3A_108, %dma_wait3A_123] : memref<8x128xi32, #tpu.memory_space<vmem>> -> memref<1x128xi32, #tpu.memory_space<vmem>>
          %dma_wait3A_125 = tpu.memref_squeeze %dma_wait3A_124 : memref<1x128xi32, #tpu.memory_space<vmem>> -> memref<128xi32, #tpu.memory_space<vmem>>
          %dma_wait3A_126 = arith.constant 0 : i32
          %dma_wait3A_127 = arith.constant 0 : i32
          %dma_wait3A_128 = tpu.memref_slice %arg10[%dma_wait3A_126, %dma_wait3A_127] : memref<10240x128xf32, #tpu.memory_space<vmem_shared>> -> memref<10240x128xf32, #tpu.memory_space<vmem_shared>>
          tpu.wait_indirect_dma semaphore(%run_scoped3A : memref<!tpu.dma_semaphore, #tpu.memory_space<semaphore_mem>>) src(%dma_wait3A_122 : memref<128x128xf32, #tpu.memory_space<vmem>>) dst(%dma_wait3A_128 : memref<10240x128xf32, #tpu.memory_space<vmem_shared>>)
          tpu.yield
        }) : () -> ()
      }
      %scan3A_41 = arith.constant 4 : i32
    }
    %barrier3A_24 = arith.constant 0 : index
    tpu.barrier barrier_id(%barrier3A_24)
    %mul3A_25 = arith.constant 624 : i32
    %mul3A_26 = arith.muli %arg1, %mul3A_25 : i32
    %mul3A_27 = arith.constant 10000 : i32
    %mul3A_28 = arith.muli %arg0, %mul3A_27 : i32
    %add3A_29 = arith.addi %mul3A_28, %mul3A_26 : i32
    "tpu.region"() ({
      %run_scoped3A = tpu.sem_alloc : memref<!tpu.dma_semaphore, #tpu.memory_space<semaphore_mem>>
      %dma_start3A = arith.constant 0 : i32
      %dma_start3A_33 = tpu.memref_slice %arg6[%add3A_29, %dma_start3A] : memref<20000x128xf32, #tpu.memory_space<hbm>> -> memref<624x128xf32, #tpu.memory_space<hbm>>
      %dma_start3A_34 = arith.constant 0 : i32
      %dma_start3A_35 = tpu.memref_slice %arg10[%mul3A_26, %dma_start3A_34] : memref<10240x128xf32, #tpu.memory_space<vmem_shared>> -> memref<624x128xf32, #tpu.memory_space<vmem_shared>>
      tpu.enqueue_dma source(%dma_start3A_35 : memref<624x128xf32, #tpu.memory_space<vmem_shared>>) target(%dma_start3A_33 : memref<624x128xf32, #tpu.memory_space<hbm>>) target_semaphore(%run_scoped3A : memref<!tpu.dma_semaphore, #tpu.memory_space<semaphore_mem>>)
      %dma_wait3A = arith.constant 0 : i32
      %dma_wait3A_36 = tpu.memref_slice %arg6[%add3A_29, %dma_wait3A] : memref<20000x128xf32, #tpu.memory_space<hbm>> -> memref<624x128xf32, #tpu.memory_space<hbm>>
      %dma_wait3A_37 = arith.constant 0 : i32
      %dma_wait3A_38 = tpu.memref_slice %arg10[%mul3A_26, %dma_wait3A_37] : memref<10240x128xf32, #tpu.memory_space<vmem_shared>> -> memref<624x128xf32, #tpu.memory_space<vmem_shared>>
      tpu.wait_dma2 semaphore(%run_scoped3A : memref<!tpu.dma_semaphore, #tpu.memory_space<semaphore_mem>>) src(%dma_wait3A_38 : memref<624x128xf32, #tpu.memory_space<vmem_shared>>) dst(%dma_wait3A_36 : memref<624x128xf32, #tpu.memory_space<hbm>>)
      tpu.yield
    }) : () -> ()
    %eq3A_30 = arith.constant 0 : i32
    %eq3A_31 = arith.cmpi eq, %arg1, %eq3A_30 : i32
    %convert_element_type3A = arith.extui %eq3A_31 : i1 to i32
    %cond3A = arith.constant 0 : i32
    %cond3A_32 = arith.cmpi ne, %convert_element_type3A, %cond3A : i32
    scf.if %cond3A_32 {
      %mul3A_33 = arith.constant 10000 : i32
      %mul3A_34 = arith.muli %arg0, %mul3A_33 : i32
      %add3A_35 = arith.constant 9984 : i32
      %add3A_36 = arith.addi %mul3A_34, %add3A_35 : i32
      "tpu.region"() ({
        %run_scoped3A = tpu.sem_alloc : memref<!tpu.dma_semaphore, #tpu.memory_space<semaphore_mem>>
        %dma_start3A = arith.constant 0 : i32
        %dma_start3A_37 = tpu.memref_slice %arg6[%add3A_36, %dma_start3A] : memref<20000x128xf32, #tpu.memory_space<hbm>> -> memref<16x128xf32, #tpu.memory_space<hbm>>
        %dma_start3A_38 = arith.constant 9984 : i32
        %dma_start3A_39 = arith.constant 0 : i32
        %dma_start3A_40 = tpu.memref_slice %arg10[%dma_start3A_38, %dma_start3A_39] : memref<10240x128xf32, #tpu.memory_space<vmem_shared>> -> memref<16x128xf32, #tpu.memory_space<vmem_shared>>
        tpu.enqueue_dma source(%dma_start3A_40 : memref<16x128xf32, #tpu.memory_space<vmem_shared>>) target(%dma_start3A_37 : memref<16x128xf32, #tpu.memory_space<hbm>>) target_semaphore(%run_scoped3A : memref<!tpu.dma_semaphore, #tpu.memory_space<semaphore_mem>>)
        %dma_wait3A = arith.constant 0 : i32
        %dma_wait3A_41 = tpu.memref_slice %arg6[%add3A_36, %dma_wait3A] : memref<20000x128xf32, #tpu.memory_space<hbm>> -> memref<16x128xf32, #tpu.memory_space<hbm>>
        %dma_wait3A_42 = arith.constant 9984 : i32
        %dma_wait3A_43 = arith.constant 0 : i32
        %dma_wait3A_44 = tpu.memref_slice %arg10[%dma_wait3A_42, %dma_wait3A_43] : memref<10240x128xf32, #tpu.memory_space<vmem_shared>> -> memref<16x128xf32, #tpu.memory_space<vmem_shared>>
        tpu.wait_dma2 semaphore(%run_scoped3A : memref<!tpu.dma_semaphore, #tpu.memory_space<semaphore_mem>>) src(%dma_wait3A_44 : memref<16x128xf32, #tpu.memory_space<vmem_shared>>) dst(%dma_wait3A_41 : memref<16x128xf32, #tpu.memory_space<hbm>>)
        tpu.yield
      }) : () -> ()
    } else {
    }
    return
  }
}

#map = affine_map<(d0, d1) -> (0, 0)>
module attributes {stable_mosaic.version = 14 : i64} {
  func.func @ksc(%arg0: i32, %arg1: i32, %arg2: memref<10000x128xf32, #tpu.memory_space<hbm>>, %arg3: memref<2560x128xi32, #tpu.memory_space<hbm>>, %arg4: memref<2560x128xi32, #tpu.memory_space<hbm>>, %arg5: memref<10240x128xf32, #tpu.memory_space<hbm>>, %arg6: memref<20000x128xf32, #tpu.memory_space<hbm>>, %arg7: memref<8x128xi32, #tpu.memory_space<vmem>>, %arg8: memref<8x128xi32, #tpu.memory_space<vmem>>, %arg9: memref<2x128x128xf32, #tpu.memory_space<vmem>>, %arg10: memref<10240x128xf32, #tpu.memory_space<vmem_shared>>, %arg11: memref<2x!tpu.dma_semaphore, #tpu.memory_space<semaphore_mem>>) attributes {dimension_semantics = [#tpu.dimension_semantics<core_parallel>, #tpu.dimension_semantics<subcore_parallel>], iteration_bounds = array<i64: 2, 16>, scalar_prefetch = 0 : i64, scratch_operands = 5 : i64, tpu.core_type = #tpu.core_type<sc_vector_subcore>, window_params = [{transform_indices = #map}, {transform_indices = #map}, {transform_indices = #map}, {transform_indices = #map}, {transform_indices = #map}]} {
    %eq3A = arith.constant 0 : i32
    %eq3A_0 = arith.cmpi eq, %arg0, %eq3A : i32
    %mul3A = arith.constant 120 : i32
    %mul3A_1 = arith.muli %arg1, %mul3A : i32
    %mul3A_2 = arith.constant 40 : i32
    %mul3A_3 = arith.muli %arg1, %mul3A_2 : i32
    %add3A = arith.constant 1920 : i32
    %add3A_4 = arith.addi %add3A, %mul3A_3 : i32
    %select_n3A = arith.select %eq3A_0, %mul3A_1, %add3A_4 : i32
    %eq3A_5 = arith.constant 0 : i32
    %eq3A_6 = arith.cmpi eq, %arg0, %eq3A_5 : i32
    %jit3A = arith.constant 15 : i32
    %jit3A_7 = arith.constant 5 : i32
    %select_n3A_8 = arith.select %eq3A_6, %jit3A, %jit3A_7 : i32
    %mul3A_9 = arith.constant 640 : i32
    %mul3A_10 = arith.muli %arg1, %mul3A_9 : i32
    %mul3A_11 = arith.constant 640 : i32
    %mul3A_12 = arith.muli %arg1, %mul3A_11 : i32
    "tpu.region"() ({
      %run_scoped3A = tpu.sem_alloc : memref<!tpu.dma_semaphore, #tpu.memory_space<semaphore_mem>>
      %dma_start3A = arith.constant 0 : i32
      %dma_start3A_33 = tpu.memref_slice %arg10[%mul3A_12, %dma_start3A] : memref<10240x128xf32, #tpu.memory_space<vmem_shared>> -> memref<640x128xf32, #tpu.memory_space<vmem_shared>>
      %dma_start3A_34 = arith.constant 0 : i32
      %dma_start3A_35 = tpu.memref_slice %arg5[%mul3A_10, %dma_start3A_34] : memref<10240x128xf32, #tpu.memory_space<hbm>> -> memref<640x128xf32, #tpu.memory_space<hbm>>
      tpu.enqueue_dma source(%dma_start3A_35 : memref<640x128xf32, #tpu.memory_space<hbm>>) target(%dma_start3A_33 : memref<640x128xf32, #tpu.memory_space<vmem_shared>>) target_semaphore(%run_scoped3A : memref<!tpu.dma_semaphore, #tpu.memory_space<semaphore_mem>>)
      %dma_wait3A = arith.constant 0 : i32
      %dma_wait3A_36 = tpu.memref_slice %arg10[%mul3A_12, %dma_wait3A] : memref<10240x128xf32, #tpu.memory_space<vmem_shared>> -> memref<640x128xf32, #tpu.memory_space<vmem_shared>>
      %dma_wait3A_37 = arith.constant 0 : i32
      %dma_wait3A_38 = tpu.memref_slice %arg5[%mul3A_10, %dma_wait3A_37] : memref<10240x128xf32, #tpu.memory_space<hbm>> -> memref<640x128xf32, #tpu.memory_space<hbm>>
      tpu.wait_dma2 semaphore(%run_scoped3A : memref<!tpu.dma_semaphore, #tpu.memory_space<semaphore_mem>>) src(%dma_wait3A_38 : memref<640x128xf32, #tpu.memory_space<hbm>>) dst(%dma_wait3A_36 : memref<640x128xf32, #tpu.memory_space<vmem_shared>>)
      tpu.yield
    }) : () -> ()
    %barrier3A = arith.constant 0 : index
    tpu.barrier barrier_id(%barrier3A)
    %while3A = arith.constant 0 : i32
    %while3A_13 = arith.constant 0 : i32
    %while3A_14 = arith.constant 1 : i32
    %while3A_15 = arith.constant 0 : i32
    %while3A_16 = arith.subi %select_n3A_8, %while3A_15 : i32
    %while3A_17 = arith.addi %while3A_15, %while3A_16 : i32
    %while3A_18 = arith.constant 1 : i32
    %while3A_19 = arith.divsi %while3A_16, %while3A_18 : i32
    %while3A_20 = arith.muli %while3A_19, %while3A_18 : i32
    %while3A_21 = arith.addi %while3A_15, %while3A_20 : i32
    %while3A_22 = arith.constant 1 : i32
    scf.for %while3A_33 = %while3A_15 to %while3A_21 step %while3A_22  : i32 {
      %mul3A_34 = arith.constant 8 : i32
      %mul3A_35 = arith.muli %while3A_33, %mul3A_34 : i32
      %add3A_36 = arith.addi %select_n3A, %mul3A_35 : i32
      "tpu.region"() ({
        %run_scoped3A = tpu.sem_alloc : memref<!tpu.dma_semaphore, #tpu.memory_space<semaphore_mem>>
        %dma_start3A = arith.constant 0 : i32
        %dma_start3A_42 = tpu.memref_slice %arg3[%add3A_36, %dma_start3A] : memref<2560x128xi32, #tpu.memory_space<hbm>> -> memref<8x128xi32, #tpu.memory_space<hbm>>
        %dma_start3A_43 = arith.constant 0 : i32
        %dma_start3A_44 = tpu.memref_slice %arg3[%add3A_36, %dma_start3A_43] : memref<2560x128xi32, #tpu.memory_space<hbm>> -> memref<8x128xi32, #tpu.memory_space<hbm>>
        tpu.enqueue_dma source(%dma_start3A_44 : memref<8x128xi32, #tpu.memory_space<hbm>>) target(%arg7 : memref<8x128xi32, #tpu.memory_space<vmem>>) target_semaphore(%run_scoped3A : memref<!tpu.dma_semaphore, #tpu.memory_space<semaphore_mem>>)
        %dma_wait3A = arith.constant 0 : i32
        %dma_wait3A_45 = tpu.memref_slice %arg3[%add3A_36, %dma_wait3A] : memref<2560x128xi32, #tpu.memory_space<hbm>> -> memref<8x128xi32, #tpu.memory_space<hbm>>
        %dma_wait3A_46 = arith.constant 0 : i32
        %dma_wait3A_47 = tpu.memref_slice %arg3[%add3A_36, %dma_wait3A_46] : memref<2560x128xi32, #tpu.memory_space<hbm>> -> memref<8x128xi32, #tpu.memory_space<hbm>>
        tpu.wait_dma2 semaphore(%run_scoped3A : memref<!tpu.dma_semaphore, #tpu.memory_space<semaphore_mem>>) src(%dma_wait3A_47 : memref<8x128xi32, #tpu.memory_space<hbm>>) dst(%arg7 : memref<8x128xi32, #tpu.memory_space<vmem>>)
        tpu.yield
      }) : () -> ()
      "tpu.region"() ({
        %run_scoped3A = tpu.sem_alloc : memref<!tpu.dma_semaphore, #tpu.memory_space<semaphore_mem>>
        %dma_start3A = arith.constant 0 : i32
        %dma_start3A_42 = tpu.memref_slice %arg4[%add3A_36, %dma_start3A] : memref<2560x128xi32, #tpu.memory_space<hbm>> -> memref<8x128xi32, #tpu.memory_space<hbm>>
        %dma_start3A_43 = arith.constant 0 : i32
        %dma_start3A_44 = tpu.memref_slice %arg4[%add3A_36, %dma_start3A_43] : memref<2560x128xi32, #tpu.memory_space<hbm>> -> memref<8x128xi32, #tpu.memory_space<hbm>>
        tpu.enqueue_dma source(%dma_start3A_44 : memref<8x128xi32, #tpu.memory_space<hbm>>) target(%arg8 : memref<8x128xi32, #tpu.memory_space<vmem>>) target_semaphore(%run_scoped3A : memref<!tpu.dma_semaphore, #tpu.memory_space<semaphore_mem>>)
        %dma_wait3A = arith.constant 0 : i32
        %dma_wait3A_45 = tpu.memref_slice %arg4[%add3A_36, %dma_wait3A] : memref<2560x128xi32, #tpu.memory_space<hbm>> -> memref<8x128xi32, #tpu.memory_space<hbm>>
        %dma_wait3A_46 = arith.constant 0 : i32
        %dma_wait3A_47 = tpu.memref_slice %arg4[%add3A_36, %dma_wait3A_46] : memref<2560x128xi32, #tpu.memory_space<hbm>> -> memref<8x128xi32, #tpu.memory_space<hbm>>
        tpu.wait_dma2 semaphore(%run_scoped3A : memref<!tpu.dma_semaphore, #tpu.memory_space<semaphore_mem>>) src(%dma_wait3A_47 : memref<8x128xi32, #tpu.memory_space<hbm>>) dst(%arg8 : memref<8x128xi32, #tpu.memory_space<vmem>>)
        tpu.yield
      }) : () -> ()
      %scan3A = arith.constant 0 : i32
      %scan3A_37 = arith.constant 0 : i32
      %scan3A_38 = arith.constant 4 : i32
      %scan3A_39 = arith.addi %scan3A_37, %scan3A_38 : i32
      %scan3A_40 = arith.constant 1 : i32
      scf.for %scan3A_42 = %scan3A_37 to %scan3A_39 step %scan3A_40  : i32 {
        %mul3A_43 = arith.constant 2 : i32
        %mul3A_44 = arith.muli %scan3A_42, %mul3A_43 : i32
        %add3A_45 = arith.constant 0 : i32
        %add3A_46 = arith.addi %mul3A_44, %add3A_45 : i32
        %dma_start3A = arith.constant 0 : i32
        %dma_start3A_47 = arith.constant 0 : i32
        %dma_start3A_48 = arith.constant 0 : i32
        %dma_start3A_49 = tpu.memref_slice %arg9[%while3A_13, %dma_start3A_47, %dma_start3A_48] : memref<2x128x128xf32, #tpu.memory_space<vmem>> -> memref<1x128x128xf32, #tpu.memory_space<vmem>>
        %dma_start3A_50 = tpu.memref_squeeze %dma_start3A_49 : memref<1x128x128xf32, #tpu.memory_space<vmem>> -> memref<128x128xf32, #tpu.memory_space<vmem>>
        %dma_start3A_51 = arith.constant 0 : i32
        %dma_start3A_52 = tpu.memref_slice %arg7[%add3A_46, %dma_start3A_51] : memref<8x128xi32, #tpu.memory_space<vmem>> -> memref<1x128xi32, #tpu.memory_space<vmem>>
        %dma_start3A_53 = tpu.memref_squeeze %dma_start3A_52 : memref<1x128xi32, #tpu.memory_space<vmem>> -> memref<128xi32, #tpu.memory_space<vmem>>
        %dma_start3A_54 = arith.constant 0 : i32
        %dma_start3A_55 = arith.constant 0 : i32
        %dma_start3A_56 = tpu.memref_slice %arg2[%dma_start3A_54, %dma_start3A_55] : memref<10000x128xf32, #tpu.memory_space<hbm>> -> memref<10000x128xf32, #tpu.memory_space<hbm>>
        %dma_start3A_57 = tpu.memref_slice %arg11[%dma_start3A] : memref<2x!tpu.dma_semaphore, #tpu.memory_space<semaphore_mem>> -> memref<1x!tpu.dma_semaphore, #tpu.memory_space<semaphore_mem>>
        %dma_start3A_58 = tpu.memref_squeeze %dma_start3A_57 : memref<1x!tpu.dma_semaphore, #tpu.memory_space<semaphore_mem>> -> memref<!tpu.dma_semaphore, #tpu.memory_space<semaphore_mem>>
        tpu.enqueue_indirect_dma source(%dma_start3A_56 : memref<10000x128xf32, #tpu.memory_space<hbm>>) target(%dma_start3A_50 : memref<128x128xf32, #tpu.memory_space<vmem>>) offsets(%dma_start3A_53 : memref<128xi32, #tpu.memory_space<vmem>>) semaphore(%dma_start3A_58 : memref<!tpu.dma_semaphore, #tpu.memory_space<semaphore_mem>>)
        %mul3A_59 = arith.constant 2 : i32
        %mul3A_60 = arith.muli %scan3A_42, %mul3A_59 : i32
        %add3A_61 = arith.constant 1 : i32
        %add3A_62 = arith.addi %mul3A_60, %add3A_61 : i32
        %dma_start3A_63 = arith.constant 1 : i32
        %dma_start3A_64 = arith.constant 0 : i32
        %dma_start3A_65 = arith.constant 0 : i32
        %dma_start3A_66 = tpu.memref_slice %arg9[%while3A_14, %dma_start3A_64, %dma_start3A_65] : memref<2x128x128xf32, #tpu.memory_space<vmem>> -> memref<1x128x128xf32, #tpu.memory_space<vmem>>
        %dma_start3A_67 = tpu.memref_squeeze %dma_start3A_66 : memref<1x128x128xf32, #tpu.memory_space<vmem>> -> memref<128x128xf32, #tpu.memory_space<vmem>>
        %dma_start3A_68 = arith.constant 0 : i32
        %dma_start3A_69 = tpu.memref_slice %arg7[%add3A_62, %dma_start3A_68] : memref<8x128xi32, #tpu.memory_space<vmem>> -> memref<1x128xi32, #tpu.memory_space<vmem>>
        %dma_start3A_70 = tpu.memref_squeeze %dma_start3A_69 : memref<1x128xi32, #tpu.memory_space<vmem>> -> memref<128xi32, #tpu.memory_space<vmem>>
        %dma_start3A_71 = arith.constant 0 : i32
        %dma_start3A_72 = arith.constant 0 : i32
        %dma_start3A_73 = tpu.memref_slice %arg2[%dma_start3A_71, %dma_start3A_72] : memref<10000x128xf32, #tpu.memory_space<hbm>> -> memref<10000x128xf32, #tpu.memory_space<hbm>>
        %dma_start3A_74 = tpu.memref_slice %arg11[%dma_start3A_63] : memref<2x!tpu.dma_semaphore, #tpu.memory_space<semaphore_mem>> -> memref<1x!tpu.dma_semaphore, #tpu.memory_space<semaphore_mem>>
        %dma_start3A_75 = tpu.memref_squeeze %dma_start3A_74 : memref<1x!tpu.dma_semaphore, #tpu.memory_space<semaphore_mem>> -> memref<!tpu.dma_semaphore, #tpu.memory_space<semaphore_mem>>
        tpu.enqueue_indirect_dma source(%dma_start3A_73 : memref<10000x128xf32, #tpu.memory_space<hbm>>) target(%dma_start3A_67 : memref<128x128xf32, #tpu.memory_space<vmem>>) offsets(%dma_start3A_70 : memref<128xi32, #tpu.memory_space<vmem>>) semaphore(%dma_start3A_75 : memref<!tpu.dma_semaphore, #tpu.memory_space<semaphore_mem>>)
        %dma_wait3A = arith.constant 0 : i32
        %dma_wait3A_76 = arith.constant 0 : i32
        %dma_wait3A_77 = arith.constant 0 : i32
        %dma_wait3A_78 = tpu.memref_slice %arg9[%while3A_13, %dma_wait3A_76, %dma_wait3A_77] : memref<2x128x128xf32, #tpu.memory_space<vmem>> -> memref<1x128x128xf32, #tpu.memory_space<vmem>>
        %dma_wait3A_79 = tpu.memref_squeeze %dma_wait3A_78 : memref<1x128x128xf32, #tpu.memory_space<vmem>> -> memref<128x128xf32, #tpu.memory_space<vmem>>
        %dma_wait3A_80 = arith.constant 0 : i32
        %dma_wait3A_81 = tpu.memref_slice %arg7[%add3A_46, %dma_wait3A_80] : memref<8x128xi32, #tpu.memory_space<vmem>> -> memref<1x128xi32, #tpu.memory_space<vmem>>
        %dma_wait3A_82 = tpu.memref_squeeze %dma_wait3A_81 : memref<1x128xi32, #tpu.memory_space<vmem>> -> memref<128xi32, #tpu.memory_space<vmem>>
        %dma_wait3A_83 = arith.constant 0 : i32
        %dma_wait3A_84 = arith.constant 0 : i32
        %dma_wait3A_85 = tpu.memref_slice %arg2[%dma_wait3A_83, %dma_wait3A_84] : memref<10000x128xf32, #tpu.memory_space<hbm>> -> memref<10000x128xf32, #tpu.memory_space<hbm>>
        %dma_wait3A_86 = tpu.memref_slice %arg11[%dma_wait3A] : memref<2x!tpu.dma_semaphore, #tpu.memory_space<semaphore_mem>> -> memref<1x!tpu.dma_semaphore, #tpu.memory_space<semaphore_mem>>
        %dma_wait3A_87 = tpu.memref_squeeze %dma_wait3A_86 : memref<1x!tpu.dma_semaphore, #tpu.memory_space<semaphore_mem>> -> memref<!tpu.dma_semaphore, #tpu.memory_space<semaphore_mem>>
        tpu.wait_indirect_dma semaphore(%dma_wait3A_87 : memref<!tpu.dma_semaphore, #tpu.memory_space<semaphore_mem>>) src(%dma_wait3A_85 : memref<10000x128xf32, #tpu.memory_space<hbm>>) dst(%dma_wait3A_79 : memref<128x128xf32, #tpu.memory_space<vmem>>)
        %mul3A_88 = arith.constant 2 : i32
        %mul3A_89 = arith.muli %scan3A_42, %mul3A_88 : i32
        %add3A_90 = arith.constant 0 : i32
        %add3A_91 = arith.addi %mul3A_89, %add3A_90 : i32
        "tpu.region"() ({
          %run_scoped3A = tpu.sem_alloc : memref<!tpu.dma_semaphore, #tpu.memory_space<semaphore_mem>>
          %dma_start3A_109 = arith.constant 0 : i32
          %dma_start3A_110 = arith.constant 0 : i32
          %dma_start3A_111 = tpu.memref_slice %arg9[%while3A_13, %dma_start3A_109, %dma_start3A_110] : memref<2x128x128xf32, #tpu.memory_space<vmem>> -> memref<1x128x128xf32, #tpu.memory_space<vmem>>
          %dma_start3A_112 = tpu.memref_squeeze %dma_start3A_111 : memref<1x128x128xf32, #tpu.memory_space<vmem>> -> memref<128x128xf32, #tpu.memory_space<vmem>>
          %dma_start3A_113 = arith.constant 0 : i32
          %dma_start3A_114 = tpu.memref_slice %arg8[%add3A_91, %dma_start3A_113] : memref<8x128xi32, #tpu.memory_space<vmem>> -> memref<1x128xi32, #tpu.memory_space<vmem>>
          %dma_start3A_115 = tpu.memref_squeeze %dma_start3A_114 : memref<1x128xi32, #tpu.memory_space<vmem>> -> memref<128xi32, #tpu.memory_space<vmem>>
          %dma_start3A_116 = arith.constant 0 : i32
          %dma_start3A_117 = arith.constant 0 : i32
          %dma_start3A_118 = tpu.memref_slice %arg10[%dma_start3A_116, %dma_start3A_117] : memref<10240x128xf32, #tpu.memory_space<vmem_shared>> -> memref<10240x128xf32, #tpu.memory_space<vmem_shared>>
          tpu.enqueue_indirect_dma source(%dma_start3A_112 : memref<128x128xf32, #tpu.memory_space<vmem>>) target(%dma_start3A_118 : memref<10240x128xf32, #tpu.memory_space<vmem_shared>>) offsets(%dma_start3A_115 : memref<128xi32, #tpu.memory_space<vmem>>) semaphore(%run_scoped3A : memref<!tpu.dma_semaphore, #tpu.memory_space<semaphore_mem>>) {add = true}
          %dma_wait3A_119 = arith.constant 0 : i32
          %dma_wait3A_120 = arith.constant 0 : i32
          %dma_wait3A_121 = tpu.memref_slice %arg9[%while3A_13, %dma_wait3A_119, %dma_wait3A_120] : memref<2x128x128xf32, #tpu.memory_space<vmem>> -> memref<1x128x128xf32, #tpu.memory_space<vmem>>
          %dma_wait3A_122 = tpu.memref_squeeze %dma_wait3A_121 : memref<1x128x128xf32, #tpu.memory_space<vmem>> -> memref<128x128xf32, #tpu.memory_space<vmem>>
          %dma_wait3A_123 = arith.constant 0 : i32
          %dma_wait3A_124 = tpu.memref_slice %arg8[%add3A_91, %dma_wait3A_123] : memref<8x128xi32, #tpu.memory_space<vmem>> -> memref<1x128xi32, #tpu.memory_space<vmem>>
          %dma_wait3A_125 = tpu.memref_squeeze %dma_wait3A_124 : memref<1x128xi32, #tpu.memory_space<vmem>> -> memref<128xi32, #tpu.memory_space<vmem>>
          %dma_wait3A_126 = arith.constant 0 : i32
          %dma_wait3A_127 = arith.constant 0 : i32
          %dma_wait3A_128 = tpu.memref_slice %arg10[%dma_wait3A_126, %dma_wait3A_127] : memref<10240x128xf32, #tpu.memory_space<vmem_shared>> -> memref<10240x128xf32, #tpu.memory_space<vmem_shared>>
          tpu.wait_indirect_dma semaphore(%run_scoped3A : memref<!tpu.dma_semaphore, #tpu.memory_space<semaphore_mem>>) src(%dma_wait3A_122 : memref<128x128xf32, #tpu.memory_space<vmem>>) dst(%dma_wait3A_128 : memref<10240x128xf32, #tpu.memory_space<vmem_shared>>)
          tpu.yield
        }) : () -> ()
        %dma_wait3A_92 = arith.constant 1 : i32
        %dma_wait3A_93 = arith.constant 0 : i32
        %dma_wait3A_94 = arith.constant 0 : i32
        %dma_wait3A_95 = tpu.memref_slice %arg9[%while3A_14, %dma_wait3A_93, %dma_wait3A_94] : memref<2x128x128xf32, #tpu.memory_space<vmem>> -> memref<1x128x128xf32, #tpu.memory_space<vmem>>
        %dma_wait3A_96 = tpu.memref_squeeze %dma_wait3A_95 : memref<1x128x128xf32, #tpu.memory_space<vmem>> -> memref<128x128xf32, #tpu.memory_space<vmem>>
        %dma_wait3A_97 = arith.constant 0 : i32
        %dma_wait3A_98 = tpu.memref_slice %arg7[%add3A_62, %dma_wait3A_97] : memref<8x128xi32, #tpu.memory_space<vmem>> -> memref<1x128xi32, #tpu.memory_space<vmem>>
        %dma_wait3A_99 = tpu.memref_squeeze %dma_wait3A_98 : memref<1x128xi32, #tpu.memory_space<vmem>> -> memref<128xi32, #tpu.memory_space<vmem>>
        %dma_wait3A_100 = arith.constant 0 : i32
        %dma_wait3A_101 = arith.constant 0 : i32
        %dma_wait3A_102 = tpu.memref_slice %arg2[%dma_wait3A_100, %dma_wait3A_101] : memref<10000x128xf32, #tpu.memory_space<hbm>> -> memref<10000x128xf32, #tpu.memory_space<hbm>>
        %dma_wait3A_103 = tpu.memref_slice %arg11[%dma_wait3A_92] : memref<2x!tpu.dma_semaphore, #tpu.memory_space<semaphore_mem>> -> memref<1x!tpu.dma_semaphore, #tpu.memory_space<semaphore_mem>>
        %dma_wait3A_104 = tpu.memref_squeeze %dma_wait3A_103 : memref<1x!tpu.dma_semaphore, #tpu.memory_space<semaphore_mem>> -> memref<!tpu.dma_semaphore, #tpu.memory_space<semaphore_mem>>
        tpu.wait_indirect_dma semaphore(%dma_wait3A_104 : memref<!tpu.dma_semaphore, #tpu.memory_space<semaphore_mem>>) src(%dma_wait3A_102 : memref<10000x128xf32, #tpu.memory_space<hbm>>) dst(%dma_wait3A_96 : memref<128x128xf32, #tpu.memory_space<vmem>>)
        %mul3A_105 = arith.constant 2 : i32
        %mul3A_106 = arith.muli %scan3A_42, %mul3A_105 : i32
        %add3A_107 = arith.constant 1 : i32
        %add3A_108 = arith.addi %mul3A_106, %add3A_107 : i32
        "tpu.region"() ({
          %run_scoped3A = tpu.sem_alloc : memref<!tpu.dma_semaphore, #tpu.memory_space<semaphore_mem>>
          %dma_start3A_109 = arith.constant 0 : i32
          %dma_start3A_110 = arith.constant 0 : i32
          %dma_start3A_111 = tpu.memref_slice %arg9[%while3A_14, %dma_start3A_109, %dma_start3A_110] : memref<2x128x128xf32, #tpu.memory_space<vmem>> -> memref<1x128x128xf32, #tpu.memory_space<vmem>>
          %dma_start3A_112 = tpu.memref_squeeze %dma_start3A_111 : memref<1x128x128xf32, #tpu.memory_space<vmem>> -> memref<128x128xf32, #tpu.memory_space<vmem>>
          %dma_start3A_113 = arith.constant 0 : i32
          %dma_start3A_114 = tpu.memref_slice %arg8[%add3A_108, %dma_start3A_113] : memref<8x128xi32, #tpu.memory_space<vmem>> -> memref<1x128xi32, #tpu.memory_space<vmem>>
          %dma_start3A_115 = tpu.memref_squeeze %dma_start3A_114 : memref<1x128xi32, #tpu.memory_space<vmem>> -> memref<128xi32, #tpu.memory_space<vmem>>
          %dma_start3A_116 = arith.constant 0 : i32
          %dma_start3A_117 = arith.constant 0 : i32
          %dma_start3A_118 = tpu.memref_slice %arg10[%dma_start3A_116, %dma_start3A_117] : memref<10240x128xf32, #tpu.memory_space<vmem_shared>> -> memref<10240x128xf32, #tpu.memory_space<vmem_shared>>
          tpu.enqueue_indirect_dma source(%dma_start3A_112 : memref<128x128xf32, #tpu.memory_space<vmem>>) target(%dma_start3A_118 : memref<10240x128xf32, #tpu.memory_space<vmem_shared>>) offsets(%dma_start3A_115 : memref<128xi32, #tpu.memory_space<vmem>>) semaphore(%run_scoped3A : memref<!tpu.dma_semaphore, #tpu.memory_space<semaphore_mem>>) {add = true}
          %dma_wait3A_119 = arith.constant 0 : i32
          %dma_wait3A_120 = arith.constant 0 : i32
          %dma_wait3A_121 = tpu.memref_slice %arg9[%while3A_14, %dma_wait3A_119, %dma_wait3A_120] : memref<2x128x128xf32, #tpu.memory_space<vmem>> -> memref<1x128x128xf32, #tpu.memory_space<vmem>>
          %dma_wait3A_122 = tpu.memref_squeeze %dma_wait3A_121 : memref<1x128x128xf32, #tpu.memory_space<vmem>> -> memref<128x128xf32, #tpu.memory_space<vmem>>
          %dma_wait3A_123 = arith.constant 0 : i32
          %dma_wait3A_124 = tpu.memref_slice %arg8[%add3A_108, %dma_wait3A_123] : memref<8x128xi32, #tpu.memory_space<vmem>> -> memref<1x128xi32, #tpu.memory_space<vmem>>
          %dma_wait3A_125 = tpu.memref_squeeze %dma_wait3A_124 : memref<1x128xi32, #tpu.memory_space<vmem>> -> memref<128xi32, #tpu.memory_space<vmem>>
          %dma_wait3A_126 = arith.constant 0 : i32
          %dma_wait3A_127 = arith.constant 0 : i32
          %dma_wait3A_128 = tpu.memref_slice %arg10[%dma_wait3A_126, %dma_wait3A_127] : memref<10240x128xf32, #tpu.memory_space<vmem_shared>> -> memref<10240x128xf32, #tpu.memory_space<vmem_shared>>
          tpu.wait_indirect_dma semaphore(%run_scoped3A : memref<!tpu.dma_semaphore, #tpu.memory_space<semaphore_mem>>) src(%dma_wait3A_122 : memref<128x128xf32, #tpu.memory_space<vmem>>) dst(%dma_wait3A_128 : memref<10240x128xf32, #tpu.memory_space<vmem_shared>>)
          tpu.yield
        }) : () -> ()
      }
      %scan3A_41 = arith.constant 4 : i32
    }
    %while3A_23 = arith.constant 1 : i32
    scf.for %while3A_33 = %while3A_21 to %while3A_17 step %while3A_23  : i32 {
      %mul3A_34 = arith.constant 8 : i32
      %mul3A_35 = arith.muli %while3A_33, %mul3A_34 : i32
      %add3A_36 = arith.addi %select_n3A, %mul3A_35 : i32
      "tpu.region"() ({
        %run_scoped3A = tpu.sem_alloc : memref<!tpu.dma_semaphore, #tpu.memory_space<semaphore_mem>>
        %dma_start3A = arith.constant 0 : i32
        %dma_start3A_42 = tpu.memref_slice %arg3[%add3A_36, %dma_start3A] : memref<2560x128xi32, #tpu.memory_space<hbm>> -> memref<8x128xi32, #tpu.memory_space<hbm>>
        %dma_start3A_43 = arith.constant 0 : i32
        %dma_start3A_44 = tpu.memref_slice %arg3[%add3A_36, %dma_start3A_43] : memref<2560x128xi32, #tpu.memory_space<hbm>> -> memref<8x128xi32, #tpu.memory_space<hbm>>
        tpu.enqueue_dma source(%dma_start3A_44 : memref<8x128xi32, #tpu.memory_space<hbm>>) target(%arg7 : memref<8x128xi32, #tpu.memory_space<vmem>>) target_semaphore(%run_scoped3A : memref<!tpu.dma_semaphore, #tpu.memory_space<semaphore_mem>>)
        %dma_wait3A = arith.constant 0 : i32
        %dma_wait3A_45 = tpu.memref_slice %arg3[%add3A_36, %dma_wait3A] : memref<2560x128xi32, #tpu.memory_space<hbm>> -> memref<8x128xi32, #tpu.memory_space<hbm>>
        %dma_wait3A_46 = arith.constant 0 : i32
        %dma_wait3A_47 = tpu.memref_slice %arg3[%add3A_36, %dma_wait3A_46] : memref<2560x128xi32, #tpu.memory_space<hbm>> -> memref<8x128xi32, #tpu.memory_space<hbm>>
        tpu.wait_dma2 semaphore(%run_scoped3A : memref<!tpu.dma_semaphore, #tpu.memory_space<semaphore_mem>>) src(%dma_wait3A_47 : memref<8x128xi32, #tpu.memory_space<hbm>>) dst(%arg7 : memref<8x128xi32, #tpu.memory_space<vmem>>)
        tpu.yield
      }) : () -> ()
      "tpu.region"() ({
        %run_scoped3A = tpu.sem_alloc : memref<!tpu.dma_semaphore, #tpu.memory_space<semaphore_mem>>
        %dma_start3A = arith.constant 0 : i32
        %dma_start3A_42 = tpu.memref_slice %arg4[%add3A_36, %dma_start3A] : memref<2560x128xi32, #tpu.memory_space<hbm>> -> memref<8x128xi32, #tpu.memory_space<hbm>>
        %dma_start3A_43 = arith.constant 0 : i32
        %dma_start3A_44 = tpu.memref_slice %arg4[%add3A_36, %dma_start3A_43] : memref<2560x128xi32, #tpu.memory_space<hbm>> -> memref<8x128xi32, #tpu.memory_space<hbm>>
        tpu.enqueue_dma source(%dma_start3A_44 : memref<8x128xi32, #tpu.memory_space<hbm>>) target(%arg8 : memref<8x128xi32, #tpu.memory_space<vmem>>) target_semaphore(%run_scoped3A : memref<!tpu.dma_semaphore, #tpu.memory_space<semaphore_mem>>)
        %dma_wait3A = arith.constant 0 : i32
        %dma_wait3A_45 = tpu.memref_slice %arg4[%add3A_36, %dma_wait3A] : memref<2560x128xi32, #tpu.memory_space<hbm>> -> memref<8x128xi32, #tpu.memory_space<hbm>>
        %dma_wait3A_46 = arith.constant 0 : i32
        %dma_wait3A_47 = tpu.memref_slice %arg4[%add3A_36, %dma_wait3A_46] : memref<2560x128xi32, #tpu.memory_space<hbm>> -> memref<8x128xi32, #tpu.memory_space<hbm>>
        tpu.wait_dma2 semaphore(%run_scoped3A : memref<!tpu.dma_semaphore, #tpu.memory_space<semaphore_mem>>) src(%dma_wait3A_47 : memref<8x128xi32, #tpu.memory_space<hbm>>) dst(%arg8 : memref<8x128xi32, #tpu.memory_space<vmem>>)
        tpu.yield
      }) : () -> ()
      %scan3A = arith.constant 0 : i32
      %scan3A_37 = arith.constant 0 : i32
      %scan3A_38 = arith.constant 4 : i32
      %scan3A_39 = arith.addi %scan3A_37, %scan3A_38 : i32
      %scan3A_40 = arith.constant 1 : i32
      scf.for %scan3A_42 = %scan3A_37 to %scan3A_39 step %scan3A_40  : i32 {
        %mul3A_43 = arith.constant 2 : i32
        %mul3A_44 = arith.muli %scan3A_42, %mul3A_43 : i32
        %add3A_45 = arith.constant 0 : i32
        %add3A_46 = arith.addi %mul3A_44, %add3A_45 : i32
        %dma_start3A = arith.constant 0 : i32
        %dma_start3A_47 = arith.constant 0 : i32
        %dma_start3A_48 = arith.constant 0 : i32
        %dma_start3A_49 = tpu.memref_slice %arg9[%while3A_13, %dma_start3A_47, %dma_start3A_48] : memref<2x128x128xf32, #tpu.memory_space<vmem>> -> memref<1x128x128xf32, #tpu.memory_space<vmem>>
        %dma_start3A_50 = tpu.memref_squeeze %dma_start3A_49 : memref<1x128x128xf32, #tpu.memory_space<vmem>> -> memref<128x128xf32, #tpu.memory_space<vmem>>
        %dma_start3A_51 = arith.constant 0 : i32
        %dma_start3A_52 = tpu.memref_slice %arg7[%add3A_46, %dma_start3A_51] : memref<8x128xi32, #tpu.memory_space<vmem>> -> memref<1x128xi32, #tpu.memory_space<vmem>>
        %dma_start3A_53 = tpu.memref_squeeze %dma_start3A_52 : memref<1x128xi32, #tpu.memory_space<vmem>> -> memref<128xi32, #tpu.memory_space<vmem>>
        %dma_start3A_54 = arith.constant 0 : i32
        %dma_start3A_55 = arith.constant 0 : i32
        %dma_start3A_56 = tpu.memref_slice %arg2[%dma_start3A_54, %dma_start3A_55] : memref<10000x128xf32, #tpu.memory_space<hbm>> -> memref<10000x128xf32, #tpu.memory_space<hbm>>
        %dma_start3A_57 = tpu.memref_slice %arg11[%dma_start3A] : memref<2x!tpu.dma_semaphore, #tpu.memory_space<semaphore_mem>> -> memref<1x!tpu.dma_semaphore, #tpu.memory_space<semaphore_mem>>
        %dma_start3A_58 = tpu.memref_squeeze %dma_start3A_57 : memref<1x!tpu.dma_semaphore, #tpu.memory_space<semaphore_mem>> -> memref<!tpu.dma_semaphore, #tpu.memory_space<semaphore_mem>>
        tpu.enqueue_indirect_dma source(%dma_start3A_56 : memref<10000x128xf32, #tpu.memory_space<hbm>>) target(%dma_start3A_50 : memref<128x128xf32, #tpu.memory_space<vmem>>) offsets(%dma_start3A_53 : memref<128xi32, #tpu.memory_space<vmem>>) semaphore(%dma_start3A_58 : memref<!tpu.dma_semaphore, #tpu.memory_space<semaphore_mem>>)
        %mul3A_59 = arith.constant 2 : i32
        %mul3A_60 = arith.muli %scan3A_42, %mul3A_59 : i32
        %add3A_61 = arith.constant 1 : i32
        %add3A_62 = arith.addi %mul3A_60, %add3A_61 : i32
        %dma_start3A_63 = arith.constant 1 : i32
        %dma_start3A_64 = arith.constant 0 : i32
        %dma_start3A_65 = arith.constant 0 : i32
        %dma_start3A_66 = tpu.memref_slice %arg9[%while3A_14, %dma_start3A_64, %dma_start3A_65] : memref<2x128x128xf32, #tpu.memory_space<vmem>> -> memref<1x128x128xf32, #tpu.memory_space<vmem>>
        %dma_start3A_67 = tpu.memref_squeeze %dma_start3A_66 : memref<1x128x128xf32, #tpu.memory_space<vmem>> -> memref<128x128xf32, #tpu.memory_space<vmem>>
        %dma_start3A_68 = arith.constant 0 : i32
        %dma_start3A_69 = tpu.memref_slice %arg7[%add3A_62, %dma_start3A_68] : memref<8x128xi32, #tpu.memory_space<vmem>> -> memref<1x128xi32, #tpu.memory_space<vmem>>
        %dma_start3A_70 = tpu.memref_squeeze %dma_start3A_69 : memref<1x128xi32, #tpu.memory_space<vmem>> -> memref<128xi32, #tpu.memory_space<vmem>>
        %dma_start3A_71 = arith.constant 0 : i32
        %dma_start3A_72 = arith.constant 0 : i32
        %dma_start3A_73 = tpu.memref_slice %arg2[%dma_start3A_71, %dma_start3A_72] : memref<10000x128xf32, #tpu.memory_space<hbm>> -> memref<10000x128xf32, #tpu.memory_space<hbm>>
        %dma_start3A_74 = tpu.memref_slice %arg11[%dma_start3A_63] : memref<2x!tpu.dma_semaphore, #tpu.memory_space<semaphore_mem>> -> memref<1x!tpu.dma_semaphore, #tpu.memory_space<semaphore_mem>>
        %dma_start3A_75 = tpu.memref_squeeze %dma_start3A_74 : memref<1x!tpu.dma_semaphore, #tpu.memory_space<semaphore_mem>> -> memref<!tpu.dma_semaphore, #tpu.memory_space<semaphore_mem>>
        tpu.enqueue_indirect_dma source(%dma_start3A_73 : memref<10000x128xf32, #tpu.memory_space<hbm>>) target(%dma_start3A_67 : memref<128x128xf32, #tpu.memory_space<vmem>>) offsets(%dma_start3A_70 : memref<128xi32, #tpu.memory_space<vmem>>) semaphore(%dma_start3A_75 : memref<!tpu.dma_semaphore, #tpu.memory_space<semaphore_mem>>)
        %dma_wait3A = arith.constant 0 : i32
        %dma_wait3A_76 = arith.constant 0 : i32
        %dma_wait3A_77 = arith.constant 0 : i32
        %dma_wait3A_78 = tpu.memref_slice %arg9[%while3A_13, %dma_wait3A_76, %dma_wait3A_77] : memref<2x128x128xf32, #tpu.memory_space<vmem>> -> memref<1x128x128xf32, #tpu.memory_space<vmem>>
        %dma_wait3A_79 = tpu.memref_squeeze %dma_wait3A_78 : memref<1x128x128xf32, #tpu.memory_space<vmem>> -> memref<128x128xf32, #tpu.memory_space<vmem>>
        %dma_wait3A_80 = arith.constant 0 : i32
        %dma_wait3A_81 = tpu.memref_slice %arg7[%add3A_46, %dma_wait3A_80] : memref<8x128xi32, #tpu.memory_space<vmem>> -> memref<1x128xi32, #tpu.memory_space<vmem>>
        %dma_wait3A_82 = tpu.memref_squeeze %dma_wait3A_81 : memref<1x128xi32, #tpu.memory_space<vmem>> -> memref<128xi32, #tpu.memory_space<vmem>>
        %dma_wait3A_83 = arith.constant 0 : i32
        %dma_wait3A_84 = arith.constant 0 : i32
        %dma_wait3A_85 = tpu.memref_slice %arg2[%dma_wait3A_83, %dma_wait3A_84] : memref<10000x128xf32, #tpu.memory_space<hbm>> -> memref<10000x128xf32, #tpu.memory_space<hbm>>
        %dma_wait3A_86 = tpu.memref_slice %arg11[%dma_wait3A] : memref<2x!tpu.dma_semaphore, #tpu.memory_space<semaphore_mem>> -> memref<1x!tpu.dma_semaphore, #tpu.memory_space<semaphore_mem>>
        %dma_wait3A_87 = tpu.memref_squeeze %dma_wait3A_86 : memref<1x!tpu.dma_semaphore, #tpu.memory_space<semaphore_mem>> -> memref<!tpu.dma_semaphore, #tpu.memory_space<semaphore_mem>>
        tpu.wait_indirect_dma semaphore(%dma_wait3A_87 : memref<!tpu.dma_semaphore, #tpu.memory_space<semaphore_mem>>) src(%dma_wait3A_85 : memref<10000x128xf32, #tpu.memory_space<hbm>>) dst(%dma_wait3A_79 : memref<128x128xf32, #tpu.memory_space<vmem>>)
        %mul3A_88 = arith.constant 2 : i32
        %mul3A_89 = arith.muli %scan3A_42, %mul3A_88 : i32
        %add3A_90 = arith.constant 0 : i32
        %add3A_91 = arith.addi %mul3A_89, %add3A_90 : i32
        "tpu.region"() ({
          %run_scoped3A = tpu.sem_alloc : memref<!tpu.dma_semaphore, #tpu.memory_space<semaphore_mem>>
          %dma_start3A_109 = arith.constant 0 : i32
          %dma_start3A_110 = arith.constant 0 : i32
          %dma_start3A_111 = tpu.memref_slice %arg9[%while3A_13, %dma_start3A_109, %dma_start3A_110] : memref<2x128x128xf32, #tpu.memory_space<vmem>> -> memref<1x128x128xf32, #tpu.memory_space<vmem>>
          %dma_start3A_112 = tpu.memref_squeeze %dma_start3A_111 : memref<1x128x128xf32, #tpu.memory_space<vmem>> -> memref<128x128xf32, #tpu.memory_space<vmem>>
          %dma_start3A_113 = arith.constant 0 : i32
          %dma_start3A_114 = tpu.memref_slice %arg8[%add3A_91, %dma_start3A_113] : memref<8x128xi32, #tpu.memory_space<vmem>> -> memref<1x128xi32, #tpu.memory_space<vmem>>
          %dma_start3A_115 = tpu.memref_squeeze %dma_start3A_114 : memref<1x128xi32, #tpu.memory_space<vmem>> -> memref<128xi32, #tpu.memory_space<vmem>>
          %dma_start3A_116 = arith.constant 0 : i32
          %dma_start3A_117 = arith.constant 0 : i32
          %dma_start3A_118 = tpu.memref_slice %arg10[%dma_start3A_116, %dma_start3A_117] : memref<10240x128xf32, #tpu.memory_space<vmem_shared>> -> memref<10240x128xf32, #tpu.memory_space<vmem_shared>>
          tpu.enqueue_indirect_dma source(%dma_start3A_112 : memref<128x128xf32, #tpu.memory_space<vmem>>) target(%dma_start3A_118 : memref<10240x128xf32, #tpu.memory_space<vmem_shared>>) offsets(%dma_start3A_115 : memref<128xi32, #tpu.memory_space<vmem>>) semaphore(%run_scoped3A : memref<!tpu.dma_semaphore, #tpu.memory_space<semaphore_mem>>) {add = true}
          %dma_wait3A_119 = arith.constant 0 : i32
          %dma_wait3A_120 = arith.constant 0 : i32
          %dma_wait3A_121 = tpu.memref_slice %arg9[%while3A_13, %dma_wait3A_119, %dma_wait3A_120] : memref<2x128x128xf32, #tpu.memory_space<vmem>> -> memref<1x128x128xf32, #tpu.memory_space<vmem>>
          %dma_wait3A_122 = tpu.memref_squeeze %dma_wait3A_121 : memref<1x128x128xf32, #tpu.memory_space<vmem>> -> memref<128x128xf32, #tpu.memory_space<vmem>>
          %dma_wait3A_123 = arith.constant 0 : i32
          %dma_wait3A_124 = tpu.memref_slice %arg8[%add3A_91, %dma_wait3A_123] : memref<8x128xi32, #tpu.memory_space<vmem>> -> memref<1x128xi32, #tpu.memory_space<vmem>>
          %dma_wait3A_125 = tpu.memref_squeeze %dma_wait3A_124 : memref<1x128xi32, #tpu.memory_space<vmem>> -> memref<128xi32, #tpu.memory_space<vmem>>
          %dma_wait3A_126 = arith.constant 0 : i32
          %dma_wait3A_127 = arith.constant 0 : i32
          %dma_wait3A_128 = tpu.memref_slice %arg10[%dma_wait3A_126, %dma_wait3A_127] : memref<10240x128xf32, #tpu.memory_space<vmem_shared>> -> memref<10240x128xf32, #tpu.memory_space<vmem_shared>>
          tpu.wait_indirect_dma semaphore(%run_scoped3A : memref<!tpu.dma_semaphore, #tpu.memory_space<semaphore_mem>>) src(%dma_wait3A_122 : memref<128x128xf32, #tpu.memory_space<vmem>>) dst(%dma_wait3A_128 : memref<10240x128xf32, #tpu.memory_space<vmem_shared>>)
          tpu.yield
        }) : () -> ()
        %dma_wait3A_92 = arith.constant 1 : i32
        %dma_wait3A_93 = arith.constant 0 : i32
        %dma_wait3A_94 = arith.constant 0 : i32
        %dma_wait3A_95 = tpu.memref_slice %arg9[%while3A_14, %dma_wait3A_93, %dma_wait3A_94] : memref<2x128x128xf32, #tpu.memory_space<vmem>> -> memref<1x128x128xf32, #tpu.memory_space<vmem>>
        %dma_wait3A_96 = tpu.memref_squeeze %dma_wait3A_95 : memref<1x128x128xf32, #tpu.memory_space<vmem>> -> memref<128x128xf32, #tpu.memory_space<vmem>>
        %dma_wait3A_97 = arith.constant 0 : i32
        %dma_wait3A_98 = tpu.memref_slice %arg7[%add3A_62, %dma_wait3A_97] : memref<8x128xi32, #tpu.memory_space<vmem>> -> memref<1x128xi32, #tpu.memory_space<vmem>>
        %dma_wait3A_99 = tpu.memref_squeeze %dma_wait3A_98 : memref<1x128xi32, #tpu.memory_space<vmem>> -> memref<128xi32, #tpu.memory_space<vmem>>
        %dma_wait3A_100 = arith.constant 0 : i32
        %dma_wait3A_101 = arith.constant 0 : i32
        %dma_wait3A_102 = tpu.memref_slice %arg2[%dma_wait3A_100, %dma_wait3A_101] : memref<10000x128xf32, #tpu.memory_space<hbm>> -> memref<10000x128xf32, #tpu.memory_space<hbm>>
        %dma_wait3A_103 = tpu.memref_slice %arg11[%dma_wait3A_92] : memref<2x!tpu.dma_semaphore, #tpu.memory_space<semaphore_mem>> -> memref<1x!tpu.dma_semaphore, #tpu.memory_space<semaphore_mem>>
        %dma_wait3A_104 = tpu.memref_squeeze %dma_wait3A_103 : memref<1x!tpu.dma_semaphore, #tpu.memory_space<semaphore_mem>> -> memref<!tpu.dma_semaphore, #tpu.memory_space<semaphore_mem>>
        tpu.wait_indirect_dma semaphore(%dma_wait3A_104 : memref<!tpu.dma_semaphore, #tpu.memory_space<semaphore_mem>>) src(%dma_wait3A_102 : memref<10000x128xf32, #tpu.memory_space<hbm>>) dst(%dma_wait3A_96 : memref<128x128xf32, #tpu.memory_space<vmem>>)
        %mul3A_105 = arith.constant 2 : i32
        %mul3A_106 = arith.muli %scan3A_42, %mul3A_105 : i32
        %add3A_107 = arith.constant 1 : i32
        %add3A_108 = arith.addi %mul3A_106, %add3A_107 : i32
        "tpu.region"() ({
          %run_scoped3A = tpu.sem_alloc : memref<!tpu.dma_semaphore, #tpu.memory_space<semaphore_mem>>
          %dma_start3A_109 = arith.constant 0 : i32
          %dma_start3A_110 = arith.constant 0 : i32
          %dma_start3A_111 = tpu.memref_slice %arg9[%while3A_14, %dma_start3A_109, %dma_start3A_110] : memref<2x128x128xf32, #tpu.memory_space<vmem>> -> memref<1x128x128xf32, #tpu.memory_space<vmem>>
          %dma_start3A_112 = tpu.memref_squeeze %dma_start3A_111 : memref<1x128x128xf32, #tpu.memory_space<vmem>> -> memref<128x128xf32, #tpu.memory_space<vmem>>
          %dma_start3A_113 = arith.constant 0 : i32
          %dma_start3A_114 = tpu.memref_slice %arg8[%add3A_108, %dma_start3A_113] : memref<8x128xi32, #tpu.memory_space<vmem>> -> memref<1x128xi32, #tpu.memory_space<vmem>>
          %dma_start3A_115 = tpu.memref_squeeze %dma_start3A_114 : memref<1x128xi32, #tpu.memory_space<vmem>> -> memref<128xi32, #tpu.memory_space<vmem>>
          %dma_start3A_116 = arith.constant 0 : i32
          %dma_start3A_117 = arith.constant 0 : i32
          %dma_start3A_118 = tpu.memref_slice %arg10[%dma_start3A_116, %dma_start3A_117] : memref<10240x128xf32, #tpu.memory_space<vmem_shared>> -> memref<10240x128xf32, #tpu.memory_space<vmem_shared>>
          tpu.enqueue_indirect_dma source(%dma_start3A_112 : memref<128x128xf32, #tpu.memory_space<vmem>>) target(%dma_start3A_118 : memref<10240x128xf32, #tpu.memory_space<vmem_shared>>) offsets(%dma_start3A_115 : memref<128xi32, #tpu.memory_space<vmem>>) semaphore(%run_scoped3A : memref<!tpu.dma_semaphore, #tpu.memory_space<semaphore_mem>>) {add = true}
          %dma_wait3A_119 = arith.constant 0 : i32
          %dma_wait3A_120 = arith.constant 0 : i32
          %dma_wait3A_121 = tpu.memref_slice %arg9[%while3A_14, %dma_wait3A_119, %dma_wait3A_120] : memref<2x128x128xf32, #tpu.memory_space<vmem>> -> memref<1x128x128xf32, #tpu.memory_space<vmem>>
          %dma_wait3A_122 = tpu.memref_squeeze %dma_wait3A_121 : memref<1x128x128xf32, #tpu.memory_space<vmem>> -> memref<128x128xf32, #tpu.memory_space<vmem>>
          %dma_wait3A_123 = arith.constant 0 : i32
          %dma_wait3A_124 = tpu.memref_slice %arg8[%add3A_108, %dma_wait3A_123] : memref<8x128xi32, #tpu.memory_space<vmem>> -> memref<1x128xi32, #tpu.memory_space<vmem>>
          %dma_wait3A_125 = tpu.memref_squeeze %dma_wait3A_124 : memref<1x128xi32, #tpu.memory_space<vmem>> -> memref<128xi32, #tpu.memory_space<vmem>>
          %dma_wait3A_126 = arith.constant 0 : i32
          %dma_wait3A_127 = arith.constant 0 : i32
          %dma_wait3A_128 = tpu.memref_slice %arg10[%dma_wait3A_126, %dma_wait3A_127] : memref<10240x128xf32, #tpu.memory_space<vmem_shared>> -> memref<10240x128xf32, #tpu.memory_space<vmem_shared>>
          tpu.wait_indirect_dma semaphore(%run_scoped3A : memref<!tpu.dma_semaphore, #tpu.memory_space<semaphore_mem>>) src(%dma_wait3A_122 : memref<128x128xf32, #tpu.memory_space<vmem>>) dst(%dma_wait3A_128 : memref<10240x128xf32, #tpu.memory_space<vmem_shared>>)
          tpu.yield
        }) : () -> ()
      }
      %scan3A_41 = arith.constant 4 : i32
    }
    %barrier3A_24 = arith.constant 0 : index
    tpu.barrier barrier_id(%barrier3A_24)
    %mul3A_25 = arith.constant 624 : i32
    %mul3A_26 = arith.muli %arg1, %mul3A_25 : i32
    %mul3A_27 = arith.constant 10000 : i32
    %mul3A_28 = arith.muli %arg0, %mul3A_27 : i32
    %add3A_29 = arith.addi %mul3A_28, %mul3A_26 : i32
    "tpu.region"() ({
      %run_scoped3A = tpu.sem_alloc : memref<!tpu.dma_semaphore, #tpu.memory_space<semaphore_mem>>
      %dma_start3A = arith.constant 0 : i32
      %dma_start3A_33 = tpu.memref_slice %arg6[%add3A_29, %dma_start3A] : memref<20000x128xf32, #tpu.memory_space<hbm>> -> memref<624x128xf32, #tpu.memory_space<hbm>>
      %dma_start3A_34 = arith.constant 0 : i32
      %dma_start3A_35 = tpu.memref_slice %arg10[%mul3A_26, %dma_start3A_34] : memref<10240x128xf32, #tpu.memory_space<vmem_shared>> -> memref<624x128xf32, #tpu.memory_space<vmem_shared>>
      tpu.enqueue_dma source(%dma_start3A_35 : memref<624x128xf32, #tpu.memory_space<vmem_shared>>) target(%dma_start3A_33 : memref<624x128xf32, #tpu.memory_space<hbm>>) target_semaphore(%run_scoped3A : memref<!tpu.dma_semaphore, #tpu.memory_space<semaphore_mem>>)
      %dma_wait3A = arith.constant 0 : i32
      %dma_wait3A_36 = tpu.memref_slice %arg6[%add3A_29, %dma_wait3A] : memref<20000x128xf32, #tpu.memory_space<hbm>> -> memref<624x128xf32, #tpu.memory_space<hbm>>
      %dma_wait3A_37 = arith.constant 0 : i32
      %dma_wait3A_38 = tpu.memref_slice %arg10[%mul3A_26, %dma_wait3A_37] : memref<10240x128xf32, #tpu.memory_space<vmem_shared>> -> memref<624x128xf32, #tpu.memory_space<vmem_shared>>
      tpu.wait_dma2 semaphore(%run_scoped3A : memref<!tpu.dma_semaphore, #tpu.memory_space<semaphore_mem>>) src(%dma_wait3A_38 : memref<624x128xf32, #tpu.memory_space<vmem_shared>>) dst(%dma_wait3A_36 : memref<624x128xf32, #tpu.memory_space<hbm>>)
      tpu.yield
    }) : () -> ()
    %eq3A_30 = arith.constant 0 : i32
    %eq3A_31 = arith.cmpi eq, %arg1, %eq3A_30 : i32
    %convert_element_type3A = arith.extui %eq3A_31 : i1 to i32
    %cond3A = arith.constant 0 : i32
    %cond3A_32 = arith.cmpi ne, %convert_element_type3A, %cond3A : i32
    scf.if %cond3A_32 {
      %mul3A_33 = arith.constant 10000 : i32
      %mul3A_34 = arith.muli %arg0, %mul3A_33 : i32
      %add3A_35 = arith.constant 9984 : i32
      %add3A_36 = arith.addi %mul3A_34, %add3A_35 : i32
      "tpu.region"() ({
        %run_scoped3A = tpu.sem_alloc : memref<!tpu.dma_semaphore, #tpu.memory_space<semaphore_mem>>
        %dma_start3A = arith.constant 0 : i32
        %dma_start3A_37 = tpu.memref_slice %arg6[%add3A_36, %dma_start3A] : memref<20000x128xf32, #tpu.memory_space<hbm>> -> memref<16x128xf32, #tpu.memory_space<hbm>>
        %dma_start3A_38 = arith.constant 9984 : i32
        %dma_start3A_39 = arith.constant 0 : i32
        %dma_start3A_40 = tpu.memref_slice %arg10[%dma_start3A_38, %dma_start3A_39] : memref<10240x128xf32, #tpu.memory_space<vmem_shared>> -> memref<16x128xf32, #tpu.memory_space<vmem_shared>>
        tpu.enqueue_dma source(%dma_start3A_40 : memref<16x128xf32, #tpu.memory_space<vmem_shared>>) target(%dma_start3A_37 : memref<16x128xf32, #tpu.memory_space<hbm>>) target_semaphore(%run_scoped3A : memref<!tpu.dma_semaphore, #tpu.memory_space<semaphore_mem>>)
        %dma_wait3A = arith.constant 0 : i32
        %dma_wait3A_41 = tpu.memref_slice %arg6[%add3A_36, %dma_wait3A] : memref<20000x128xf32, #tpu.memory_space<hbm>> -> memref<16x128xf32, #tpu.memory_space<hbm>>
        %dma_wait3A_42 = arith.constant 9984 : i32
        %dma_wait3A_43 = arith.constant 0 : i32
        %dma_wait3A_44 = tpu.memref_slice %arg10[%dma_wait3A_42, %dma_wait3A_43] : memref<10240x128xf32, #tpu.memory_space<vmem_shared>> -> memref<16x128xf32, #tpu.memory_space<vmem_shared>>
        tpu.wait_dma2 semaphore(%run_scoped3A : memref<!tpu.dma_semaphore, #tpu.memory_space<semaphore_mem>>) src(%dma_wait3A_44 : memref<16x128xf32, #tpu.memory_space<vmem_shared>>) dst(%dma_wait3A_41 : memref<16x128xf32, #tpu.memory_space<hbm>>)
        tpu.yield
      }) : () -> ()
    } else {
    }
    return
  }
}

module attributes {stable_mosaic.version = 14 : i64} {
  func.func @body(%arg0: i32, %arg1: memref<1000x128xf32, #tpu.memory_space<vmem>>, %arg2: memref<128x128xf32, #tpu.memory_space<vmem>>, %arg3: memref<1x128xf32, #tpu.memory_space<vmem>>, %arg4: memref<1000x128xf32, #tpu.memory_space<vmem>>) attributes {dimension_semantics = [#tpu.dimension_semantics<arbitrary>], iteration_bounds = array<i64: 10>, scalar_prefetch = 0 : i64, scratch_operands = 0 : i64, tpu.core_type = #tpu.core_type<tc>, window_params = [{transform_indices = @transform_0, window_bounds = array<i64: 1000, 128>}, {pipeline_mode = #tpu.pipeline_mode<synchronous>, transform_indices = @transform_1, window_bounds = array<i64: 128, 128>}, {pipeline_mode = #tpu.pipeline_mode<synchronous>, transform_indices = @transform_2, window_bounds = array<i64: 1, 128>}, {transform_indices = @transform_3, window_bounds = array<i64: 1000, 128>}]} {
    %get3A = arith.constant 0 : index
    %get3A_0 = arith.constant 0 : index
    %get3A_1 = vector.load %arg1[%get3A, %get3A_0] : memref<1000x128xf32, #tpu.memory_space<vmem>>, vector<1000x128xf32>
    %get3A_2 = arith.constant 0 : index
    %get3A_3 = arith.constant 0 : index
    %get3A_4 = vector.load %arg2[%get3A_2, %get3A_3] : memref<128x128xf32, #tpu.memory_space<vmem>>, vector<128x128xf32>
    %dot_general3A = arith.constant dense<0.000000e+00> : vector<1000x128xf32>
    %dot_general3A_5 = tpu.matmul %get3A_1, %get3A_4, %dot_general3A {dimension_numbers = #tpu.dot_dimension_numbers<[1], [0], [0], [1], [0, 0, 1, 1], [], []>, transpose_lhs_hint = false} : vector<1000x128xf32>, vector<128x128xf32>, vector<1000x128xf32> -> vector<1000x128xf32>
    %get3A_6 = arith.constant 0 : index
    %get3A_7 = arith.constant 0 : index
    %get3A_8 = vector.load %arg3[%get3A_6, %get3A_7] : memref<1x128xf32, #tpu.memory_space<vmem>>, vector<1x128xf32>
    %add3A = vector.broadcast %get3A_8 : vector<1x128xf32> to vector<1000x128xf32>
    %add3A_9 = arith.addf %dot_general3A_5, %add3A : vector<1000x128xf32>
    %swap3A = arith.constant 0 : index
    %swap3A_10 = arith.constant 0 : index
    %swap3A_11 = vector.load %arg4[%swap3A, %swap3A_10] : memref<1000x128xf32, #tpu.memory_space<vmem>>, vector<1000x128xf32>
    tpu.vector_store %arg4[%swap3A, %swap3A_10], %add3A_9 {strides = array<i32>} : memref<1000x128xf32, #tpu.memory_space<vmem>>, vector<1000x128xf32>,
    return
  }
  func.func @transform_0(%arg0: i32) -> (i32, i32) {
    %c0_i32 = arith.constant 0 : i32
    %c0_i32_0 = arith.constant 0 : i32
    return %arg0, %c0_i32 : i32, i32
  }
  func.func @transform_1(%arg0: i32) -> (i32, i32) {
    %c0_i32 = arith.constant 0 : i32
    %c0_i32_0 = arith.constant 0 : i32
    %c0_i32_1 = arith.constant 0 : i32
    return %c0_i32, %c0_i32_0 : i32, i32
  }
  func.func @transform_2(%arg0: i32) -> (i32, i32) {
    %c0_i32 = arith.constant 0 : i32
    %c0_i32_0 = arith.constant 0 : i32
    %c0_i32_1 = arith.constant 0 : i32
    return %c0_i32, %c0_i32_0 : i32, i32
  }
  func.func @transform_3(%arg0: i32) -> (i32, i32) {
    %c0_i32 = arith.constant 0 : i32
    %c0_i32_0 = arith.constant 0 : i32
    return %arg0, %c0_i32 : i32, i32
  }
}

module attributes {stable_mosaic.version = 14 : i64} {
  func.func @body(%arg0: i32, %arg1: i32, %arg2: memref<1000x128xf32, #tpu.memory_space<vmem>>, %arg3: memref<1000x128xf32, #tpu.memory_space<vmem>>, %arg4: memref<1000x128xf32, #tpu.memory_space<vmem>>, %arg5: memref<128x128xf32, #tpu.memory_space<vmem>>, %arg6: memref<1x128xf32, #tpu.memory_space<vmem>>, %arg7: memref<1x128xf32, #tpu.memory_space<vmem>>, %arg8: memref<1x128xf32, #tpu.memory_space<vmem>>, %arg9: memref<128x128xf32, #tpu.memory_space<vmem>>, %arg10: memref<1x128xf32, #tpu.memory_space<vmem>>, %arg11: memref<1000x128xf32, #tpu.memory_space<vmem>>, %arg12: memref<10000x128xf32, #tpu.memory_space<vmem>>, %arg13: memref<1x128xf32, #tpu.memory_space<vmem>>, %arg14: memref<1x128xf32, #tpu.memory_space<vmem>>) attributes {dimension_semantics = [#tpu.dimension_semantics<arbitrary>, #tpu.dimension_semantics<arbitrary>], iteration_bounds = array<i64: 2, 10>, scalar_prefetch = 0 : i64, scratch_operands = 3 : i64, tpu.core_type = #tpu.core_type<tc>, window_params = [{transform_indices = @transform_0, window_bounds = array<i64: 1000, 128>}, {transform_indices = @transform_1, window_bounds = array<i64: 1000, 128>}, {transform_indices = @transform_2, window_bounds = array<i64: 1000, 128>}, {pipeline_mode = #tpu.pipeline_mode<synchronous>, transform_indices = @transform_3, window_bounds = array<i64: 128, 128>}, {pipeline_mode = #tpu.pipeline_mode<synchronous>, transform_indices = @transform_4, window_bounds = array<i64: 1, 128>}, {pipeline_mode = #tpu.pipeline_mode<synchronous>, transform_indices = @transform_5, window_bounds = array<i64: 1, 128>}, {pipeline_mode = #tpu.pipeline_mode<synchronous>, transform_indices = @transform_6, window_bounds = array<i64: 1, 128>}, {pipeline_mode = #tpu.pipeline_mode<synchronous>, transform_indices = @transform_7, window_bounds = array<i64: 128, 128>}, {pipeline_mode = #tpu.pipeline_mode<synchronous>, transform_indices = @transform_8, window_bounds = array<i64: 1, 128>}, {transform_indices = @transform_9, window_bounds = array<i64: 1000, 128>}]} {
    %eq3A = arith.constant 0 : i32
    %eq3A_0 = arith.cmpi eq, %arg0, %eq3A : i32
    %convert_element_type3A = arith.extui %eq3A_0 : i1 to i32
    %cond3A = arith.constant 0 : i32
    %cond3A_1 = arith.cmpi ne, %convert_element_type3A, %cond3A : i32
    scf.if %cond3A_1 {
      %get3A = arith.constant 0 : index
      %get3A_7 = arith.constant 0 : index
      %get3A_8 = vector.load %arg2[%get3A, %get3A_7] : memref<1000x128xf32, #tpu.memory_space<vmem>>, vector<1000x128xf32>
      %get3A_9 = arith.constant 0 : index
      %get3A_10 = arith.constant 0 : index
      %get3A_11 = vector.load %arg3[%get3A_9, %get3A_10] : memref<1000x128xf32, #tpu.memory_space<vmem>>, vector<1000x128xf32>
      %add3A = arith.addf %get3A_8, %get3A_11 : vector<1000x128xf32>
      %get3A_12 = arith.constant 0 : index
      %get3A_13 = arith.constant 0 : index
      %get3A_14 = vector.load %arg4[%get3A_12, %get3A_13] : memref<1000x128xf32, #tpu.memory_space<vmem>>, vector<1000x128xf32>
      %add3A_15 = arith.addf %add3A, %get3A_14 : vector<1000x128xf32>
      %get3A_16 = arith.constant 0 : index
      %get3A_17 = arith.constant 0 : index
      %get3A_18 = vector.load %arg5[%get3A_16, %get3A_17] : memref<128x128xf32, #tpu.memory_space<vmem>>, vector<128x128xf32>
      %dot_general3A = arith.constant dense<0.000000e+00> : vector<1000x128xf32>
      %dot_general3A_19 = tpu.matmul %add3A_15, %get3A_18, %dot_general3A {dimension_numbers = #tpu.dot_dimension_numbers<[1], [0], [0], [1], [0, 0, 1, 1], [], []>, transpose_lhs_hint = false} : vector<1000x128xf32>, vector<128x128xf32>, vector<1000x128xf32> -> vector<1000x128xf32>
      %get3A_20 = arith.constant 0 : index
      %get3A_21 = arith.constant 0 : index
      %get3A_22 = vector.load %arg6[%get3A_20, %get3A_21] : memref<1x128xf32, #tpu.memory_space<vmem>>, vector<1x128xf32>
      %add3A_23 = vector.broadcast %get3A_22 : vector<1x128xf32> to vector<1000x128xf32>
      %add3A_24 = arith.addf %dot_general3A_19, %add3A_23 : vector<1000x128xf32>
      %mul3A = arith.constant 1000 : i32
      %mul3A_25 = arith.muli %arg1, %mul3A : i32
      %swap3A = arith.index_cast %mul3A_25 : i32 to index
      %swap3A_26 = arith.constant 0 : index
      %swap3A_27 = vector.load %arg12[%swap3A, %swap3A_26] : memref<10000x128xf32, #tpu.memory_space<vmem>>, vector<1000x128xf32>
      tpu.vector_store %arg12[%swap3A, %swap3A_26], %add3A_24 {strides = array<i32>} : memref<10000x128xf32, #tpu.memory_space<vmem>>, vector<1000x128xf32>,
      %eq3A_28 = arith.constant 0 : i32
      %eq3A_29 = arith.cmpi eq, %arg1, %eq3A_28 : i32
      %convert_element_type3A_30 = arith.extui %eq3A_29 : i1 to i32
      %cond3A_31 = arith.constant 0 : i32
      %cond3A_32 = arith.cmpi ne, %convert_element_type3A_30, %cond3A_31 : i32
      scf.if %cond3A_32 {
        %broadcast_in_dim3A_52 = arith.constant 0.000000e+00 : f32
        %broadcast_in_dim3A_53 = vector.broadcast %broadcast_in_dim3A_52 : f32 to vector<1x128xf32>
        %swap3A_54 = arith.constant 0 : index
        %swap3A_55 = arith.constant 0 : index
        %swap3A_56 = vector.load %arg13[%swap3A_54, %swap3A_55] : memref<1x128xf32, #tpu.memory_space<vmem>>, vector<1x128xf32>
        tpu.vector_store %arg13[%swap3A_54, %swap3A_55], %broadcast_in_dim3A_53 {strides = array<i32>} : memref<1x128xf32, #tpu.memory_space<vmem>>, vector<1x128xf32>,
        %broadcast_in_dim3A_57 = arith.constant 0.000000e+00 : f32
        %broadcast_in_dim3A_58 = vector.broadcast %broadcast_in_dim3A_57 : f32 to vector<1x128xf32>
        %swap3A_59 = arith.constant 0 : index
        %swap3A_60 = arith.constant 0 : index
        %swap3A_61 = vector.load %arg14[%swap3A_59, %swap3A_60] : memref<1x128xf32, #tpu.memory_space<vmem>>, vector<1x128xf32>
        tpu.vector_store %arg14[%swap3A_59, %swap3A_60], %broadcast_in_dim3A_58 {strides = array<i32>} : memref<1x128xf32, #tpu.memory_space<vmem>>, vector<1x128xf32>,
      } else {
      }
      %get3A_33 = arith.constant 0 : index
      %get3A_34 = arith.constant 0 : index
      %get3A_35 = vector.load %arg13[%get3A_33, %get3A_34] : memref<1x128xf32, #tpu.memory_space<vmem>>, vector<1x128xf32>
      %reduce_sum3A = arith.constant dense<0.000000e+00> : vector<128xf32>
      %reduce_sum3A_36 = vector.multi_reduction <add>, %add3A_24, %reduce_sum3A [0] : vector<1000x128xf32> to vector<128xf32>
      %broadcast_in_dim3A = vector.shape_cast %reduce_sum3A_36 : vector<128xf32> to vector<1x128xf32>
      %add3A_37 = arith.addf %get3A_35, %broadcast_in_dim3A : vector<1x128xf32>
      %swap3A_38 = arith.constant 0 : index
      %swap3A_39 = arith.constant 0 : index
      %swap3A_40 = vector.load %arg13[%swap3A_38, %swap3A_39] : memref<1x128xf32, #tpu.memory_space<vmem>>, vector<1x128xf32>
      tpu.vector_store %arg13[%swap3A_38, %swap3A_39], %add3A_37 {strides = array<i32>} : memref<1x128xf32, #tpu.memory_space<vmem>>, vector<1x128xf32>,
      %get3A_41 = arith.constant 0 : index
      %get3A_42 = arith.constant 0 : index
      %get3A_43 = vector.load %arg14[%get3A_41, %get3A_42] : memref<1x128xf32, #tpu.memory_space<vmem>>, vector<1x128xf32>
      %mul3A_44 = arith.mulf %add3A_24, %add3A_24 : vector<1000x128xf32>
      %reduce_sum3A_45 = arith.constant dense<0.000000e+00> : vector<128xf32>
      %reduce_sum3A_46 = vector.multi_reduction <add>, %mul3A_44, %reduce_sum3A_45 [0] : vector<1000x128xf32> to vector<128xf32>
      %broadcast_in_dim3A_47 = vector.shape_cast %reduce_sum3A_46 : vector<128xf32> to vector<1x128xf32>
      %add3A_48 = arith.addf %get3A_43, %broadcast_in_dim3A_47 : vector<1x128xf32>
      %swap3A_49 = arith.constant 0 : index
      %swap3A_50 = arith.constant 0 : index
      %swap3A_51 = vector.load %arg14[%swap3A_49, %swap3A_50] : memref<1x128xf32, #tpu.memory_space<vmem>>, vector<1x128xf32>
      tpu.vector_store %arg14[%swap3A_49, %swap3A_50], %add3A_48 {strides = array<i32>} : memref<1x128xf32, #tpu.memory_space<vmem>>, vector<1x128xf32>,
    } else {
    }
    %eq3A_2 = arith.constant 1 : i32
    %eq3A_3 = arith.cmpi eq, %arg0, %eq3A_2 : i32
    %convert_element_type3A_4 = arith.extui %eq3A_3 : i1 to i32
    %cond3A_5 = arith.constant 0 : i32
    %cond3A_6 = arith.cmpi ne, %convert_element_type3A_4, %cond3A_5 : i32
    scf.if %cond3A_6 {
      %get3A = arith.constant 0 : index
      %get3A_7 = arith.constant 0 : index
      %get3A_8 = vector.load %arg13[%get3A, %get3A_7] : memref<1x128xf32, #tpu.memory_space<vmem>>, vector<1x128xf32>
      %mul3A = arith.constant 9.99999974E-5 : f32
      %mul3A_9 = vector.broadcast %mul3A : f32 to vector<1x128xf32>
      %mul3A_10 = arith.mulf %get3A_8, %mul3A_9 : vector<1x128xf32>
      %get3A_11 = arith.constant 0 : index
      %get3A_12 = arith.constant 0 : index
      %get3A_13 = vector.load %arg14[%get3A_11, %get3A_12] : memref<1x128xf32, #tpu.memory_space<vmem>>, vector<1x128xf32>
      %mul3A_14 = arith.constant 9.99999974E-5 : f32
      %mul3A_15 = vector.broadcast %mul3A_14 : f32 to vector<1x128xf32>
      %mul3A_16 = arith.mulf %get3A_13, %mul3A_15 : vector<1x128xf32>
      %mul3A_17 = arith.mulf %mul3A_10, %mul3A_10 : vector<1x128xf32>
      %sub3A = arith.subf %mul3A_16, %mul3A_17 : vector<1x128xf32>
      %add3A = arith.constant 9.99999974E-6 : f32
      %add3A_18 = vector.broadcast %add3A : f32 to vector<1x128xf32>
      %add3A_19 = arith.addf %sub3A, %add3A_18 : vector<1x128xf32>
      %sqrt3A = math.sqrt %add3A_19 : vector<1x128xf32>
      %div3A = arith.constant 1.000000e+00 : f32
      %div3A_20 = vector.broadcast %div3A : f32 to vector<1x128xf32>
      %div3A_21 = arith.divf %div3A_20, %sqrt3A : vector<1x128xf32>
      %mul3A_22 = arith.constant 1000 : i32
      %mul3A_23 = arith.muli %arg1, %mul3A_22 : i32
      %get3A_24 = arith.index_cast %mul3A_23 : i32 to index
      %get3A_25 = arith.constant 0 : index
      %get3A_26 = vector.load %arg12[%get3A_24, %get3A_25] : memref<10000x128xf32, #tpu.memory_space<vmem>>, vector<1000x128xf32>
      %sub3A_27 = vector.broadcast %mul3A_10 : vector<1x128xf32> to vector<1000x128xf32>
      %sub3A_28 = arith.subf %get3A_26, %sub3A_27 : vector<1000x128xf32>
      %get3A_29 = arith.constant 0 : index
      %get3A_30 = arith.constant 0 : index
      %get3A_31 = vector.load %arg7[%get3A_29, %get3A_30] : memref<1x128xf32, #tpu.memory_space<vmem>>, vector<1x128xf32>
      %mul3A_32 = arith.mulf %div3A_21, %get3A_31 : vector<1x128xf32>
      %mul3A_33 = vector.broadcast %mul3A_32 : vector<1x128xf32> to vector<1000x128xf32>
      %mul3A_34 = arith.mulf %sub3A_28, %mul3A_33 : vector<1000x128xf32>
      %get3A_35 = arith.constant 0 : index
      %get3A_36 = arith.constant 0 : index
      %get3A_37 = vector.load %arg8[%get3A_35, %get3A_36] : memref<1x128xf32, #tpu.memory_space<vmem>>, vector<1x128xf32>
      %add3A_38 = vector.broadcast %get3A_37 : vector<1x128xf32> to vector<1000x128xf32>
      %add3A_39 = arith.addf %mul3A_34, %add3A_38 : vector<1000x128xf32>
      %max3A = arith.constant 0.000000e+00 : f32
      %max3A_40 = vector.broadcast %max3A : f32 to vector<1000x128xf32>
      %max3A_41 = arith.maximumf %add3A_39, %max3A_40 : vector<1000x128xf32>
      %get3A_42 = arith.constant 0 : index
      %get3A_43 = arith.constant 0 : index
      %get3A_44 = vector.load %arg9[%get3A_42, %get3A_43] : memref<128x128xf32, #tpu.memory_space<vmem>>, vector<128x128xf32>
      %dot_general3A = arith.constant dense<0.000000e+00> : vector<1000x128xf32>
      %dot_general3A_45 = tpu.matmul %max3A_41, %get3A_44, %dot_general3A {dimension_numbers = #tpu.dot_dimension_numbers<[1], [0], [0], [1], [0, 0, 1, 1], [], []>, transpose_lhs_hint = false} : vector<1000x128xf32>, vector<128x128xf32>, vector<1000x128xf32> -> vector<1000x128xf32>
      %get3A_46 = arith.constant 0 : index
      %get3A_47 = arith.constant 0 : index
      %get3A_48 = vector.load %arg10[%get3A_46, %get3A_47] : memref<1x128xf32, #tpu.memory_space<vmem>>, vector<1x128xf32>
      %add3A_49 = vector.broadcast %get3A_48 : vector<1x128xf32> to vector<1000x128xf32>
      %add3A_50 = arith.addf %dot_general3A_45, %add3A_49 : vector<1000x128xf32>
      %max3A_51 = arith.constant 0.000000e+00 : f32
      %max3A_52 = vector.broadcast %max3A_51 : f32 to vector<1000x128xf32>
      %max3A_53 = arith.maximumf %add3A_50, %max3A_52 : vector<1000x128xf32>
      %swap3A = arith.constant 0 : index
      %swap3A_54 = arith.constant 0 : index
      %swap3A_55 = vector.load %arg11[%swap3A, %swap3A_54] : memref<1000x128xf32, #tpu.memory_space<vmem>>, vector<1000x128xf32>
      tpu.vector_store %arg11[%swap3A, %swap3A_54], %max3A_53 {strides = array<i32>} : memref<1000x128xf32, #tpu.memory_space<vmem>>, vector<1000x128xf32>,
    } else {
    }
    return
  }
  func.func @transform_0(%arg0: i32, %arg1: i32) -> (i32, i32) {
    %c0_i32 = arith.constant 0 : i32
    %c0_i32_0 = arith.constant 0 : i32
    return %arg1, %c0_i32 : i32, i32
  }
  func.func @transform_1(%arg0: i32, %arg1: i32) -> (i32, i32) {
    %c0_i32 = arith.constant 0 : i32
    %c0_i32_0 = arith.constant 0 : i32
    return %arg1, %c0_i32 : i32, i32
  }
  func.func @transform_2(%arg0: i32, %arg1: i32) -> (i32, i32) {
    %add3A = arith.constant 10 : i32
    %add3A_0 = arith.addi %add3A, %arg1 : i32
    %c0_i32 = arith.constant 0 : i32
    %c0_i32_1 = arith.constant 0 : i32
    return %add3A_0, %c0_i32 : i32, i32
  }
  func.func @transform_3(%arg0: i32, %arg1: i32) -> (i32, i32) {
    %c0_i32 = arith.constant 0 : i32
    %c0_i32_0 = arith.constant 0 : i32
    %c0_i32_1 = arith.constant 0 : i32
    return %c0_i32, %c0_i32_0 : i32, i32
  }
  func.func @transform_4(%arg0: i32, %arg1: i32) -> (i32, i32) {
    %c0_i32 = arith.constant 0 : i32
    %c0_i32_0 = arith.constant 0 : i32
    %c0_i32_1 = arith.constant 0 : i32
    return %c0_i32, %c0_i32_0 : i32, i32
  }
  func.func @transform_5(%arg0: i32, %arg1: i32) -> (i32, i32) {
    %c0_i32 = arith.constant 0 : i32
    %c0_i32_0 = arith.constant 0 : i32
    %c0_i32_1 = arith.constant 0 : i32
    return %c0_i32, %c0_i32_0 : i32, i32
  }
  func.func @transform_6(%arg0: i32, %arg1: i32) -> (i32, i32) {
    %c0_i32 = arith.constant 0 : i32
    %c0_i32_0 = arith.constant 0 : i32
    %c0_i32_1 = arith.constant 0 : i32
    return %c0_i32, %c0_i32_0 : i32, i32
  }
  func.func @transform_7(%arg0: i32, %arg1: i32) -> (i32, i32) {
    %c0_i32 = arith.constant 0 : i32
    %c0_i32_0 = arith.constant 0 : i32
    %c0_i32_1 = arith.constant 0 : i32
    return %c0_i32, %c0_i32_0 : i32, i32
  }
  func.func @transform_8(%arg0: i32, %arg1: i32) -> (i32, i32) {
    %c0_i32 = arith.constant 0 : i32
    %c0_i32_0 = arith.constant 0 : i32
    %c0_i32_1 = arith.constant 0 : i32
    return %c0_i32, %c0_i32_0 : i32, i32
  }
  func.func @transform_9(%arg0: i32, %arg1: i32) -> (i32, i32) {
    %mul3A = arith.muli %arg0, %arg1 : i32
    %c0_i32 = arith.constant 0 : i32
    %c0_i32_0 = arith.constant 0 : i32
    return %mul3A, %c0_i32 : i32, i32
  }
}

module attributes {stable_mosaic.version = 14 : i64} {
  func.func @body(%arg0: i32, %arg1: i32, %arg2: memref<1000x128xf32, #tpu.memory_space<vmem>>, %arg3: memref<1000x128xf32, #tpu.memory_space<vmem>>, %arg4: memref<1000x128xf32, #tpu.memory_space<vmem>>, %arg5: memref<128x128xf32, #tpu.memory_space<vmem>>, %arg6: memref<1x128xf32, #tpu.memory_space<vmem>>, %arg7: memref<1x128xf32, #tpu.memory_space<vmem>>, %arg8: memref<1x128xf32, #tpu.memory_space<vmem>>, %arg9: memref<128x128xf32, #tpu.memory_space<vmem>>, %arg10: memref<1x128xf32, #tpu.memory_space<vmem>>, %arg11: memref<1000x1xi32, #tpu.memory_space<vmem>>, %arg12: memref<128x1xf32, #tpu.memory_space<vmem>>, %arg13: memref<1x1xf32, #tpu.memory_space<vmem>>, %arg14: memref<64x1xf32, #tpu.memory_space<vmem>>, %arg15: memref<10000x128xf32, #tpu.memory_space<vmem>>, %arg16: memref<1x128xf32, #tpu.memory_space<vmem>>, %arg17: memref<1x128xf32, #tpu.memory_space<vmem>>, %arg18: memref<64x128xf32, #tpu.memory_space<vmem>>) attributes {dimension_semantics = [#tpu.dimension_semantics<arbitrary>, #tpu.dimension_semantics<arbitrary>], iteration_bounds = array<i64: 2, 10>, scalar_prefetch = 0 : i64, scratch_operands = 4 : i64, tpu.core_type = #tpu.core_type<tc>, window_params = [{transform_indices = @transform_0, window_bounds = array<i64: 1000, 128>}, {transform_indices = @transform_1, window_bounds = array<i64: 1000, 128>}, {transform_indices = @transform_2, window_bounds = array<i64: 1000, 128>}, {pipeline_mode = #tpu.pipeline_mode<synchronous>, transform_indices = @transform_3, window_bounds = array<i64: 128, 128>}, {pipeline_mode = #tpu.pipeline_mode<synchronous>, transform_indices = @transform_4, window_bounds = array<i64: 1, 128>}, {pipeline_mode = #tpu.pipeline_mode<synchronous>, transform_indices = @transform_5, window_bounds = array<i64: 1, 128>}, {pipeline_mode = #tpu.pipeline_mode<synchronous>, transform_indices = @transform_6, window_bounds = array<i64: 1, 128>}, {pipeline_mode = #tpu.pipeline_mode<synchronous>, transform_indices = @transform_7, window_bounds = array<i64: 128, 128>}, {pipeline_mode = #tpu.pipeline_mode<synchronous>, transform_indices = @transform_8, window_bounds = array<i64: 1, 128>}, {transform_indices = @transform_9, window_bounds = array<i64: 1000, 1>}, {pipeline_mode = #tpu.pipeline_mode<synchronous>, transform_indices = @transform_10, window_bounds = array<i64: 128, 1>}, {pipeline_mode = #tpu.pipeline_mode<synchronous>, transform_indices = @transform_11, window_bounds = array<i64: 1, 1>}, {pipeline_mode = #tpu.pipeline_mode<synchronous>, transform_indices = @transform_12, window_bounds = array<i64: 64, 1>}]} {
    %eq3A = arith.constant 0 : i32
    %eq3A_0 = arith.cmpi eq, %arg0, %eq3A : i32
    %convert_element_type3A = arith.extui %eq3A_0 : i1 to i32
    %cond3A = arith.constant 0 : i32
    %cond3A_1 = arith.cmpi ne, %convert_element_type3A, %cond3A : i32
    scf.if %cond3A_1 {
      %get3A = arith.constant 0 : index
      %get3A_7 = arith.constant 0 : index
      %get3A_8 = vector.load %arg2[%get3A, %get3A_7] : memref<1000x128xf32, #tpu.memory_space<vmem>>, vector<1000x128xf32>
      %get3A_9 = arith.constant 0 : index
      %get3A_10 = arith.constant 0 : index
      %get3A_11 = vector.load %arg3[%get3A_9, %get3A_10] : memref<1000x128xf32, #tpu.memory_space<vmem>>, vector<1000x128xf32>
      %add3A = arith.addf %get3A_8, %get3A_11 : vector<1000x128xf32>
      %get3A_12 = arith.constant 0 : index
      %get3A_13 = arith.constant 0 : index
      %get3A_14 = vector.load %arg4[%get3A_12, %get3A_13] : memref<1000x128xf32, #tpu.memory_space<vmem>>, vector<1000x128xf32>
      %add3A_15 = arith.addf %add3A, %get3A_14 : vector<1000x128xf32>
      %get3A_16 = arith.constant 0 : index
      %get3A_17 = arith.constant 0 : index
      %get3A_18 = vector.load %arg5[%get3A_16, %get3A_17] : memref<128x128xf32, #tpu.memory_space<vmem>>, vector<128x128xf32>
      %dot_general3A = arith.constant dense<0.000000e+00> : vector<1000x128xf32>
      %dot_general3A_19 = tpu.matmul %add3A_15, %get3A_18, %dot_general3A {dimension_numbers = #tpu.dot_dimension_numbers<[1], [0], [0], [1], [0, 0, 1, 1], [], []>, transpose_lhs_hint = false} : vector<1000x128xf32>, vector<128x128xf32>, vector<1000x128xf32> -> vector<1000x128xf32>
      %get3A_20 = arith.constant 0 : index
      %get3A_21 = arith.constant 0 : index
      %get3A_22 = vector.load %arg6[%get3A_20, %get3A_21] : memref<1x128xf32, #tpu.memory_space<vmem>>, vector<1x128xf32>
      %add3A_23 = vector.broadcast %get3A_22 : vector<1x128xf32> to vector<1000x128xf32>
      %add3A_24 = arith.addf %dot_general3A_19, %add3A_23 : vector<1000x128xf32>
      %mul3A = arith.constant 1000 : i32
      %mul3A_25 = arith.muli %arg1, %mul3A : i32
      %swap3A = arith.index_cast %mul3A_25 : i32 to index
      %swap3A_26 = arith.constant 0 : index
      %swap3A_27 = vector.load %arg15[%swap3A, %swap3A_26] : memref<10000x128xf32, #tpu.memory_space<vmem>>, vector<1000x128xf32>
      tpu.vector_store %arg15[%swap3A, %swap3A_26], %add3A_24 {strides = array<i32>} : memref<10000x128xf32, #tpu.memory_space<vmem>>, vector<1000x128xf32>,
      %eq3A_28 = arith.constant 0 : i32
      %eq3A_29 = arith.cmpi eq, %arg1, %eq3A_28 : i32
      %convert_element_type3A_30 = arith.extui %eq3A_29 : i1 to i32
      %cond3A_31 = arith.constant 0 : i32
      %cond3A_32 = arith.cmpi ne, %convert_element_type3A_30, %cond3A_31 : i32
      scf.if %cond3A_32 {
        %broadcast_in_dim3A_52 = arith.constant 0.000000e+00 : f32
        %broadcast_in_dim3A_53 = vector.broadcast %broadcast_in_dim3A_52 : f32 to vector<1x128xf32>
        %swap3A_54 = arith.constant 0 : index
        %swap3A_55 = arith.constant 0 : index
        %swap3A_56 = vector.load %arg16[%swap3A_54, %swap3A_55] : memref<1x128xf32, #tpu.memory_space<vmem>>, vector<1x128xf32>
        tpu.vector_store %arg16[%swap3A_54, %swap3A_55], %broadcast_in_dim3A_53 {strides = array<i32>} : memref<1x128xf32, #tpu.memory_space<vmem>>, vector<1x128xf32>,
        %broadcast_in_dim3A_57 = arith.constant 0.000000e+00 : f32
        %broadcast_in_dim3A_58 = vector.broadcast %broadcast_in_dim3A_57 : f32 to vector<1x128xf32>
        %swap3A_59 = arith.constant 0 : index
        %swap3A_60 = arith.constant 0 : index
        %swap3A_61 = vector.load %arg17[%swap3A_59, %swap3A_60] : memref<1x128xf32, #tpu.memory_space<vmem>>, vector<1x128xf32>
        tpu.vector_store %arg17[%swap3A_59, %swap3A_60], %broadcast_in_dim3A_58 {strides = array<i32>} : memref<1x128xf32, #tpu.memory_space<vmem>>, vector<1x128xf32>,
      } else {
      }
      %get3A_33 = arith.constant 0 : index
      %get3A_34 = arith.constant 0 : index
      %get3A_35 = vector.load %arg16[%get3A_33, %get3A_34] : memref<1x128xf32, #tpu.memory_space<vmem>>, vector<1x128xf32>
      %reduce_sum3A = arith.constant dense<0.000000e+00> : vector<128xf32>
      %reduce_sum3A_36 = vector.multi_reduction <add>, %add3A_24, %reduce_sum3A [0] : vector<1000x128xf32> to vector<128xf32>
      %broadcast_in_dim3A = vector.shape_cast %reduce_sum3A_36 : vector<128xf32> to vector<1x128xf32>
      %add3A_37 = arith.addf %get3A_35, %broadcast_in_dim3A : vector<1x128xf32>
      %swap3A_38 = arith.constant 0 : index
      %swap3A_39 = arith.constant 0 : index
      %swap3A_40 = vector.load %arg16[%swap3A_38, %swap3A_39] : memref<1x128xf32, #tpu.memory_space<vmem>>, vector<1x128xf32>
      tpu.vector_store %arg16[%swap3A_38, %swap3A_39], %add3A_37 {strides = array<i32>} : memref<1x128xf32, #tpu.memory_space<vmem>>, vector<1x128xf32>,
      %get3A_41 = arith.constant 0 : index
      %get3A_42 = arith.constant 0 : index
      %get3A_43 = vector.load %arg17[%get3A_41, %get3A_42] : memref<1x128xf32, #tpu.memory_space<vmem>>, vector<1x128xf32>
      %mul3A_44 = arith.mulf %add3A_24, %add3A_24 : vector<1000x128xf32>
      %reduce_sum3A_45 = arith.constant dense<0.000000e+00> : vector<128xf32>
      %reduce_sum3A_46 = vector.multi_reduction <add>, %mul3A_44, %reduce_sum3A_45 [0] : vector<1000x128xf32> to vector<128xf32>
      %broadcast_in_dim3A_47 = vector.shape_cast %reduce_sum3A_46 : vector<128xf32> to vector<1x128xf32>
      %add3A_48 = arith.addf %get3A_43, %broadcast_in_dim3A_47 : vector<1x128xf32>
      %swap3A_49 = arith.constant 0 : index
      %swap3A_50 = arith.constant 0 : index
      %swap3A_51 = vector.load %arg17[%swap3A_49, %swap3A_50] : memref<1x128xf32, #tpu.memory_space<vmem>>, vector<1x128xf32>
      tpu.vector_store %arg17[%swap3A_49, %swap3A_50], %add3A_48 {strides = array<i32>} : memref<1x128xf32, #tpu.memory_space<vmem>>, vector<1x128xf32>,
    } else {
    }
    %eq3A_2 = arith.constant 1 : i32
    %eq3A_3 = arith.cmpi eq, %arg0, %eq3A_2 : i32
    %convert_element_type3A_4 = arith.extui %eq3A_3 : i1 to i32
    %cond3A_5 = arith.constant 0 : i32
    %cond3A_6 = arith.cmpi ne, %convert_element_type3A_4, %cond3A_5 : i32
    scf.if %cond3A_6 {
      %get3A = arith.constant 0 : index
      %get3A_7 = arith.constant 0 : index
      %get3A_8 = vector.load %arg16[%get3A, %get3A_7] : memref<1x128xf32, #tpu.memory_space<vmem>>, vector<1x128xf32>
      %mul3A = arith.constant 9.99999974E-5 : f32
      %mul3A_9 = vector.broadcast %mul3A : f32 to vector<1x128xf32>
      %mul3A_10 = arith.mulf %get3A_8, %mul3A_9 : vector<1x128xf32>
      %get3A_11 = arith.constant 0 : index
      %get3A_12 = arith.constant 0 : index
      %get3A_13 = vector.load %arg17[%get3A_11, %get3A_12] : memref<1x128xf32, #tpu.memory_space<vmem>>, vector<1x128xf32>
      %mul3A_14 = arith.constant 9.99999974E-5 : f32
      %mul3A_15 = vector.broadcast %mul3A_14 : f32 to vector<1x128xf32>
      %mul3A_16 = arith.mulf %get3A_13, %mul3A_15 : vector<1x128xf32>
      %mul3A_17 = arith.mulf %mul3A_10, %mul3A_10 : vector<1x128xf32>
      %sub3A = arith.subf %mul3A_16, %mul3A_17 : vector<1x128xf32>
      %add3A = arith.constant 9.99999974E-6 : f32
      %add3A_18 = vector.broadcast %add3A : f32 to vector<1x128xf32>
      %add3A_19 = arith.addf %sub3A, %add3A_18 : vector<1x128xf32>
      %sqrt3A = math.sqrt %add3A_19 : vector<1x128xf32>
      %div3A = arith.constant 1.000000e+00 : f32
      %div3A_20 = vector.broadcast %div3A : f32 to vector<1x128xf32>
      %div3A_21 = arith.divf %div3A_20, %sqrt3A : vector<1x128xf32>
      %mul3A_22 = arith.constant 1000 : i32
      %mul3A_23 = arith.muli %arg1, %mul3A_22 : i32
      %get3A_24 = arith.index_cast %mul3A_23 : i32 to index
      %get3A_25 = arith.constant 0 : index
      %get3A_26 = vector.load %arg15[%get3A_24, %get3A_25] : memref<10000x128xf32, #tpu.memory_space<vmem>>, vector<1000x128xf32>
      %sub3A_27 = vector.broadcast %mul3A_10 : vector<1x128xf32> to vector<1000x128xf32>
      %sub3A_28 = arith.subf %get3A_26, %sub3A_27 : vector<1000x128xf32>
      %get3A_29 = arith.constant 0 : index
      %get3A_30 = arith.constant 0 : index
      %get3A_31 = vector.load %arg7[%get3A_29, %get3A_30] : memref<1x128xf32, #tpu.memory_space<vmem>>, vector<1x128xf32>
      %mul3A_32 = arith.mulf %div3A_21, %get3A_31 : vector<1x128xf32>
      %mul3A_33 = vector.broadcast %mul3A_32 : vector<1x128xf32> to vector<1000x128xf32>
      %mul3A_34 = arith.mulf %sub3A_28, %mul3A_33 : vector<1000x128xf32>
      %get3A_35 = arith.constant 0 : index
      %get3A_36 = arith.constant 0 : index
      %get3A_37 = vector.load %arg8[%get3A_35, %get3A_36] : memref<1x128xf32, #tpu.memory_space<vmem>>, vector<1x128xf32>
      %add3A_38 = vector.broadcast %get3A_37 : vector<1x128xf32> to vector<1000x128xf32>
      %add3A_39 = arith.addf %mul3A_34, %add3A_38 : vector<1000x128xf32>
      %max3A = arith.constant 0.000000e+00 : f32
      %max3A_40 = vector.broadcast %max3A : f32 to vector<1000x128xf32>
      %max3A_41 = arith.maximumf %add3A_39, %max3A_40 : vector<1000x128xf32>
      %get3A_42 = arith.constant 0 : index
      %get3A_43 = arith.constant 0 : index
      %get3A_44 = vector.load %arg9[%get3A_42, %get3A_43] : memref<128x128xf32, #tpu.memory_space<vmem>>, vector<128x128xf32>
      %dot_general3A = arith.constant dense<0.000000e+00> : vector<1000x128xf32>
      %dot_general3A_45 = tpu.matmul %max3A_41, %get3A_44, %dot_general3A {dimension_numbers = #tpu.dot_dimension_numbers<[1], [0], [0], [1], [0, 0, 1, 1], [], []>, transpose_lhs_hint = false} : vector<1000x128xf32>, vector<128x128xf32>, vector<1000x128xf32> -> vector<1000x128xf32>
      %get3A_46 = arith.constant 0 : index
      %get3A_47 = arith.constant 0 : index
      %get3A_48 = vector.load %arg10[%get3A_46, %get3A_47] : memref<1x128xf32, #tpu.memory_space<vmem>>, vector<1x128xf32>
      %add3A_49 = vector.broadcast %get3A_48 : vector<1x128xf32> to vector<1000x128xf32>
      %add3A_50 = arith.addf %dot_general3A_45, %add3A_49 : vector<1000x128xf32>
      %eq3A_51 = arith.constant 0 : i32
      %eq3A_52 = arith.cmpi eq, %arg1, %eq3A_51 : i32
      %convert_element_type3A_53 = arith.extui %eq3A_52 : i1 to i32
      %cond3A_54 = arith.constant 0 : i32
      %cond3A_55 = arith.cmpi ne, %convert_element_type3A_53, %cond3A_54 : i32
      scf.if %cond3A_55 {
        %broadcast_in_dim3A = arith.constant 0.000000e+00 : f32
        %broadcast_in_dim3A_76 = vector.broadcast %broadcast_in_dim3A : f32 to vector<64x128xf32>
        %swap3A_77 = arith.constant 0 : index
        %swap3A_78 = arith.constant 0 : index
        %swap3A_79 = vector.load %arg18[%swap3A_77, %swap3A_78] : memref<64x128xf32, #tpu.memory_space<vmem>>, vector<64x128xf32>
        tpu.vector_store %arg18[%swap3A_77, %swap3A_78], %broadcast_in_dim3A_76 {strides = array<i32>} : memref<64x128xf32, #tpu.memory_space<vmem>>, vector<64x128xf32>,
      } else {
      }
      %get3A_56 = arith.constant 0 : index
      %get3A_57 = arith.constant 0 : index
      %get3A_58 = vector.load %arg11[%get3A_56, %get3A_57] : memref<1000x1xi32, #tpu.memory_space<vmem>>, vector<1000x1xi32>
      %iota3A = tpu.iota {dimensions = array<i32: 1>} : vector<1000x64xi32>
      %eq3A_59 = vector.broadcast %get3A_58 : vector<1000x1xi32> to vector<1000x64xi32>
      %eq3A_60 = arith.cmpi eq, %eq3A_59, %iota3A : vector<1000x64xi32>
      %convert_element_type3A_61 = arith.extui %eq3A_60 : vector<1000x64xi1> to vector<1000x64xi32>
      %convert_element_type3A_62 = arith.sitofp %convert_element_type3A_61 : vector<1000x64xi32> to vector<1000x64xf32>
      %get3A_63 = arith.constant 0 : index
      %get3A_64 = arith.constant 0 : index
      %get3A_65 = vector.load %arg18[%get3A_63, %get3A_64] : memref<64x128xf32, #tpu.memory_space<vmem>>, vector<64x128xf32>
      %dot_general3A_66 = arith.constant dense<0.000000e+00> : vector<64x128xf32>
      %dot_general3A_67 = tpu.matmul %convert_element_type3A_62, %add3A_50, %dot_general3A_66 {dimension_numbers = #tpu.dot_dimension_numbers<[0], [0], [1], [1], [0, 1, 1, 1], [], []>, precision = #tpu.contract_precision<fp32>, transpose_lhs_hint = false} : vector<1000x64xf32>, vector<1000x128xf32>, vector<64x128xf32> -> vector<64x128xf32>
      %add3A_68 = arith.addf %get3A_65, %dot_general3A_67 : vector<64x128xf32>
      %swap3A = arith.constant 0 : index
      %swap3A_69 = arith.constant 0 : index
      %swap3A_70 = vector.load %arg18[%swap3A, %swap3A_69] : memref<64x128xf32, #tpu.memory_space<vmem>>, vector<64x128xf32>
      tpu.vector_store %arg18[%swap3A, %swap3A_69], %add3A_68 {strides = array<i32>} : memref<64x128xf32, #tpu.memory_space<vmem>>, vector<64x128xf32>,
      %eq3A_71 = arith.constant 9 : i32
      %eq3A_72 = arith.cmpi eq, %arg1, %eq3A_71 : i32
      %convert_element_type3A_73 = arith.extui %eq3A_72 : i1 to i32
      %cond3A_74 = arith.constant 0 : i32
      %cond3A_75 = arith.cmpi ne, %convert_element_type3A_73, %cond3A_74 : i32
      scf.if %cond3A_75 {
        %get3A_76 = arith.constant 0 : index
        %get3A_77 = arith.constant 0 : index
        %get3A_78 = vector.load %arg18[%get3A_76, %get3A_77] : memref<64x128xf32, #tpu.memory_space<vmem>>, vector<64x128xf32>
        %get3A_79 = arith.constant 0 : index
        %get3A_80 = arith.constant 0 : index
        %get3A_81 = vector.load %arg12[%get3A_79, %get3A_80] : memref<128x1xf32, #tpu.memory_space<vmem>>, vector<128x1xf32>
        %dot_general3A_82 = arith.constant dense<0.000000e+00> : vector<64x1xf32>
        %dot_general3A_83 = tpu.matmul %get3A_78, %get3A_81, %dot_general3A_82 {dimension_numbers = #tpu.dot_dimension_numbers<[1], [0], [0], [1], [0, 0, 1, 1], [], []>, transpose_lhs_hint = false} : vector<64x128xf32>, vector<128x1xf32>, vector<64x1xf32> -> vector<64x1xf32>
        %get3A_84 = arith.constant 0 : index
        %get3A_85 = arith.constant 0 : index
        %get3A_86 = vector.load %arg13[%get3A_84, %get3A_85] : memref<1x1xf32, #tpu.memory_space<vmem>>, vector<1x1xf32>
        %add3A_87 = vector.broadcast %get3A_86 : vector<1x1xf32> to vector<64x1xf32>
        %add3A_88 = arith.addf %dot_general3A_83, %add3A_87 : vector<64x1xf32>
        %swap3A_89 = arith.constant 0 : index
        %swap3A_90 = arith.constant 0 : index
        %swap3A_91 = vector.load %arg14[%swap3A_89, %swap3A_90] : memref<64x1xf32, #tpu.memory_space<vmem>>, vector<64x1xf32>
        tpu.vector_store %arg14[%swap3A_89, %swap3A_90], %add3A_88 {strides = array<i32>} : memref<64x1xf32, #tpu.memory_space<vmem>>, vector<64x1xf32>,
      } else {
      }
    } else {
    }
    return
  }
  func.func @transform_0(%arg0: i32, %arg1: i32) -> (i32, i32) {
    %c0_i32 = arith.constant 0 : i32
    %c0_i32_0 = arith.constant 0 : i32
    return %arg1, %c0_i32 : i32, i32
  }
  func.func @transform_1(%arg0: i32, %arg1: i32) -> (i32, i32) {
    %c0_i32 = arith.constant 0 : i32
    %c0_i32_0 = arith.constant 0 : i32
    return %arg1, %c0_i32 : i32, i32
  }
  func.func @transform_2(%arg0: i32, %arg1: i32) -> (i32, i32) {
    %add3A = arith.constant 10 : i32
    %add3A_0 = arith.addi %add3A, %arg1 : i32
    %c0_i32 = arith.constant 0 : i32
    %c0_i32_1 = arith.constant 0 : i32
    return %add3A_0, %c0_i32 : i32, i32
  }
  func.func @transform_3(%arg0: i32, %arg1: i32) -> (i32, i32) {
    %c0_i32 = arith.constant 0 : i32
    %c0_i32_0 = arith.constant 0 : i32
    %c0_i32_1 = arith.constant 0 : i32
    return %c0_i32, %c0_i32_0 : i32, i32
  }
  func.func @transform_4(%arg0: i32, %arg1: i32) -> (i32, i32) {
    %c0_i32 = arith.constant 0 : i32
    %c0_i32_0 = arith.constant 0 : i32
    %c0_i32_1 = arith.constant 0 : i32
    return %c0_i32, %c0_i32_0 : i32, i32
  }
  func.func @transform_5(%arg0: i32, %arg1: i32) -> (i32, i32) {
    %c0_i32 = arith.constant 0 : i32
    %c0_i32_0 = arith.constant 0 : i32
    %c0_i32_1 = arith.constant 0 : i32
    return %c0_i32, %c0_i32_0 : i32, i32
  }
  func.func @transform_6(%arg0: i32, %arg1: i32) -> (i32, i32) {
    %c0_i32 = arith.constant 0 : i32
    %c0_i32_0 = arith.constant 0 : i32
    %c0_i32_1 = arith.constant 0 : i32
    return %c0_i32, %c0_i32_0 : i32, i32
  }
  func.func @transform_7(%arg0: i32, %arg1: i32) -> (i32, i32) {
    %c0_i32 = arith.constant 0 : i32
    %c0_i32_0 = arith.constant 0 : i32
    %c0_i32_1 = arith.constant 0 : i32
    return %c0_i32, %c0_i32_0 : i32, i32
  }
  func.func @transform_8(%arg0: i32, %arg1: i32) -> (i32, i32) {
    %c0_i32 = arith.constant 0 : i32
    %c0_i32_0 = arith.constant 0 : i32
    %c0_i32_1 = arith.constant 0 : i32
    return %c0_i32, %c0_i32_0 : i32, i32
  }
  func.func @transform_9(%arg0: i32, %arg1: i32) -> (i32, i32) {
    %c0_i32 = arith.constant 0 : i32
    %c0_i32_0 = arith.constant 0 : i32
    return %arg1, %c0_i32 : i32, i32
  }
  func.func @transform_10(%arg0: i32, %arg1: i32) -> (i32, i32) {
    %c0_i32 = arith.constant 0 : i32
    %c0_i32_0 = arith.constant 0 : i32
    %c0_i32_1 = arith.constant 0 : i32
    return %c0_i32, %c0_i32_0 : i32, i32
  }
  func.func @transform_11(%arg0: i32, %arg1: i32) -> (i32, i32) {
    %c0_i32 = arith.constant 0 : i32
    %c0_i32_0 = arith.constant 0 : i32
    %c0_i32_1 = arith.constant 0 : i32
    return %c0_i32, %c0_i32_0 : i32, i32
  }
  func.func @transform_12(%arg0: i32, %arg1: i32) -> (i32, i32) {
    %c0_i32 = arith.constant 0 : i32
    %c0_i32_0 = arith.constant 0 : i32
    %c0_i32_1 = arith.constant 0 : i32
    return %c0_i32, %c0_i32_0 : i32, i32
  }
}

</mosaic_0001>

<sc_bundles>
// kernel: kernel.13.cloned.1.call-start
scs
__scs_entry_jumppad:
0x0: {  	(pc) =	sbr.rel $0x88, $3  }
0x1: {  	(tag) =	ssettag $0x0;
	lr =	simm.s32 $0x1  }
0x2: {  	[smem:$0x3F94] =	sst lr;
	_ =	strace $0xD0000000  }
0x3: {  	_ = 	snop  }
0x4: {  	_ = 	snop  }
0x5: {  	_ = 	snop  }
0x6: {  	_ = 	snop  }
0x7: {  	_ = 	snop  }
__scs_overlays_trampoline_lowered:
0x8: {  	[smem:$0x3FA3] =	sst s0  }
0x9: {  	[smem:$0x3FA4] =	sst s1  }
0xa: {  	[smem:$0x3FA5] =	sst s2  }
0xb: {  	[smem:$0x3FA6] =	sst s3  }
0xc: {  	[smem:$0x3FA7] =	sst s4  }
0xd: {  	[smem:$0x3FA8] =	sst s5  }
0xe: {  	[smem:$0x3FA9] =	sst s6  }
0xf: {  	[smem:$0x3FAA] =	sst s7  }
0x10: {  	[smem:$0x3FAB] =	sst s8  }
0x11: {  	[smem:$0x3FAC] =	sst s9;
	s0 =	simm.s32 @!p0 $0x0  }
0x12: {  	s1 =	sld [smem:$0x3F92];
	s0 =	simm.s32 @p0 $0x1  }
0x13: {  	[smem:$0x3FAD] =	sst s0;
	s0 =	simm.s32 @!p1 $0x0  }
0x14: {  	s2 =	sld [smem:$0x3F91];
	s0 =	simm.s32 @p1 $0x1  }
0x15: {  	[smem:$0x3FAE] =	sst s0;
	s0 =	simm.s32 @!p2 $0x0  }
0x16: {  	s3 =	sld [smem:$0x3FDB];
	s0 =	simm.s32 @p2 $0x1  }
0x17: {  	s4 =	simm.s32 $0x1BF5;
	[smem:$0x3FB0] =	sst s0  }
0x18: {  	s0 =	sld [smem:$0x3F93];
	_ =	swait.ge [sflag:s4], $0x0  }
0x19: {  	s7 =	sld [smem:$0x3F94]  }
0x1a: {  	s8 =	sadd.s32 $0xFFFFE003, lr  }
0x1b: {  	s9 =	sadd.s32 $0xFFFFFEF7, lr;
	s5 =	simm.s32 $0xFFFFFFFF;
	p2 =	slt.u32 s8, $0xFFFFF086  }
0x1c: {  	p1 =	slt.u32 s9, $0xF7A;
	s5 =	simm.s32 @!p2 $0x0  }
0x1d: {  	s5 =	simm.s32 @p1 $0x1;
	p0 =	seq.s32 s7, s2  }
0x1e: {  	s7 =	smul.u32 @!p0 $0xF7A, s2;
	p2 =	seq.s32 @!p0 s5, $0x0  }
0x1f: {  	s9 =	smul.u32 $0xF7A, s1;
	s8 =	simm.s32 @!p0 $0x1BF5;
	p2 =	por !p2, p0  }
0x20: {  	[sflag:s8] =	ssyncset.s32 @!p0 $0xFFFFF086;
	s6 =	sadd.s32 @!p0 s3, s7;
	s7 =	simm.s32 @!p0 $0x108  }
0x21: {  	s3 =	sadd.s32 s3, s9;
	s6 =	sadd.s32 @!p0 $0x88, s6;
	s7 =	simm.s32 @p2 $0x1082  }
0x22: {  	[simem:s7], [sflag:s8] =	dma.local @!p0 [hbm:s6], $0xF7A  }
0x23: {  	s9 =	sor.u32 $0xD0000000, s2;
	s6 =	simm.s32 $0x108;
	_ =	swait.ge @!p0 [sflag:s8], $0x0  }
0x24: {  	s3 =	sadd.s32 $0x88, s3;
	s6 =	simm.s32 @!p1 $0x1082;
	[sflag:s4] =	ssyncset.s32 $0xFFFFF086  }
0x25: {  	[simem:s6], [sflag:s4] =	dma.local [hbm:s3], $0xF7A  }
0x26: {  	[smem:$0x3F94] =	sst s1;
	(tag) =	ssettag s2;
	_ =	strace s9  }
0x27: {  	s1 =	sld [smem:$0x3FA4]  }
0x28: {  	s2 =	sld [smem:$0x3FA5]  }
0x29: {  	s4 =	sld [smem:$0x3FA7]  }
0x2a: {  	p0 =	seq.s32 s5, $0x0;
	s5 =	sld [smem:$0x3FA8]  }
0x2b: {  	s6 =	sld [smem:$0x3FA9]  }
0x2c: {  	s7 =	sld [smem:$0x3FAA]  }
0x2d: {  	s3 =	simm.s32 $0x108;
	s8 =	sld [smem:$0x3FAB]  }
0x2e: {  	s3 =	simm.s32 @!p0 $0x1082;
	s9 =	sld [smem:$0x3FAC]  }
0x2f: {  	lr =	sadd.s32 s0, s3;
	s0 =	sld [smem:$0x3FA3]  }
0x30: {  	s3 =	sld [smem:$0x3FA6]  }
0x31: {  	[smem:$0x3FAF] =	sst s10  }
0x32: {  	s10 =	sld [smem:$0x3FAD];
	_ =	sdelay $0x3  }
0x33: {  	p0 =	seq.s32 s10, $0x1;
	s10 =	sld [smem:$0x3FAF];
	_ =	sdelay $0x3  }
0x34: {  	[smem:$0x3FAF] =	sst s10  }
0x35: {  	s10 =	sld [smem:$0x3FAE];
	_ =	sdelay $0x3  }
0x36: {  	p1 =	seq.s32 s10, $0x1;
	s10 =	sld [smem:$0x3FAF];
	_ =	sdelay $0x3  }
0x37: {  	[smem:$0x3FAF] =	sst s10  }
0x38: {  	s10 =	sld [smem:$0x3FB0]  }
0x39: {  	_ = 	snop;
	(pc) =	sbr.ind lr, $3  }
0x3a: {  	_ = 	snop  }
0x3b: {  	_ = 	snop  }
0x3c: {  	p2 =	seq.s32 s10, $0x1;
	s10 =	sld [smem:$0x3FAF]  }
0x3d: {  	_ =	shalt  }
0x3e: {  	_ =	shalt  }
0x3f: {  	_ =	shalt  }
0x40: {  	_ =	shalt  }
0x41: {  	_ =	shalt  }
0x42: {  	_ =	shalt  }
0x43: {  	_ =	shalt  }
0x44: {  	_ =	shalt  }
0x45: {  	_ =	shalt  }
0x46: {  	_ =	shalt  }
0x47: {  	_ =	shalt  }
0x48: {  	_ =	shalt  }
0x49: {  	_ =	shalt  }
0x4a: {  	_ =	shalt  }
0x4b: {  	_ =	shalt  }
0x4c: {  	_ =	shalt  }
0x4d: {  	_ =	shalt  }
0x4e: {  	_ =	shalt  }
0x4f: {  	_ =	shalt  }
0x50: {  	_ =	shalt  }
0x51: {  	_ =	shalt  }
0x52: {  	_ =	shalt  }
0x53: {  	_ =	shalt  }
0x54: {  	_ =	shalt  }
0x55: {  	_ =	shalt  }
0x56: {  	_ =	shalt  }
0x57: {  	_ =	shalt  }
0x58: {  	_ =	shalt  }
0x59: {  	_ =	shalt  }
0x5a: {  	_ =	shalt  }
0x5b: {  	_ =	shalt  }
0x5c: {  	_ =	shalt  }
0x5d: {  	_ =	shalt  }
0x5e: {  	_ =	shalt  }
0x5f: {  	_ =	shalt  }
0x60: {  	_ =	shalt  }
0x61: {  	_ =	shalt  }
0x62: {  	_ =	shalt  }
0x63: {  	_ =	shalt  }
0x64: {  	_ =	shalt  }
0x65: {  	_ =	shalt  }
0x66: {  	_ =	shalt  }
0x67: {  	_ =	shalt  }
0x68: {  	_ =	shalt  }
0x69: {  	_ =	shalt  }
0x6a: {  	_ =	shalt  }
0x6b: {  	_ =	shalt  }
0x6c: {  	_ =	shalt  }
0x6d: {  	_ =	shalt  }
0x6e: {  	_ =	shalt  }
0x6f: {  	_ =	shalt  }
0x70: {  	_ =	shalt  }
0x71: {  	_ =	shalt  }
0x72: {  	_ =	shalt  }
0x73: {  	_ =	shalt  }
0x74: {  	_ =	shalt  }
0x75: {  	_ =	shalt  }
0x76: {  	_ =	shalt  }
0x77: {  	_ =	shalt  }
0x78: {  	_ =	shalt  }
0x79: {  	_ =	shalt  }
0x7a: {  	_ =	shalt  }
0x7b: {  	_ =	shalt  }
0x7c: {  	_ =	shalt  }
0x7d: {  	_ =	shalt  }
0x7e: {  	_ =	shalt  }
0x7f: {  	_ =	shalt  }
0x80: {  	_ =	shalt  }
0x81: {  	_ =	shalt  }
0x82: {  	_ =	shalt  }
0x83: {  	_ =	shalt  }
0x84: {  	_ =	shalt  }
0x85: {  	_ =	shalt  }
0x86: {  	_ =	shalt  }
0x87: {  	_ =	shalt  }
.Lfunc_end0:
.L_simem_size_0:
called_computation_lowered:
.L_overlay_start_0:
0x88: {  	s2 =	sld [smem:$0x3FD9]  }
0x89: {  	s3 =	sld [smem:$0x3FFE];
	_ =	sdelay $0x1  }
0x8a: {  	s1 =	srdreg.scid  }
0x8b: {  	s0 =	sand.u32 $0x1, s1  }
0x8c: {  	s16 =	sshll.u32 s0, $0xA;
	s2 =	sadd.s32 s3, s2  }
0x8d: {  	s2 =	sadd.s32 s2, s16  }
0x8e: {  	[smem:$0x3FBB] =	sst s2  }
0x8f: {  	_ = 	snop  }
0x90: {  	(tm) =	ssettm $0x1  }
0x91: {  	s17 =	sld [smem:$0x3FFB];
	_ =	sdelay $0x3  }
0x92: {  	_ =	strace s17  }
0x93: {  	s2 =	sld [smem:$0x3FFC];
	_ =	sdelay $0x3  }
0x94: {  	_ =	strace s2  }
0x95: {  	s2 =	sld [smem:$0x3FFD];
	_ =	sdelay $0x3  }
0x96: {  	_ =	strace s2  }
0x97: {  	_ =	strace $0x8FFFFFFF  }
0x98: {  	s18 =	sld [smem:$0x3FDB];
	_ =	sdelay $0x1  }
0x99: {  	s19 =	simm.s32 $_scs_section_size  }
0x9a: {  	s4 =	simm.s32 $_size__tile_overlayer_lowered;
	s5 =	simm.s32 $_tile_overlayer_lowered  }
0x9b: {  	s22 =	simm.s32 $0x1BFF;
	s21 =	sshll.u32 s5, $0x1;
	s2 =	sadd.s32 s19, s18  }
0x9c: {  	s6 =	simm.s32 $0x0;
	s20 =	sshll.u32 s4, $0x1;
	s4 =	sadd.s32 s21, s2  }
0x9d: {  	[timem:s6], [sflag:s22] =	dma.local [hbm:s4], s20  }
0x9e: {  	_ =	swait.ge [sflag:s22], s20  }
0x9f: {  	s3 =	ssub.s32 $0x0, s20;
	[sflag:s22] =	ssyncset.done $0x0  }
0xa0: {  	[sflag:s22] =	ssyncadd.s32 s3;
	_ =	sdelay $0x1  }
0xa1: {  	s23 =	simm.s32 $0x1B8B  }
0xa2: {  	_ =	swait.ge [sflag:s23], $0x1  }
0xa3: {  	[sflag:s23] =	ssyncset.done $0x0  }
0xa4: {  	s25 =	simm.s32 $0x1B8E;
	s24 =	sld [smem:$0x3FFE];
	[sflag:s23] =	ssyncadd.s32 $0xFFFFFFFF  }
0xa5: {  	s26 =	simm.s32 $execute0_lowered;
	[smem:$0x3FD2] =	sst s25  }
0xa6: {  	s4 =	sshll.u32 s26, $0x1;
	_ =	strace $0x80000046;
	[dreg:$0x1] =	wrdreg $0xFFFFFFFF  }
0xa7: {  	s28 =	simm.s32 $_size_execute0_lowered;
	s2 =	sadd.s32 s2, s4;
	[dreg:$0x0] =	wrdreg $0x0  }
0xa8: {  	s4 =	sshll.u32 s28, $0x1;
	[dreg:$0x2] =	wrdreg s2  }
0xa9: {  	[dreg:$0x3] =	wrdreg s4  }
0xaa: {  	[dreg:$0x4] =	wrdreg $0xC0  }
0xab: {  	_ =	task [dreg:s6], $0x5FFFF  }
0xac: {  	[dreg:$0x1] =	wrdreg $0xFFFFFFFF  }
0xad: {  	[dreg:$0x0] =	wrdreg $0x60  }
0xae: {  	[dreg:$0x2] =	wrdreg s24  }
0xaf: {  	[dreg:$0x3] =	wrdreg $0x88000  }
0xb0: {  	[dreg:$0x4] =	wrdreg $0x9  }
0xb1: {  	_ =	task.clear_ibuf [dreg:s6], $0x5FFFF;
	_ =	strace $0x90000046  }
0xb2: {  	s29 =	simm.s32 $0x9;
	_ =	strace $0x80000048  }
0xb3: {  	_ =	swait.ge [sflag:s29], $0x1  }
0xb4: {  	[sflag:s29] =	ssyncadd.s32 $0xFFFFFFFF  }
0xb5: {  	_ =	strace $0x90000048  }
0xb6: {  	_ =	sfence  }
0xb7: {  	s30 =	sld [smem:$0x0];
	_ =	sdelay $0x2  }
0xb8: {  	s31 =	sshll.u32 s1, $0xD;
	s1 =	sshrl.u32 s1, $0x2  }
0xb9: {  	s3 =	sand.u32 $0x4000, s31;
	s1 =	sadd.s32 s1, s30  }
0xba: {  	s0 =	sor.u32 s3, s0;
	s1 =	sshll.u32 s1, $0x11  }
0xbb: {  	s0 =	sor.u32 s1, s0  }
0xbc: {  	s0 =	sadd.s32 $0x8F2B, s0  }
0xbd: {  	[sflag:s0] =	ssyncadd.remote.s32 $0x1  }
0xbe: {  	_ =	sfence.sel $0xFFFF  }
0xbf: {  	[dreg:$0x0] =	wrdreg $0xFFFFFFFF;
	(pc) =	sbr.abs _section_cstart, $3  }
0xc0: {  	[dreg:$0x1] =	wrdreg $0xFFFFFFFF  }
0xc1: {  	_ =	task.clear_ibuf [dreg:s6], $0x2FFFF;
	_ =	strace $0x9FFFFFFF  }
0xc2: {  	(tm) =	ssettm $0x7FFFFFFF  }
0xc3: {  	_ =	shalt  }
tec
execute0_lowered:
.L_overlay_start_1:
0x0: {  	(tag) =	ssettag $0x1  }
0x1: {  	s0 =	rddreg [dreg:$0x0]  }
0x2: {  	s1 =	rddreg [dreg:$0x1];
	s5 =	stileid.u32  }
0x3: {  	s3 =	srdreg.scid;
	s4 =	smul.u32 $0x28, s5  }
0x4: {  	s2 =	simm.s32 $0x0;
	s6 =	sand.u32 $0x1, s3;
	s3 =	smul.u32 $0x78, s5  }
0x5: {  	s16 =	simm.s32 $0x800;
	s28 =	simm.s32 $0x200;
	s7 =	smul.u32 $0x2800, s5  }
0x6: {  	s29 =	simm.s32 $0x280;
	s30 =	simm.s32 $0x600;
	s9 =	smul.u32 $0x50000, s5  }
0x7: {  	s31 =	simm.s32 $0x680;
	[smem:$0x7FF] =	sst s2;
	s11 =	smul.u32 $0x4E000, s5  }
0x8: {  	s17 =	smul.u32 $0x2700, s5;
	s14 =	sshll.u32 s5, $0x6;
	p0 =	seq.s32 s6, $0x0  }
0x9: {  	_ =	strace $0x80000047;
	s10 =	ssub.s32 $0x2, s6;
	s13 =	smul.u32 $0x27100, s6  }
0xa: {  	s15 =	smul.u32 $0x138800, s6;
	s6 =	sor.u32 $0x1C03, s14;
	s14 =	simm.s32 $0x400  }
0xb: {  	s4 =	sadd.s32 $0x780, s4;
	s7 =	sadd.s32 s7, s0;
	s12 =	sshrl.u32 s10, $0x1  }
0xc: {  	s9 =	sshrl.u32 s9, $0x2;
	s19 =	sshrl.u32 s11, $0x2;
	s4 =	smov.u32 @p0 s3  }
0xd: {  	s3 =	sadd.s32 $0x18800, s0;
	s10 =	ssub.s32 s10, s12;
	s9 =	sadd.s32 s9, s1  }
0xe: {  	s18 =	sadd.s32 $0x3FA00, s7;
	s20 =	sadd.s32 s17, s13;
	s21 =	sshrl.u32 s15, $0x3  }
0xf: {  	s7 =	sadd.s32 s19, s1;
	s13 =	simm.s32 $0x3;
	s15 =	simm.s32 $0x80  }
0x10: {  	s17 =	simm.s32 $0x4800;
	s19 =	simm.s32 $0x2;
	s4 =	sshll.u32 s4, $0x4  }
0x11: {  	[dreg:$0x3] =	wrdreg s18;
	s22 =	smax.u32 s10, $0x1;
	s23 =	sshrl.u32 s9, $0x3  }
0x12: {  	s18 =	simm.s32 $0x1;
	s26 =	sshrl.u32 s7, $0x3;
	s7 =	simm.s32 $0x700  }
0x13: {  	s9 =	simm.s32 $0x0;
	s8 =	sadd.s32 s4, s0;
	[dreg:$0x6] =	wrdreg s22  }
0x14: {  	s0 =	sadd.s32 $0x67A00, s0;
	s4 =	simm.s32 $0xF;
	[dreg:$0x7] =	wrdreg s23  }
0x15: {  	s22 =	simm.s32 $0x180;
	s23 =	simm.s32 $0x500;
	[dreg:$0x8] =	wrdreg s26  }
0x16: {  	s26 =	simm.s32 $0x580;
	s4 =	simm.s32 @!p0 $0x5;
	s11 =	sadd.s32 s0, s20  }
0x17: {  	s0 =	sadd.s32 s0, s21;
	s24 =	sadd.s32 $0x4800, s8;
	s25 =	sadd.s32 $0xE800, s8  }
0x18: {  	s20 =	simm.s32 $0x480;
	s21 =	simm.s32 $0x100;
	p0 =	sne.s32 s5, $0x0  }
0x19: {  	[dreg:$0x4] =	wrdreg s11;
	s11 =	sadd.s32 $0x138000, s1;
	s0 =	sadd.s32 $0x27000, s0  }
0x1a: {  	s5 =	simm.s32 $0x380;
	[dreg:$0x5] =	wrdreg s0;
	s0 =	sshrl.u32 @!p0 s11, $0x3  }
0x1b: {  	s8 =	simm.s32 $0x780;
	[dreg:$0x9] =	wrdreg s0;
	s0 =	simm.s32 $0x300  }
.LBB2_1:
0x1c: {  	s10 =	rddreg [dreg:$0x3]  }
0x1d: {  	s11 =	rddreg [dreg:$0x7]  }
0x1e: {  	[spmem:s11], [sflag:s6] =	dma.local [hbm:s10], $0x2800  }
0x1f: {  	_ =	swait.ge [sflag:s13], $0x2800  }
0x20: {  	[sflag:s13] =	ssyncset.done $0x0  }
0x21: {  	[sflag:s13] =	ssyncadd.s32 $0xFFFFD800  }
0x22: {  	[bflag:$0x0] =	sbarrier.arrive $0xFFFF  }
0x23: {  	[tilespmem:s2], [sflag:$0x3] =	stream.linear.gather [hbm4b:s25+s2], $0x400, $0x38;
	[tilespmem:$0x1C800] =	vst v63  }
0x24: {  	_ =	swait.ge [sflag:s13], $0x400  }
0x25: {  	[sflag:s13] =	ssyncset.done $0x0  }
0x26: {  	[sflag:s13] =	ssyncadd.s32 $0xFFFFFC00  }
0x27: {  	[tilespmem:s14], [sflag:$0x3] =	stream.linear.gather [hbm4b:s24+s2], $0x400, $0x38;
	[tilespmem:$0x1C800] =	vst v63  }
0x28: {  	_ =	swait.ge [sflag:s13], $0x400  }
0x29: {  	[sflag:s13] =	ssyncset.done $0x0  }
0x2a: {  	[sflag:s13] =	ssyncadd.s32 $0xFFFFFC00  }
0x2b: {  	[tilespmem:s16], [sflag:$0x1] =	stream.indirect.gather [hbm4b:s3+s15], $0x80, s2, s15, $0xb8;
	[tilespmem:$0x1C800] =	vst v63  }
0x2c: {  	_ = 	snop  }
0x2d: {  	[tilespmem:s17], [sflag:$0x2] =	stream.indirect.gather [hbm4b:s3+s15], $0x80, s15, s15, $0xb8;
	[tilespmem:$0x1C800] =	vst v63  }
0x2e: {  	_ =	swait.ge [sflag:s18], $0x4000  }
0x2f: {  	[sflag:s18] =	ssyncset.done $0x0  }
0x30: {  	[sflag:s18] =	ssyncadd.s32 $0xFFFFC000  }
0x31: {  	[spmem:s1] =	stream.indirect.scatter.add.f32 [tilespmem:s16], [sflag:$0x3], $0x80, s14, s15, $0xb8;
	[tilespmem:$0x1C800] =	vst v63  }
0x32: {  	_ =	swait.ge [sflag:s13], $0x4000  }
0x33: {  	[sflag:s13] =	ssyncset.done $0x0  }
0x34: {  	[sflag:s13] =	ssyncadd.s32 $0xFFFFC000  }
0x35: {  	_ =	swait.ge [sflag:s19], $0x4000  }
0x36: {  	[sflag:s19] =	ssyncset.done $0x0  }
0x37: {  	[sflag:s19] =	ssyncadd.s32 $0xFFFFC000  }
0x38: {  	[spmem:s1] =	stream.indirect.scatter.add.f32 [tilespmem:s17], [sflag:$0x3], $0x80, s20, s15, $0xb8;
	[tilespmem:$0x1C800] =	vst v63  }
0x39: {  	_ =	swait.ge [sflag:s13], $0x4000  }
0x3a: {  	[sflag:s13] =	ssyncset.done $0x0  }
0x3b: {  	[sflag:s13] =	ssyncadd.s32 $0xFFFFC000  }
0x3c: {  	[tilespmem:s16], [sflag:$0x1] =	stream.indirect.gather [hbm4b:s3+s15], $0x80, s21, s15, $0xb8;
	[tilespmem:$0x1C800] =	vst v63  }
0x3d: {  	_ = 	snop  }
0x3e: {  	[tilespmem:s17], [sflag:$0x2] =	stream.indirect.gather [hbm4b:s3+s15], $0x80, s22, s15, $0xb8;
	[tilespmem:$0x1C800] =	vst v63  }
0x3f: {  	_ =	swait.ge [sflag:s18], $0x4000  }
0x40: {  	[sflag:s18] =	ssyncset.done $0x0  }
0x41: {  	[sflag:s18] =	ssyncadd.s32 $0xFFFFC000  }
0x42: {  	[spmem:s1] =	stream.indirect.scatter.add.f32 [tilespmem:s16], [sflag:$0x3], $0x80, s23, s15, $0xb8;
	[tilespmem:$0x1C800] =	vst v63  }
0x43: {  	_ =	swait.ge [sflag:s13], $0x4000  }
0x44: {  	[sflag:s13] =	ssyncset.done $0x0  }
0x45: {  	[sflag:s13] =	ssyncadd.s32 $0xFFFFC000  }
0x46: {  	_ =	swait.ge [sflag:s19], $0x4000  }
0x47: {  	[sflag:s19] =	ssyncset.done $0x0  }
0x48: {  	[sflag:s19] =	ssyncadd.s32 $0xFFFFC000  }
0x49: {  	[spmem:s1] =	stream.indirect.scatter.add.f32 [tilespmem:s17], [sflag:$0x3], $0x80, s26, s15, $0xb8;
	[tilespmem:$0x1C800] =	vst v63  }
0x4a: {  	_ =	swait.ge [sflag:s13], $0x4000  }
0x4b: {  	[sflag:s13] =	ssyncset.done $0x0  }
0x4c: {  	[sflag:s13] =	ssyncadd.s32 $0xFFFFC000  }
0x4d: {  	[tilespmem:s16], [sflag:$0x1] =	stream.indirect.gather [hbm4b:s3+s15], $0x80, s28, s15, $0xb8;
	[tilespmem:$0x1C800] =	vst v63  }
0x4e: {  	_ = 	snop  }
0x4f: {  	[tilespmem:s17], [sflag:$0x2] =	stream.indirect.gather [hbm4b:s3+s15], $0x80, s29, s15, $0xb8;
	[tilespmem:$0x1C800] =	vst v63  }
0x50: {  	_ =	swait.ge [sflag:s18], $0x4000  }
0x51: {  	[sflag:s18] =	ssyncset.done $0x0  }
0x52: {  	[sflag:s18] =	ssyncadd.s32 $0xFFFFC000  }
0x53: {  	[spmem:s1] =	stream.indirect.scatter.add.f32 [tilespmem:s16], [sflag:$0x3], $0x80, s30, s15, $0xb8;
	[tilespmem:$0x1C800] =	vst v63  }
0x54: {  	_ =	swait.ge [sflag:s13], $0x4000  }
0x55: {  	[sflag:s13] =	ssyncset.done $0x0  }
0x56: {  	[sflag:s13] =	ssyncadd.s32 $0xFFFFC000  }
0x57: {  	_ =	swait.ge [sflag:s19], $0x4000  }
0x58: {  	[sflag:s19] =	ssyncset.done $0x0  }
0x59: {  	[sflag:s19] =	ssyncadd.s32 $0xFFFFC000  }
0x5a: {  	[spmem:s1] =	stream.indirect.scatter.add.f32 [tilespmem:s17], [sflag:$0x3], $0x80, s31, s15, $0xb8;
	[tilespmem:$0x1C800] =	vst v63  }
0x5b: {  	_ =	swait.ge [sflag:s13], $0x4000  }
0x5c: {  	[sflag:s13] =	ssyncset.done $0x0  }
0x5d: {  	[sflag:s13] =	ssyncadd.s32 $0xFFFFC000  }
0x5e: {  	[tilespmem:s16], [sflag:$0x1] =	stream.indirect.gather [hbm4b:s3+s15], $0x80, s0, s15, $0xb8;
	[tilespmem:$0x1C800] =	vst v63  }
0x5f: {  	_ = 	snop  }
0x60: {  	[tilespmem:s17], [sflag:$0x2] =	stream.indirect.gather [hbm4b:s3+s15], $0x80, s5, s15, $0xb8;
	[tilespmem:$0x1C800] =	vst v63  }
0x61: {  	_ =	swait.ge [sflag:s18], $0x4000  }
0x62: {  	[sflag:s18] =	ssyncset.done $0x0  }
0x63: {  	[sflag:s18] =	ssyncadd.s32 $0xFFFFC000  }
0x64: {  	[spmem:s1] =	stream.indirect.scatter.add.f32 [tilespmem:s16], [sflag:$0x3], $0x80, s7, s15, $0xb8;
	[tilespmem:$0x1C800] =	vst v63  }
0x65: {  	_ =	swait.ge [sflag:s13], $0x4000  }
0x66: {  	[sflag:s13] =	ssyncset.done $0x0  }
0x67: {  	[sflag:s13] =	ssyncadd.s32 $0xFFFFC000  }
0x68: {  	p1 =	sne.s32 s4, $0x1;
	_ =	swait.ge [sflag:s19], $0x4000  }
.Ltmp0:
0x69: {  	[sflag:s19] =	ssyncset.done $0x0;
	(pc) =	sbr.rel @!p1 .LBB2_3-.Ltmp0, $4  }
0x6a: {  	[sflag:s19] =	ssyncadd.s32 $0xFFFFC000  }
0x6b: {  	[spmem:s1] =	stream.indirect.scatter.add.f32 [tilespmem:s17], [sflag:$0x3], $0x80, s8, s15, $0xb8;
	[tilespmem:$0x1C800] =	vst v63  }
0x6c: {  	s12 =	sadd.s32 $0xFFFFFFFF, s4;
	_ =	swait.ge [sflag:s13], $0x4000  }
0x6d: {  	s10 =	smov.u32 s24;
	s11 =	smov.u32 s25;
	[sflag:s13] =	ssyncset.done $0x0  }
.LBB2_2:
0x6e: {  	[sflag:s13] =	ssyncadd.s32 $0xFFFFC000;
	s10 =	sadd.s32 $0x80, s10;
	s11 =	sadd.s32 $0x80, s11  }
0x6f: {  	[tilespmem:s2], [sflag:$0x3] =	stream.linear.gather [hbm4b:s11+s2], $0x400, $0x38;
	[tilespmem:$0x1C800] =	vst v63  }
0x70: {  	p1 =	sne.s32 s12, $0x1;
	s12 =	sadd.s32 $0xFFFFFFFF, s12;
	_ =	swait.ge [sflag:s13], $0x400  }
0x71: {  	[sflag:s13] =	ssyncset.done $0x0  }
0x72: {  	[sflag:s13] =	ssyncadd.s32 $0xFFFFFC00  }
0x73: {  	[tilespmem:s14], [sflag:$0x3] =	stream.linear.gather [hbm4b:s10+s2], $0x400, $0x38;
	[tilespmem:$0x1C800] =	vst v63  }
0x74: {  	_ =	swait.ge [sflag:s13], $0x400  }
0x75: {  	[sflag:s13] =	ssyncset.done $0x0  }
0x76: {  	[sflag:s13] =	ssyncadd.s32 $0xFFFFFC00  }
0x77: {  	[tilespmem:s16], [sflag:$0x1] =	stream.indirect.gather [hbm4b:s3+s15], $0x80, s2, s15, $0xb8;
	[tilespmem:$0x1C800] =	vst v63  }
0x78: {  	_ = 	snop  }
0x79: {  	[tilespmem:s17], [sflag:$0x2] =	stream.indirect.gather [hbm4b:s3+s15], $0x80, s15, s15, $0xb8;
	[tilespmem:$0x1C800] =	vst v63  }
0x7a: {  	_ =	swait.ge [sflag:s18], $0x4000  }
0x7b: {  	[sflag:s18] =	ssyncset.done $0x0  }
0x7c: {  	[sflag:s18] =	ssyncadd.s32 $0xFFFFC000  }
0x7d: {  	[spmem:s1] =	stream.indirect.scatter.add.f32 [tilespmem:s16], [sflag:$0x3], $0x80, s14, s15, $0xb8;
	[tilespmem:$0x1C800] =	vst v63  }
0x7e: {  	_ =	swait.ge [sflag:s13], $0x4000  }
0x7f: {  	[sflag:s13] =	ssyncset.done $0x0  }
0x80: {  	[sflag:s13] =	ssyncadd.s32 $0xFFFFC000  }
0x81: {  	_ =	swait.ge [sflag:s19], $0x4000  }
0x82: {  	[sflag:s19] =	ssyncset.done $0x0  }
0x83: {  	[sflag:s19] =	ssyncadd.s32 $0xFFFFC000  }
0x84: {  	[spmem:s1] =	stream.indirect.scatter.add.f32 [tilespmem:s17], [sflag:$0x3], $0x80, s20, s15, $0xb8;
	[tilespmem:$0x1C800] =	vst v63  }
0x85: {  	_ =	swait.ge [sflag:s13], $0x4000  }
0x86: {  	[sflag:s13] =	ssyncset.done $0x0  }
0x87: {  	[sflag:s13] =	ssyncadd.s32 $0xFFFFC000  }
0x88: {  	[tilespmem:s16], [sflag:$0x1] =	stream.indirect.gather [hbm4b:s3+s15], $0x80, s21, s15, $0xb8;
	[tilespmem:$0x1C800] =	vst v63  }
0x89: {  	_ = 	snop  }
0x8a: {  	[tilespmem:s17], [sflag:$0x2] =	stream.indirect.gather [hbm4b:s3+s15], $0x80, s22, s15, $0xb8;
	[tilespmem:$0x1C800] =	vst v63  }
0x8b: {  	_ =	swait.ge [sflag:s18], $0x4000  }
0x8c: {  	[sflag:s18] =	ssyncset.done $0x0  }
0x8d: {  	[sflag:s18] =	ssyncadd.s32 $0xFFFFC000  }
0x8e: {  	[spmem:s1] =	stream.indirect.scatter.add.f32 [tilespmem:s16], [sflag:$0x3], $0x80, s23, s15, $0xb8;
	[tilespmem:$0x1C800] =	vst v63  }
0x8f: {  	_ =	swait.ge [sflag:s13], $0x4000  }
0x90: {  	[sflag:s13] =	ssyncset.done $0x0  }
0x91: {  	[sflag:s13] =	ssyncadd.s32 $0xFFFFC000  }
0x92: {  	_ =	swait.ge [sflag:s19], $0x4000  }
0x93: {  	[sflag:s19] =	ssyncset.done $0x0  }
0x94: {  	[sflag:s19] =	ssyncadd.s32 $0xFFFFC000  }
0x95: {  	[spmem:s1] =	stream.indirect.scatter.add.f32 [tilespmem:s17], [sflag:$0x3], $0x80, s26, s15, $0xb8;
	[tilespmem:$0x1C800] =	vst v63  }
0x96: {  	_ =	swait.ge [sflag:s13], $0x4000  }
0x97: {  	[sflag:s13] =	ssyncset.done $0x0  }
0x98: {  	[sflag:s13] =	ssyncadd.s32 $0xFFFFC000  }
0x99: {  	[tilespmem:s16], [sflag:$0x1] =	stream.indirect.gather [hbm4b:s3+s15], $0x80, s28, s15, $0xb8;
	[tilespmem:$0x1C800] =	vst v63  }
0x9a: {  	_ = 	snop  }
0x9b: {  	[tilespmem:s17], [sflag:$0x2] =	stream.indirect.gather [hbm4b:s3+s15], $0x80, s29, s15, $0xb8;
	[tilespmem:$0x1C800] =	vst v63  }
0x9c: {  	_ =	swait.ge [sflag:s18], $0x4000  }
0x9d: {  	[sflag:s18] =	ssyncset.done $0x0  }
0x9e: {  	[sflag:s18] =	ssyncadd.s32 $0xFFFFC000  }
0x9f: {  	[spmem:s1] =	stream.indirect.scatter.add.f32 [tilespmem:s16], [sflag:$0x3], $0x80, s30, s15, $0xb8;
	[tilespmem:$0x1C800] =	vst v63  }
0xa0: {  	_ =	swait.ge [sflag:s13], $0x4000  }
0xa1: {  	[sflag:s13] =	ssyncset.done $0x0  }
0xa2: {  	[sflag:s13] =	ssyncadd.s32 $0xFFFFC000  }
0xa3: {  	_ =	swait.ge [sflag:s19], $0x4000  }
0xa4: {  	[sflag:s19] =	ssyncset.done $0x0  }
0xa5: {  	[sflag:s19] =	ssyncadd.s32 $0xFFFFC000  }
0xa6: {  	[spmem:s1] =	stream.indirect.scatter.add.f32 [tilespmem:s17], [sflag:$0x3], $0x80, s31, s15, $0xb8;
	[tilespmem:$0x1C800] =	vst v63  }
0xa7: {  	_ =	swait.ge [sflag:s13], $0x4000  }
0xa8: {  	[sflag:s13] =	ssyncset.done $0x0  }
0xa9: {  	[sflag:s13] =	ssyncadd.s32 $0xFFFFC000  }
0xaa: {  	[tilespmem:s16], [sflag:$0x1] =	stream.indirect.gather [hbm4b:s3+s15], $0x80, s0, s15, $0xb8;
	[tilespmem:$0x1C800] =	vst v63  }
0xab: {  	_ = 	snop  }
0xac: {  	[tilespmem:s17], [sflag:$0x2] =	stream.indirect.gather [hbm4b:s3+s15], $0x80, s5, s15, $0xb8;
	[tilespmem:$0x1C800] =	vst v63  }
0xad: {  	_ =	swait.ge [sflag:s18], $0x4000  }
0xae: {  	[sflag:s18] =	ssyncset.done $0x0  }
0xaf: {  	[sflag:s18] =	ssyncadd.s32 $0xFFFFC000  }
0xb0: {  	[spmem:s1] =	stream.indirect.scatter.add.f32 [tilespmem:s16], [sflag:$0x3], $0x80, s7, s15, $0xb8;
	[tilespmem:$0x1C800] =	vst v63  }
0xb1: {  	_ =	swait.ge [sflag:s13], $0x4000  }
0xb2: {  	[sflag:s13] =	ssyncset.done $0x0  }
0xb3: {  	[sflag:s13] =	ssyncadd.s32 $0xFFFFC000  }
0xb4: {  	_ =	swait.ge [sflag:s19], $0x4000  }
.Ltmp1:
0xb5: {  	[sflag:s19] =	ssyncset.done $0x0;
	(pc) =	sbr.rel @p1 .LBB2_2-.Ltmp1, $4  }
0xb6: {  	[sflag:s19] =	ssyncadd.s32 $0xFFFFC000  }
0xb7: {  	[spmem:s1] =	stream.indirect.scatter.add.f32 [tilespmem:s17], [sflag:$0x3], $0x80, s8, s15, $0xb8;
	[tilespmem:$0x1C800] =	vst v63  }
0xb8: {  	_ =	swait.ge [sflag:s13], $0x4000  }
0xb9: {  	[sflag:s13] =	ssyncset.done $0x0  }
.LBB2_3:
0xba: {  	[sflag:s13] =	ssyncadd.s32 $0xFFFFC000  }
0xbb: {  	[bflag:$0x0] =	sbarrier.arrive $0xFFFF  }
0xbc: {  	s10 =	rddreg [dreg:$0x4]  }
0xbd: {  	s11 =	rddreg [dreg:$0x8]  }
0xbe: {  	[hbm:s10], [sflag:s6] =	dma.local [spmem:s11], $0x2700  }
0xbf: {  	_ =	swait.ge [sflag:s13], $0x2700  }
0xc0: {  	[sflag:s13] =	ssyncset.done $0x0;
	s10 =	rddreg [dreg:$0x5]  }
0xc1: {  	s11 =	rddreg [dreg:$0x9];
	[sflag:s13] =	ssyncadd.s32 $0xFFFFD900  }
0xc2: {  	[hbm:s10], [sflag:s6] =	dma.local @!p0 [spmem:s11], $0x100  }
0xc3: {  	s10 =	simm.s32 @!p0 $0x3  }
0xc4: {  	_ =	swait.ge @!p0 [sflag:s10], $0x100  }
0xc5: {  	s9 =	sadd.s32 $0x1, s9;
	s12 =	rddreg [dreg:$0x6]  }
0xc6: {  	p1 =	sne.s32 s9, s12  }
.Ltmp2:
0xc7: {  	_ = 	snop;
	(pc) =	sbr.rel @p1 .LBB2_1-.Ltmp2, $3  }
0xc8: {  	_ =	sdelay $0x1  }
0xc9: {  	[sflag:s10] =	ssyncset.done @!p0 $0x0  }
0xca: {  	[sflag:s10] =	ssyncadd.s32 @!p0 $0xFFFFFF00  }
0xcb: {  	_ =	sfence.sel $0x180000  }
0xcc: {  	[bflag:$0x0] =	sbarrier.arrive $0xFFFF  }
0xcd: {  	_ =	strace $0x90000047  }
0xce: {  	[bflag:$0x2] =	sbarrier.arrive $0xFFFF  }
0xcf: {  	s0 =	rddreg [dreg:$0x2]  }
0xd0: {  	s0 =	sadd.s32 @!p0 $0x100000, s0  }
0xd1: {  	[sflag:s0] =	ssyncadd.tile.s32 @!p0 $0x1;
	_ =	shalt  }
.Lfunc_end2:
_tile_overlayer_lowered:
.L_overlay_start_2:
0xd2: {  	(tag) =	ssettag $0x2  }
0xd3: {  	s0 =	rddreg [dreg:$0x0];
	s2 =	stileid.u32  }
0xd4: {  	s1 =	rddreg [dreg:$0x1];
	p0 =	sne.s32 s2, $0x0  }
0xd5: {  	s3 =	rddreg [dreg:$0x2];
	[bflag:$0x3] =	sbarrier.arrive $0xFFFF;
	s2 =	simm.s32 @!p0 $0x1C03  }
0xd6: {  	[timem:s3], [sflag:s2] =	dma.local @!p0 [hbm:s0], s1  }
0xd7: {  	s0 =	simm.s32 @!p0 $0x3  }
0xd8: {  	_ =	swait.ge @!p0 [sflag:s0], s1  }
0xd9: {  	s1 =	ssub.s32 @!p0 $0x0, s1;
	[sflag:s0] =	ssyncset.done @!p0 $0x0  }
0xda: {  	[sflag:s0] =	ssyncadd.s32 @!p0 s1  }
0xdb: {  	[bflag:$0x3] =	sbarrier.arrive $0xFFFF  }
0xdc: {  	_ =	shalt  }

// kernel: kernel.16.cloned.1.call-start
scs
__scs_entry_jumppad:
0x0: {  	(pc) =	sbr.rel $0x88, $3  }
0x1: {  	(tag) =	ssettag $0x0;
	lr =	simm.s32 $0x1  }
0x2: {  	[smem:$0x3F94] =	sst lr;
	_ =	strace $0xD0000000  }
0x3: {  	_ = 	snop  }
0x4: {  	_ = 	snop  }
0x5: {  	_ = 	snop  }
0x6: {  	_ = 	snop  }
0x7: {  	_ = 	snop  }
__scs_overlays_trampoline_lowered:
0x8: {  	[smem:$0x3FA3] =	sst s0  }
0x9: {  	[smem:$0x3FA4] =	sst s1  }
0xa: {  	[smem:$0x3FA5] =	sst s2  }
0xb: {  	[smem:$0x3FA6] =	sst s3  }
0xc: {  	[smem:$0x3FA7] =	sst s4  }
0xd: {  	[smem:$0x3FA8] =	sst s5  }
0xe: {  	[smem:$0x3FA9] =	sst s6  }
0xf: {  	[smem:$0x3FAA] =	sst s7  }
0x10: {  	[smem:$0x3FAB] =	sst s8  }
0x11: {  	[smem:$0x3FAC] =	sst s9;
	s0 =	simm.s32 @!p0 $0x0  }
0x12: {  	s1 =	sld [smem:$0x3F92];
	s0 =	simm.s32 @p0 $0x1  }
0x13: {  	[smem:$0x3FAD] =	sst s0;
	s0 =	simm.s32 @!p1 $0x0  }
0x14: {  	s2 =	sld [smem:$0x3F91];
	s0 =	simm.s32 @p1 $0x1  }
0x15: {  	[smem:$0x3FAE] =	sst s0;
	s0 =	simm.s32 @!p2 $0x0  }
0x16: {  	s3 =	sld [smem:$0x3FDB];
	s0 =	simm.s32 @p2 $0x1  }
0x17: {  	s4 =	simm.s32 $0x1BF5;
	[smem:$0x3FB0] =	sst s0  }
0x18: {  	s0 =	sld [smem:$0x3F93];
	_ =	swait.ge [sflag:s4], $0x0  }
0x19: {  	s7 =	sld [smem:$0x3F94]  }
0x1a: {  	s8 =	sadd.s32 $0xFFFFE003, lr  }
0x1b: {  	s9 =	sadd.s32 $0xFFFFFEF7, lr;
	s5 =	simm.s32 $0xFFFFFFFF;
	p2 =	slt.u32 s8, $0xFFFFF086  }
0x1c: {  	p1 =	slt.u32 s9, $0xF7A;
	s5 =	simm.s32 @!p2 $0x0  }
0x1d: {  	s5 =	simm.s32 @p1 $0x1;
	p0 =	seq.s32 s7, s2  }
0x1e: {  	s7 =	smul.u32 @!p0 $0xF7A, s2;
	p2 =	seq.s32 @!p0 s5, $0x0  }
0x1f: {  	s9 =	smul.u32 $0xF7A, s1;
	s8 =	simm.s32 @!p0 $0x1BF5;
	p2 =	por !p2, p0  }
0x20: {  	[sflag:s8] =	ssyncset.s32 @!p0 $0xFFFFF086;
	s6 =	sadd.s32 @!p0 s3, s7;
	s7 =	simm.s32 @!p0 $0x108  }
0x21: {  	s3 =	sadd.s32 s3, s9;
	s6 =	sadd.s32 @!p0 $0x88, s6;
	s7 =	simm.s32 @p2 $0x1082  }
0x22: {  	[simem:s7], [sflag:s8] =	dma.local @!p0 [hbm:s6], $0xF7A  }
0x23: {  	s9 =	sor.u32 $0xD0000000, s2;
	s6 =	simm.s32 $0x108;
	_ =	swait.ge @!p0 [sflag:s8], $0x0  }
0x24: {  	s3 =	sadd.s32 $0x88, s3;
	s6 =	simm.s32 @!p1 $0x1082;
	[sflag:s4] =	ssyncset.s32 $0xFFFFF086  }
0x25: {  	[simem:s6], [sflag:s4] =	dma.local [hbm:s3], $0xF7A  }
0x26: {  	[smem:$0x3F94] =	sst s1;
	(tag) =	ssettag s2;
	_ =	strace s9  }
0x27: {  	s1 =	sld [smem:$0x3FA4]  }
0x28: {  	s2 =	sld [smem:$0x3FA5]  }
0x29: {  	s4 =	sld [smem:$0x3FA7]  }
0x2a: {  	p0 =	seq.s32 s5, $0x0;
	s5 =	sld [smem:$0x3FA8]  }
0x2b: {  	s6 =	sld [smem:$0x3FA9]  }
0x2c: {  	s7 =	sld [smem:$0x3FAA]  }
0x2d: {  	s3 =	simm.s32 $0x108;
	s8 =	sld [smem:$0x3FAB]  }
0x2e: {  	s3 =	simm.s32 @!p0 $0x1082;
	s9 =	sld [smem:$0x3FAC]  }
0x2f: {  	lr =	sadd.s32 s0, s3;
	s0 =	sld [smem:$0x3FA3]  }
0x30: {  	s3 =	sld [smem:$0x3FA6]  }
0x31: {  	[smem:$0x3FAF] =	sst s10  }
0x32: {  	s10 =	sld [smem:$0x3FAD];
	_ =	sdelay $0x3  }
0x33: {  	p0 =	seq.s32 s10, $0x1;
	s10 =	sld [smem:$0x3FAF];
	_ =	sdelay $0x3  }
0x34: {  	[smem:$0x3FAF] =	sst s10  }
0x35: {  	s10 =	sld [smem:$0x3FAE];
	_ =	sdelay $0x3  }
0x36: {  	p1 =	seq.s32 s10, $0x1;
	s10 =	sld [smem:$0x3FAF];
	_ =	sdelay $0x3  }
0x37: {  	[smem:$0x3FAF] =	sst s10  }
0x38: {  	s10 =	sld [smem:$0x3FB0]  }
0x39: {  	_ = 	snop;
	(pc) =	sbr.ind lr, $3  }
0x3a: {  	_ = 	snop  }
0x3b: {  	_ = 	snop  }
0x3c: {  	p2 =	seq.s32 s10, $0x1;
	s10 =	sld [smem:$0x3FAF]  }
0x3d: {  	_ =	shalt  }
0x3e: {  	_ =	shalt  }
0x3f: {  	_ =	shalt  }
0x40: {  	_ =	shalt  }
0x41: {  	_ =	shalt  }
0x42: {  	_ =	shalt  }
0x43: {  	_ =	shalt  }
0x44: {  	_ =	shalt  }
0x45: {  	_ =	shalt  }
0x46: {  	_ =	shalt  }
0x47: {  	_ =	shalt  }
0x48: {  	_ =	shalt  }
0x49: {  	_ =	shalt  }
0x4a: {  	_ =	shalt  }
0x4b: {  	_ =	shalt  }
0x4c: {  	_ =	shalt  }
0x4d: {  	_ =	shalt  }
0x4e: {  	_ =	shalt  }
0x4f: {  	_ =	shalt  }
0x50: {  	_ =	shalt  }
0x51: {  	_ =	shalt  }
0x52: {  	_ =	shalt  }
0x53: {  	_ =	shalt  }
0x54: {  	_ =	shalt  }
0x55: {  	_ =	shalt  }
0x56: {  	_ =	shalt  }
0x57: {  	_ =	shalt  }
0x58: {  	_ =	shalt  }
0x59: {  	_ =	shalt  }
0x5a: {  	_ =	shalt  }
0x5b: {  	_ =	shalt  }
0x5c: {  	_ =	shalt  }
0x5d: {  	_ =	shalt  }
0x5e: {  	_ =	shalt  }
0x5f: {  	_ =	shalt  }
0x60: {  	_ =	shalt  }
0x61: {  	_ =	shalt  }
0x62: {  	_ =	shalt  }
0x63: {  	_ =	shalt  }
0x64: {  	_ =	shalt  }
0x65: {  	_ =	shalt  }
0x66: {  	_ =	shalt  }
0x67: {  	_ =	shalt  }
0x68: {  	_ =	shalt  }
0x69: {  	_ =	shalt  }
0x6a: {  	_ =	shalt  }
0x6b: {  	_ =	shalt  }
0x6c: {  	_ =	shalt  }
0x6d: {  	_ =	shalt  }
0x6e: {  	_ =	shalt  }
0x6f: {  	_ =	shalt  }
0x70: {  	_ =	shalt  }
0x71: {  	_ =	shalt  }
0x72: {  	_ =	shalt  }
0x73: {  	_ =	shalt  }
0x74: {  	_ =	shalt  }
0x75: {  	_ =	shalt  }
0x76: {  	_ =	shalt  }
0x77: {  	_ =	shalt  }
0x78: {  	_ =	shalt  }
0x79: {  	_ =	shalt  }
0x7a: {  	_ =	shalt  }
0x7b: {  	_ =	shalt  }
0x7c: {  	_ =	shalt  }
0x7d: {  	_ =	shalt  }
0x7e: {  	_ =	shalt  }
0x7f: {  	_ =	shalt  }
0x80: {  	_ =	shalt  }
0x81: {  	_ =	shalt  }
0x82: {  	_ =	shalt  }
0x83: {  	_ =	shalt  }
0x84: {  	_ =	shalt  }
0x85: {  	_ =	shalt  }
0x86: {  	_ =	shalt  }
0x87: {  	_ =	shalt  }
.Lfunc_end0:
.L_simem_size_0:
called_computation.1_lowered:
.L_overlay_start_0:
0x88: {  	s2 =	sld [smem:$0x3FD9]  }
0x89: {  	s3 =	sld [smem:$0x3FFE];
	_ =	sdelay $0x1  }
0x8a: {  	s1 =	srdreg.scid  }
0x8b: {  	s0 =	sand.u32 $0x1, s1  }
0x8c: {  	s16 =	sshll.u32 s0, $0xA;
	s2 =	sadd.s32 s3, s2  }
0x8d: {  	s2 =	sadd.s32 s2, s16  }
0x8e: {  	[smem:$0x3FBB] =	sst s2  }
0x8f: {  	_ = 	snop  }
0x90: {  	(tm) =	ssettm $0x1  }
0x91: {  	s17 =	sld [smem:$0x3FFB];
	_ =	sdelay $0x3  }
0x92: {  	_ =	strace s17  }
0x93: {  	s2 =	sld [smem:$0x3FFC];
	_ =	sdelay $0x3  }
0x94: {  	_ =	strace s2  }
0x95: {  	s2 =	sld [smem:$0x3FFD];
	_ =	sdelay $0x3  }
0x96: {  	_ =	strace s2  }
0x97: {  	_ =	strace $0x8FFFFFFF  }
0x98: {  	s18 =	sld [smem:$0x3FDB];
	_ =	sdelay $0x1  }
0x99: {  	s19 =	simm.s32 $_scs_section_size  }
0x9a: {  	s4 =	simm.s32 $_size__tile_overlayer_lowered;
	s5 =	simm.s32 $_tile_overlayer_lowered  }
0x9b: {  	s22 =	simm.s32 $0x1BFF;
	s21 =	sshll.u32 s5, $0x1;
	s2 =	sadd.s32 s19, s18  }
0x9c: {  	s6 =	simm.s32 $0x0;
	s20 =	sshll.u32 s4, $0x1;
	s4 =	sadd.s32 s21, s2  }
0x9d: {  	[timem:s6], [sflag:s22] =	dma.local [hbm:s4], s20  }
0x9e: {  	_ =	swait.ge [sflag:s22], s20  }
0x9f: {  	s3 =	ssub.s32 $0x0, s20;
	[sflag:s22] =	ssyncset.done $0x0  }
0xa0: {  	[sflag:s22] =	ssyncadd.s32 s3;
	_ =	sdelay $0x1  }
0xa1: {  	s23 =	simm.s32 $0x1B8B  }
0xa2: {  	_ =	swait.ge [sflag:s23], $0x1  }
0xa3: {  	[sflag:s23] =	ssyncset.done $0x0  }
0xa4: {  	s25 =	simm.s32 $0x1B8E;
	s24 =	sld [smem:$0x3FFE];
	[sflag:s23] =	ssyncadd.s32 $0xFFFFFFFF  }
0xa5: {  	s26 =	simm.s32 $execute0_lowered;
	[smem:$0x3FD2] =	sst s25  }
0xa6: {  	s4 =	sshll.u32 s26, $0x1;
	_ =	strace $0x80000049;
	[dreg:$0x1] =	wrdreg $0xFFFFFFFF  }
0xa7: {  	s28 =	simm.s32 $_size_execute0_lowered;
	s2 =	sadd.s32 s2, s4;
	[dreg:$0x0] =	wrdreg $0x0  }
0xa8: {  	s4 =	sshll.u32 s28, $0x1;
	[dreg:$0x2] =	wrdreg s2  }
0xa9: {  	[dreg:$0x3] =	wrdreg s4  }
0xaa: {  	[dreg:$0x4] =	wrdreg $0xC0  }
0xab: {  	_ =	task [dreg:s6], $0x5FFFF  }
0xac: {  	[dreg:$0x1] =	wrdreg $0xFFFFFFFF  }
0xad: {  	[dreg:$0x0] =	wrdreg $0x60  }
0xae: {  	[dreg:$0x2] =	wrdreg s24  }
0xaf: {  	[dreg:$0x3] =	wrdreg $0x88000  }
0xb0: {  	[dreg:$0x4] =	wrdreg $0x9  }
0xb1: {  	_ =	task.clear_ibuf [dreg:s6], $0x5FFFF;
	_ =	strace $0x90000049  }
0xb2: {  	s29 =	simm.s32 $0x9;
	_ =	strace $0x8000004B  }
0xb3: {  	_ =	swait.ge [sflag:s29], $0x1  }
0xb4: {  	[sflag:s29] =	ssyncadd.s32 $0xFFFFFFFF  }
0xb5: {  	_ =	strace $0x9000004B  }
0xb6: {  	_ =	sfence  }
0xb7: {  	s30 =	sld [smem:$0x0];
	_ =	sdelay $0x2  }
0xb8: {  	s31 =	sshll.u32 s1, $0xD;
	s1 =	sshrl.u32 s1, $0x2  }
0xb9: {  	s3 =	sand.u32 $0x4000, s31;
	s1 =	sadd.s32 s1, s30  }
0xba: {  	s0 =	sor.u32 s3, s0;
	s1 =	sshll.u32 s1, $0x11  }
0xbb: {  	s0 =	sor.u32 s1, s0  }
0xbc: {  	s0 =	sadd.s32 $0x8F2B, s0  }
0xbd: {  	[sflag:s0] =	ssyncadd.remote.s32 $0x1  }
0xbe: {  	_ =	sfence.sel $0xFFFF  }
0xbf: {  	[dreg:$0x0] =	wrdreg $0xFFFFFFFF;
	(pc) =	sbr.abs _section_cstart, $3  }
0xc0: {  	[dreg:$0x1] =	wrdreg $0xFFFFFFFF  }
0xc1: {  	_ =	task.clear_ibuf [dreg:s6], $0x2FFFF;
	_ =	strace $0x9FFFFFFF  }
0xc2: {  	(tm) =	ssettm $0x7FFFFFFF  }
0xc3: {  	_ =	shalt  }
tec
execute0_lowered:
.L_overlay_start_1:
0x0: {  	(tag) =	ssettag $0x1  }
0x1: {  	s0 =	rddreg [dreg:$0x0]  }
0x2: {  	s1 =	rddreg [dreg:$0x1];
	s5 =	stileid.u32  }
0x3: {  	s3 =	srdreg.scid;
	s4 =	smul.u32 $0x28, s5  }
0x4: {  	s2 =	simm.s32 $0x0;
	s6 =	sand.u32 $0x1, s3;
	s3 =	smul.u32 $0x78, s5  }
0x5: {  	s16 =	simm.s32 $0x800;
	s28 =	simm.s32 $0x200;
	s7 =	smul.u32 $0x2800, s5  }
0x6: {  	s29 =	simm.s32 $0x280;
	s30 =	simm.s32 $0x600;
	s9 =	smul.u32 $0x50000, s5  }
0x7: {  	s31 =	simm.s32 $0x680;
	[smem:$0x7FF] =	sst s2;
	s11 =	smul.u32 $0x4E000, s5  }
0x8: {  	s17 =	smul.u32 $0x2700, s5;
	s14 =	sshll.u32 s5, $0x6;
	p0 =	seq.s32 s6, $0x0  }
0x9: {  	_ =	strace $0x8000004A;
	s10 =	ssub.s32 $0x2, s6;
	s13 =	smul.u32 $0x27100, s6  }
0xa: {  	s15 =	smul.u32 $0x138800, s6;
	s6 =	sor.u32 $0x1C03, s14;
	s14 =	simm.s32 $0x400  }
0xb: {  	s4 =	sadd.s32 $0x780, s4;
	s7 =	sadd.s32 s7, s0;
	s12 =	sshrl.u32 s10, $0x1  }
0xc: {  	s9 =	sshrl.u32 s9, $0x2;
	s19 =	sshrl.u32 s11, $0x2;
	s4 =	smov.u32 @p0 s3  }
0xd: {  	s3 =	sadd.s32 $0x18800, s0;
	s10 =	ssub.s32 s10, s12;
	s9 =	sadd.s32 s9, s1  }
0xe: {  	s18 =	sadd.s32 $0x3FA00, s7;
	s20 =	sadd.s32 s17, s13;
	s21 =	sshrl.u32 s15, $0x3  }
0xf: {  	s7 =	sadd.s32 s19, s1;
	s13 =	simm.s32 $0x3;
	s15 =	simm.s32 $0x80  }
0x10: {  	s17 =	simm.s32 $0x4800;
	s19 =	simm.s32 $0x2;
	s4 =	sshll.u32 s4, $0x4  }
0x11: {  	[dreg:$0x3] =	wrdreg s18;
	s22 =	smax.u32 s10, $0x1;
	s23 =	sshrl.u32 s9, $0x3  }
0x12: {  	s18 =	simm.s32 $0x1;
	s26 =	sshrl.u32 s7, $0x3;
	s7 =	simm.s32 $0x700  }
0x13: {  	s9 =	simm.s32 $0x0;
	s8 =	sadd.s32 s4, s0;
	[dreg:$0x6] =	wrdreg s22  }
0x14: {  	s0 =	sadd.s32 $0x67A00, s0;
	s4 =	simm.s32 $0xF;
	[dreg:$0x7] =	wrdreg s23  }
0x15: {  	s22 =	simm.s32 $0x180;
	s23 =	simm.s32 $0x500;
	[dreg:$0x8] =	wrdreg s26  }
0x16: {  	s26 =	simm.s32 $0x580;
	s4 =	simm.s32 @!p0 $0x5;
	s11 =	sadd.s32 s0, s20  }
0x17: {  	s0 =	sadd.s32 s0, s21;
	s24 =	sadd.s32 $0x4800, s8;
	s25 =	sadd.s32 $0xE800, s8  }
0x18: {  	s20 =	simm.s32 $0x480;
	s21 =	simm.s32 $0x100;
	p0 =	sne.s32 s5, $0x0  }
0x19: {  	[dreg:$0x4] =	wrdreg s11;
	s11 =	sadd.s32 $0x138000, s1;
	s0 =	sadd.s32 $0x27000, s0  }
0x1a: {  	s5 =	simm.s32 $0x380;
	[dreg:$0x5] =	wrdreg s0;
	s0 =	sshrl.u32 @!p0 s11, $0x3  }
0x1b: {  	s8 =	simm.s32 $0x780;
	[dreg:$0x9] =	wrdreg s0;
	s0 =	simm.s32 $0x300  }
.LBB2_1:
0x1c: {  	s10 =	rddreg [dreg:$0x3]  }
0x1d: {  	s11 =	rddreg [dreg:$0x7]  }
0x1e: {  	[spmem:s11], [sflag:s6] =	dma.local [hbm:s10], $0x2800  }
0x1f: {  	_ =	swait.ge [sflag:s13], $0x2800  }
0x20: {  	[sflag:s13] =	ssyncset.done $0x0  }
0x21: {  	[sflag:s13] =	ssyncadd.s32 $0xFFFFD800  }
0x22: {  	[bflag:$0x0] =	sbarrier.arrive $0xFFFF  }
0x23: {  	[tilespmem:s2], [sflag:$0x3] =	stream.linear.gather [hbm4b:s25+s2], $0x400, $0x38;
	[tilespmem:$0x1C800] =	vst v63  }
0x24: {  	_ =	swait.ge [sflag:s13], $0x400  }
0x25: {  	[sflag:s13] =	ssyncset.done $0x0  }
0x26: {  	[sflag:s13] =	ssyncadd.s32 $0xFFFFFC00  }
0x27: {  	[tilespmem:s14], [sflag:$0x3] =	stream.linear.gather [hbm4b:s24+s2], $0x400, $0x38;
	[tilespmem:$0x1C800] =	vst v63  }
0x28: {  	_ =	swait.ge [sflag:s13], $0x400  }
0x29: {  	[sflag:s13] =	ssyncset.done $0x0  }
0x2a: {  	[sflag:s13] =	ssyncadd.s32 $0xFFFFFC00  }
0x2b: {  	[tilespmem:s16], [sflag:$0x1] =	stream.indirect.gather [hbm4b:s3+s15], $0x80, s2, s15, $0xb8;
	[tilespmem:$0x1C800] =	vst v63  }
0x2c: {  	_ = 	snop  }
0x2d: {  	[tilespmem:s17], [sflag:$0x2] =	stream.indirect.gather [hbm4b:s3+s15], $0x80, s15, s15, $0xb8;
	[tilespmem:$0x1C800] =	vst v63  }
0x2e: {  	_ =	swait.ge [sflag:s18], $0x4000  }
0x2f: {  	[sflag:s18] =	ssyncset.done $0x0  }
0x30: {  	[sflag:s18] =	ssyncadd.s32 $0xFFFFC000  }
0x31: {  	[spmem:s1] =	stream.indirect.scatter.add.f32 [tilespmem:s16], [sflag:$0x3], $0x80, s14, s15, $0xb8;
	[tilespmem:$0x1C800] =	vst v63  }
0x32: {  	_ =	swait.ge [sflag:s13], $0x4000  }
0x33: {  	[sflag:s13] =	ssyncset.done $0x0  }
0x34: {  	[sflag:s13] =	ssyncadd.s32 $0xFFFFC000  }
0x35: {  	_ =	swait.ge [sflag:s19], $0x4000  }
0x36: {  	[sflag:s19] =	ssyncset.done $0x0  }
0x37: {  	[sflag:s19] =	ssyncadd.s32 $0xFFFFC000  }
0x38: {  	[spmem:s1] =	stream.indirect.scatter.add.f32 [tilespmem:s17], [sflag:$0x3], $0x80, s20, s15, $0xb8;
	[tilespmem:$0x1C800] =	vst v63  }
0x39: {  	_ =	swait.ge [sflag:s13], $0x4000  }
0x3a: {  	[sflag:s13] =	ssyncset.done $0x0  }
0x3b: {  	[sflag:s13] =	ssyncadd.s32 $0xFFFFC000  }
0x3c: {  	[tilespmem:s16], [sflag:$0x1] =	stream.indirect.gather [hbm4b:s3+s15], $0x80, s21, s15, $0xb8;
	[tilespmem:$0x1C800] =	vst v63  }
0x3d: {  	_ = 	snop  }
0x3e: {  	[tilespmem:s17], [sflag:$0x2] =	stream.indirect.gather [hbm4b:s3+s15], $0x80, s22, s15, $0xb8;
	[tilespmem:$0x1C800] =	vst v63  }
0x3f: {  	_ =	swait.ge [sflag:s18], $0x4000  }
0x40: {  	[sflag:s18] =	ssyncset.done $0x0  }
0x41: {  	[sflag:s18] =	ssyncadd.s32 $0xFFFFC000  }
0x42: {  	[spmem:s1] =	stream.indirect.scatter.add.f32 [tilespmem:s16], [sflag:$0x3], $0x80, s23, s15, $0xb8;
	[tilespmem:$0x1C800] =	vst v63  }
0x43: {  	_ =	swait.ge [sflag:s13], $0x4000  }
0x44: {  	[sflag:s13] =	ssyncset.done $0x0  }
0x45: {  	[sflag:s13] =	ssyncadd.s32 $0xFFFFC000  }
0x46: {  	_ =	swait.ge [sflag:s19], $0x4000  }
0x47: {  	[sflag:s19] =	ssyncset.done $0x0  }
0x48: {  	[sflag:s19] =	ssyncadd.s32 $0xFFFFC000  }
0x49: {  	[spmem:s1] =	stream.indirect.scatter.add.f32 [tilespmem:s17], [sflag:$0x3], $0x80, s26, s15, $0xb8;
	[tilespmem:$0x1C800] =	vst v63  }
0x4a: {  	_ =	swait.ge [sflag:s13], $0x4000  }
0x4b: {  	[sflag:s13] =	ssyncset.done $0x0  }
0x4c: {  	[sflag:s13] =	ssyncadd.s32 $0xFFFFC000  }
0x4d: {  	[tilespmem:s16], [sflag:$0x1] =	stream.indirect.gather [hbm4b:s3+s15], $0x80, s28, s15, $0xb8;
	[tilespmem:$0x1C800] =	vst v63  }
0x4e: {  	_ = 	snop  }
0x4f: {  	[tilespmem:s17], [sflag:$0x2] =	stream.indirect.gather [hbm4b:s3+s15], $0x80, s29, s15, $0xb8;
	[tilespmem:$0x1C800] =	vst v63  }
0x50: {  	_ =	swait.ge [sflag:s18], $0x4000  }
0x51: {  	[sflag:s18] =	ssyncset.done $0x0  }
0x52: {  	[sflag:s18] =	ssyncadd.s32 $0xFFFFC000  }
0x53: {  	[spmem:s1] =	stream.indirect.scatter.add.f32 [tilespmem:s16], [sflag:$0x3], $0x80, s30, s15, $0xb8;
	[tilespmem:$0x1C800] =	vst v63  }
0x54: {  	_ =	swait.ge [sflag:s13], $0x4000  }
0x55: {  	[sflag:s13] =	ssyncset.done $0x0  }
0x56: {  	[sflag:s13] =	ssyncadd.s32 $0xFFFFC000  }
0x57: {  	_ =	swait.ge [sflag:s19], $0x4000  }
0x58: {  	[sflag:s19] =	ssyncset.done $0x0  }
0x59: {  	[sflag:s19] =	ssyncadd.s32 $0xFFFFC000  }
0x5a: {  	[spmem:s1] =	stream.indirect.scatter.add.f32 [tilespmem:s17], [sflag:$0x3], $0x80, s31, s15, $0xb8;
	[tilespmem:$0x1C800] =	vst v63  }
0x5b: {  	_ =	swait.ge [sflag:s13], $0x4000  }
0x5c: {  	[sflag:s13] =	ssyncset.done $0x0  }
0x5d: {  	[sflag:s13] =	ssyncadd.s32 $0xFFFFC000  }
0x5e: {  	[tilespmem:s16], [sflag:$0x1] =	stream.indirect.gather [hbm4b:s3+s15], $0x80, s0, s15, $0xb8;
	[tilespmem:$0x1C800] =	vst v63  }
0x5f: {  	_ = 	snop  }
0x60: {  	[tilespmem:s17], [sflag:$0x2] =	stream.indirect.gather [hbm4b:s3+s15], $0x80, s5, s15, $0xb8;
	[tilespmem:$0x1C800] =	vst v63  }
0x61: {  	_ =	swait.ge [sflag:s18], $0x4000  }
0x62: {  	[sflag:s18] =	ssyncset.done $0x0  }
0x63: {  	[sflag:s18] =	ssyncadd.s32 $0xFFFFC000  }
0x64: {  	[spmem:s1] =	stream.indirect.scatter.add.f32 [tilespmem:s16], [sflag:$0x3], $0x80, s7, s15, $0xb8;
	[tilespmem:$0x1C800] =	vst v63  }
0x65: {  	_ =	swait.ge [sflag:s13], $0x4000  }
0x66: {  	[sflag:s13] =	ssyncset.done $0x0  }
0x67: {  	[sflag:s13] =	ssyncadd.s32 $0xFFFFC000  }
0x68: {  	p1 =	sne.s32 s4, $0x1;
	_ =	swait.ge [sflag:s19], $0x4000  }
.Ltmp0:
0x69: {  	[sflag:s19] =	ssyncset.done $0x0;
	(pc) =	sbr.rel @!p1 .LBB2_3-.Ltmp0, $4  }
0x6a: {  	[sflag:s19] =	ssyncadd.s32 $0xFFFFC000  }
0x6b: {  	[spmem:s1] =	stream.indirect.scatter.add.f32 [tilespmem:s17], [sflag:$0x3], $0x80, s8, s15, $0xb8;
	[tilespmem:$0x1C800] =	vst v63  }
0x6c: {  	s12 =	sadd.s32 $0xFFFFFFFF, s4;
	_ =	swait.ge [sflag:s13], $0x4000  }
0x6d: {  	s10 =	smov.u32 s24;
	s11 =	smov.u32 s25;
	[sflag:s13] =	ssyncset.done $0x0  }
.LBB2_2:
0x6e: {  	[sflag:s13] =	ssyncadd.s32 $0xFFFFC000;
	s10 =	sadd.s32 $0x80, s10;
	s11 =	sadd.s32 $0x80, s11  }
0x6f: {  	[tilespmem:s2], [sflag:$0x3] =	stream.linear.gather [hbm4b:s11+s2], $0x400, $0x38;
	[tilespmem:$0x1C800] =	vst v63  }
0x70: {  	p1 =	sne.s32 s12, $0x1;
	s12 =	sadd.s32 $0xFFFFFFFF, s12;
	_ =	swait.ge [sflag:s13], $0x400  }
0x71: {  	[sflag:s13] =	ssyncset.done $0x0  }
0x72: {  	[sflag:s13] =	ssyncadd.s32 $0xFFFFFC00  }
0x73: {  	[tilespmem:s14], [sflag:$0x3] =	stream.linear.gather [hbm4b:s10+s2], $0x400, $0x38;
	[tilespmem:$0x1C800] =	vst v63  }
0x74: {  	_ =	swait.ge [sflag:s13], $0x400  }
0x75: {  	[sflag:s13] =	ssyncset.done $0x0  }
0x76: {  	[sflag:s13] =	ssyncadd.s32 $0xFFFFFC00  }
0x77: {  	[tilespmem:s16], [sflag:$0x1] =	stream.indirect.gather [hbm4b:s3+s15], $0x80, s2, s15, $0xb8;
	[tilespmem:$0x1C800] =	vst v63  }
0x78: {  	_ = 	snop  }
0x79: {  	[tilespmem:s17], [sflag:$0x2] =	stream.indirect.gather [hbm4b:s3+s15], $0x80, s15, s15, $0xb8;
	[tilespmem:$0x1C800] =	vst v63  }
0x7a: {  	_ =	swait.ge [sflag:s18], $0x4000  }
0x7b: {  	[sflag:s18] =	ssyncset.done $0x0  }
0x7c: {  	[sflag:s18] =	ssyncadd.s32 $0xFFFFC000  }
0x7d: {  	[spmem:s1] =	stream.indirect.scatter.add.f32 [tilespmem:s16], [sflag:$0x3], $0x80, s14, s15, $0xb8;
	[tilespmem:$0x1C800] =	vst v63  }
0x7e: {  	_ =	swait.ge [sflag:s13], $0x4000  }
0x7f: {  	[sflag:s13] =	ssyncset.done $0x0  }
0x80: {  	[sflag:s13] =	ssyncadd.s32 $0xFFFFC000  }
0x81: {  	_ =	swait.ge [sflag:s19], $0x4000  }
0x82: {  	[sflag:s19] =	ssyncset.done $0x0  }
0x83: {  	[sflag:s19] =	ssyncadd.s32 $0xFFFFC000  }
0x84: {  	[spmem:s1] =	stream.indirect.scatter.add.f32 [tilespmem:s17], [sflag:$0x3], $0x80, s20, s15, $0xb8;
	[tilespmem:$0x1C800] =	vst v63  }
0x85: {  	_ =	swait.ge [sflag:s13], $0x4000  }
0x86: {  	[sflag:s13] =	ssyncset.done $0x0  }
0x87: {  	[sflag:s13] =	ssyncadd.s32 $0xFFFFC000  }
0x88: {  	[tilespmem:s16], [sflag:$0x1] =	stream.indirect.gather [hbm4b:s3+s15], $0x80, s21, s15, $0xb8;
	[tilespmem:$0x1C800] =	vst v63  }
0x89: {  	_ = 	snop  }
0x8a: {  	[tilespmem:s17], [sflag:$0x2] =	stream.indirect.gather [hbm4b:s3+s15], $0x80, s22, s15, $0xb8;
	[tilespmem:$0x1C800] =	vst v63  }
0x8b: {  	_ =	swait.ge [sflag:s18], $0x4000  }
0x8c: {  	[sflag:s18] =	ssyncset.done $0x0  }
0x8d: {  	[sflag:s18] =	ssyncadd.s32 $0xFFFFC000  }
0x8e: {  	[spmem:s1] =	stream.indirect.scatter.add.f32 [tilespmem:s16], [sflag:$0x3], $0x80, s23, s15, $0xb8;
	[tilespmem:$0x1C800] =	vst v63  }
0x8f: {  	_ =	swait.ge [sflag:s13], $0x4000  }
0x90: {  	[sflag:s13] =	ssyncset.done $0x0  }
0x91: {  	[sflag:s13] =	ssyncadd.s32 $0xFFFFC000  }
0x92: {  	_ =	swait.ge [sflag:s19], $0x4000  }
0x93: {  	[sflag:s19] =	ssyncset.done $0x0  }
0x94: {  	[sflag:s19] =	ssyncadd.s32 $0xFFFFC000  }
0x95: {  	[spmem:s1] =	stream.indirect.scatter.add.f32 [tilespmem:s17], [sflag:$0x3], $0x80, s26, s15, $0xb8;
	[tilespmem:$0x1C800] =	vst v63  }
0x96: {  	_ =	swait.ge [sflag:s13], $0x4000  }
0x97: {  	[sflag:s13] =	ssyncset.done $0x0  }
0x98: {  	[sflag:s13] =	ssyncadd.s32 $0xFFFFC000  }
0x99: {  	[tilespmem:s16], [sflag:$0x1] =	stream.indirect.gather [hbm4b:s3+s15], $0x80, s28, s15, $0xb8;
	[tilespmem:$0x1C800] =	vst v63  }
0x9a: {  	_ = 	snop  }
0x9b: {  	[tilespmem:s17], [sflag:$0x2] =	stream.indirect.gather [hbm4b:s3+s15], $0x80, s29, s15, $0xb8;
	[tilespmem:$0x1C800] =	vst v63  }
0x9c: {  	_ =	swait.ge [sflag:s18], $0x4000  }
0x9d: {  	[sflag:s18] =	ssyncset.done $0x0  }
0x9e: {  	[sflag:s18] =	ssyncadd.s32 $0xFFFFC000  }
0x9f: {  	[spmem:s1] =	stream.indirect.scatter.add.f32 [tilespmem:s16], [sflag:$0x3], $0x80, s30, s15, $0xb8;
	[tilespmem:$0x1C800] =	vst v63  }
0xa0: {  	_ =	swait.ge [sflag:s13], $0x4000  }
0xa1: {  	[sflag:s13] =	ssyncset.done $0x0  }
0xa2: {  	[sflag:s13] =	ssyncadd.s32 $0xFFFFC000  }
0xa3: {  	_ =	swait.ge [sflag:s19], $0x4000  }
0xa4: {  	[sflag:s19] =	ssyncset.done $0x0  }
0xa5: {  	[sflag:s19] =	ssyncadd.s32 $0xFFFFC000  }
0xa6: {  	[spmem:s1] =	stream.indirect.scatter.add.f32 [tilespmem:s17], [sflag:$0x3], $0x80, s31, s15, $0xb8;
	[tilespmem:$0x1C800] =	vst v63  }
0xa7: {  	_ =	swait.ge [sflag:s13], $0x4000  }
0xa8: {  	[sflag:s13] =	ssyncset.done $0x0  }
0xa9: {  	[sflag:s13] =	ssyncadd.s32 $0xFFFFC000  }
0xaa: {  	[tilespmem:s16], [sflag:$0x1] =	stream.indirect.gather [hbm4b:s3+s15], $0x80, s0, s15, $0xb8;
	[tilespmem:$0x1C800] =	vst v63  }
0xab: {  	_ = 	snop  }
0xac: {  	[tilespmem:s17], [sflag:$0x2] =	stream.indirect.gather [hbm4b:s3+s15], $0x80, s5, s15, $0xb8;
	[tilespmem:$0x1C800] =	vst v63  }
0xad: {  	_ =	swait.ge [sflag:s18], $0x4000  }
0xae: {  	[sflag:s18] =	ssyncset.done $0x0  }
0xaf: {  	[sflag:s18] =	ssyncadd.s32 $0xFFFFC000  }
0xb0: {  	[spmem:s1] =	stream.indirect.scatter.add.f32 [tilespmem:s16], [sflag:$0x3], $0x80, s7, s15, $0xb8;
	[tilespmem:$0x1C800] =	vst v63  }
0xb1: {  	_ =	swait.ge [sflag:s13], $0x4000  }
0xb2: {  	[sflag:s13] =	ssyncset.done $0x0  }
0xb3: {  	[sflag:s13] =	ssyncadd.s32 $0xFFFFC000  }
0xb4: {  	_ =	swait.ge [sflag:s19], $0x4000  }
.Ltmp1:
0xb5: {  	[sflag:s19] =	ssyncset.done $0x0;
	(pc) =	sbr.rel @p1 .LBB2_2-.Ltmp1, $4  }
0xb6: {  	[sflag:s19] =	ssyncadd.s32 $0xFFFFC000  }
0xb7: {  	[spmem:s1] =	stream.indirect.scatter.add.f32 [tilespmem:s17], [sflag:$0x3], $0x80, s8, s15, $0xb8;
	[tilespmem:$0x1C800] =	vst v63  }
0xb8: {  	_ =	swait.ge [sflag:s13], $0x4000  }
0xb9: {  	[sflag:s13] =	ssyncset.done $0x0  }
.LBB2_3:
0xba: {  	[sflag:s13] =	ssyncadd.s32 $0xFFFFC000  }
0xbb: {  	[bflag:$0x0] =	sbarrier.arrive $0xFFFF  }
0xbc: {  	s10 =	rddreg [dreg:$0x4]  }
0xbd: {  	s11 =	rddreg [dreg:$0x8]  }
0xbe: {  	[hbm:s10], [sflag:s6] =	dma.local [spmem:s11], $0x2700  }
0xbf: {  	_ =	swait.ge [sflag:s13], $0x2700  }
0xc0: {  	[sflag:s13] =	ssyncset.done $0x0;
	s10 =	rddreg [dreg:$0x5]  }
0xc1: {  	s11 =	rddreg [dreg:$0x9];
	[sflag:s13] =	ssyncadd.s32 $0xFFFFD900  }
0xc2: {  	[hbm:s10], [sflag:s6] =	dma.local @!p0 [spmem:s11], $0x100  }
0xc3: {  	s10 =	simm.s32 @!p0 $0x3  }
0xc4: {  	_ =	swait.ge @!p0 [sflag:s10], $0x100  }
0xc5: {  	s9 =	sadd.s32 $0x1, s9;
	s12 =	rddreg [dreg:$0x6]  }
0xc6: {  	p1 =	sne.s32 s9, s12  }
.Ltmp2:
0xc7: {  	_ = 	snop;
	(pc) =	sbr.rel @p1 .LBB2_1-.Ltmp2, $3  }
0xc8: {  	_ =	sdelay $0x1  }
0xc9: {  	[sflag:s10] =	ssyncset.done @!p0 $0x0  }
0xca: {  	[sflag:s10] =	ssyncadd.s32 @!p0 $0xFFFFFF00  }
0xcb: {  	_ =	sfence.sel $0x180000  }
0xcc: {  	[bflag:$0x0] =	sbarrier.arrive $0xFFFF  }
0xcd: {  	_ =	strace $0x9000004A  }
0xce: {  	[bflag:$0x2] =	sbarrier.arrive $0xFFFF  }
0xcf: {  	s0 =	rddreg [dreg:$0x2]  }
0xd0: {  	s0 =	sadd.s32 @!p0 $0x100000, s0  }
0xd1: {  	[sflag:s0] =	ssyncadd.tile.s32 @!p0 $0x1;
	_ =	shalt  }
.Lfunc_end2:
_tile_overlayer_lowered:
.L_overlay_start_2:
0xd2: {  	(tag) =	ssettag $0x2  }
0xd3: {  	s0 =	rddreg [dreg:$0x0];
	s2 =	stileid.u32  }
0xd4: {  	s1 =	rddreg [dreg:$0x1];
	p0 =	sne.s32 s2, $0x0  }
0xd5: {  	s3 =	rddreg [dreg:$0x2];
	[bflag:$0x3] =	sbarrier.arrive $0xFFFF;
	s2 =	simm.s32 @!p0 $0x1C03  }
0xd6: {  	[timem:s3], [sflag:s2] =	dma.local @!p0 [hbm:s0], s1  }
0xd7: {  	s0 =	simm.s32 @!p0 $0x3  }
0xd8: {  	_ =	swait.ge @!p0 [sflag:s0], s1  }
0xd9: {  	s1 =	ssub.s32 @!p0 $0x0, s1;
	[sflag:s0] =	ssyncset.done @!p0 $0x0  }
0xda: {  	[sflag:s0] =	ssyncadd.s32 @!p0 s1  }
0xdb: {  	[bflag:$0x3] =	sbarrier.arrive $0xFFFF  }
0xdc: {  	_ =	shalt  }

// kernel: kernel.19.cloned.1.call-start
scs
__scs_entry_jumppad:
0x0: {  	(pc) =	sbr.rel $0x88, $3  }
0x1: {  	(tag) =	ssettag $0x0;
	lr =	simm.s32 $0x1  }
0x2: {  	[smem:$0x3F94] =	sst lr;
	_ =	strace $0xD0000000  }
0x3: {  	_ = 	snop  }
0x4: {  	_ = 	snop  }
0x5: {  	_ = 	snop  }
0x6: {  	_ = 	snop  }
0x7: {  	_ = 	snop  }
__scs_overlays_trampoline_lowered:
0x8: {  	[smem:$0x3FA3] =	sst s0  }
0x9: {  	[smem:$0x3FA4] =	sst s1  }
0xa: {  	[smem:$0x3FA5] =	sst s2  }
0xb: {  	[smem:$0x3FA6] =	sst s3  }
0xc: {  	[smem:$0x3FA7] =	sst s4  }
0xd: {  	[smem:$0x3FA8] =	sst s5  }
0xe: {  	[smem:$0x3FA9] =	sst s6  }
0xf: {  	[smem:$0x3FAA] =	sst s7  }
0x10: {  	[smem:$0x3FAB] =	sst s8  }
0x11: {  	[smem:$0x3FAC] =	sst s9;
	s0 =	simm.s32 @!p0 $0x0  }
0x12: {  	s1 =	sld [smem:$0x3F92];
	s0 =	simm.s32 @p0 $0x1  }
0x13: {  	[smem:$0x3FAD] =	sst s0;
	s0 =	simm.s32 @!p1 $0x0  }
0x14: {  	s2 =	sld [smem:$0x3F91];
	s0 =	simm.s32 @p1 $0x1  }
0x15: {  	[smem:$0x3FAE] =	sst s0;
	s0 =	simm.s32 @!p2 $0x0  }
0x16: {  	s3 =	sld [smem:$0x3FDB];
	s0 =	simm.s32 @p2 $0x1  }
0x17: {  	s4 =	simm.s32 $0x1BF5;
	[smem:$0x3FB0] =	sst s0  }
0x18: {  	s0 =	sld [smem:$0x3F93];
	_ =	swait.ge [sflag:s4], $0x0  }
0x19: {  	s7 =	sld [smem:$0x3F94]  }
0x1a: {  	s8 =	sadd.s32 $0xFFFFE003, lr  }
0x1b: {  	s9 =	sadd.s32 $0xFFFFFEF7, lr;
	s5 =	simm.s32 $0xFFFFFFFF;
	p2 =	slt.u32 s8, $0xFFFFF086  }
0x1c: {  	p1 =	slt.u32 s9, $0xF7A;
	s5 =	simm.s32 @!p2 $0x0  }
0x1d: {  	s5 =	simm.s32 @p1 $0x1;
	p0 =	seq.s32 s7, s2  }
0x1e: {  	s7 =	smul.u32 @!p0 $0xF7A, s2;
	p2 =	seq.s32 @!p0 s5, $0x0  }
0x1f: {  	s9 =	smul.u32 $0xF7A, s1;
	s8 =	simm.s32 @!p0 $0x1BF5;
	p2 =	por !p2, p0  }
0x20: {  	[sflag:s8] =	ssyncset.s32 @!p0 $0xFFFFF086;
	s6 =	sadd.s32 @!p0 s3, s7;
	s7 =	simm.s32 @!p0 $0x108  }
0x21: {  	s3 =	sadd.s32 s3, s9;
	s6 =	sadd.s32 @!p0 $0x88, s6;
	s7 =	simm.s32 @p2 $0x1082  }
0x22: {  	[simem:s7], [sflag:s8] =	dma.local @!p0 [hbm:s6], $0xF7A  }
0x23: {  	s9 =	sor.u32 $0xD0000000, s2;
	s6 =	simm.s32 $0x108;
	_ =	swait.ge @!p0 [sflag:s8], $0x0  }
0x24: {  	s3 =	sadd.s32 $0x88, s3;
	s6 =	simm.s32 @!p1 $0x1082;
	[sflag:s4] =	ssyncset.s32 $0xFFFFF086  }
0x25: {  	[simem:s6], [sflag:s4] =	dma.local [hbm:s3], $0xF7A  }
0x26: {  	[smem:$0x3F94] =	sst s1;
	(tag) =	ssettag s2;
	_ =	strace s9  }
0x27: {  	s1 =	sld [smem:$0x3FA4]  }
0x28: {  	s2 =	sld [smem:$0x3FA5]  }
0x29: {  	s4 =	sld [smem:$0x3FA7]  }
0x2a: {  	p0 =	seq.s32 s5, $0x0;
	s5 =	sld [smem:$0x3FA8]  }
0x2b: {  	s6 =	sld [smem:$0x3FA9]  }
0x2c: {  	s7 =	sld [smem:$0x3FAA]  }
0x2d: {  	s3 =	simm.s32 $0x108;
	s8 =	sld [smem:$0x3FAB]  }
0x2e: {  	s3 =	simm.s32 @!p0 $0x1082;
	s9 =	sld [smem:$0x3FAC]  }
0x2f: {  	lr =	sadd.s32 s0, s3;
	s0 =	sld [smem:$0x3FA3]  }
0x30: {  	s3 =	sld [smem:$0x3FA6]  }
0x31: {  	[smem:$0x3FAF] =	sst s10  }
0x32: {  	s10 =	sld [smem:$0x3FAD];
	_ =	sdelay $0x3  }
0x33: {  	p0 =	seq.s32 s10, $0x1;
	s10 =	sld [smem:$0x3FAF];
	_ =	sdelay $0x3  }
0x34: {  	[smem:$0x3FAF] =	sst s10  }
0x35: {  	s10 =	sld [smem:$0x3FAE];
	_ =	sdelay $0x3  }
0x36: {  	p1 =	seq.s32 s10, $0x1;
	s10 =	sld [smem:$0x3FAF];
	_ =	sdelay $0x3  }
0x37: {  	[smem:$0x3FAF] =	sst s10  }
0x38: {  	s10 =	sld [smem:$0x3FB0]  }
0x39: {  	_ = 	snop;
	(pc) =	sbr.ind lr, $3  }
0x3a: {  	_ = 	snop  }
0x3b: {  	_ = 	snop  }
0x3c: {  	p2 =	seq.s32 s10, $0x1;
	s10 =	sld [smem:$0x3FAF]  }
0x3d: {  	_ =	shalt  }
0x3e: {  	_ =	shalt  }
0x3f: {  	_ =	shalt  }
0x40: {  	_ =	shalt  }
0x41: {  	_ =	shalt  }
0x42: {  	_ =	shalt  }
0x43: {  	_ =	shalt  }
0x44: {  	_ =	shalt  }
0x45: {  	_ =	shalt  }
0x46: {  	_ =	shalt  }
0x47: {  	_ =	shalt  }
0x48: {  	_ =	shalt  }
0x49: {  	_ =	shalt  }
0x4a: {  	_ =	shalt  }
0x4b: {  	_ =	shalt  }
0x4c: {  	_ =	shalt  }
0x4d: {  	_ =	shalt  }
0x4e: {  	_ =	shalt  }
0x4f: {  	_ =	shalt  }
0x50: {  	_ =	shalt  }
0x51: {  	_ =	shalt  }
0x52: {  	_ =	shalt  }
0x53: {  	_ =	shalt  }
0x54: {  	_ =	shalt  }
0x55: {  	_ =	shalt  }
0x56: {  	_ =	shalt  }
0x57: {  	_ =	shalt  }
0x58: {  	_ =	shalt  }
0x59: {  	_ =	shalt  }
0x5a: {  	_ =	shalt  }
0x5b: {  	_ =	shalt  }
0x5c: {  	_ =	shalt  }
0x5d: {  	_ =	shalt  }
0x5e: {  	_ =	shalt  }
0x5f: {  	_ =	shalt  }
0x60: {  	_ =	shalt  }
0x61: {  	_ =	shalt  }
0x62: {  	_ =	shalt  }
0x63: {  	_ =	shalt  }
0x64: {  	_ =	shalt  }
0x65: {  	_ =	shalt  }
0x66: {  	_ =	shalt  }
0x67: {  	_ =	shalt  }
0x68: {  	_ =	shalt  }
0x69: {  	_ =	shalt  }
0x6a: {  	_ =	shalt  }
0x6b: {  	_ =	shalt  }
0x6c: {  	_ =	shalt  }
0x6d: {  	_ =	shalt  }
0x6e: {  	_ =	shalt  }
0x6f: {  	_ =	shalt  }
0x70: {  	_ =	shalt  }
0x71: {  	_ =	shalt  }
0x72: {  	_ =	shalt  }
0x73: {  	_ =	shalt  }
0x74: {  	_ =	shalt  }
0x75: {  	_ =	shalt  }
0x76: {  	_ =	shalt  }
0x77: {  	_ =	shalt  }
0x78: {  	_ =	shalt  }
0x79: {  	_ =	shalt  }
0x7a: {  	_ =	shalt  }
0x7b: {  	_ =	shalt  }
0x7c: {  	_ =	shalt  }
0x7d: {  	_ =	shalt  }
0x7e: {  	_ =	shalt  }
0x7f: {  	_ =	shalt  }
0x80: {  	_ =	shalt  }
0x81: {  	_ =	shalt  }
0x82: {  	_ =	shalt  }
0x83: {  	_ =	shalt  }
0x84: {  	_ =	shalt  }
0x85: {  	_ =	shalt  }
0x86: {  	_ =	shalt  }
0x87: {  	_ =	shalt  }
.Lfunc_end0:
.L_simem_size_0:
called_computation.2_lowered:
.L_overlay_start_0:
0x88: {  	s2 =	sld [smem:$0x3FD9]  }
0x89: {  	s3 =	sld [smem:$0x3FFE];
	_ =	sdelay $0x1  }
0x8a: {  	s1 =	srdreg.scid  }
0x8b: {  	s0 =	sand.u32 $0x1, s1  }
0x8c: {  	s16 =	sshll.u32 s0, $0xA;
	s2 =	sadd.s32 s3, s2  }
0x8d: {  	s2 =	sadd.s32 s2, s16  }
0x8e: {  	[smem:$0x3FBB] =	sst s2  }
0x8f: {  	_ = 	snop  }
0x90: {  	(tm) =	ssettm $0x1  }
0x91: {  	s17 =	sld [smem:$0x3FFB];
	_ =	sdelay $0x3  }
0x92: {  	_ =	strace s17  }
0x93: {  	s2 =	sld [smem:$0x3FFC];
	_ =	sdelay $0x3  }
0x94: {  	_ =	strace s2  }
0x95: {  	s2 =	sld [smem:$0x3FFD];
	_ =	sdelay $0x3  }
0x96: {  	_ =	strace s2  }
0x97: {  	_ =	strace $0x8FFFFFFF  }
0x98: {  	s18 =	sld [smem:$0x3FDB];
	_ =	sdelay $0x1  }
0x99: {  	s19 =	simm.s32 $_scs_section_size  }
0x9a: {  	s4 =	simm.s32 $_size__tile_overlayer_lowered;
	s5 =	simm.s32 $_tile_overlayer_lowered  }
0x9b: {  	s22 =	simm.s32 $0x1BFF;
	s21 =	sshll.u32 s5, $0x1;
	s2 =	sadd.s32 s19, s18  }
0x9c: {  	s6 =	simm.s32 $0x0;
	s20 =	sshll.u32 s4, $0x1;
	s4 =	sadd.s32 s21, s2  }
0x9d: {  	[timem:s6], [sflag:s22] =	dma.local [hbm:s4], s20  }
0x9e: {  	_ =	swait.ge [sflag:s22], s20  }
0x9f: {  	s3 =	ssub.s32 $0x0, s20;
	[sflag:s22] =	ssyncset.done $0x0  }
0xa0: {  	[sflag:s22] =	ssyncadd.s32 s3;
	_ =	sdelay $0x1  }
0xa1: {  	s23 =	simm.s32 $0x1B8B  }
0xa2: {  	_ =	swait.ge [sflag:s23], $0x1  }
0xa3: {  	[sflag:s23] =	ssyncset.done $0x0  }
0xa4: {  	s25 =	simm.s32 $0x1B8E;
	s24 =	sld [smem:$0x3FFE];
	[sflag:s23] =	ssyncadd.s32 $0xFFFFFFFF  }
0xa5: {  	s26 =	simm.s32 $execute0_lowered;
	[smem:$0x3FD2] =	sst s25  }
0xa6: {  	s4 =	sshll.u32 s26, $0x1;
	_ =	strace $0x8000004C;
	[dreg:$0x1] =	wrdreg $0xFFFFFFFF  }
0xa7: {  	s28 =	simm.s32 $_size_execute0_lowered;
	s2 =	sadd.s32 s2, s4;
	[dreg:$0x0] =	wrdreg $0x0  }
0xa8: {  	s4 =	sshll.u32 s28, $0x1;
	[dreg:$0x2] =	wrdreg s2  }
0xa9: {  	[dreg:$0x3] =	wrdreg s4  }
0xaa: {  	[dreg:$0x4] =	wrdreg $0xC0  }
0xab: {  	_ =	task [dreg:s6], $0x5FFFF  }
0xac: {  	[dreg:$0x1] =	wrdreg $0xFFFFFFFF  }
0xad: {  	[dreg:$0x0] =	wrdreg $0x60  }
0xae: {  	[dreg:$0x2] =	wrdreg s24  }
0xaf: {  	[dreg:$0x3] =	wrdreg $0x88000  }
0xb0: {  	[dreg:$0x4] =	wrdreg $0x9  }
0xb1: {  	_ =	task.clear_ibuf [dreg:s6], $0x5FFFF;
	_ =	strace $0x9000004C  }
0xb2: {  	s29 =	simm.s32 $0x9;
	_ =	strace $0x8000004E  }
0xb3: {  	_ =	swait.ge [sflag:s29], $0x1  }
0xb4: {  	[sflag:s29] =	ssyncadd.s32 $0xFFFFFFFF  }
0xb5: {  	_ =	strace $0x9000004E  }
0xb6: {  	_ =	sfence  }
0xb7: {  	s30 =	sld [smem:$0x0];
	_ =	sdelay $0x2  }
0xb8: {  	s31 =	sshll.u32 s1, $0xD;
	s1 =	sshrl.u32 s1, $0x2  }
0xb9: {  	s3 =	sand.u32 $0x4000, s31;
	s1 =	sadd.s32 s1, s30  }
0xba: {  	s0 =	sor.u32 s3, s0;
	s1 =	sshll.u32 s1, $0x11  }
0xbb: {  	s0 =	sor.u32 s1, s0  }
0xbc: {  	s0 =	sadd.s32 $0x8F2B, s0  }
0xbd: {  	[sflag:s0] =	ssyncadd.remote.s32 $0x1  }
0xbe: {  	_ =	sfence.sel $0xFFFF  }
0xbf: {  	[dreg:$0x0] =	wrdreg $0xFFFFFFFF;
	(pc) =	sbr.abs _section_cstart, $3  }
0xc0: {  	[dreg:$0x1] =	wrdreg $0xFFFFFFFF  }
0xc1: {  	_ =	task.clear_ibuf [dreg:s6], $0x2FFFF;
	_ =	strace $0x9FFFFFFF  }
0xc2: {  	(tm) =	ssettm $0x7FFFFFFF  }
0xc3: {  	_ =	shalt  }
tec
execute0_lowered:
.L_overlay_start_1:
0x0: {  	(tag) =	ssettag $0x1  }
0x1: {  	s0 =	rddreg [dreg:$0x0]  }
0x2: {  	s1 =	rddreg [dreg:$0x1];
	s5 =	stileid.u32  }
0x3: {  	s3 =	srdreg.scid;
	s4 =	smul.u32 $0x28, s5  }
0x4: {  	s2 =	simm.s32 $0x0;
	s6 =	sand.u32 $0x1, s3;
	s3 =	smul.u32 $0x78, s5  }
0x5: {  	s16 =	simm.s32 $0x800;
	s28 =	simm.s32 $0x200;
	s7 =	smul.u32 $0x2800, s5  }
0x6: {  	s29 =	simm.s32 $0x280;
	s30 =	simm.s32 $0x600;
	s9 =	smul.u32 $0x50000, s5  }
0x7: {  	s31 =	simm.s32 $0x680;
	[smem:$0x7FF] =	sst s2;
	s11 =	smul.u32 $0x4E000, s5  }
0x8: {  	s17 =	smul.u32 $0x2700, s5;
	s14 =	sshll.u32 s5, $0x6;
	p0 =	seq.s32 s6, $0x0  }
0x9: {  	_ =	strace $0x8000004D;
	s10 =	ssub.s32 $0x2, s6;
	s13 =	smul.u32 $0x27100, s6  }
0xa: {  	s15 =	smul.u32 $0x138800, s6;
	s6 =	sor.u32 $0x1C03, s14;
	s14 =	simm.s32 $0x400  }
0xb: {  	s4 =	sadd.s32 $0x780, s4;
	s7 =	sadd.s32 s7, s0;
	s12 =	sshrl.u32 s10, $0x1  }
0xc: {  	s9 =	sshrl.u32 s9, $0x2;
	s19 =	sshrl.u32 s11, $0x2;
	s4 =	smov.u32 @p0 s3  }
0xd: {  	s3 =	sadd.s32 $0x18800, s0;
	s10 =	ssub.s32 s10, s12;
	s9 =	sadd.s32 s9, s1  }
0xe: {  	s18 =	sadd.s32 $0x3FA00, s7;
	s20 =	sadd.s32 s17, s13;
	s21 =	sshrl.u32 s15, $0x3  }
0xf: {  	s7 =	sadd.s32 s19, s1;
	s13 =	simm.s32 $0x3;
	s15 =	simm.s32 $0x80  }
0x10: {  	s17 =	simm.s32 $0x4800;
	s19 =	simm.s32 $0x2;
	s4 =	sshll.u32 s4, $0x4  }
0x11: {  	[dreg:$0x3] =	wrdreg s18;
	s22 =	smax.u32 s10, $0x1;
	s23 =	sshrl.u32 s9, $0x3  }
0x12: {  	s18 =	simm.s32 $0x1;
	s26 =	sshrl.u32 s7, $0x3;
	s7 =	simm.s32 $0x700  }
0x13: {  	s9 =	simm.s32 $0x0;
	s8 =	sadd.s32 s4, s0;
	[dreg:$0x6] =	wrdreg s22  }
0x14: {  	s0 =	sadd.s32 $0x67A00, s0;
	s4 =	simm.s32 $0xF;
	[dreg:$0x7] =	wrdreg s23  }
0x15: {  	s22 =	simm.s32 $0x180;
	s23 =	simm.s32 $0x500;
	[dreg:$0x8] =	wrdreg s26  }
0x16: {  	s26 =	simm.s32 $0x580;
	s4 =	simm.s32 @!p0 $0x5;
	s11 =	sadd.s32 s0, s20  }
0x17: {  	s0 =	sadd.s32 s0, s21;
	s24 =	sadd.s32 $0x4800, s8;
	s25 =	sadd.s32 $0xE800, s8  }
0x18: {  	s20 =	simm.s32 $0x480;
	s21 =	simm.s32 $0x100;
	p0 =	sne.s32 s5, $0x0  }
0x19: {  	[dreg:$0x4] =	wrdreg s11;
	s11 =	sadd.s32 $0x138000, s1;
	s0 =	sadd.s32 $0x27000, s0  }
0x1a: {  	s5 =	simm.s32 $0x380;
	[dreg:$0x5] =	wrdreg s0;
	s0 =	sshrl.u32 @!p0 s11, $0x3  }
0x1b: {  	s8 =	simm.s32 $0x780;
	[dreg:$0x9] =	wrdreg s0;
	s0 =	simm.s32 $0x300  }
.LBB2_1:
0x1c: {  	s10 =	rddreg [dreg:$0x3]  }
0x1d: {  	s11 =	rddreg [dreg:$0x7]  }
0x1e: {  	[spmem:s11], [sflag:s6] =	dma.local [hbm:s10], $0x2800  }
0x1f: {  	_ =	swait.ge [sflag:s13], $0x2800  }
0x20: {  	[sflag:s13] =	ssyncset.done $0x0  }
0x21: {  	[sflag:s13] =	ssyncadd.s32 $0xFFFFD800  }
0x22: {  	[bflag:$0x0] =	sbarrier.arrive $0xFFFF  }
0x23: {  	[tilespmem:s2], [sflag:$0x3] =	stream.linear.gather [hbm4b:s25+s2], $0x400, $0x38;
	[tilespmem:$0x1C800] =	vst v63  }
0x24: {  	_ =	swait.ge [sflag:s13], $0x400  }
0x25: {  	[sflag:s13] =	ssyncset.done $0x0  }
0x26: {  	[sflag:s13] =	ssyncadd.s32 $0xFFFFFC00  }
0x27: {  	[tilespmem:s14], [sflag:$0x3] =	stream.linear.gather [hbm4b:s24+s2], $0x400, $0x38;
	[tilespmem:$0x1C800] =	vst v63  }
0x28: {  	_ =	swait.ge [sflag:s13], $0x400  }
0x29: {  	[sflag:s13] =	ssyncset.done $0x0  }
0x2a: {  	[sflag:s13] =	ssyncadd.s32 $0xFFFFFC00  }
0x2b: {  	[tilespmem:s16], [sflag:$0x1] =	stream.indirect.gather [hbm4b:s3+s15], $0x80, s2, s15, $0xb8;
	[tilespmem:$0x1C800] =	vst v63  }
0x2c: {  	_ = 	snop  }
0x2d: {  	[tilespmem:s17], [sflag:$0x2] =	stream.indirect.gather [hbm4b:s3+s15], $0x80, s15, s15, $0xb8;
	[tilespmem:$0x1C800] =	vst v63  }
0x2e: {  	_ =	swait.ge [sflag:s18], $0x4000  }
0x2f: {  	[sflag:s18] =	ssyncset.done $0x0  }
0x30: {  	[sflag:s18] =	ssyncadd.s32 $0xFFFFC000  }
0x31: {  	[spmem:s1] =	stream.indirect.scatter.add.f32 [tilespmem:s16], [sflag:$0x3], $0x80, s14, s15, $0xb8;
	[tilespmem:$0x1C800] =	vst v63  }
0x32: {  	_ =	swait.ge [sflag:s13], $0x4000  }
0x33: {  	[sflag:s13] =	ssyncset.done $0x0  }
0x34: {  	[sflag:s13] =	ssyncadd.s32 $0xFFFFC000  }
0x35: {  	_ =	swait.ge [sflag:s19], $0x4000  }
0x36: {  	[sflag:s19] =	ssyncset.done $0x0  }
0x37: {  	[sflag:s19] =	ssyncadd.s32 $0xFFFFC000  }
0x38: {  	[spmem:s1] =	stream.indirect.scatter.add.f32 [tilespmem:s17], [sflag:$0x3], $0x80, s20, s15, $0xb8;
	[tilespmem:$0x1C800] =	vst v63  }
0x39: {  	_ =	swait.ge [sflag:s13], $0x4000  }
0x3a: {  	[sflag:s13] =	ssyncset.done $0x0  }
0x3b: {  	[sflag:s13] =	ssyncadd.s32 $0xFFFFC000  }
0x3c: {  	[tilespmem:s16], [sflag:$0x1] =	stream.indirect.gather [hbm4b:s3+s15], $0x80, s21, s15, $0xb8;
	[tilespmem:$0x1C800] =	vst v63  }
0x3d: {  	_ = 	snop  }
0x3e: {  	[tilespmem:s17], [sflag:$0x2] =	stream.indirect.gather [hbm4b:s3+s15], $0x80, s22, s15, $0xb8;
	[tilespmem:$0x1C800] =	vst v63  }
0x3f: {  	_ =	swait.ge [sflag:s18], $0x4000  }
0x40: {  	[sflag:s18] =	ssyncset.done $0x0  }
0x41: {  	[sflag:s18] =	ssyncadd.s32 $0xFFFFC000  }
0x42: {  	[spmem:s1] =	stream.indirect.scatter.add.f32 [tilespmem:s16], [sflag:$0x3], $0x80, s23, s15, $0xb8;
	[tilespmem:$0x1C800] =	vst v63  }
0x43: {  	_ =	swait.ge [sflag:s13], $0x4000  }
0x44: {  	[sflag:s13] =	ssyncset.done $0x0  }
0x45: {  	[sflag:s13] =	ssyncadd.s32 $0xFFFFC000  }
0x46: {  	_ =	swait.ge [sflag:s19], $0x4000  }
0x47: {  	[sflag:s19] =	ssyncset.done $0x0  }
0x48: {  	[sflag:s19] =	ssyncadd.s32 $0xFFFFC000  }
0x49: {  	[spmem:s1] =	stream.indirect.scatter.add.f32 [tilespmem:s17], [sflag:$0x3], $0x80, s26, s15, $0xb8;
	[tilespmem:$0x1C800] =	vst v63  }
0x4a: {  	_ =	swait.ge [sflag:s13], $0x4000  }
0x4b: {  	[sflag:s13] =	ssyncset.done $0x0  }
0x4c: {  	[sflag:s13] =	ssyncadd.s32 $0xFFFFC000  }
0x4d: {  	[tilespmem:s16], [sflag:$0x1] =	stream.indirect.gather [hbm4b:s3+s15], $0x80, s28, s15, $0xb8;
	[tilespmem:$0x1C800] =	vst v63  }
0x4e: {  	_ = 	snop  }
0x4f: {  	[tilespmem:s17], [sflag:$0x2] =	stream.indirect.gather [hbm4b:s3+s15], $0x80, s29, s15, $0xb8;
	[tilespmem:$0x1C800] =	vst v63  }
0x50: {  	_ =	swait.ge [sflag:s18], $0x4000  }
0x51: {  	[sflag:s18] =	ssyncset.done $0x0  }
0x52: {  	[sflag:s18] =	ssyncadd.s32 $0xFFFFC000  }
0x53: {  	[spmem:s1] =	stream.indirect.scatter.add.f32 [tilespmem:s16], [sflag:$0x3], $0x80, s30, s15, $0xb8;
	[tilespmem:$0x1C800] =	vst v63  }
0x54: {  	_ =	swait.ge [sflag:s13], $0x4000  }
0x55: {  	[sflag:s13] =	ssyncset.done $0x0  }
0x56: {  	[sflag:s13] =	ssyncadd.s32 $0xFFFFC000  }
0x57: {  	_ =	swait.ge [sflag:s19], $0x4000  }
0x58: {  	[sflag:s19] =	ssyncset.done $0x0  }
0x59: {  	[sflag:s19] =	ssyncadd.s32 $0xFFFFC000  }
0x5a: {  	[spmem:s1] =	stream.indirect.scatter.add.f32 [tilespmem:s17], [sflag:$0x3], $0x80, s31, s15, $0xb8;
	[tilespmem:$0x1C800] =	vst v63  }
0x5b: {  	_ =	swait.ge [sflag:s13], $0x4000  }
0x5c: {  	[sflag:s13] =	ssyncset.done $0x0  }
0x5d: {  	[sflag:s13] =	ssyncadd.s32 $0xFFFFC000  }
0x5e: {  	[tilespmem:s16], [sflag:$0x1] =	stream.indirect.gather [hbm4b:s3+s15], $0x80, s0, s15, $0xb8;
	[tilespmem:$0x1C800] =	vst v63  }
0x5f: {  	_ = 	snop  }
0x60: {  	[tilespmem:s17], [sflag:$0x2] =	stream.indirect.gather [hbm4b:s3+s15], $0x80, s5, s15, $0xb8;
	[tilespmem:$0x1C800] =	vst v63  }
0x61: {  	_ =	swait.ge [sflag:s18], $0x4000  }
0x62: {  	[sflag:s18] =	ssyncset.done $0x0  }
0x63: {  	[sflag:s18] =	ssyncadd.s32 $0xFFFFC000  }
0x64: {  	[spmem:s1] =	stream.indirect.scatter.add.f32 [tilespmem:s16], [sflag:$0x3], $0x80, s7, s15, $0xb8;
	[tilespmem:$0x1C800] =	vst v63  }
0x65: {  	_ =	swait.ge [sflag:s13], $0x4000  }
0x66: {  	[sflag:s13] =	ssyncset.done $0x0  }
0x67: {  	[sflag:s13] =	ssyncadd.s32 $0xFFFFC000  }
0x68: {  	p1 =	sne.s32 s4, $0x1;
	_ =	swait.ge [sflag:s19], $0x4000  }
.Ltmp0:
0x69: {  	[sflag:s19] =	ssyncset.done $0x0;
	(pc) =	sbr.rel @!p1 .LBB2_3-.Ltmp0, $4  }
0x6a: {  	[sflag:s19] =	ssyncadd.s32 $0xFFFFC000  }
0x6b: {  	[spmem:s1] =	stream.indirect.scatter.add.f32 [tilespmem:s17], [sflag:$0x3], $0x80, s8, s15, $0xb8;
	[tilespmem:$0x1C800] =	vst v63  }
0x6c: {  	s12 =	sadd.s32 $0xFFFFFFFF, s4;
	_ =	swait.ge [sflag:s13], $0x4000  }
0x6d: {  	s10 =	smov.u32 s24;
	s11 =	smov.u32 s25;
	[sflag:s13] =	ssyncset.done $0x0  }
.LBB2_2:
0x6e: {  	[sflag:s13] =	ssyncadd.s32 $0xFFFFC000;
	s10 =	sadd.s32 $0x80, s10;
	s11 =	sadd.s32 $0x80, s11  }
0x6f: {  	[tilespmem:s2], [sflag:$0x3] =	stream.linear.gather [hbm4b:s11+s2], $0x400, $0x38;
	[tilespmem:$0x1C800] =	vst v63  }
0x70: {  	p1 =	sne.s32 s12, $0x1;
	s12 =	sadd.s32 $0xFFFFFFFF, s12;
	_ =	swait.ge [sflag:s13], $0x400  }
0x71: {  	[sflag:s13] =	ssyncset.done $0x0  }
0x72: {  	[sflag:s13] =	ssyncadd.s32 $0xFFFFFC00  }
0x73: {  	[tilespmem:s14], [sflag:$0x3] =	stream.linear.gather [hbm4b:s10+s2], $0x400, $0x38;
	[tilespmem:$0x1C800] =	vst v63  }
0x74: {  	_ =	swait.ge [sflag:s13], $0x400  }
0x75: {  	[sflag:s13] =	ssyncset.done $0x0  }
0x76: {  	[sflag:s13] =	ssyncadd.s32 $0xFFFFFC00  }
0x77: {  	[tilespmem:s16], [sflag:$0x1] =	stream.indirect.gather [hbm4b:s3+s15], $0x80, s2, s15, $0xb8;
	[tilespmem:$0x1C800] =	vst v63  }
0x78: {  	_ = 	snop  }
0x79: {  	[tilespmem:s17], [sflag:$0x2] =	stream.indirect.gather [hbm4b:s3+s15], $0x80, s15, s15, $0xb8;
	[tilespmem:$0x1C800] =	vst v63  }
0x7a: {  	_ =	swait.ge [sflag:s18], $0x4000  }
0x7b: {  	[sflag:s18] =	ssyncset.done $0x0  }
0x7c: {  	[sflag:s18] =	ssyncadd.s32 $0xFFFFC000  }
0x7d: {  	[spmem:s1] =	stream.indirect.scatter.add.f32 [tilespmem:s16], [sflag:$0x3], $0x80, s14, s15, $0xb8;
	[tilespmem:$0x1C800] =	vst v63  }
0x7e: {  	_ =	swait.ge [sflag:s13], $0x4000  }
0x7f: {  	[sflag:s13] =	ssyncset.done $0x0  }
0x80: {  	[sflag:s13] =	ssyncadd.s32 $0xFFFFC000  }
0x81: {  	_ =	swait.ge [sflag:s19], $0x4000  }
0x82: {  	[sflag:s19] =	ssyncset.done $0x0  }
0x83: {  	[sflag:s19] =	ssyncadd.s32 $0xFFFFC000  }
0x84: {  	[spmem:s1] =	stream.indirect.scatter.add.f32 [tilespmem:s17], [sflag:$0x3], $0x80, s20, s15, $0xb8;
	[tilespmem:$0x1C800] =	vst v63  }
0x85: {  	_ =	swait.ge [sflag:s13], $0x4000  }
0x86: {  	[sflag:s13] =	ssyncset.done $0x0  }
0x87: {  	[sflag:s13] =	ssyncadd.s32 $0xFFFFC000  }
0x88: {  	[tilespmem:s16], [sflag:$0x1] =	stream.indirect.gather [hbm4b:s3+s15], $0x80, s21, s15, $0xb8;
	[tilespmem:$0x1C800] =	vst v63  }
0x89: {  	_ = 	snop  }
0x8a: {  	[tilespmem:s17], [sflag:$0x2] =	stream.indirect.gather [hbm4b:s3+s15], $0x80, s22, s15, $0xb8;
	[tilespmem:$0x1C800] =	vst v63  }
0x8b: {  	_ =	swait.ge [sflag:s18], $0x4000  }
0x8c: {  	[sflag:s18] =	ssyncset.done $0x0  }
0x8d: {  	[sflag:s18] =	ssyncadd.s32 $0xFFFFC000  }
0x8e: {  	[spmem:s1] =	stream.indirect.scatter.add.f32 [tilespmem:s16], [sflag:$0x3], $0x80, s23, s15, $0xb8;
	[tilespmem:$0x1C800] =	vst v63  }
0x8f: {  	_ =	swait.ge [sflag:s13], $0x4000  }
0x90: {  	[sflag:s13] =	ssyncset.done $0x0  }
0x91: {  	[sflag:s13] =	ssyncadd.s32 $0xFFFFC000  }
0x92: {  	_ =	swait.ge [sflag:s19], $0x4000  }
0x93: {  	[sflag:s19] =	ssyncset.done $0x0  }
0x94: {  	[sflag:s19] =	ssyncadd.s32 $0xFFFFC000  }
0x95: {  	[spmem:s1] =	stream.indirect.scatter.add.f32 [tilespmem:s17], [sflag:$0x3], $0x80, s26, s15, $0xb8;
	[tilespmem:$0x1C800] =	vst v63  }
0x96: {  	_ =	swait.ge [sflag:s13], $0x4000  }
0x97: {  	[sflag:s13] =	ssyncset.done $0x0  }
0x98: {  	[sflag:s13] =	ssyncadd.s32 $0xFFFFC000  }
0x99: {  	[tilespmem:s16], [sflag:$0x1] =	stream.indirect.gather [hbm4b:s3+s15], $0x80, s28, s15, $0xb8;
	[tilespmem:$0x1C800] =	vst v63  }
0x9a: {  	_ = 	snop  }
0x9b: {  	[tilespmem:s17], [sflag:$0x2] =	stream.indirect.gather [hbm4b:s3+s15], $0x80, s29, s15, $0xb8;
	[tilespmem:$0x1C800] =	vst v63  }
0x9c: {  	_ =	swait.ge [sflag:s18], $0x4000  }
0x9d: {  	[sflag:s18] =	ssyncset.done $0x0  }
0x9e: {  	[sflag:s18] =	ssyncadd.s32 $0xFFFFC000  }
0x9f: {  	[spmem:s1] =	stream.indirect.scatter.add.f32 [tilespmem:s16], [sflag:$0x3], $0x80, s30, s15, $0xb8;
	[tilespmem:$0x1C800] =	vst v63  }
0xa0: {  	_ =	swait.ge [sflag:s13], $0x4000  }
0xa1: {  	[sflag:s13] =	ssyncset.done $0x0  }
0xa2: {  	[sflag:s13] =	ssyncadd.s32 $0xFFFFC000  }
0xa3: {  	_ =	swait.ge [sflag:s19], $0x4000  }
0xa4: {  	[sflag:s19] =	ssyncset.done $0x0  }
0xa5: {  	[sflag:s19] =	ssyncadd.s32 $0xFFFFC000  }
0xa6: {  	[spmem:s1] =	stream.indirect.scatter.add.f32 [tilespmem:s17], [sflag:$0x3], $0x80, s31, s15, $0xb8;
	[tilespmem:$0x1C800] =	vst v63  }
0xa7: {  	_ =	swait.ge [sflag:s13], $0x4000  }
0xa8: {  	[sflag:s13] =	ssyncset.done $0x0  }
0xa9: {  	[sflag:s13] =	ssyncadd.s32 $0xFFFFC000  }
0xaa: {  	[tilespmem:s16], [sflag:$0x1] =	stream.indirect.gather [hbm4b:s3+s15], $0x80, s0, s15, $0xb8;
	[tilespmem:$0x1C800] =	vst v63  }
0xab: {  	_ = 	snop  }
0xac: {  	[tilespmem:s17], [sflag:$0x2] =	stream.indirect.gather [hbm4b:s3+s15], $0x80, s5, s15, $0xb8;
	[tilespmem:$0x1C800] =	vst v63  }
0xad: {  	_ =	swait.ge [sflag:s18], $0x4000  }
0xae: {  	[sflag:s18] =	ssyncset.done $0x0  }
0xaf: {  	[sflag:s18] =	ssyncadd.s32 $0xFFFFC000  }
0xb0: {  	[spmem:s1] =	stream.indirect.scatter.add.f32 [tilespmem:s16], [sflag:$0x3], $0x80, s7, s15, $0xb8;
	[tilespmem:$0x1C800] =	vst v63  }
0xb1: {  	_ =	swait.ge [sflag:s13], $0x4000  }
0xb2: {  	[sflag:s13] =	ssyncset.done $0x0  }
0xb3: {  	[sflag:s13] =	ssyncadd.s32 $0xFFFFC000  }
0xb4: {  	_ =	swait.ge [sflag:s19], $0x4000  }
.Ltmp1:
0xb5: {  	[sflag:s19] =	ssyncset.done $0x0;
	(pc) =	sbr.rel @p1 .LBB2_2-.Ltmp1, $4  }
0xb6: {  	[sflag:s19] =	ssyncadd.s32 $0xFFFFC000  }
0xb7: {  	[spmem:s1] =	stream.indirect.scatter.add.f32 [tilespmem:s17], [sflag:$0x3], $0x80, s8, s15, $0xb8;
	[tilespmem:$0x1C800] =	vst v63  }
0xb8: {  	_ =	swait.ge [sflag:s13], $0x4000  }
0xb9: {  	[sflag:s13] =	ssyncset.done $0x0  }
.LBB2_3:
0xba: {  	[sflag:s13] =	ssyncadd.s32 $0xFFFFC000  }
0xbb: {  	[bflag:$0x0] =	sbarrier.arrive $0xFFFF  }
0xbc: {  	s10 =	rddreg [dreg:$0x4]  }
0xbd: {  	s11 =	rddreg [dreg:$0x8]  }
0xbe: {  	[hbm:s10], [sflag:s6] =	dma.local [spmem:s11], $0x2700  }
0xbf: {  	_ =	swait.ge [sflag:s13], $0x2700  }
0xc0: {  	[sflag:s13] =	ssyncset.done $0x0;
	s10 =	rddreg [dreg:$0x5]  }
0xc1: {  	s11 =	rddreg [dreg:$0x9];
	[sflag:s13] =	ssyncadd.s32 $0xFFFFD900  }
0xc2: {  	[hbm:s10], [sflag:s6] =	dma.local @!p0 [spmem:s11], $0x100  }
0xc3: {  	s10 =	simm.s32 @!p0 $0x3  }
0xc4: {  	_ =	swait.ge @!p0 [sflag:s10], $0x100  }
0xc5: {  	s9 =	sadd.s32 $0x1, s9;
	s12 =	rddreg [dreg:$0x6]  }
0xc6: {  	p1 =	sne.s32 s9, s12  }
.Ltmp2:
0xc7: {  	_ = 	snop;
	(pc) =	sbr.rel @p1 .LBB2_1-.Ltmp2, $3  }
0xc8: {  	_ =	sdelay $0x1  }
0xc9: {  	[sflag:s10] =	ssyncset.done @!p0 $0x0  }
0xca: {  	[sflag:s10] =	ssyncadd.s32 @!p0 $0xFFFFFF00  }
0xcb: {  	_ =	sfence.sel $0x180000  }
0xcc: {  	[bflag:$0x0] =	sbarrier.arrive $0xFFFF  }
0xcd: {  	_ =	strace $0x9000004D  }
0xce: {  	[bflag:$0x2] =	sbarrier.arrive $0xFFFF  }
0xcf: {  	s0 =	rddreg [dreg:$0x2]  }
0xd0: {  	s0 =	sadd.s32 @!p0 $0x100000, s0  }
0xd1: {  	[sflag:s0] =	ssyncadd.tile.s32 @!p0 $0x1;
	_ =	shalt  }
.Lfunc_end2:
_tile_overlayer_lowered:
.L_overlay_start_2:
0xd2: {  	(tag) =	ssettag $0x2  }
0xd3: {  	s0 =	rddreg [dreg:$0x0];
	s2 =	stileid.u32  }
0xd4: {  	s1 =	rddreg [dreg:$0x1];
	p0 =	sne.s32 s2, $0x0  }
0xd5: {  	s3 =	rddreg [dreg:$0x2];
	[bflag:$0x3] =	sbarrier.arrive $0xFFFF;
	s2 =	simm.s32 @!p0 $0x1C03  }
0xd6: {  	[timem:s3], [sflag:s2] =	dma.local @!p0 [hbm:s0], s1  }
0xd7: {  	s0 =	simm.s32 @!p0 $0x3  }
0xd8: {  	_ =	swait.ge @!p0 [sflag:s0], s1  }
0xd9: {  	s1 =	ssub.s32 @!p0 $0x0, s1;
	[sflag:s0] =	ssyncset.done @!p0 $0x0  }
0xda: {  	[sflag:s0] =	ssyncadd.s32 @!p0 s1  }
0xdb: {  	[bflag:$0x3] =	sbarrier.arrive $0xFFFF  }
0xdc: {  	_ =	shalt  }

// kernel: kernel.22.cloned.1.call-start
scs
__scs_entry_jumppad:
0x0: {  	(pc) =	sbr.rel $0x88, $3  }
0x1: {  	(tag) =	ssettag $0x0;
	lr =	simm.s32 $0x1  }
0x2: {  	[smem:$0x3F94] =	sst lr;
	_ =	strace $0xD0000000  }
0x3: {  	_ = 	snop  }
0x4: {  	_ = 	snop  }
0x5: {  	_ = 	snop  }
0x6: {  	_ = 	snop  }
0x7: {  	_ = 	snop  }
__scs_overlays_trampoline_lowered:
0x8: {  	[smem:$0x3FA3] =	sst s0  }
0x9: {  	[smem:$0x3FA4] =	sst s1  }
0xa: {  	[smem:$0x3FA5] =	sst s2  }
0xb: {  	[smem:$0x3FA6] =	sst s3  }
0xc: {  	[smem:$0x3FA7] =	sst s4  }
0xd: {  	[smem:$0x3FA8] =	sst s5  }
0xe: {  	[smem:$0x3FA9] =	sst s6  }
0xf: {  	[smem:$0x3FAA] =	sst s7  }
0x10: {  	[smem:$0x3FAB] =	sst s8  }
0x11: {  	[smem:$0x3FAC] =	sst s9;
	s0 =	simm.s32 @!p0 $0x0  }
0x12: {  	s1 =	sld [smem:$0x3F92];
	s0 =	simm.s32 @p0 $0x1  }
0x13: {  	[smem:$0x3FAD] =	sst s0;
	s0 =	simm.s32 @!p1 $0x0  }
0x14: {  	s2 =	sld [smem:$0x3F91];
	s0 =	simm.s32 @p1 $0x1  }
0x15: {  	[smem:$0x3FAE] =	sst s0;
	s0 =	simm.s32 @!p2 $0x0  }
0x16: {  	s3 =	sld [smem:$0x3FDB];
	s0 =	simm.s32 @p2 $0x1  }
0x17: {  	s4 =	simm.s32 $0x1BF5;
	[smem:$0x3FB0] =	sst s0  }
0x18: {  	s0 =	sld [smem:$0x3F93];
	_ =	swait.ge [sflag:s4], $0x0  }
0x19: {  	s7 =	sld [smem:$0x3F94]  }
0x1a: {  	s8 =	sadd.s32 $0xFFFFE003, lr  }
0x1b: {  	s9 =	sadd.s32 $0xFFFFFEF7, lr;
	s5 =	simm.s32 $0xFFFFFFFF;
	p2 =	slt.u32 s8, $0xFFFFF086  }
0x1c: {  	p1 =	slt.u32 s9, $0xF7A;
	s5 =	simm.s32 @!p2 $0x0  }
0x1d: {  	s5 =	simm.s32 @p1 $0x1;
	p0 =	seq.s32 s7, s2  }
0x1e: {  	s7 =	smul.u32 @!p0 $0xF7A, s2;
	p2 =	seq.s32 @!p0 s5, $0x0  }
0x1f: {  	s9 =	smul.u32 $0xF7A, s1;
	s8 =	simm.s32 @!p0 $0x1BF5;
	p2 =	por !p2, p0  }
0x20: {  	[sflag:s8] =	ssyncset.s32 @!p0 $0xFFFFF086;
	s6 =	sadd.s32 @!p0 s3, s7;
	s7 =	simm.s32 @!p0 $0x108  }
0x21: {  	s3 =	sadd.s32 s3, s9;
	s6 =	sadd.s32 @!p0 $0x88, s6;
	s7 =	simm.s32 @p2 $0x1082  }
0x22: {  	[simem:s7], [sflag:s8] =	dma.local @!p0 [hbm:s6], $0xF7A  }
0x23: {  	s9 =	sor.u32 $0xD0000000, s2;
	s6 =	simm.s32 $0x108;
	_ =	swait.ge @!p0 [sflag:s8], $0x0  }
0x24: {  	s3 =	sadd.s32 $0x88, s3;
	s6 =	simm.s32 @!p1 $0x1082;
	[sflag:s4] =	ssyncset.s32 $0xFFFFF086  }
0x25: {  	[simem:s6], [sflag:s4] =	dma.local [hbm:s3], $0xF7A  }
0x26: {  	[smem:$0x3F94] =	sst s1;
	(tag) =	ssettag s2;
	_ =	strace s9  }
0x27: {  	s1 =	sld [smem:$0x3FA4]  }
0x28: {  	s2 =	sld [smem:$0x3FA5]  }
0x29: {  	s4 =	sld [smem:$0x3FA7]  }
0x2a: {  	p0 =	seq.s32 s5, $0x0;
	s5 =	sld [smem:$0x3FA8]  }
0x2b: {  	s6 =	sld [smem:$0x3FA9]  }
0x2c: {  	s7 =	sld [smem:$0x3FAA]  }
0x2d: {  	s3 =	simm.s32 $0x108;
	s8 =	sld [smem:$0x3FAB]  }
0x2e: {  	s3 =	simm.s32 @!p0 $0x1082;
	s9 =	sld [smem:$0x3FAC]  }
0x2f: {  	lr =	sadd.s32 s0, s3;
	s0 =	sld [smem:$0x3FA3]  }
0x30: {  	s3 =	sld [smem:$0x3FA6]  }
0x31: {  	[smem:$0x3FAF] =	sst s10  }
0x32: {  	s10 =	sld [smem:$0x3FAD];
	_ =	sdelay $0x3  }
0x33: {  	p0 =	seq.s32 s10, $0x1;
	s10 =	sld [smem:$0x3FAF];
	_ =	sdelay $0x3  }
0x34: {  	[smem:$0x3FAF] =	sst s10  }
0x35: {  	s10 =	sld [smem:$0x3FAE];
	_ =	sdelay $0x3  }
0x36: {  	p1 =	seq.s32 s10, $0x1;
	s10 =	sld [smem:$0x3FAF];
	_ =	sdelay $0x3  }
0x37: {  	[smem:$0x3FAF] =	sst s10  }
0x38: {  	s10 =	sld [smem:$0x3FB0]  }
0x39: {  	_ = 	snop;
	(pc) =	sbr.ind lr, $3  }
0x3a: {  	_ = 	snop  }
0x3b: {  	_ = 	snop  }
0x3c: {  	p2 =	seq.s32 s10, $0x1;
	s10 =	sld [smem:$0x3FAF]  }
0x3d: {  	_ =	shalt  }
0x3e: {  	_ =	shalt  }
0x3f: {  	_ =	shalt  }
0x40: {  	_ =	shalt  }
0x41: {  	_ =	shalt  }
0x42: {  	_ =	shalt  }
0x43: {  	_ =	shalt  }
0x44: {  	_ =	shalt  }
0x45: {  	_ =	shalt  }
0x46: {  	_ =	shalt  }
0x47: {  	_ =	shalt  }
0x48: {  	_ =	shalt  }
0x49: {  	_ =	shalt  }
0x4a: {  	_ =	shalt  }
0x4b: {  	_ =	shalt  }
0x4c: {  	_ =	shalt  }
0x4d: {  	_ =	shalt  }
0x4e: {  	_ =	shalt  }
0x4f: {  	_ =	shalt  }
0x50: {  	_ =	shalt  }
0x51: {  	_ =	shalt  }
0x52: {  	_ =	shalt  }
0x53: {  	_ =	shalt  }
0x54: {  	_ =	shalt  }
0x55: {  	_ =	shalt  }
0x56: {  	_ =	shalt  }
0x57: {  	_ =	shalt  }
0x58: {  	_ =	shalt  }
0x59: {  	_ =	shalt  }
0x5a: {  	_ =	shalt  }
0x5b: {  	_ =	shalt  }
0x5c: {  	_ =	shalt  }
0x5d: {  	_ =	shalt  }
0x5e: {  	_ =	shalt  }
0x5f: {  	_ =	shalt  }
0x60: {  	_ =	shalt  }
0x61: {  	_ =	shalt  }
0x62: {  	_ =	shalt  }
0x63: {  	_ =	shalt  }
0x64: {  	_ =	shalt  }
0x65: {  	_ =	shalt  }
0x66: {  	_ =	shalt  }
0x67: {  	_ =	shalt  }
0x68: {  	_ =	shalt  }
0x69: {  	_ =	shalt  }
0x6a: {  	_ =	shalt  }
0x6b: {  	_ =	shalt  }
0x6c: {  	_ =	shalt  }
0x6d: {  	_ =	shalt  }
0x6e: {  	_ =	shalt  }
0x6f: {  	_ =	shalt  }
0x70: {  	_ =	shalt  }
0x71: {  	_ =	shalt  }
0x72: {  	_ =	shalt  }
0x73: {  	_ =	shalt  }
0x74: {  	_ =	shalt  }
0x75: {  	_ =	shalt  }
0x76: {  	_ =	shalt  }
0x77: {  	_ =	shalt  }
0x78: {  	_ =	shalt  }
0x79: {  	_ =	shalt  }
0x7a: {  	_ =	shalt  }
0x7b: {  	_ =	shalt  }
0x7c: {  	_ =	shalt  }
0x7d: {  	_ =	shalt  }
0x7e: {  	_ =	shalt  }
0x7f: {  	_ =	shalt  }
0x80: {  	_ =	shalt  }
0x81: {  	_ =	shalt  }
0x82: {  	_ =	shalt  }
0x83: {  	_ =	shalt  }
0x84: {  	_ =	shalt  }
0x85: {  	_ =	shalt  }
0x86: {  	_ =	shalt  }
0x87: {  	_ =	shalt  }
.Lfunc_end0:
.L_simem_size_0:
called_computation.3_lowered:
.L_overlay_start_0:
0x88: {  	s2 =	sld [smem:$0x3FD9]  }
0x89: {  	s3 =	sld [smem:$0x3FFE];
	_ =	sdelay $0x1  }
0x8a: {  	s1 =	srdreg.scid  }
0x8b: {  	s0 =	sand.u32 $0x1, s1  }
0x8c: {  	s16 =	sshll.u32 s0, $0xA;
	s2 =	sadd.s32 s3, s2  }
0x8d: {  	s2 =	sadd.s32 s2, s16  }
0x8e: {  	[smem:$0x3FBB] =	sst s2  }
0x8f: {  	_ = 	snop  }
0x90: {  	(tm) =	ssettm $0x1  }
0x91: {  	s17 =	sld [smem:$0x3FFB];
	_ =	sdelay $0x3  }
0x92: {  	_ =	strace s17  }
0x93: {  	s2 =	sld [smem:$0x3FFC];
	_ =	sdelay $0x3  }
0x94: {  	_ =	strace s2  }
0x95: {  	s2 =	sld [smem:$0x3FFD];
	_ =	sdelay $0x3  }
0x96: {  	_ =	strace s2  }
0x97: {  	_ =	strace $0x8FFFFFFF  }
0x98: {  	s18 =	sld [smem:$0x3FDB];
	_ =	sdelay $0x1  }
0x99: {  	s19 =	simm.s32 $_scs_section_size  }
0x9a: {  	s4 =	simm.s32 $_size__tile_overlayer_lowered;
	s5 =	simm.s32 $_tile_overlayer_lowered  }
0x9b: {  	s22 =	simm.s32 $0x1BFF;
	s21 =	sshll.u32 s5, $0x1;
	s2 =	sadd.s32 s19, s18  }
0x9c: {  	s6 =	simm.s32 $0x0;
	s20 =	sshll.u32 s4, $0x1;
	s4 =	sadd.s32 s21, s2  }
0x9d: {  	[timem:s6], [sflag:s22] =	dma.local [hbm:s4], s20  }
0x9e: {  	_ =	swait.ge [sflag:s22], s20  }
0x9f: {  	s3 =	ssub.s32 $0x0, s20;
	[sflag:s22] =	ssyncset.done $0x0  }
0xa0: {  	[sflag:s22] =	ssyncadd.s32 s3;
	_ =	sdelay $0x1  }
0xa1: {  	s23 =	simm.s32 $0x1B8B  }
0xa2: {  	_ =	swait.ge [sflag:s23], $0x1  }
0xa3: {  	[sflag:s23] =	ssyncset.done $0x0  }
0xa4: {  	s25 =	simm.s32 $0x1B8E;
	s24 =	sld [smem:$0x3FFE];
	[sflag:s23] =	ssyncadd.s32 $0xFFFFFFFF  }
0xa5: {  	s26 =	simm.s32 $execute0_lowered;
	[smem:$0x3FD2] =	sst s25  }
0xa6: {  	s4 =	sshll.u32 s26, $0x1;
	_ =	strace $0x8000004F;
	[dreg:$0x1] =	wrdreg $0xFFFFFFFF  }
0xa7: {  	s28 =	simm.s32 $_size_execute0_lowered;
	s2 =	sadd.s32 s2, s4;
	[dreg:$0x0] =	wrdreg $0x0  }
0xa8: {  	s4 =	sshll.u32 s28, $0x1;
	[dreg:$0x2] =	wrdreg s2  }
0xa9: {  	[dreg:$0x3] =	wrdreg s4  }
0xaa: {  	[dreg:$0x4] =	wrdreg $0xC0  }
0xab: {  	_ =	task [dreg:s6], $0x5FFFF  }
0xac: {  	[dreg:$0x1] =	wrdreg $0xFFFFFFFF  }
0xad: {  	[dreg:$0x0] =	wrdreg $0x60  }
0xae: {  	[dreg:$0x2] =	wrdreg s24  }
0xaf: {  	[dreg:$0x3] =	wrdreg $0x88000  }
0xb0: {  	[dreg:$0x4] =	wrdreg $0x9  }
0xb1: {  	_ =	task.clear_ibuf [dreg:s6], $0x5FFFF;
	_ =	strace $0x9000004F  }
0xb2: {  	s29 =	simm.s32 $0x9;
	_ =	strace $0x80000051  }
0xb3: {  	_ =	swait.ge [sflag:s29], $0x1  }
0xb4: {  	[sflag:s29] =	ssyncadd.s32 $0xFFFFFFFF  }
0xb5: {  	_ =	strace $0x90000051  }
0xb6: {  	_ =	sfence  }
0xb7: {  	s30 =	sld [smem:$0x0];
	_ =	sdelay $0x2  }
0xb8: {  	s31 =	sshll.u32 s1, $0xD;
	s1 =	sshrl.u32 s1, $0x2  }
0xb9: {  	s3 =	sand.u32 $0x4000, s31;
	s1 =	sadd.s32 s1, s30  }
0xba: {  	s0 =	sor.u32 s3, s0;
	s1 =	sshll.u32 s1, $0x11  }
0xbb: {  	s0 =	sor.u32 s1, s0  }
0xbc: {  	s0 =	sadd.s32 $0x8F2B, s0  }
0xbd: {  	[sflag:s0] =	ssyncadd.remote.s32 $0x1  }
0xbe: {  	_ =	sfence.sel $0xFFFF  }
0xbf: {  	[dreg:$0x0] =	wrdreg $0xFFFFFFFF;
	(pc) =	sbr.abs _section_cstart, $3  }
0xc0: {  	[dreg:$0x1] =	wrdreg $0xFFFFFFFF  }
0xc1: {  	_ =	task.clear_ibuf [dreg:s6], $0x2FFFF;
	_ =	strace $0x9FFFFFFF  }
0xc2: {  	(tm) =	ssettm $0x7FFFFFFF  }
0xc3: {  	_ =	shalt  }
tec
execute0_lowered:
.L_overlay_start_1:
0x0: {  	(tag) =	ssettag $0x1  }
0x1: {  	s0 =	rddreg [dreg:$0x0]  }
0x2: {  	s1 =	rddreg [dreg:$0x1];
	s5 =	stileid.u32  }
0x3: {  	s3 =	srdreg.scid;
	s4 =	smul.u32 $0x28, s5  }
0x4: {  	s2 =	simm.s32 $0x0;
	s6 =	sand.u32 $0x1, s3;
	s3 =	smul.u32 $0x78, s5  }
0x5: {  	s16 =	simm.s32 $0x800;
	s28 =	simm.s32 $0x200;
	s7 =	smul.u32 $0x2800, s5  }
0x6: {  	s29 =	simm.s32 $0x280;
	s30 =	simm.s32 $0x600;
	s9 =	smul.u32 $0x50000, s5  }
0x7: {  	s31 =	simm.s32 $0x680;
	[smem:$0x7FF] =	sst s2;
	s11 =	smul.u32 $0x4E000, s5  }
0x8: {  	s17 =	smul.u32 $0x2700, s5;
	s14 =	sshll.u32 s5, $0x6;
	p0 =	seq.s32 s6, $0x0  }
0x9: {  	_ =	strace $0x80000050;
	s10 =	ssub.s32 $0x2, s6;
	s13 =	smul.u32 $0x27100, s6  }
0xa: {  	s15 =	smul.u32 $0x138800, s6;
	s6 =	sor.u32 $0x1C03, s14;
	s14 =	simm.s32 $0x400  }
0xb: {  	s4 =	sadd.s32 $0x780, s4;
	s7 =	sadd.s32 s7, s0;
	s12 =	sshrl.u32 s10, $0x1  }
0xc: {  	s9 =	sshrl.u32 s9, $0x2;
	s19 =	sshrl.u32 s11, $0x2;
	s4 =	smov.u32 @p0 s3  }
0xd: {  	s3 =	sadd.s32 $0x18800, s0;
	s10 =	ssub.s32 s10, s12;
	s9 =	sadd.s32 s9, s1  }
0xe: {  	s18 =	sadd.s32 $0x3FA00, s7;
	s20 =	sadd.s32 s17, s13;
	s21 =	sshrl.u32 s15, $0x3  }
0xf: {  	s7 =	sadd.s32 s19, s1;
	s13 =	simm.s32 $0x3;
	s15 =	simm.s32 $0x80  }
0x10: {  	s17 =	simm.s32 $0x4800;
	s19 =	simm.s32 $0x2;
	s4 =	sshll.u32 s4, $0x4  }
0x11: {  	[dreg:$0x3] =	wrdreg s18;
	s22 =	smax.u32 s10, $0x1;
	s23 =	sshrl.u32 s9, $0x3  }
0x12: {  	s18 =	simm.s32 $0x1;
	s26 =	sshrl.u32 s7, $0x3;
	s7 =	simm.s32 $0x700  }
0x13: {  	s9 =	simm.s32 $0x0;
	s8 =	sadd.s32 s4, s0;
	[dreg:$0x6] =	wrdreg s22  }
0x14: {  	s0 =	sadd.s32 $0x67A00, s0;
	s4 =	simm.s32 $0xF;
	[dreg:$0x7] =	wrdreg s23  }
0x15: {  	s22 =	simm.s32 $0x180;
	s23 =	simm.s32 $0x500;
	[dreg:$0x8] =	wrdreg s26  }
0x16: {  	s26 =	simm.s32 $0x580;
	s4 =	simm.s32 @!p0 $0x5;
	s11 =	sadd.s32 s0, s20  }
0x17: {  	s0 =	sadd.s32 s0, s21;
	s24 =	sadd.s32 $0x4800, s8;
	s25 =	sadd.s32 $0xE800, s8  }
0x18: {  	s20 =	simm.s32 $0x480;
	s21 =	simm.s32 $0x100;
	p0 =	sne.s32 s5, $0x0  }
0x19: {  	[dreg:$0x4] =	wrdreg s11;
	s11 =	sadd.s32 $0x138000, s1;
	s0 =	sadd.s32 $0x27000, s0  }
0x1a: {  	s5 =	simm.s32 $0x380;
	[dreg:$0x5] =	wrdreg s0;
	s0 =	sshrl.u32 @!p0 s11, $0x3  }
0x1b: {  	s8 =	simm.s32 $0x780;
	[dreg:$0x9] =	wrdreg s0;
	s0 =	simm.s32 $0x300  }
.LBB2_1:
0x1c: {  	s10 =	rddreg [dreg:$0x3]  }
0x1d: {  	s11 =	rddreg [dreg:$0x7]  }
0x1e: {  	[spmem:s11], [sflag:s6] =	dma.local [hbm:s10], $0x2800  }
0x1f: {  	_ =	swait.ge [sflag:s13], $0x2800  }
0x20: {  	[sflag:s13] =	ssyncset.done $0x0  }
0x21: {  	[sflag:s13] =	ssyncadd.s32 $0xFFFFD800  }
0x22: {  	[bflag:$0x0] =	sbarrier.arrive $0xFFFF  }
0x23: {  	[tilespmem:s2], [sflag:$0x3] =	stream.linear.gather [hbm4b:s25+s2], $0x400, $0x38;
	[tilespmem:$0x1C800] =	vst v63  }
0x24: {  	_ =	swait.ge [sflag:s13], $0x400  }
0x25: {  	[sflag:s13] =	ssyncset.done $0x0  }
0x26: {  	[sflag:s13] =	ssyncadd.s32 $0xFFFFFC00  }
0x27: {  	[tilespmem:s14], [sflag:$0x3] =	stream.linear.gather [hbm4b:s24+s2], $0x400, $0x38;
	[tilespmem:$0x1C800] =	vst v63  }
0x28: {  	_ =	swait.ge [sflag:s13], $0x400  }
0x29: {  	[sflag:s13] =	ssyncset.done $0x0  }
0x2a: {  	[sflag:s13] =	ssyncadd.s32 $0xFFFFFC00  }
0x2b: {  	[tilespmem:s16], [sflag:$0x1] =	stream.indirect.gather [hbm4b:s3+s15], $0x80, s2, s15, $0xb8;
	[tilespmem:$0x1C800] =	vst v63  }
0x2c: {  	_ = 	snop  }
0x2d: {  	[tilespmem:s17], [sflag:$0x2] =	stream.indirect.gather [hbm4b:s3+s15], $0x80, s15, s15, $0xb8;
	[tilespmem:$0x1C800] =	vst v63  }
0x2e: {  	_ =	swait.ge [sflag:s18], $0x4000  }
0x2f: {  	[sflag:s18] =	ssyncset.done $0x0  }
0x30: {  	[sflag:s18] =	ssyncadd.s32 $0xFFFFC000  }
0x31: {  	[spmem:s1] =	stream.indirect.scatter.add.f32 [tilespmem:s16], [sflag:$0x3], $0x80, s14, s15, $0xb8;
	[tilespmem:$0x1C800] =	vst v63  }
0x32: {  	_ =	swait.ge [sflag:s13], $0x4000  }
0x33: {  	[sflag:s13] =	ssyncset.done $0x0  }
0x34: {  	[sflag:s13] =	ssyncadd.s32 $0xFFFFC000  }
0x35: {  	_ =	swait.ge [sflag:s19], $0x4000  }
0x36: {  	[sflag:s19] =	ssyncset.done $0x0  }
0x37: {  	[sflag:s19] =	ssyncadd.s32 $0xFFFFC000  }
0x38: {  	[spmem:s1] =	stream.indirect.scatter.add.f32 [tilespmem:s17], [sflag:$0x3], $0x80, s20, s15, $0xb8;
	[tilespmem:$0x1C800] =	vst v63  }
0x39: {  	_ =	swait.ge [sflag:s13], $0x4000  }
0x3a: {  	[sflag:s13] =	ssyncset.done $0x0  }
0x3b: {  	[sflag:s13] =	ssyncadd.s32 $0xFFFFC000  }
0x3c: {  	[tilespmem:s16], [sflag:$0x1] =	stream.indirect.gather [hbm4b:s3+s15], $0x80, s21, s15, $0xb8;
	[tilespmem:$0x1C800] =	vst v63  }
0x3d: {  	_ = 	snop  }
0x3e: {  	[tilespmem:s17], [sflag:$0x2] =	stream.indirect.gather [hbm4b:s3+s15], $0x80, s22, s15, $0xb8;
	[tilespmem:$0x1C800] =	vst v63  }
0x3f: {  	_ =	swait.ge [sflag:s18], $0x4000  }
0x40: {  	[sflag:s18] =	ssyncset.done $0x0  }
0x41: {  	[sflag:s18] =	ssyncadd.s32 $0xFFFFC000  }
0x42: {  	[spmem:s1] =	stream.indirect.scatter.add.f32 [tilespmem:s16], [sflag:$0x3], $0x80, s23, s15, $0xb8;
	[tilespmem:$0x1C800] =	vst v63  }
0x43: {  	_ =	swait.ge [sflag:s13], $0x4000  }
0x44: {  	[sflag:s13] =	ssyncset.done $0x0  }
0x45: {  	[sflag:s13] =	ssyncadd.s32 $0xFFFFC000  }
0x46: {  	_ =	swait.ge [sflag:s19], $0x4000  }
0x47: {  	[sflag:s19] =	ssyncset.done $0x0  }
0x48: {  	[sflag:s19] =	ssyncadd.s32 $0xFFFFC000  }
0x49: {  	[spmem:s1] =	stream.indirect.scatter.add.f32 [tilespmem:s17], [sflag:$0x3], $0x80, s26, s15, $0xb8;
	[tilespmem:$0x1C800] =	vst v63  }
0x4a: {  	_ =	swait.ge [sflag:s13], $0x4000  }
0x4b: {  	[sflag:s13] =	ssyncset.done $0x0  }
0x4c: {  	[sflag:s13] =	ssyncadd.s32 $0xFFFFC000  }
0x4d: {  	[tilespmem:s16], [sflag:$0x1] =	stream.indirect.gather [hbm4b:s3+s15], $0x80, s28, s15, $0xb8;
	[tilespmem:$0x1C800] =	vst v63  }
0x4e: {  	_ = 	snop  }
0x4f: {  	[tilespmem:s17], [sflag:$0x2] =	stream.indirect.gather [hbm4b:s3+s15], $0x80, s29, s15, $0xb8;
	[tilespmem:$0x1C800] =	vst v63  }
0x50: {  	_ =	swait.ge [sflag:s18], $0x4000  }
0x51: {  	[sflag:s18] =	ssyncset.done $0x0  }
0x52: {  	[sflag:s18] =	ssyncadd.s32 $0xFFFFC000  }
0x53: {  	[spmem:s1] =	stream.indirect.scatter.add.f32 [tilespmem:s16], [sflag:$0x3], $0x80, s30, s15, $0xb8;
	[tilespmem:$0x1C800] =	vst v63  }
0x54: {  	_ =	swait.ge [sflag:s13], $0x4000  }
0x55: {  	[sflag:s13] =	ssyncset.done $0x0  }
0x56: {  	[sflag:s13] =	ssyncadd.s32 $0xFFFFC000  }
0x57: {  	_ =	swait.ge [sflag:s19], $0x4000  }
0x58: {  	[sflag:s19] =	ssyncset.done $0x0  }
0x59: {  	[sflag:s19] =	ssyncadd.s32 $0xFFFFC000  }
0x5a: {  	[spmem:s1] =	stream.indirect.scatter.add.f32 [tilespmem:s17], [sflag:$0x3], $0x80, s31, s15, $0xb8;
	[tilespmem:$0x1C800] =	vst v63  }
0x5b: {  	_ =	swait.ge [sflag:s13], $0x4000  }
0x5c: {  	[sflag:s13] =	ssyncset.done $0x0  }
0x5d: {  	[sflag:s13] =	ssyncadd.s32 $0xFFFFC000  }
0x5e: {  	[tilespmem:s16], [sflag:$0x1] =	stream.indirect.gather [hbm4b:s3+s15], $0x80, s0, s15, $0xb8;
	[tilespmem:$0x1C800] =	vst v63  }
0x5f: {  	_ = 	snop  }
0x60: {  	[tilespmem:s17], [sflag:$0x2] =	stream.indirect.gather [hbm4b:s3+s15], $0x80, s5, s15, $0xb8;
	[tilespmem:$0x1C800] =	vst v63  }
0x61: {  	_ =	swait.ge [sflag:s18], $0x4000  }
0x62: {  	[sflag:s18] =	ssyncset.done $0x0  }
0x63: {  	[sflag:s18] =	ssyncadd.s32 $0xFFFFC000  }
0x64: {  	[spmem:s1] =	stream.indirect.scatter.add.f32 [tilespmem:s16], [sflag:$0x3], $0x80, s7, s15, $0xb8;
	[tilespmem:$0x1C800] =	vst v63  }
0x65: {  	_ =	swait.ge [sflag:s13], $0x4000  }
0x66: {  	[sflag:s13] =	ssyncset.done $0x0  }
0x67: {  	[sflag:s13] =	ssyncadd.s32 $0xFFFFC000  }
0x68: {  	p1 =	sne.s32 s4, $0x1;
	_ =	swait.ge [sflag:s19], $0x4000  }
.Ltmp0:
0x69: {  	[sflag:s19] =	ssyncset.done $0x0;
	(pc) =	sbr.rel @!p1 .LBB2_3-.Ltmp0, $4  }
0x6a: {  	[sflag:s19] =	ssyncadd.s32 $0xFFFFC000  }
0x6b: {  	[spmem:s1] =	stream.indirect.scatter.add.f32 [tilespmem:s17], [sflag:$0x3], $0x80, s8, s15, $0xb8;
	[tilespmem:$0x1C800] =	vst v63  }
0x6c: {  	s12 =	sadd.s32 $0xFFFFFFFF, s4;
	_ =	swait.ge [sflag:s13], $0x4000  }
0x6d: {  	s10 =	smov.u32 s24;
	s11 =	smov.u32 s25;
	[sflag:s13] =	ssyncset.done $0x0  }
.LBB2_2:
0x6e: {  	[sflag:s13] =	ssyncadd.s32 $0xFFFFC000;
	s10 =	sadd.s32 $0x80, s10;
	s11 =	sadd.s32 $0x80, s11  }
0x6f: {  	[tilespmem:s2], [sflag:$0x3] =	stream.linear.gather [hbm4b:s11+s2], $0x400, $0x38;
	[tilespmem:$0x1C800] =	vst v63  }
0x70: {  	p1 =	sne.s32 s12, $0x1;
	s12 =	sadd.s32 $0xFFFFFFFF, s12;
	_ =	swait.ge [sflag:s13], $0x400  }
0x71: {  	[sflag:s13] =	ssyncset.done $0x0  }
0x72: {  	[sflag:s13] =	ssyncadd.s32 $0xFFFFFC00  }
0x73: {  	[tilespmem:s14], [sflag:$0x3] =	stream.linear.gather [hbm4b:s10+s2], $0x400, $0x38;
	[tilespmem:$0x1C800] =	vst v63  }
0x74: {  	_ =	swait.ge [sflag:s13], $0x400  }
0x75: {  	[sflag:s13] =	ssyncset.done $0x0  }
0x76: {  	[sflag:s13] =	ssyncadd.s32 $0xFFFFFC00  }
0x77: {  	[tilespmem:s16], [sflag:$0x1] =	stream.indirect.gather [hbm4b:s3+s15], $0x80, s2, s15, $0xb8;
	[tilespmem:$0x1C800] =	vst v63  }
0x78: {  	_ = 	snop  }
0x79: {  	[tilespmem:s17], [sflag:$0x2] =	stream.indirect.gather [hbm4b:s3+s15], $0x80, s15, s15, $0xb8;
	[tilespmem:$0x1C800] =	vst v63  }
0x7a: {  	_ =	swait.ge [sflag:s18], $0x4000  }
0x7b: {  	[sflag:s18] =	ssyncset.done $0x0  }
0x7c: {  	[sflag:s18] =	ssyncadd.s32 $0xFFFFC000  }
0x7d: {  	[spmem:s1] =	stream.indirect.scatter.add.f32 [tilespmem:s16], [sflag:$0x3], $0x80, s14, s15, $0xb8;
	[tilespmem:$0x1C800] =	vst v63  }
0x7e: {  	_ =	swait.ge [sflag:s13], $0x4000  }
0x7f: {  	[sflag:s13] =	ssyncset.done $0x0  }
0x80: {  	[sflag:s13] =	ssyncadd.s32 $0xFFFFC000  }
0x81: {  	_ =	swait.ge [sflag:s19], $0x4000  }
0x82: {  	[sflag:s19] =	ssyncset.done $0x0  }
0x83: {  	[sflag:s19] =	ssyncadd.s32 $0xFFFFC000  }
0x84: {  	[spmem:s1] =	stream.indirect.scatter.add.f32 [tilespmem:s17], [sflag:$0x3], $0x80, s20, s15, $0xb8;
	[tilespmem:$0x1C800] =	vst v63  }
0x85: {  	_ =	swait.ge [sflag:s13], $0x4000  }
0x86: {  	[sflag:s13] =	ssyncset.done $0x0  }
0x87: {  	[sflag:s13] =	ssyncadd.s32 $0xFFFFC000  }
0x88: {  	[tilespmem:s16], [sflag:$0x1] =	stream.indirect.gather [hbm4b:s3+s15], $0x80, s21, s15, $0xb8;
	[tilespmem:$0x1C800] =	vst v63  }
0x89: {  	_ = 	snop  }
0x8a: {  	[tilespmem:s17], [sflag:$0x2] =	stream.indirect.gather [hbm4b:s3+s15], $0x80, s22, s15, $0xb8;
	[tilespmem:$0x1C800] =	vst v63  }
0x8b: {  	_ =	swait.ge [sflag:s18], $0x4000  }
0x8c: {  	[sflag:s18] =	ssyncset.done $0x0  }
0x8d: {  	[sflag:s18] =	ssyncadd.s32 $0xFFFFC000  }
0x8e: {  	[spmem:s1] =	stream.indirect.scatter.add.f32 [tilespmem:s16], [sflag:$0x3], $0x80, s23, s15, $0xb8;
	[tilespmem:$0x1C800] =	vst v63  }
0x8f: {  	_ =	swait.ge [sflag:s13], $0x4000  }
0x90: {  	[sflag:s13] =	ssyncset.done $0x0  }
0x91: {  	[sflag:s13] =	ssyncadd.s32 $0xFFFFC000  }
0x92: {  	_ =	swait.ge [sflag:s19], $0x4000  }
0x93: {  	[sflag:s19] =	ssyncset.done $0x0  }
0x94: {  	[sflag:s19] =	ssyncadd.s32 $0xFFFFC000  }
0x95: {  	[spmem:s1] =	stream.indirect.scatter.add.f32 [tilespmem:s17], [sflag:$0x3], $0x80, s26, s15, $0xb8;
	[tilespmem:$0x1C800] =	vst v63  }
0x96: {  	_ =	swait.ge [sflag:s13], $0x4000  }
0x97: {  	[sflag:s13] =	ssyncset.done $0x0  }
0x98: {  	[sflag:s13] =	ssyncadd.s32 $0xFFFFC000  }
0x99: {  	[tilespmem:s16], [sflag:$0x1] =	stream.indirect.gather [hbm4b:s3+s15], $0x80, s28, s15, $0xb8;
	[tilespmem:$0x1C800] =	vst v63  }
0x9a: {  	_ = 	snop  }
0x9b: {  	[tilespmem:s17], [sflag:$0x2] =	stream.indirect.gather [hbm4b:s3+s15], $0x80, s29, s15, $0xb8;
	[tilespmem:$0x1C800] =	vst v63  }
0x9c: {  	_ =	swait.ge [sflag:s18], $0x4000  }
0x9d: {  	[sflag:s18] =	ssyncset.done $0x0  }
0x9e: {  	[sflag:s18] =	ssyncadd.s32 $0xFFFFC000  }
0x9f: {  	[spmem:s1] =	stream.indirect.scatter.add.f32 [tilespmem:s16], [sflag:$0x3], $0x80, s30, s15, $0xb8;
	[tilespmem:$0x1C800] =	vst v63  }
0xa0: {  	_ =	swait.ge [sflag:s13], $0x4000  }
0xa1: {  	[sflag:s13] =	ssyncset.done $0x0  }
0xa2: {  	[sflag:s13] =	ssyncadd.s32 $0xFFFFC000  }
0xa3: {  	_ =	swait.ge [sflag:s19], $0x4000  }
0xa4: {  	[sflag:s19] =	ssyncset.done $0x0  }
0xa5: {  	[sflag:s19] =	ssyncadd.s32 $0xFFFFC000  }
0xa6: {  	[spmem:s1] =	stream.indirect.scatter.add.f32 [tilespmem:s17], [sflag:$0x3], $0x80, s31, s15, $0xb8;
	[tilespmem:$0x1C800] =	vst v63  }
0xa7: {  	_ =	swait.ge [sflag:s13], $0x4000  }
0xa8: {  	[sflag:s13] =	ssyncset.done $0x0  }
0xa9: {  	[sflag:s13] =	ssyncadd.s32 $0xFFFFC000  }
0xaa: {  	[tilespmem:s16], [sflag:$0x1] =	stream.indirect.gather [hbm4b:s3+s15], $0x80, s0, s15, $0xb8;
	[tilespmem:$0x1C800] =	vst v63  }
0xab: {  	_ = 	snop  }
0xac: {  	[tilespmem:s17], [sflag:$0x2] =	stream.indirect.gather [hbm4b:s3+s15], $0x80, s5, s15, $0xb8;
	[tilespmem:$0x1C800] =	vst v63  }
0xad: {  	_ =	swait.ge [sflag:s18], $0x4000  }
0xae: {  	[sflag:s18] =	ssyncset.done $0x0  }
0xaf: {  	[sflag:s18] =	ssyncadd.s32 $0xFFFFC000  }
0xb0: {  	[spmem:s1] =	stream.indirect.scatter.add.f32 [tilespmem:s16], [sflag:$0x3], $0x80, s7, s15, $0xb8;
	[tilespmem:$0x1C800] =	vst v63  }
0xb1: {  	_ =	swait.ge [sflag:s13], $0x4000  }
0xb2: {  	[sflag:s13] =	ssyncset.done $0x0  }
0xb3: {  	[sflag:s13] =	ssyncadd.s32 $0xFFFFC000  }
0xb4: {  	_ =	swait.ge [sflag:s19], $0x4000  }
.Ltmp1:
0xb5: {  	[sflag:s19] =	ssyncset.done $0x0;
	(pc) =	sbr.rel @p1 .LBB2_2-.Ltmp1, $4  }
0xb6: {  	[sflag:s19] =	ssyncadd.s32 $0xFFFFC000  }
0xb7: {  	[spmem:s1] =	stream.indirect.scatter.add.f32 [tilespmem:s17], [sflag:$0x3], $0x80, s8, s15, $0xb8;
	[tilespmem:$0x1C800] =	vst v63  }
0xb8: {  	_ =	swait.ge [sflag:s13], $0x4000  }
0xb9: {  	[sflag:s13] =	ssyncset.done $0x0  }
.LBB2_3:
0xba: {  	[sflag:s13] =	ssyncadd.s32 $0xFFFFC000  }
0xbb: {  	[bflag:$0x0] =	sbarrier.arrive $0xFFFF  }
0xbc: {  	s10 =	rddreg [dreg:$0x4]  }
0xbd: {  	s11 =	rddreg [dreg:$0x8]  }
0xbe: {  	[hbm:s10], [sflag:s6] =	dma.local [spmem:s11], $0x2700  }
0xbf: {  	_ =	swait.ge [sflag:s13], $0x2700  }
0xc0: {  	[sflag:s13] =	ssyncset.done $0x0;
	s10 =	rddreg [dreg:$0x5]  }
0xc1: {  	s11 =	rddreg [dreg:$0x9];
	[sflag:s13] =	ssyncadd.s32 $0xFFFFD900  }
0xc2: {  	[hbm:s10], [sflag:s6] =	dma.local @!p0 [spmem:s11], $0x100  }
0xc3: {  	s10 =	simm.s32 @!p0 $0x3  }
0xc4: {  	_ =	swait.ge @!p0 [sflag:s10], $0x100  }
0xc5: {  	s9 =	sadd.s32 $0x1, s9;
	s12 =	rddreg [dreg:$0x6]  }
0xc6: {  	p1 =	sne.s32 s9, s12  }
.Ltmp2:
0xc7: {  	_ = 	snop;
	(pc) =	sbr.rel @p1 .LBB2_1-.Ltmp2, $3  }
0xc8: {  	_ =	sdelay $0x1  }
0xc9: {  	[sflag:s10] =	ssyncset.done @!p0 $0x0  }
0xca: {  	[sflag:s10] =	ssyncadd.s32 @!p0 $0xFFFFFF00  }
0xcb: {  	_ =	sfence.sel $0x180000  }
0xcc: {  	[bflag:$0x0] =	sbarrier.arrive $0xFFFF  }
0xcd: {  	_ =	strace $0x90000050  }
0xce: {  	[bflag:$0x2] =	sbarrier.arrive $0xFFFF  }
0xcf: {  	s0 =	rddreg [dreg:$0x2]  }
0xd0: {  	s0 =	sadd.s32 @!p0 $0x100000, s0  }
0xd1: {  	[sflag:s0] =	ssyncadd.tile.s32 @!p0 $0x1;
	_ =	shalt  }
.Lfunc_end2:
_tile_overlayer_lowered:
.L_overlay_start_2:
0xd2: {  	(tag) =	ssettag $0x2  }
0xd3: {  	s0 =	rddreg [dreg:$0x0];
	s2 =	stileid.u32  }
0xd4: {  	s1 =	rddreg [dreg:$0x1];
	p0 =	sne.s32 s2, $0x0  }
0xd5: {  	s3 =	rddreg [dreg:$0x2];
	[bflag:$0x3] =	sbarrier.arrive $0xFFFF;
	s2 =	simm.s32 @!p0 $0x1C03  }
0xd6: {  	[timem:s3], [sflag:s2] =	dma.local @!p0 [hbm:s0], s1  }
0xd7: {  	s0 =	simm.s32 @!p0 $0x3  }
0xd8: {  	_ =	swait.ge @!p0 [sflag:s0], s1  }
0xd9: {  	s1 =	ssub.s32 @!p0 $0x0, s1;
	[sflag:s0] =	ssyncset.done @!p0 $0x0  }
0xda: {  	[sflag:s0] =	ssyncadd.s32 @!p0 s1  }
0xdb: {  	[bflag:$0x3] =	sbarrier.arrive $0xFFFF  }
0xdc: {  	_ =	shalt  }

// kernel: kernel.25.cloned.1.call-start
scs
__scs_entry_jumppad:
0x0: {  	(pc) =	sbr.rel $0x88, $3  }
0x1: {  	(tag) =	ssettag $0x0;
	lr =	simm.s32 $0x1  }
0x2: {  	[smem:$0x3F94] =	sst lr;
	_ =	strace $0xD0000000  }
0x3: {  	_ = 	snop  }
0x4: {  	_ = 	snop  }
0x5: {  	_ = 	snop  }
0x6: {  	_ = 	snop  }
0x7: {  	_ = 	snop  }
__scs_overlays_trampoline_lowered:
0x8: {  	[smem:$0x3FA3] =	sst s0  }
0x9: {  	[smem:$0x3FA4] =	sst s1  }
0xa: {  	[smem:$0x3FA5] =	sst s2  }
0xb: {  	[smem:$0x3FA6] =	sst s3  }
0xc: {  	[smem:$0x3FA7] =	sst s4  }
0xd: {  	[smem:$0x3FA8] =	sst s5  }
0xe: {  	[smem:$0x3FA9] =	sst s6  }
0xf: {  	[smem:$0x3FAA] =	sst s7  }
0x10: {  	[smem:$0x3FAB] =	sst s8  }
0x11: {  	[smem:$0x3FAC] =	sst s9;
	s0 =	simm.s32 @!p0 $0x0  }
0x12: {  	s1 =	sld [smem:$0x3F92];
	s0 =	simm.s32 @p0 $0x1  }
0x13: {  	[smem:$0x3FAD] =	sst s0;
	s0 =	simm.s32 @!p1 $0x0  }
0x14: {  	s2 =	sld [smem:$0x3F91];
	s0 =	simm.s32 @p1 $0x1  }
0x15: {  	[smem:$0x3FAE] =	sst s0;
	s0 =	simm.s32 @!p2 $0x0  }
0x16: {  	s3 =	sld [smem:$0x3FDB];
	s0 =	simm.s32 @p2 $0x1  }
0x17: {  	s4 =	simm.s32 $0x1BF5;
	[smem:$0x3FB0] =	sst s0  }
0x18: {  	s0 =	sld [smem:$0x3F93];
	_ =	swait.ge [sflag:s4], $0x0  }
0x19: {  	s7 =	sld [smem:$0x3F94]  }
0x1a: {  	s8 =	sadd.s32 $0xFFFFE003, lr  }
0x1b: {  	s9 =	sadd.s32 $0xFFFFFEF7, lr;
	s5 =	simm.s32 $0xFFFFFFFF;
	p2 =	slt.u32 s8, $0xFFFFF086  }
0x1c: {  	p1 =	slt.u32 s9, $0xF7A;
	s5 =	simm.s32 @!p2 $0x0  }
0x1d: {  	s5 =	simm.s32 @p1 $0x1;
	p0 =	seq.s32 s7, s2  }
0x1e: {  	s7 =	smul.u32 @!p0 $0xF7A, s2;
	p2 =	seq.s32 @!p0 s5, $0x0  }
0x1f: {  	s9 =	smul.u32 $0xF7A, s1;
	s8 =	simm.s32 @!p0 $0x1BF5;
	p2 =	por !p2, p0  }
0x20: {  	[sflag:s8] =	ssyncset.s32 @!p0 $0xFFFFF086;
	s6 =	sadd.s32 @!p0 s3, s7;
	s7 =	simm.s32 @!p0 $0x108  }
0x21: {  	s3 =	sadd.s32 s3, s9;
	s6 =	sadd.s32 @!p0 $0x88, s6;
	s7 =	simm.s32 @p2 $0x1082  }
0x22: {  	[simem:s7], [sflag:s8] =	dma.local @!p0 [hbm:s6], $0xF7A  }
0x23: {  	s9 =	sor.u32 $0xD0000000, s2;
	s6 =	simm.s32 $0x108;
	_ =	swait.ge @!p0 [sflag:s8], $0x0  }
0x24: {  	s3 =	sadd.s32 $0x88, s3;
	s6 =	simm.s32 @!p1 $0x1082;
	[sflag:s4] =	ssyncset.s32 $0xFFFFF086  }
0x25: {  	[simem:s6], [sflag:s4] =	dma.local [hbm:s3], $0xF7A  }
0x26: {  	[smem:$0x3F94] =	sst s1;
	(tag) =	ssettag s2;
	_ =	strace s9  }
0x27: {  	s1 =	sld [smem:$0x3FA4]  }
0x28: {  	s2 =	sld [smem:$0x3FA5]  }
0x29: {  	s4 =	sld [smem:$0x3FA7]  }
0x2a: {  	p0 =	seq.s32 s5, $0x0;
	s5 =	sld [smem:$0x3FA8]  }
0x2b: {  	s6 =	sld [smem:$0x3FA9]  }
0x2c: {  	s7 =	sld [smem:$0x3FAA]  }
0x2d: {  	s3 =	simm.s32 $0x108;
	s8 =	sld [smem:$0x3FAB]  }
0x2e: {  	s3 =	simm.s32 @!p0 $0x1082;
	s9 =	sld [smem:$0x3FAC]  }
0x2f: {  	lr =	sadd.s32 s0, s3;
	s0 =	sld [smem:$0x3FA3]  }
0x30: {  	s3 =	sld [smem:$0x3FA6]  }
0x31: {  	[smem:$0x3FAF] =	sst s10  }
0x32: {  	s10 =	sld [smem:$0x3FAD];
	_ =	sdelay $0x3  }
0x33: {  	p0 =	seq.s32 s10, $0x1;
	s10 =	sld [smem:$0x3FAF];
	_ =	sdelay $0x3  }
0x34: {  	[smem:$0x3FAF] =	sst s10  }
0x35: {  	s10 =	sld [smem:$0x3FAE];
	_ =	sdelay $0x3  }
0x36: {  	p1 =	seq.s32 s10, $0x1;
	s10 =	sld [smem:$0x3FAF];
	_ =	sdelay $0x3  }
0x37: {  	[smem:$0x3FAF] =	sst s10  }
0x38: {  	s10 =	sld [smem:$0x3FB0]  }
0x39: {  	_ = 	snop;
	(pc) =	sbr.ind lr, $3  }
0x3a: {  	_ = 	snop  }
0x3b: {  	_ = 	snop  }
0x3c: {  	p2 =	seq.s32 s10, $0x1;
	s10 =	sld [smem:$0x3FAF]  }
0x3d: {  	_ =	shalt  }
0x3e: {  	_ =	shalt  }
0x3f: {  	_ =	shalt  }
0x40: {  	_ =	shalt  }
0x41: {  	_ =	shalt  }
0x42: {  	_ =	shalt  }
0x43: {  	_ =	shalt  }
0x44: {  	_ =	shalt  }
0x45: {  	_ =	shalt  }
0x46: {  	_ =	shalt  }
0x47: {  	_ =	shalt  }
0x48: {  	_ =	shalt  }
0x49: {  	_ =	shalt  }
0x4a: {  	_ =	shalt  }
0x4b: {  	_ =	shalt  }
0x4c: {  	_ =	shalt  }
0x4d: {  	_ =	shalt  }
0x4e: {  	_ =	shalt  }
0x4f: {  	_ =	shalt  }
0x50: {  	_ =	shalt  }
0x51: {  	_ =	shalt  }
0x52: {  	_ =	shalt  }
0x53: {  	_ =	shalt  }
0x54: {  	_ =	shalt  }
0x55: {  	_ =	shalt  }
0x56: {  	_ =	shalt  }
0x57: {  	_ =	shalt  }
0x58: {  	_ =	shalt  }
0x59: {  	_ =	shalt  }
0x5a: {  	_ =	shalt  }
0x5b: {  	_ =	shalt  }
0x5c: {  	_ =	shalt  }
0x5d: {  	_ =	shalt  }
0x5e: {  	_ =	shalt  }
0x5f: {  	_ =	shalt  }
0x60: {  	_ =	shalt  }
0x61: {  	_ =	shalt  }
0x62: {  	_ =	shalt  }
0x63: {  	_ =	shalt  }
0x64: {  	_ =	shalt  }
0x65: {  	_ =	shalt  }
0x66: {  	_ =	shalt  }
0x67: {  	_ =	shalt  }
0x68: {  	_ =	shalt  }
0x69: {  	_ =	shalt  }
0x6a: {  	_ =	shalt  }
0x6b: {  	_ =	shalt  }
0x6c: {  	_ =	shalt  }
0x6d: {  	_ =	shalt  }
0x6e: {  	_ =	shalt  }
0x6f: {  	_ =	shalt  }
0x70: {  	_ =	shalt  }
0x71: {  	_ =	shalt  }
0x72: {  	_ =	shalt  }
0x73: {  	_ =	shalt  }
0x74: {  	_ =	shalt  }
0x75: {  	_ =	shalt  }
0x76: {  	_ =	shalt  }
0x77: {  	_ =	shalt  }
0x78: {  	_ =	shalt  }
0x79: {  	_ =	shalt  }
0x7a: {  	_ =	shalt  }
0x7b: {  	_ =	shalt  }
0x7c: {  	_ =	shalt  }
0x7d: {  	_ =	shalt  }
0x7e: {  	_ =	shalt  }
0x7f: {  	_ =	shalt  }
0x80: {  	_ =	shalt  }
0x81: {  	_ =	shalt  }
0x82: {  	_ =	shalt  }
0x83: {  	_ =	shalt  }
0x84: {  	_ =	shalt  }
0x85: {  	_ =	shalt  }
0x86: {  	_ =	shalt  }
0x87: {  	_ =	shalt  }
.Lfunc_end0:
.L_simem_size_0:
called_computation.4_lowered:
.L_overlay_start_0:
0x88: {  	s2 =	sld [smem:$0x3FD9]  }
0x89: {  	s3 =	sld [smem:$0x3FFE];
	_ =	sdelay $0x1  }
0x8a: {  	s1 =	srdreg.scid  }
0x8b: {  	s0 =	sand.u32 $0x1, s1  }
0x8c: {  	s16 =	sshll.u32 s0, $0xA;
	s2 =	sadd.s32 s3, s2  }
0x8d: {  	s2 =	sadd.s32 s2, s16  }
0x8e: {  	[smem:$0x3FBB] =	sst s2  }
0x8f: {  	_ = 	snop  }
0x90: {  	(tm) =	ssettm $0x1  }
0x91: {  	s17 =	sld [smem:$0x3FFB];
	_ =	sdelay $0x3  }
0x92: {  	_ =	strace s17  }
0x93: {  	s2 =	sld [smem:$0x3FFC];
	_ =	sdelay $0x3  }
0x94: {  	_ =	strace s2  }
0x95: {  	s2 =	sld [smem:$0x3FFD];
	_ =	sdelay $0x3  }
0x96: {  	_ =	strace s2  }
0x97: {  	_ =	strace $0x8FFFFFFF  }
0x98: {  	s18 =	sld [smem:$0x3FDB];
	_ =	sdelay $0x1  }
0x99: {  	s19 =	simm.s32 $_scs_section_size  }
0x9a: {  	s4 =	simm.s32 $_size__tile_overlayer_lowered;
	s5 =	simm.s32 $_tile_overlayer_lowered  }
0x9b: {  	s22 =	simm.s32 $0x1BFF;
	s21 =	sshll.u32 s5, $0x1;
	s2 =	sadd.s32 s19, s18  }
0x9c: {  	s6 =	simm.s32 $0x0;
	s20 =	sshll.u32 s4, $0x1;
	s4 =	sadd.s32 s21, s2  }
0x9d: {  	[timem:s6], [sflag:s22] =	dma.local [hbm:s4], s20  }
0x9e: {  	_ =	swait.ge [sflag:s22], s20  }
0x9f: {  	s3 =	ssub.s32 $0x0, s20;
	[sflag:s22] =	ssyncset.done $0x0  }
0xa0: {  	[sflag:s22] =	ssyncadd.s32 s3;
	_ =	sdelay $0x1  }
0xa1: {  	s23 =	simm.s32 $0x1B8B  }
0xa2: {  	_ =	swait.ge [sflag:s23], $0x1  }
0xa3: {  	[sflag:s23] =	ssyncset.done $0x0  }
0xa4: {  	s25 =	simm.s32 $0x1B8E;
	s24 =	sld [smem:$0x3FFE];
	[sflag:s23] =	ssyncadd.s32 $0xFFFFFFFF  }
0xa5: {  	s26 =	simm.s32 $execute0_lowered;
	[smem:$0x3FD2] =	sst s25  }
0xa6: {  	s4 =	sshll.u32 s26, $0x1;
	_ =	strace $0x80000052;
	[dreg:$0x1] =	wrdreg $0xFFFFFFFF  }
0xa7: {  	s28 =	simm.s32 $_size_execute0_lowered;
	s2 =	sadd.s32 s2, s4;
	[dreg:$0x0] =	wrdreg $0x0  }
0xa8: {  	s4 =	sshll.u32 s28, $0x1;
	[dreg:$0x2] =	wrdreg s2  }
0xa9: {  	[dreg:$0x3] =	wrdreg s4  }
0xaa: {  	[dreg:$0x4] =	wrdreg $0xC0  }
0xab: {  	_ =	task [dreg:s6], $0x5FFFF  }
0xac: {  	[dreg:$0x1] =	wrdreg $0xFFFFFFFF  }
0xad: {  	[dreg:$0x0] =	wrdreg $0x60  }
0xae: {  	[dreg:$0x2] =	wrdreg s24  }
0xaf: {  	[dreg:$0x3] =	wrdreg $0x88000  }
0xb0: {  	[dreg:$0x4] =	wrdreg $0x9  }
0xb1: {  	_ =	task.clear_ibuf [dreg:s6], $0x5FFFF;
	_ =	strace $0x90000052  }
0xb2: {  	s29 =	simm.s32 $0x9;
	_ =	strace $0x80000054  }
0xb3: {  	_ =	swait.ge [sflag:s29], $0x1  }
0xb4: {  	[sflag:s29] =	ssyncadd.s32 $0xFFFFFFFF  }
0xb5: {  	_ =	strace $0x90000054  }
0xb6: {  	_ =	sfence  }
0xb7: {  	s30 =	sld [smem:$0x0];
	_ =	sdelay $0x2  }
0xb8: {  	s31 =	sshll.u32 s1, $0xD;
	s1 =	sshrl.u32 s1, $0x2  }
0xb9: {  	s3 =	sand.u32 $0x4000, s31;
	s1 =	sadd.s32 s1, s30  }
0xba: {  	s0 =	sor.u32 s3, s0;
	s1 =	sshll.u32 s1, $0x11  }
0xbb: {  	s0 =	sor.u32 s1, s0  }
0xbc: {  	s0 =	sadd.s32 $0x8F2B, s0  }
0xbd: {  	[sflag:s0] =	ssyncadd.remote.s32 $0x1  }
0xbe: {  	_ =	sfence.sel $0xFFFF  }
0xbf: {  	[dreg:$0x0] =	wrdreg $0xFFFFFFFF;
	(pc) =	sbr.abs _section_cstart, $3  }
0xc0: {  	[dreg:$0x1] =	wrdreg $0xFFFFFFFF  }
0xc1: {  	_ =	task.clear_ibuf [dreg:s6], $0x2FFFF;
	_ =	strace $0x9FFFFFFF  }
0xc2: {  	(tm) =	ssettm $0x7FFFFFFF  }
0xc3: {  	_ =	shalt  }
tec
execute0_lowered:
.L_overlay_start_1:
0x0: {  	(tag) =	ssettag $0x1  }
0x1: {  	s0 =	rddreg [dreg:$0x0]  }
0x2: {  	s1 =	rddreg [dreg:$0x1];
	s5 =	stileid.u32  }
0x3: {  	s3 =	srdreg.scid;
	s4 =	smul.u32 $0x28, s5  }
0x4: {  	s2 =	simm.s32 $0x0;
	s6 =	sand.u32 $0x1, s3;
	s3 =	smul.u32 $0x78, s5  }
0x5: {  	s16 =	simm.s32 $0x800;
	s28 =	simm.s32 $0x200;
	s7 =	smul.u32 $0x2800, s5  }
0x6: {  	s29 =	simm.s32 $0x280;
	s30 =	simm.s32 $0x600;
	s9 =	smul.u32 $0x50000, s5  }
0x7: {  	s31 =	simm.s32 $0x680;
	[smem:$0x7FF] =	sst s2;
	s11 =	smul.u32 $0x4E000, s5  }
0x8: {  	s17 =	smul.u32 $0x2700, s5;
	s14 =	sshll.u32 s5, $0x6;
	p0 =	seq.s32 s6, $0x0  }
0x9: {  	_ =	strace $0x80000053;
	s10 =	ssub.s32 $0x2, s6;
	s13 =	smul.u32 $0x27100, s6  }
0xa: {  	s15 =	smul.u32 $0x138800, s6;
	s6 =	sor.u32 $0x1C03, s14;
	s14 =	simm.s32 $0x400  }
0xb: {  	s4 =	sadd.s32 $0x780, s4;
	s7 =	sadd.s32 s7, s0;
	s12 =	sshrl.u32 s10, $0x1  }
0xc: {  	s9 =	sshrl.u32 s9, $0x2;
	s19 =	sshrl.u32 s11, $0x2;
	s4 =	smov.u32 @p0 s3  }
0xd: {  	s3 =	sadd.s32 $0x18800, s0;
	s10 =	ssub.s32 s10, s12;
	s9 =	sadd.s32 s9, s1  }
0xe: {  	s18 =	sadd.s32 $0x3FA00, s7;
	s20 =	sadd.s32 s17, s13;
	s21 =	sshrl.u32 s15, $0x3  }
0xf: {  	s7 =	sadd.s32 s19, s1;
	s13 =	simm.s32 $0x3;
	s15 =	simm.s32 $0x80  }
0x10: {  	s17 =	simm.s32 $0x4800;
	s19 =	simm.s32 $0x2;
	s4 =	sshll.u32 s4, $0x4  }
0x11: {  	[dreg:$0x3] =	wrdreg s18;
	s22 =	smax.u32 s10, $0x1;
	s23 =	sshrl.u32 s9, $0x3  }
0x12: {  	s18 =	simm.s32 $0x1;
	s26 =	sshrl.u32 s7, $0x3;
	s7 =	simm.s32 $0x700  }
0x13: {  	s9 =	simm.s32 $0x0;
	s8 =	sadd.s32 s4, s0;
	[dreg:$0x6] =	wrdreg s22  }
0x14: {  	s0 =	sadd.s32 $0x67A00, s0;
	s4 =	simm.s32 $0xF;
	[dreg:$0x7] =	wrdreg s23  }
0x15: {  	s22 =	simm.s32 $0x180;
	s23 =	simm.s32 $0x500;
	[dreg:$0x8] =	wrdreg s26  }
0x16: {  	s26 =	simm.s32 $0x580;
	s4 =	simm.s32 @!p0 $0x5;
	s11 =	sadd.s32 s0, s20  }
0x17: {  	s0 =	sadd.s32 s0, s21;
	s24 =	sadd.s32 $0x4800, s8;
	s25 =	sadd.s32 $0xE800, s8  }
0x18: {  	s20 =	simm.s32 $0x480;
	s21 =	simm.s32 $0x100;
	p0 =	sne.s32 s5, $0x0  }
0x19: {  	[dreg:$0x4] =	wrdreg s11;
	s11 =	sadd.s32 $0x138000, s1;
	s0 =	sadd.s32 $0x27000, s0  }
0x1a: {  	s5 =	simm.s32 $0x380;
	[dreg:$0x5] =	wrdreg s0;
	s0 =	sshrl.u32 @!p0 s11, $0x3  }
0x1b: {  	s8 =	simm.s32 $0x780;
	[dreg:$0x9] =	wrdreg s0;
	s0 =	simm.s32 $0x300  }
.LBB2_1:
0x1c: {  	s10 =	rddreg [dreg:$0x3]  }
0x1d: {  	s11 =	rddreg [dreg:$0x7]  }
0x1e: {  	[spmem:s11], [sflag:s6] =	dma.local [hbm:s10], $0x2800  }
0x1f: {  	_ =	swait.ge [sflag:s13], $0x2800  }
0x20: {  	[sflag:s13] =	ssyncset.done $0x0  }
0x21: {  	[sflag:s13] =	ssyncadd.s32 $0xFFFFD800  }
0x22: {  	[bflag:$0x0] =	sbarrier.arrive $0xFFFF  }
0x23: {  	[tilespmem:s2], [sflag:$0x3] =	stream.linear.gather [hbm4b:s25+s2], $0x400, $0x38;
	[tilespmem:$0x1C800] =	vst v63  }
0x24: {  	_ =	swait.ge [sflag:s13], $0x400  }
0x25: {  	[sflag:s13] =	ssyncset.done $0x0  }
0x26: {  	[sflag:s13] =	ssyncadd.s32 $0xFFFFFC00  }
0x27: {  	[tilespmem:s14], [sflag:$0x3] =	stream.linear.gather [hbm4b:s24+s2], $0x400, $0x38;
	[tilespmem:$0x1C800] =	vst v63  }
0x28: {  	_ =	swait.ge [sflag:s13], $0x400  }
0x29: {  	[sflag:s13] =	ssyncset.done $0x0  }
0x2a: {  	[sflag:s13] =	ssyncadd.s32 $0xFFFFFC00  }
0x2b: {  	[tilespmem:s16], [sflag:$0x1] =	stream.indirect.gather [hbm4b:s3+s15], $0x80, s2, s15, $0xb8;
	[tilespmem:$0x1C800] =	vst v63  }
0x2c: {  	_ = 	snop  }
0x2d: {  	[tilespmem:s17], [sflag:$0x2] =	stream.indirect.gather [hbm4b:s3+s15], $0x80, s15, s15, $0xb8;
	[tilespmem:$0x1C800] =	vst v63  }
0x2e: {  	_ =	swait.ge [sflag:s18], $0x4000  }
0x2f: {  	[sflag:s18] =	ssyncset.done $0x0  }
0x30: {  	[sflag:s18] =	ssyncadd.s32 $0xFFFFC000  }
0x31: {  	[spmem:s1] =	stream.indirect.scatter.add.f32 [tilespmem:s16], [sflag:$0x3], $0x80, s14, s15, $0xb8;
	[tilespmem:$0x1C800] =	vst v63  }
0x32: {  	_ =	swait.ge [sflag:s13], $0x4000  }
0x33: {  	[sflag:s13] =	ssyncset.done $0x0  }
0x34: {  	[sflag:s13] =	ssyncadd.s32 $0xFFFFC000  }
0x35: {  	_ =	swait.ge [sflag:s19], $0x4000  }
0x36: {  	[sflag:s19] =	ssyncset.done $0x0  }
0x37: {  	[sflag:s19] =	ssyncadd.s32 $0xFFFFC000  }
0x38: {  	[spmem:s1] =	stream.indirect.scatter.add.f32 [tilespmem:s17], [sflag:$0x3], $0x80, s20, s15, $0xb8;
	[tilespmem:$0x1C800] =	vst v63  }
0x39: {  	_ =	swait.ge [sflag:s13], $0x4000  }
0x3a: {  	[sflag:s13] =	ssyncset.done $0x0  }
0x3b: {  	[sflag:s13] =	ssyncadd.s32 $0xFFFFC000  }
0x3c: {  	[tilespmem:s16], [sflag:$0x1] =	stream.indirect.gather [hbm4b:s3+s15], $0x80, s21, s15, $0xb8;
	[tilespmem:$0x1C800] =	vst v63  }
0x3d: {  	_ = 	snop  }
0x3e: {  	[tilespmem:s17], [sflag:$0x2] =	stream.indirect.gather [hbm4b:s3+s15], $0x80, s22, s15, $0xb8;
	[tilespmem:$0x1C800] =	vst v63  }
0x3f: {  	_ =	swait.ge [sflag:s18], $0x4000  }
0x40: {  	[sflag:s18] =	ssyncset.done $0x0  }
0x41: {  	[sflag:s18] =	ssyncadd.s32 $0xFFFFC000  }
0x42: {  	[spmem:s1] =	stream.indirect.scatter.add.f32 [tilespmem:s16], [sflag:$0x3], $0x80, s23, s15, $0xb8;
	[tilespmem:$0x1C800] =	vst v63  }
0x43: {  	_ =	swait.ge [sflag:s13], $0x4000  }
0x44: {  	[sflag:s13] =	ssyncset.done $0x0  }
0x45: {  	[sflag:s13] =	ssyncadd.s32 $0xFFFFC000  }
0x46: {  	_ =	swait.ge [sflag:s19], $0x4000  }
0x47: {  	[sflag:s19] =	ssyncset.done $0x0  }
0x48: {  	[sflag:s19] =	ssyncadd.s32 $0xFFFFC000  }
0x49: {  	[spmem:s1] =	stream.indirect.scatter.add.f32 [tilespmem:s17], [sflag:$0x3], $0x80, s26, s15, $0xb8;
	[tilespmem:$0x1C800] =	vst v63  }
0x4a: {  	_ =	swait.ge [sflag:s13], $0x4000  }
0x4b: {  	[sflag:s13] =	ssyncset.done $0x0  }
0x4c: {  	[sflag:s13] =	ssyncadd.s32 $0xFFFFC000  }
0x4d: {  	[tilespmem:s16], [sflag:$0x1] =	stream.indirect.gather [hbm4b:s3+s15], $0x80, s28, s15, $0xb8;
	[tilespmem:$0x1C800] =	vst v63  }
0x4e: {  	_ = 	snop  }
0x4f: {  	[tilespmem:s17], [sflag:$0x2] =	stream.indirect.gather [hbm4b:s3+s15], $0x80, s29, s15, $0xb8;
	[tilespmem:$0x1C800] =	vst v63  }
0x50: {  	_ =	swait.ge [sflag:s18], $0x4000  }
0x51: {  	[sflag:s18] =	ssyncset.done $0x0  }
0x52: {  	[sflag:s18] =	ssyncadd.s32 $0xFFFFC000  }
0x53: {  	[spmem:s1] =	stream.indirect.scatter.add.f32 [tilespmem:s16], [sflag:$0x3], $0x80, s30, s15, $0xb8;
	[tilespmem:$0x1C800] =	vst v63  }
0x54: {  	_ =	swait.ge [sflag:s13], $0x4000  }
0x55: {  	[sflag:s13] =	ssyncset.done $0x0  }
0x56: {  	[sflag:s13] =	ssyncadd.s32 $0xFFFFC000  }
0x57: {  	_ =	swait.ge [sflag:s19], $0x4000  }
0x58: {  	[sflag:s19] =	ssyncset.done $0x0  }
0x59: {  	[sflag:s19] =	ssyncadd.s32 $0xFFFFC000  }
0x5a: {  	[spmem:s1] =	stream.indirect.scatter.add.f32 [tilespmem:s17], [sflag:$0x3], $0x80, s31, s15, $0xb8;
	[tilespmem:$0x1C800] =	vst v63  }
0x5b: {  	_ =	swait.ge [sflag:s13], $0x4000  }
0x5c: {  	[sflag:s13] =	ssyncset.done $0x0  }
0x5d: {  	[sflag:s13] =	ssyncadd.s32 $0xFFFFC000  }
0x5e: {  	[tilespmem:s16], [sflag:$0x1] =	stream.indirect.gather [hbm4b:s3+s15], $0x80, s0, s15, $0xb8;
	[tilespmem:$0x1C800] =	vst v63  }
0x5f: {  	_ = 	snop  }
0x60: {  	[tilespmem:s17], [sflag:$0x2] =	stream.indirect.gather [hbm4b:s3+s15], $0x80, s5, s15, $0xb8;
	[tilespmem:$0x1C800] =	vst v63  }
0x61: {  	_ =	swait.ge [sflag:s18], $0x4000  }
0x62: {  	[sflag:s18] =	ssyncset.done $0x0  }
0x63: {  	[sflag:s18] =	ssyncadd.s32 $0xFFFFC000  }
0x64: {  	[spmem:s1] =	stream.indirect.scatter.add.f32 [tilespmem:s16], [sflag:$0x3], $0x80, s7, s15, $0xb8;
	[tilespmem:$0x1C800] =	vst v63  }
0x65: {  	_ =	swait.ge [sflag:s13], $0x4000  }
0x66: {  	[sflag:s13] =	ssyncset.done $0x0  }
0x67: {  	[sflag:s13] =	ssyncadd.s32 $0xFFFFC000  }
0x68: {  	p1 =	sne.s32 s4, $0x1;
	_ =	swait.ge [sflag:s19], $0x4000  }
.Ltmp0:
0x69: {  	[sflag:s19] =	ssyncset.done $0x0;
	(pc) =	sbr.rel @!p1 .LBB2_3-.Ltmp0, $4  }
0x6a: {  	[sflag:s19] =	ssyncadd.s32 $0xFFFFC000  }
0x6b: {  	[spmem:s1] =	stream.indirect.scatter.add.f32 [tilespmem:s17], [sflag:$0x3], $0x80, s8, s15, $0xb8;
	[tilespmem:$0x1C800] =	vst v63  }
0x6c: {  	s12 =	sadd.s32 $0xFFFFFFFF, s4;
	_ =	swait.ge [sflag:s13], $0x4000  }
0x6d: {  	s10 =	smov.u32 s24;
	s11 =	smov.u32 s25;
	[sflag:s13] =	ssyncset.done $0x0  }
.LBB2_2:
0x6e: {  	[sflag:s13] =	ssyncadd.s32 $0xFFFFC000;
	s10 =	sadd.s32 $0x80, s10;
	s11 =	sadd.s32 $0x80, s11  }
0x6f: {  	[tilespmem:s2], [sflag:$0x3] =	stream.linear.gather [hbm4b:s11+s2], $0x400, $0x38;
	[tilespmem:$0x1C800] =	vst v63  }
0x70: {  	p1 =	sne.s32 s12, $0x1;
	s12 =	sadd.s32 $0xFFFFFFFF, s12;
	_ =	swait.ge [sflag:s13], $0x400  }
0x71: {  	[sflag:s13] =	ssyncset.done $0x0  }
0x72: {  	[sflag:s13] =	ssyncadd.s32 $0xFFFFFC00  }
0x73: {  	[tilespmem:s14], [sflag:$0x3] =	stream.linear.gather [hbm4b:s10+s2], $0x400, $0x38;
	[tilespmem:$0x1C800] =	vst v63  }
0x74: {  	_ =	swait.ge [sflag:s13], $0x400  }
0x75: {  	[sflag:s13] =	ssyncset.done $0x0  }
0x76: {  	[sflag:s13] =	ssyncadd.s32 $0xFFFFFC00  }
0x77: {  	[tilespmem:s16], [sflag:$0x1] =	stream.indirect.gather [hbm4b:s3+s15], $0x80, s2, s15, $0xb8;
	[tilespmem:$0x1C800] =	vst v63  }
0x78: {  	_ = 	snop  }
0x79: {  	[tilespmem:s17], [sflag:$0x2] =	stream.indirect.gather [hbm4b:s3+s15], $0x80, s15, s15, $0xb8;
	[tilespmem:$0x1C800] =	vst v63  }
0x7a: {  	_ =	swait.ge [sflag:s18], $0x4000  }
0x7b: {  	[sflag:s18] =	ssyncset.done $0x0  }
0x7c: {  	[sflag:s18] =	ssyncadd.s32 $0xFFFFC000  }
0x7d: {  	[spmem:s1] =	stream.indirect.scatter.add.f32 [tilespmem:s16], [sflag:$0x3], $0x80, s14, s15, $0xb8;
	[tilespmem:$0x1C800] =	vst v63  }
0x7e: {  	_ =	swait.ge [sflag:s13], $0x4000  }
0x7f: {  	[sflag:s13] =	ssyncset.done $0x0  }
0x80: {  	[sflag:s13] =	ssyncadd.s32 $0xFFFFC000  }
0x81: {  	_ =	swait.ge [sflag:s19], $0x4000  }
0x82: {  	[sflag:s19] =	ssyncset.done $0x0  }
0x83: {  	[sflag:s19] =	ssyncadd.s32 $0xFFFFC000  }
0x84: {  	[spmem:s1] =	stream.indirect.scatter.add.f32 [tilespmem:s17], [sflag:$0x3], $0x80, s20, s15, $0xb8;
	[tilespmem:$0x1C800] =	vst v63  }
0x85: {  	_ =	swait.ge [sflag:s13], $0x4000  }
0x86: {  	[sflag:s13] =	ssyncset.done $0x0  }
0x87: {  	[sflag:s13] =	ssyncadd.s32 $0xFFFFC000  }
0x88: {  	[tilespmem:s16], [sflag:$0x1] =	stream.indirect.gather [hbm4b:s3+s15], $0x80, s21, s15, $0xb8;
	[tilespmem:$0x1C800] =	vst v63  }
0x89: {  	_ = 	snop  }
0x8a: {  	[tilespmem:s17], [sflag:$0x2] =	stream.indirect.gather [hbm4b:s3+s15], $0x80, s22, s15, $0xb8;
	[tilespmem:$0x1C800] =	vst v63  }
0x8b: {  	_ =	swait.ge [sflag:s18], $0x4000  }
0x8c: {  	[sflag:s18] =	ssyncset.done $0x0  }
0x8d: {  	[sflag:s18] =	ssyncadd.s32 $0xFFFFC000  }
0x8e: {  	[spmem:s1] =	stream.indirect.scatter.add.f32 [tilespmem:s16], [sflag:$0x3], $0x80, s23, s15, $0xb8;
	[tilespmem:$0x1C800] =	vst v63  }
0x8f: {  	_ =	swait.ge [sflag:s13], $0x4000  }
0x90: {  	[sflag:s13] =	ssyncset.done $0x0  }
0x91: {  	[sflag:s13] =	ssyncadd.s32 $0xFFFFC000  }
0x92: {  	_ =	swait.ge [sflag:s19], $0x4000  }
0x93: {  	[sflag:s19] =	ssyncset.done $0x0  }
0x94: {  	[sflag:s19] =	ssyncadd.s32 $0xFFFFC000  }
0x95: {  	[spmem:s1] =	stream.indirect.scatter.add.f32 [tilespmem:s17], [sflag:$0x3], $0x80, s26, s15, $0xb8;
	[tilespmem:$0x1C800] =	vst v63  }
0x96: {  	_ =	swait.ge [sflag:s13], $0x4000  }
0x97: {  	[sflag:s13] =	ssyncset.done $0x0  }
0x98: {  	[sflag:s13] =	ssyncadd.s32 $0xFFFFC000  }
0x99: {  	[tilespmem:s16], [sflag:$0x1] =	stream.indirect.gather [hbm4b:s3+s15], $0x80, s28, s15, $0xb8;
	[tilespmem:$0x1C800] =	vst v63  }
0x9a: {  	_ = 	snop  }
0x9b: {  	[tilespmem:s17], [sflag:$0x2] =	stream.indirect.gather [hbm4b:s3+s15], $0x80, s29, s15, $0xb8;
	[tilespmem:$0x1C800] =	vst v63  }
0x9c: {  	_ =	swait.ge [sflag:s18], $0x4000  }
0x9d: {  	[sflag:s18] =	ssyncset.done $0x0  }
0x9e: {  	[sflag:s18] =	ssyncadd.s32 $0xFFFFC000  }
0x9f: {  	[spmem:s1] =	stream.indirect.scatter.add.f32 [tilespmem:s16], [sflag:$0x3], $0x80, s30, s15, $0xb8;
	[tilespmem:$0x1C800] =	vst v63  }
0xa0: {  	_ =	swait.ge [sflag:s13], $0x4000  }
0xa1: {  	[sflag:s13] =	ssyncset.done $0x0  }
0xa2: {  	[sflag:s13] =	ssyncadd.s32 $0xFFFFC000  }
0xa3: {  	_ =	swait.ge [sflag:s19], $0x4000  }
0xa4: {  	[sflag:s19] =	ssyncset.done $0x0  }
0xa5: {  	[sflag:s19] =	ssyncadd.s32 $0xFFFFC000  }
0xa6: {  	[spmem:s1] =	stream.indirect.scatter.add.f32 [tilespmem:s17], [sflag:$0x3], $0x80, s31, s15, $0xb8;
	[tilespmem:$0x1C800] =	vst v63  }
0xa7: {  	_ =	swait.ge [sflag:s13], $0x4000  }
0xa8: {  	[sflag:s13] =	ssyncset.done $0x0  }
0xa9: {  	[sflag:s13] =	ssyncadd.s32 $0xFFFFC000  }
0xaa: {  	[tilespmem:s16], [sflag:$0x1] =	stream.indirect.gather [hbm4b:s3+s15], $0x80, s0, s15, $0xb8;
	[tilespmem:$0x1C800] =	vst v63  }
0xab: {  	_ = 	snop  }
0xac: {  	[tilespmem:s17], [sflag:$0x2] =	stream.indirect.gather [hbm4b:s3+s15], $0x80, s5, s15, $0xb8;
	[tilespmem:$0x1C800] =	vst v63  }
0xad: {  	_ =	swait.ge [sflag:s18], $0x4000  }
0xae: {  	[sflag:s18] =	ssyncset.done $0x0  }
0xaf: {  	[sflag:s18] =	ssyncadd.s32 $0xFFFFC000  }
0xb0: {  	[spmem:s1] =	stream.indirect.scatter.add.f32 [tilespmem:s16], [sflag:$0x3], $0x80, s7, s15, $0xb8;
	[tilespmem:$0x1C800] =	vst v63  }
0xb1: {  	_ =	swait.ge [sflag:s13], $0x4000  }
0xb2: {  	[sflag:s13] =	ssyncset.done $0x0  }
0xb3: {  	[sflag:s13] =	ssyncadd.s32 $0xFFFFC000  }
0xb4: {  	_ =	swait.ge [sflag:s19], $0x4000  }
.Ltmp1:
0xb5: {  	[sflag:s19] =	ssyncset.done $0x0;
	(pc) =	sbr.rel @p1 .LBB2_2-.Ltmp1, $4  }
0xb6: {  	[sflag:s19] =	ssyncadd.s32 $0xFFFFC000  }
0xb7: {  	[spmem:s1] =	stream.indirect.scatter.add.f32 [tilespmem:s17], [sflag:$0x3], $0x80, s8, s15, $0xb8;
	[tilespmem:$0x1C800] =	vst v63  }
0xb8: {  	_ =	swait.ge [sflag:s13], $0x4000  }
0xb9: {  	[sflag:s13] =	ssyncset.done $0x0  }
.LBB2_3:
0xba: {  	[sflag:s13] =	ssyncadd.s32 $0xFFFFC000  }
0xbb: {  	[bflag:$0x0] =	sbarrier.arrive $0xFFFF  }
0xbc: {  	s10 =	rddreg [dreg:$0x4]  }
0xbd: {  	s11 =	rddreg [dreg:$0x8]  }
0xbe: {  	[hbm:s10], [sflag:s6] =	dma.local [spmem:s11], $0x2700  }
0xbf: {  	_ =	swait.ge [sflag:s13], $0x2700  }
0xc0: {  	[sflag:s13] =	ssyncset.done $0x0;
	s10 =	rddreg [dreg:$0x5]  }
0xc1: {  	s11 =	rddreg [dreg:$0x9];
	[sflag:s13] =	ssyncadd.s32 $0xFFFFD900  }
0xc2: {  	[hbm:s10], [sflag:s6] =	dma.local @!p0 [spmem:s11], $0x100  }
0xc3: {  	s10 =	simm.s32 @!p0 $0x3  }
0xc4: {  	_ =	swait.ge @!p0 [sflag:s10], $0x100  }
0xc5: {  	s9 =	sadd.s32 $0x1, s9;
	s12 =	rddreg [dreg:$0x6]  }
0xc6: {  	p1 =	sne.s32 s9, s12  }
.Ltmp2:
0xc7: {  	_ = 	snop;
	(pc) =	sbr.rel @p1 .LBB2_1-.Ltmp2, $3  }
0xc8: {  	_ =	sdelay $0x1  }
0xc9: {  	[sflag:s10] =	ssyncset.done @!p0 $0x0  }
0xca: {  	[sflag:s10] =	ssyncadd.s32 @!p0 $0xFFFFFF00  }
0xcb: {  	_ =	sfence.sel $0x180000  }
0xcc: {  	[bflag:$0x0] =	sbarrier.arrive $0xFFFF  }
0xcd: {  	_ =	strace $0x90000053  }
0xce: {  	[bflag:$0x2] =	sbarrier.arrive $0xFFFF  }
0xcf: {  	s0 =	rddreg [dreg:$0x2]  }
0xd0: {  	s0 =	sadd.s32 @!p0 $0x100000, s0  }
0xd1: {  	[sflag:s0] =	ssyncadd.tile.s32 @!p0 $0x1;
	_ =	shalt  }
.Lfunc_end2:
_tile_overlayer_lowered:
.L_overlay_start_2:
0xd2: {  	(tag) =	ssettag $0x2  }
0xd3: {  	s0 =	rddreg [dreg:$0x0];
	s2 =	stileid.u32  }
0xd4: {  	s1 =	rddreg [dreg:$0x1];
	p0 =	sne.s32 s2, $0x0  }
0xd5: {  	s3 =	rddreg [dreg:$0x2];
	[bflag:$0x3] =	sbarrier.arrive $0xFFFF;
	s2 =	simm.s32 @!p0 $0x1C03  }
0xd6: {  	[timem:s3], [sflag:s2] =	dma.local @!p0 [hbm:s0], s1  }
0xd7: {  	s0 =	simm.s32 @!p0 $0x3  }
0xd8: {  	_ =	swait.ge @!p0 [sflag:s0], s1  }
0xd9: {  	s1 =	ssub.s32 @!p0 $0x0, s1;
	[sflag:s0] =	ssyncset.done @!p0 $0x0  }
0xda: {  	[sflag:s0] =	ssyncadd.s32 @!p0 s1  }
0xdb: {  	[bflag:$0x3] =	sbarrier.arrive $0xFFFF  }
0xdc: {  	_ =	shalt  }

</sc_bundles>
